<compile_context>
chip_gen: v7x
topology: tpu7x:2x2x1
jax: 0.10.2.dev20260603
libtpu: 0.0.44.dev20260713+nightly
codegen_flags: <defaults>
</compile_context>

<pallas_src>
import jax
import jax.numpy as jnp
from jax import lax
from jax.experimental import pallas as pl
from jax.experimental.pallas import tpu as pltpu
from jax.experimental.pallas import tpu_sc as plsc

N_NODES = 10000
N_EDGES = 320000
DIM_IN = 128
DIM_EDGE = 4
DIM_M = 64
DIM_OUT = 128

NC = 2
NS = 16
NW = NC * NS
EDGES_PER_W = N_EDGES // NW
CHUNK = 100
NCHUNK = EDGES_PER_W // CHUNK
NBUF = 4
NROUND = NCHUNK // NBUF
N_PAD = 10240
NODES_PER_S = N_PAD // NS
ZROWS = 64
NV = DIM_M // 16


def _xp_body(x_ref, w_ref, b_ref, o_ref):
    o_ref[...] = (
        jnp.dot(x_ref[...], w_ref[...], preferred_element_type=jnp.float32)
        + b_ref[...]
    )


def _compute_xp(x, wxt, mb2):
    return pl.pallas_call(
        _xp_body,
        out_shape=jax.ShapeDtypeStruct((N_NODES, DIM_M), jnp.float32),
    )(x, wxt, mb2)


def _edge_pass(rbuf, ebuf, w):
    def _quad(q, cc):
        ef16 = ebuf[q]
        for j in range(4):
            e = q * 4 + j
            acc = [rbuf[e, pl.ds(16 * d, 16)] for d in range(NV)]
            for k in range(DIM_EDGE):
                s = lax.gather(
                    ef16,
                    jnp.full((16, 1), 4 * j + k, jnp.int32),
                    lax.GatherDimensionNumbers(
                        offset_dims=(),
                        collapsed_slice_dims=(0,),
                        start_index_map=(0,),
                    ),
                    (1,),
                    mode=lax.GatherScatterMode.PROMISE_IN_BOUNDS,
                )
                for d in range(NV):
                    acc[d] = acc[d] + s * w[k][d]
            for d in range(NV):
                rbuf[e, pl.ds(16 * d, 16)] = jnp.maximum(acc[d], 0.0)
        return cc

    lax.fori_loop(0, CHUNK // 4, _quad, 0)


def _sc_body(xp_hbm, ef_hbm, src_hbm, dst_hbm, wt_hbm, out_hbm,
             src_v, dst_v, e0, e1, e2, e3, wt_v, zero_v, r0, r1, r2, r3,
             agg_sh, gs0, gs1, gs2, gs3, es0, es1, es2, es3,
             ss0, ss1, ss2, ss3):
    cid = lax.axis_index("c")
    sid = lax.axis_index("s")
    wid = cid * NS + sid
    rs = [r0, r1, r2, r3]
    ebufs = [e0, e1, e2, e3]
    gss = [gs0, gs1, gs2, gs3]
    ess = [es0, es1, es2, es3]
    sss = [ss0, ss1, ss2, ss3]

    def _issue(c, b):
        pltpu.async_copy(xp_hbm.at[src_v.at[c]], rs[b], gss[b])
        pltpu.async_copy(ef_hbm.at[wid, c], ebufs[b], ess[b])

    def _wait_gather(c, b):
        pltpu.make_async_copy(xp_hbm.at[src_v.at[c]], rs[b], gss[b]).wait()
        pltpu.make_async_copy(ef_hbm.at[wid, c], ebufs[b], ess[b]).wait()

    def _wait_scatter(c, b):
        pltpu.make_async_copy(rs[b], agg_sh.at[dst_v.at[c]], sss[b]).wait()

    def _zrow(r, c):
        for d in range(NV):
            zero_v[r, pl.ds(d * 16, 16)] = jnp.zeros((16,), jnp.float32)
        return c

    lax.fori_loop(0, ZROWS, _zrow, 0)
    for j in range(NODES_PER_S // ZROWS):
        pltpu.sync_copy(
            zero_v, agg_sh.at[pl.ds(sid * NODES_PER_S + j * ZROWS, ZROWS)]
        )
    plsc.subcore_barrier()

    pltpu.sync_copy(src_hbm.at[wid], src_v)
    pltpu.sync_copy(dst_hbm.at[wid], dst_v)
    pltpu.sync_copy(wt_hbm, wt_v)
    w = [[wt_v[k, pl.ds(16 * d, 16)] for d in range(NV)]
         for k in range(DIM_EDGE)]

    _issue(0, 0)
    _issue(1, 1)

    def _round(g, carry):
        for b in range(NBUF):
            c = NBUF * g + b
            bp = (b + 2) % NBUF
            @pl.when(c + 2 < NCHUNK)
            def _(c=c, bp=bp):
                @pl.when(c >= 2)
                def _():
                    _wait_scatter(c - 2, bp)
                _issue(c + 2, bp)

            _wait_gather(c, b)
            _edge_pass(rs[b], ebufs[b], w)
            pltpu.async_copy(rs[b], agg_sh.at[dst_v.at[c]], sss[b], add=True)
        return carry

    lax.fori_loop(0, NROUND, _round, 0)
    for t in range(NBUF):
        c_tail = NCHUNK - NBUF + t
        _wait_scatter(c_tail, c_tail % NBUF)
    plsc.subcore_barrier()
    pltpu.sync_copy(
        agg_sh.at[pl.ds(sid * NODES_PER_S, NODES_PER_S)],
        out_hbm.at[cid, pl.ds(sid * NODES_PER_S, NODES_PER_S)],
    )


def _sc_aggregate(xp, ef3, src4, dst4, wet):
    mesh = plsc.VectorSubcoreMesh(core_axis_name="c", subcore_axis_name="s")
    k = pl.kernel(
        _sc_body,
        out_type=jax.ShapeDtypeStruct((NC, N_PAD, DIM_M), jnp.float32),
        mesh=mesh,
        scratch_types=[
            pltpu.VMEM((NCHUNK, CHUNK), jnp.int32),
            pltpu.VMEM((NCHUNK, CHUNK), jnp.int32),
            pltpu.VMEM((CHUNK // 4, 16), jnp.float32),
            pltpu.VMEM((CHUNK // 4, 16), jnp.float32),
            pltpu.VMEM((CHUNK // 4, 16), jnp.float32),
            pltpu.VMEM((CHUNK // 4, 16), jnp.float32),
            pltpu.VMEM((DIM_EDGE, DIM_M), jnp.float32),
            pltpu.VMEM((ZROWS, DIM_M), jnp.float32),
            pltpu.VMEM((CHUNK, DIM_M), jnp.float32),
            pltpu.VMEM((CHUNK, DIM_M), jnp.float32),
            pltpu.VMEM((CHUNK, DIM_M), jnp.float32),
            pltpu.VMEM((CHUNK, DIM_M), jnp.float32),
            pltpu.VMEM_SHARED((N_PAD, DIM_M), jnp.float32),
        ] + [pltpu.SemaphoreType.DMA] * 12,
        compiler_params=pltpu.CompilerParams(use_tc_tiling_on_sc=False),
    )
    return k(xp, ef3, src4, dst4, wet)


def _out_body(x_ref, p_ref, uxt_ref, uat_ref, b_ref, o_ref):
    agg = p_ref[0, :N_NODES] + p_ref[1, :N_NODES]
    o_ref[...] = (
        jnp.dot(x_ref[...], uxt_ref[...], preferred_element_type=jnp.float32)
        + jnp.dot(agg, uat_ref[...], preferred_element_type=jnp.float32)
        + b_ref[...]
    )


def _compute_out(x, parts, uxt, uat, ub2):
    return pl.pallas_call(
        _out_body,
        out_shape=jax.ShapeDtypeStruct((N_NODES, DIM_OUT), jnp.float32),
    )(x, parts, uxt, uat, ub2)


def kernel(x, edge_features, edge_idx, batch_idx, M_W, M_b, U_W, U_b):
    del batch_idx
    wxt = M_W[:, :DIM_IN].T
    wet = M_W[:, DIM_IN:].T
    uxt = U_W[:, :DIM_IN].T
    uat = U_W[:, DIM_IN:].T

    xp = _compute_xp(x, wxt, M_b.reshape(1, DIM_M))

    src4 = edge_idx[0].reshape(NW, NCHUNK, CHUNK)
    dst4 = edge_idx[1].reshape(NW, NCHUNK, CHUNK)
    ef3 = edge_features.reshape(NW, NCHUNK, CHUNK // 4, 16)
    parts = _sc_aggregate(xp, ef3, src4, dst4, wet)

    return _compute_out(x, parts, uxt, uat, U_b.reshape(1, DIM_OUT))

# --- scband reference (transcript-rebuilt; emitter-appended) ---
"""Pipeline reference for scband-gnn-layer-32341103739523 (READ-ONLY COPY).

The authoritative reference and input builder live on the scoring server;
editing this copy changes nothing except your own understanding.
"""

import jax, jax.numpy as jnp
import numpy as np

N_NODES = 10000
N_EDGES = 320000
DIM_IN = 128
DIM_EDGE = 4
DIM_M = 64
DIM_OUT = 128


def setup_inputs(seed: int = 0) -> dict:
    key = jax.random.key(seed)
    ks = jax.random.split(key, 8)
    x = jax.random.normal(ks[0], (N_NODES, DIM_IN), dtype=jnp.float32)
    edge_features = jax.random.normal(ks[1], (N_EDGES, DIM_EDGE), dtype=jnp.float32)
    edge_idx = jax.random.randint(ks[2], (2, N_EDGES), 0, N_NODES, dtype=jnp.int64 if jax.config.jax_enable_x64 else jnp.int32).astype(jnp.int32)
    batch_idx = jnp.sort(jax.random.randint(ks[3], (N_NODES,), 0, 64).astype(jnp.int32))
    # parameters: M_input Linear(dim_in+dim_edge -> dim_M), U_output Linear(dim_in+dim_M -> dim_out)
    fan_m = DIM_IN + DIM_EDGE
    M_W = jax.random.uniform(ks[4], (DIM_M, fan_m), dtype=jnp.float32, minval=-1.0, maxval=1.0) / np.sqrt(fan_m)
    M_b = jax.random.uniform(ks[5], (DIM_M,), dtype=jnp.float32, minval=-1.0, maxval=1.0) / np.sqrt(fan_m)
    fan_u = DIM_IN + DIM_M
    U_W = jax.random.uniform(ks[6], (DIM_OUT, fan_u), dtype=jnp.float32, minval=-1.0, maxval=1.0) / np.sqrt(fan_u)
    U_b = jax.random.uniform(ks[7], (DIM_OUT,), dtype=jnp.float32, minval=-1.0, maxval=1.0) / np.sqrt(fan_u)
    return {"x": x, "edge_features": edge_features, "edge_idx": edge_idx, "batch_idx": batch_idx,
            "M_W": M_W, "M_b": M_b, "U_W": U_W, "U_b": U_b}


def reference(x, edge_features, edge_idx, batch_idx, M_W, M_b, U_W, U_b):
    # message: gather source node features, concat edge features
    y = jnp.concatenate([jnp.take(x, edge_idx[0], axis=0), edge_features], axis=-1)
    # M_input linear + relu (n_M_layers=1 -> no hidden M layers)
    y = jax.nn.relu(y @ M_W.T + M_b)
    # scatter-sum aggregation to destination nodes
    agg = jax.ops.segment_sum(y, edge_idx[1], num_segments=x.shape[0])
    # update: concat node features with aggregated messages (n_U_layers=1 -> direct output linear)
    z = jnp.concatenate([x, agg], axis=-1)
    return z @ U_W.T + U_b

if __name__ == "__main__":
    import jax
    _d = setup_inputs()
    print(jax.jit(kernel)(*tuple(_d.values())))

</pallas_src>

<mosaic_0001>
#map = affine_map<(d0, d1) -> (0, 0)>
#map1 = affine_map<(d0, d1) -> (0, 0, 0, 0)>
#map2 = affine_map<(d0, d1) -> (0, 0, 0)>
module attributes {stable_mosaic.version = 14 : i64} {
  func.func @_sc_body(%arg0: i32, %arg1: i32, %arg2: memref<10000x64xf32, #tpu.memory_space<hbm>>, %arg3: memref<32x100x25x16xf32, #tpu.memory_space<hbm>>, %arg4: memref<32x100x100xi32, #tpu.memory_space<hbm>>, %arg5: memref<32x100x100xi32, #tpu.memory_space<hbm>>, %arg6: memref<4x64xf32, #tpu.memory_space<hbm>>, %arg7: memref<2x10240x64xf32, #tpu.memory_space<hbm>>, %arg8: memref<100x100xi32, #tpu.memory_space<vmem>>, %arg9: memref<100x100xi32, #tpu.memory_space<vmem>>, %arg10: memref<25x16xf32, #tpu.memory_space<vmem>>, %arg11: memref<25x16xf32, #tpu.memory_space<vmem>>, %arg12: memref<25x16xf32, #tpu.memory_space<vmem>>, %arg13: memref<25x16xf32, #tpu.memory_space<vmem>>, %arg14: memref<4x64xf32, #tpu.memory_space<vmem>>, %arg15: memref<64x64xf32, #tpu.memory_space<vmem>>, %arg16: memref<100x64xf32, #tpu.memory_space<vmem>>, %arg17: memref<100x64xf32, #tpu.memory_space<vmem>>, %arg18: memref<100x64xf32, #tpu.memory_space<vmem>>, %arg19: memref<100x64xf32, #tpu.memory_space<vmem>>, %arg20: memref<10240x64xf32, #tpu.memory_space<vmem_shared>>, %arg21: memref<!tpu.dma_semaphore, #tpu.memory_space<semaphore_mem>>, %arg22: memref<!tpu.dma_semaphore, #tpu.memory_space<semaphore_mem>>, %arg23: memref<!tpu.dma_semaphore, #tpu.memory_space<semaphore_mem>>, %arg24: memref<!tpu.dma_semaphore, #tpu.memory_space<semaphore_mem>>, %arg25: memref<!tpu.dma_semaphore, #tpu.memory_space<semaphore_mem>>, %arg26: memref<!tpu.dma_semaphore, #tpu.memory_space<semaphore_mem>>, %arg27: memref<!tpu.dma_semaphore, #tpu.memory_space<semaphore_mem>>, %arg28: memref<!tpu.dma_semaphore, #tpu.memory_space<semaphore_mem>>, %arg29: memref<!tpu.dma_semaphore, #tpu.memory_space<semaphore_mem>>, %arg30: memref<!tpu.dma_semaphore, #tpu.memory_space<semaphore_mem>>, %arg31: memref<!tpu.dma_semaphore, #tpu.memory_space<semaphore_mem>>, %arg32: memref<!tpu.dma_semaphore, #tpu.memory_space<semaphore_mem>>) attributes {dimension_semantics = [#tpu.dimension_semantics<core_parallel>, #tpu.dimension_semantics<subcore_parallel>], iteration_bounds = array<i64: 2, 16>, scalar_prefetch = 0 : i64, scratch_operands = 25 : i64, tpu.core_type = #tpu.core_type<sc_vector_subcore>, window_params = [{transform_indices = #map}, {transform_indices = #map1}, {transform_indices = #map2}, {transform_indices = #map2}, {transform_indices = #map}, {transform_indices = #map2}]} {
    %mul3A = arith.constant 16 : i32
    %mul3A_0 = arith.muli %arg0, %mul3A : i32
    %add3A = arith.addi %mul3A_0, %arg1 : i32
    %scan3A = arith.constant 0 : i32
    %scan3A_1 = arith.constant 0 : i32
    %scan3A_2 = arith.constant 64 : i32
    %scan3A_3 = arith.addi %scan3A_1, %scan3A_2 : i32
    %scan3A_4 = arith.constant 1 : i32
    scf.for %scan3A_194 = %scan3A_1 to %scan3A_3 step %scan3A_4  : i32 {
      %broadcast_in_dim3A = arith.constant 0.000000e+00 : f32
      %broadcast_in_dim3A_195 = vector.broadcast %broadcast_in_dim3A : f32 to vector<16xf32>
      %swap3A = arith.index_cast %scan3A_194 : i32 to index
      %swap3A_196 = arith.constant 0 : index
      %swap3A_197 = tpu.vector_load %arg15[%swap3A, %swap3A_196] {strides = array<i32>} : memref<64x64xf32, #tpu.memory_space<vmem>>, vector<1x16xf32>,
      %swap3A_198 = vector.shape_cast %swap3A_197 : vector<1x16xf32> to vector<16xf32>
      %swap3A_199 = vector.shape_cast %broadcast_in_dim3A_195 : vector<16xf32> to vector<1x16xf32>
      tpu.vector_store %arg15[%swap3A, %swap3A_196], %swap3A_199 {strides = array<i32>} : memref<64x64xf32, #tpu.memory_space<vmem>>, vector<1x16xf32>,
      %broadcast_in_dim3A_200 = arith.constant 0.000000e+00 : f32
      %broadcast_in_dim3A_201 = vector.broadcast %broadcast_in_dim3A_200 : f32 to vector<16xf32>
      %swap3A_202 = arith.index_cast %scan3A_194 : i32 to index
      %swap3A_203 = arith.constant 16 : index
      %swap3A_204 = tpu.vector_load %arg15[%swap3A_202, %swap3A_203] {strides = array<i32>} : memref<64x64xf32, #tpu.memory_space<vmem>>, vector<1x16xf32>,
      %swap3A_205 = vector.shape_cast %swap3A_204 : vector<1x16xf32> to vector<16xf32>
      %swap3A_206 = vector.shape_cast %broadcast_in_dim3A_201 : vector<16xf32> to vector<1x16xf32>
      tpu.vector_store %arg15[%swap3A_202, %swap3A_203], %swap3A_206 {strides = array<i32>} : memref<64x64xf32, #tpu.memory_space<vmem>>, vector<1x16xf32>,
      %broadcast_in_dim3A_207 = arith.constant 0.000000e+00 : f32
      %broadcast_in_dim3A_208 = vector.broadcast %broadcast_in_dim3A_207 : f32 to vector<16xf32>
      %swap3A_209 = arith.index_cast %scan3A_194 : i32 to index
      %swap3A_210 = arith.constant 32 : index
      %swap3A_211 = tpu.vector_load %arg15[%swap3A_209, %swap3A_210] {strides = array<i32>} : memref<64x64xf32, #tpu.memory_space<vmem>>, vector<1x16xf32>,
      %swap3A_212 = vector.shape_cast %swap3A_211 : vector<1x16xf32> to vector<16xf32>
      %swap3A_213 = vector.shape_cast %broadcast_in_dim3A_208 : vector<16xf32> to vector<1x16xf32>
      tpu.vector_store %arg15[%swap3A_209, %swap3A_210], %swap3A_213 {strides = array<i32>} : memref<64x64xf32, #tpu.memory_space<vmem>>, vector<1x16xf32>,
      %broadcast_in_dim3A_214 = arith.constant 0.000000e+00 : f32
      %broadcast_in_dim3A_215 = vector.broadcast %broadcast_in_dim3A_214 : f32 to vector<16xf32>
      %swap3A_216 = arith.index_cast %scan3A_194 : i32 to index
      %swap3A_217 = arith.constant 48 : index
      %swap3A_218 = tpu.vector_load %arg15[%swap3A_216, %swap3A_217] {strides = array<i32>} : memref<64x64xf32, #tpu.memory_space<vmem>>, vector<1x16xf32>,
      %swap3A_219 = vector.shape_cast %swap3A_218 : vector<1x16xf32> to vector<16xf32>
      %swap3A_220 = vector.shape_cast %broadcast_in_dim3A_215 : vector<16xf32> to vector<1x16xf32>
      tpu.vector_store %arg15[%swap3A_216, %swap3A_217], %swap3A_220 {strides = array<i32>} : memref<64x64xf32, #tpu.memory_space<vmem>>, vector<1x16xf32>,
    }
    %scan3A_5 = arith.constant 64 : i32
    %mul3A_6 = arith.constant 640 : i32
    %mul3A_7 = arith.muli %arg1, %mul3A_6 : i32
    %add3A_8 = arith.constant 0 : i32
    %add3A_9 = arith.addi %mul3A_7, %add3A_8 : i32
    "tpu.region"() ({
      %run_scoped3A = tpu.sem_alloc : memref<!tpu.dma_semaphore, #tpu.memory_space<semaphore_mem>>
      %dma_start3A_194 = arith.constant 0 : i32
      %dma_start3A_195 = tpu.memref_slice %arg20[%add3A_9, %dma_start3A_194] : memref<10240x64xf32, #tpu.memory_space<vmem_shared>> -> memref<64x64xf32, #tpu.memory_space<vmem_shared>>
      %dma_start3A_196 = arith.constant 0 : i32
      %dma_start3A_197 = tpu.memref_slice %arg20[%add3A_9, %dma_start3A_196] : memref<10240x64xf32, #tpu.memory_space<vmem_shared>> -> memref<64x64xf32, #tpu.memory_space<vmem_shared>>
      tpu.enqueue_dma source(%arg15 : memref<64x64xf32, #tpu.memory_space<vmem>>) target(%dma_start3A_197 : memref<64x64xf32, #tpu.memory_space<vmem_shared>>) target_semaphore(%run_scoped3A : memref<!tpu.dma_semaphore, #tpu.memory_space<semaphore_mem>>)
      %dma_wait3A_198 = arith.constant 0 : i32
      %dma_wait3A_199 = tpu.memref_slice %arg20[%add3A_9, %dma_wait3A_198] : memref<10240x64xf32, #tpu.memory_space<vmem_shared>> -> memref<64x64xf32, #tpu.memory_space<vmem_shared>>
      %dma_wait3A_200 = arith.constant 0 : i32
      %dma_wait3A_201 = tpu.memref_slice %arg20[%add3A_9, %dma_wait3A_200] : memref<10240x64xf32, #tpu.memory_space<vmem_shared>> -> memref<64x64xf32, #tpu.memory_space<vmem_shared>>
      tpu.wait_dma2 semaphore(%run_scoped3A : memref<!tpu.dma_semaphore, #tpu.memory_space<semaphore_mem>>) src(%arg15 : memref<64x64xf32, #tpu.memory_space<vmem>>) dst(%dma_wait3A_201 : memref<64x64xf32, #tpu.memory_space<vmem_shared>>)
      tpu.yield
    }) : () -> ()
    %mul3A_10 = arith.constant 640 : i32
    %mul3A_11 = arith.muli %arg1, %mul3A_10 : i32
    %add3A_12 = arith.constant 64 : i32
    %add3A_13 = arith.addi %mul3A_11, %add3A_12 : i32
    "tpu.region"() ({
      %run_scoped3A = tpu.sem_alloc : memref<!tpu.dma_semaphore, #tpu.memory_space<semaphore_mem>>
      %dma_start3A_194 = arith.constant 0 : i32
      %dma_start3A_195 = tpu.memref_slice %arg20[%add3A_13, %dma_start3A_194] : memref<10240x64xf32, #tpu.memory_space<vmem_shared>> -> memref<64x64xf32, #tpu.memory_space<vmem_shared>>
      %dma_start3A_196 = arith.constant 0 : i32
      %dma_start3A_197 = tpu.memref_slice %arg20[%add3A_13, %dma_start3A_196] : memref<10240x64xf32, #tpu.memory_space<vmem_shared>> -> memref<64x64xf32, #tpu.memory_space<vmem_shared>>
      tpu.enqueue_dma source(%arg15 : memref<64x64xf32, #tpu.memory_space<vmem>>) target(%dma_start3A_197 : memref<64x64xf32, #tpu.memory_space<vmem_shared>>) target_semaphore(%run_scoped3A : memref<!tpu.dma_semaphore, #tpu.memory_space<semaphore_mem>>)
      %dma_wait3A_198 = arith.constant 0 : i32
      %dma_wait3A_199 = tpu.memref_slice %arg20[%add3A_13, %dma_wait3A_198] : memref<10240x64xf32, #tpu.memory_space<vmem_shared>> -> memref<64x64xf32, #tpu.memory_space<vmem_shared>>
      %dma_wait3A_200 = arith.constant 0 : i32
      %dma_wait3A_201 = tpu.memref_slice %arg20[%add3A_13, %dma_wait3A_200] : memref<10240x64xf32, #tpu.memory_space<vmem_shared>> -> memref<64x64xf32, #tpu.memory_space<vmem_shared>>
      tpu.wait_dma2 semaphore(%run_scoped3A : memref<!tpu.dma_semaphore, #tpu.memory_space<semaphore_mem>>) src(%arg15 : memref<64x64xf32, #tpu.memory_space<vmem>>) dst(%dma_wait3A_201 : memref<64x64xf32, #tpu.memory_space<vmem_shared>>)
      tpu.yield
    }) : () -> ()
    %mul3A_14 = arith.constant 640 : i32
    %mul3A_15 = arith.muli %arg1, %mul3A_14 : i32
    %add3A_16 = arith.constant 128 : i32
    %add3A_17 = arith.addi %mul3A_15, %add3A_16 : i32
    "tpu.region"() ({
      %run_scoped3A = tpu.sem_alloc : memref<!tpu.dma_semaphore, #tpu.memory_space<semaphore_mem>>
      %dma_start3A_194 = arith.constant 0 : i32
      %dma_start3A_195 = tpu.memref_slice %arg20[%add3A_17, %dma_start3A_194] : memref<10240x64xf32, #tpu.memory_space<vmem_shared>> -> memref<64x64xf32, #tpu.memory_space<vmem_shared>>
      %dma_start3A_196 = arith.constant 0 : i32
      %dma_start3A_197 = tpu.memref_slice %arg20[%add3A_17, %dma_start3A_196] : memref<10240x64xf32, #tpu.memory_space<vmem_shared>> -> memref<64x64xf32, #tpu.memory_space<vmem_shared>>
      tpu.enqueue_dma source(%arg15 : memref<64x64xf32, #tpu.memory_space<vmem>>) target(%dma_start3A_197 : memref<64x64xf32, #tpu.memory_space<vmem_shared>>) target_semaphore(%run_scoped3A : memref<!tpu.dma_semaphore, #tpu.memory_space<semaphore_mem>>)
      %dma_wait3A_198 = arith.constant 0 : i32
      %dma_wait3A_199 = tpu.memref_slice %arg20[%add3A_17, %dma_wait3A_198] : memref<10240x64xf32, #tpu.memory_space<vmem_shared>> -> memref<64x64xf32, #tpu.memory_space<vmem_shared>>
      %dma_wait3A_200 = arith.constant 0 : i32
      %dma_wait3A_201 = tpu.memref_slice %arg20[%add3A_17, %dma_wait3A_200] : memref<10240x64xf32, #tpu.memory_space<vmem_shared>> -> memref<64x64xf32, #tpu.memory_space<vmem_shared>>
      tpu.wait_dma2 semaphore(%run_scoped3A : memref<!tpu.dma_semaphore, #tpu.memory_space<semaphore_mem>>) src(%arg15 : memref<64x64xf32, #tpu.memory_space<vmem>>) dst(%dma_wait3A_201 : memref<64x64xf32, #tpu.memory_space<vmem_shared>>)
      tpu.yield
    }) : () -> ()
    %mul3A_18 = arith.constant 640 : i32
    %mul3A_19 = arith.muli %arg1, %mul3A_18 : i32
    %add3A_20 = arith.constant 192 : i32
    %add3A_21 = arith.addi %mul3A_19, %add3A_20 : i32
    "tpu.region"() ({
      %run_scoped3A = tpu.sem_alloc : memref<!tpu.dma_semaphore, #tpu.memory_space<semaphore_mem>>
      %dma_start3A_194 = arith.constant 0 : i32
      %dma_start3A_195 = tpu.memref_slice %arg20[%add3A_21, %dma_start3A_194] : memref<10240x64xf32, #tpu.memory_space<vmem_shared>> -> memref<64x64xf32, #tpu.memory_space<vmem_shared>>
      %dma_start3A_196 = arith.constant 0 : i32
      %dma_start3A_197 = tpu.memref_slice %arg20[%add3A_21, %dma_start3A_196] : memref<10240x64xf32, #tpu.memory_space<vmem_shared>> -> memref<64x64xf32, #tpu.memory_space<vmem_shared>>
      tpu.enqueue_dma source(%arg15 : memref<64x64xf32, #tpu.memory_space<vmem>>) target(%dma_start3A_197 : memref<64x64xf32, #tpu.memory_space<vmem_shared>>) target_semaphore(%run_scoped3A : memref<!tpu.dma_semaphore, #tpu.memory_space<semaphore_mem>>)
      %dma_wait3A_198 = arith.constant 0 : i32
      %dma_wait3A_199 = tpu.memref_slice %arg20[%add3A_21, %dma_wait3A_198] : memref<10240x64xf32, #tpu.memory_space<vmem_shared>> -> memref<64x64xf32, #tpu.memory_space<vmem_shared>>
      %dma_wait3A_200 = arith.constant 0 : i32
      %dma_wait3A_201 = tpu.memref_slice %arg20[%add3A_21, %dma_wait3A_200] : memref<10240x64xf32, #tpu.memory_space<vmem_shared>> -> memref<64x64xf32, #tpu.memory_space<vmem_shared>>
      tpu.wait_dma2 semaphore(%run_scoped3A : memref<!tpu.dma_semaphore, #tpu.memory_space<semaphore_mem>>) src(%arg15 : memref<64x64xf32, #tpu.memory_space<vmem>>) dst(%dma_wait3A_201 : memref<64x64xf32, #tpu.memory_space<vmem_shared>>)
      tpu.yield
    }) : () -> ()
    %mul3A_22 = arith.constant 640 : i32
    %mul3A_23 = arith.muli %arg1, %mul3A_22 : i32
    %add3A_24 = arith.constant 256 : i32
    %add3A_25 = arith.addi %mul3A_23, %add3A_24 : i32
    "tpu.region"() ({
      %run_scoped3A = tpu.sem_alloc : memref<!tpu.dma_semaphore, #tpu.memory_space<semaphore_mem>>
      %dma_start3A_194 = arith.constant 0 : i32
      %dma_start3A_195 = tpu.memref_slice %arg20[%add3A_25, %dma_start3A_194] : memref<10240x64xf32, #tpu.memory_space<vmem_shared>> -> memref<64x64xf32, #tpu.memory_space<vmem_shared>>
      %dma_start3A_196 = arith.constant 0 : i32
      %dma_start3A_197 = tpu.memref_slice %arg20[%add3A_25, %dma_start3A_196] : memref<10240x64xf32, #tpu.memory_space<vmem_shared>> -> memref<64x64xf32, #tpu.memory_space<vmem_shared>>
      tpu.enqueue_dma source(%arg15 : memref<64x64xf32, #tpu.memory_space<vmem>>) target(%dma_start3A_197 : memref<64x64xf32, #tpu.memory_space<vmem_shared>>) target_semaphore(%run_scoped3A : memref<!tpu.dma_semaphore, #tpu.memory_space<semaphore_mem>>)
      %dma_wait3A_198 = arith.constant 0 : i32
      %dma_wait3A_199 = tpu.memref_slice %arg20[%add3A_25, %dma_wait3A_198] : memref<10240x64xf32, #tpu.memory_space<vmem_shared>> -> memref<64x64xf32, #tpu.memory_space<vmem_shared>>
      %dma_wait3A_200 = arith.constant 0 : i32
      %dma_wait3A_201 = tpu.memref_slice %arg20[%add3A_25, %dma_wait3A_200] : memref<10240x64xf32, #tpu.memory_space<vmem_shared>> -> memref<64x64xf32, #tpu.memory_space<vmem_shared>>
      tpu.wait_dma2 semaphore(%run_scoped3A : memref<!tpu.dma_semaphore, #tpu.memory_space<semaphore_mem>>) src(%arg15 : memref<64x64xf32, #tpu.memory_space<vmem>>) dst(%dma_wait3A_201 : memref<64x64xf32, #tpu.memory_space<vmem_shared>>)
      tpu.yield
    }) : () -> ()
    %mul3A_26 = arith.constant 640 : i32
    %mul3A_27 = arith.muli %arg1, %mul3A_26 : i32
    %add3A_28 = arith.constant 320 : i32
    %add3A_29 = arith.addi %mul3A_27, %add3A_28 : i32
    "tpu.region"() ({
      %run_scoped3A = tpu.sem_alloc : memref<!tpu.dma_semaphore, #tpu.memory_space<semaphore_mem>>
      %dma_start3A_194 = arith.constant 0 : i32
      %dma_start3A_195 = tpu.memref_slice %arg20[%add3A_29, %dma_start3A_194] : memref<10240x64xf32, #tpu.memory_space<vmem_shared>> -> memref<64x64xf32, #tpu.memory_space<vmem_shared>>
      %dma_start3A_196 = arith.constant 0 : i32
      %dma_start3A_197 = tpu.memref_slice %arg20[%add3A_29, %dma_start3A_196] : memref<10240x64xf32, #tpu.memory_space<vmem_shared>> -> memref<64x64xf32, #tpu.memory_space<vmem_shared>>
      tpu.enqueue_dma source(%arg15 : memref<64x64xf32, #tpu.memory_space<vmem>>) target(%dma_start3A_197 : memref<64x64xf32, #tpu.memory_space<vmem_shared>>) target_semaphore(%run_scoped3A : memref<!tpu.dma_semaphore, #tpu.memory_space<semaphore_mem>>)
      %dma_wait3A_198 = arith.constant 0 : i32
      %dma_wait3A_199 = tpu.memref_slice %arg20[%add3A_29, %dma_wait3A_198] : memref<10240x64xf32, #tpu.memory_space<vmem_shared>> -> memref<64x64xf32, #tpu.memory_space<vmem_shared>>
      %dma_wait3A_200 = arith.constant 0 : i32
      %dma_wait3A_201 = tpu.memref_slice %arg20[%add3A_29, %dma_wait3A_200] : memref<10240x64xf32, #tpu.memory_space<vmem_shared>> -> memref<64x64xf32, #tpu.memory_space<vmem_shared>>
      tpu.wait_dma2 semaphore(%run_scoped3A : memref<!tpu.dma_semaphore, #tpu.memory_space<semaphore_mem>>) src(%arg15 : memref<64x64xf32, #tpu.memory_space<vmem>>) dst(%dma_wait3A_201 : memref<64x64xf32, #tpu.memory_space<vmem_shared>>)
      tpu.yield
    }) : () -> ()
    %mul3A_30 = arith.constant 640 : i32
    %mul3A_31 = arith.muli %arg1, %mul3A_30 : i32
    %add3A_32 = arith.constant 384 : i32
    %add3A_33 = arith.addi %mul3A_31, %add3A_32 : i32
    "tpu.region"() ({
      %run_scoped3A = tpu.sem_alloc : memref<!tpu.dma_semaphore, #tpu.memory_space<semaphore_mem>>
      %dma_start3A_194 = arith.constant 0 : i32
      %dma_start3A_195 = tpu.memref_slice %arg20[%add3A_33, %dma_start3A_194] : memref<10240x64xf32, #tpu.memory_space<vmem_shared>> -> memref<64x64xf32, #tpu.memory_space<vmem_shared>>
      %dma_start3A_196 = arith.constant 0 : i32
      %dma_start3A_197 = tpu.memref_slice %arg20[%add3A_33, %dma_start3A_196] : memref<10240x64xf32, #tpu.memory_space<vmem_shared>> -> memref<64x64xf32, #tpu.memory_space<vmem_shared>>
      tpu.enqueue_dma source(%arg15 : memref<64x64xf32, #tpu.memory_space<vmem>>) target(%dma_start3A_197 : memref<64x64xf32, #tpu.memory_space<vmem_shared>>) target_semaphore(%run_scoped3A : memref<!tpu.dma_semaphore, #tpu.memory_space<semaphore_mem>>)
      %dma_wait3A_198 = arith.constant 0 : i32
      %dma_wait3A_199 = tpu.memref_slice %arg20[%add3A_33, %dma_wait3A_198] : memref<10240x64xf32, #tpu.memory_space<vmem_shared>> -> memref<64x64xf32, #tpu.memory_space<vmem_shared>>
      %dma_wait3A_200 = arith.constant 0 : i32
      %dma_wait3A_201 = tpu.memref_slice %arg20[%add3A_33, %dma_wait3A_200] : memref<10240x64xf32, #tpu.memory_space<vmem_shared>> -> memref<64x64xf32, #tpu.memory_space<vmem_shared>>
      tpu.wait_dma2 semaphore(%run_scoped3A : memref<!tpu.dma_semaphore, #tpu.memory_space<semaphore_mem>>) src(%arg15 : memref<64x64xf32, #tpu.memory_space<vmem>>) dst(%dma_wait3A_201 : memref<64x64xf32, #tpu.memory_space<vmem_shared>>)
      tpu.yield
    }) : () -> ()
    %mul3A_34 = arith.constant 640 : i32
    %mul3A_35 = arith.muli %arg1, %mul3A_34 : i32
    %add3A_36 = arith.constant 448 : i32
    %add3A_37 = arith.addi %mul3A_35, %add3A_36 : i32
    "tpu.region"() ({
      %run_scoped3A = tpu.sem_alloc : memref<!tpu.dma_semaphore, #tpu.memory_space<semaphore_mem>>
      %dma_start3A_194 = arith.constant 0 : i32
      %dma_start3A_195 = tpu.memref_slice %arg20[%add3A_37, %dma_start3A_194] : memref<10240x64xf32, #tpu.memory_space<vmem_shared>> -> memref<64x64xf32, #tpu.memory_space<vmem_shared>>
      %dma_start3A_196 = arith.constant 0 : i32
      %dma_start3A_197 = tpu.memref_slice %arg20[%add3A_37, %dma_start3A_196] : memref<10240x64xf32, #tpu.memory_space<vmem_shared>> -> memref<64x64xf32, #tpu.memory_space<vmem_shared>>
      tpu.enqueue_dma source(%arg15 : memref<64x64xf32, #tpu.memory_space<vmem>>) target(%dma_start3A_197 : memref<64x64xf32, #tpu.memory_space<vmem_shared>>) target_semaphore(%run_scoped3A : memref<!tpu.dma_semaphore, #tpu.memory_space<semaphore_mem>>)
      %dma_wait3A_198 = arith.constant 0 : i32
      %dma_wait3A_199 = tpu.memref_slice %arg20[%add3A_37, %dma_wait3A_198] : memref<10240x64xf32, #tpu.memory_space<vmem_shared>> -> memref<64x64xf32, #tpu.memory_space<vmem_shared>>
      %dma_wait3A_200 = arith.constant 0 : i32
      %dma_wait3A_201 = tpu.memref_slice %arg20[%add3A_37, %dma_wait3A_200] : memref<10240x64xf32, #tpu.memory_space<vmem_shared>> -> memref<64x64xf32, #tpu.memory_space<vmem_shared>>
      tpu.wait_dma2 semaphore(%run_scoped3A : memref<!tpu.dma_semaphore, #tpu.memory_space<semaphore_mem>>) src(%arg15 : memref<64x64xf32, #tpu.memory_space<vmem>>) dst(%dma_wait3A_201 : memref<64x64xf32, #tpu.memory_space<vmem_shared>>)
      tpu.yield
    }) : () -> ()
    %mul3A_38 = arith.constant 640 : i32
    %mul3A_39 = arith.muli %arg1, %mul3A_38 : i32
    %add3A_40 = arith.constant 512 : i32
    %add3A_41 = arith.addi %mul3A_39, %add3A_40 : i32
    "tpu.region"() ({
      %run_scoped3A = tpu.sem_alloc : memref<!tpu.dma_semaphore, #tpu.memory_space<semaphore_mem>>
      %dma_start3A_194 = arith.constant 0 : i32
      %dma_start3A_195 = tpu.memref_slice %arg20[%add3A_41, %dma_start3A_194] : memref<10240x64xf32, #tpu.memory_space<vmem_shared>> -> memref<64x64xf32, #tpu.memory_space<vmem_shared>>
      %dma_start3A_196 = arith.constant 0 : i32
      %dma_start3A_197 = tpu.memref_slice %arg20[%add3A_41, %dma_start3A_196] : memref<10240x64xf32, #tpu.memory_space<vmem_shared>> -> memref<64x64xf32, #tpu.memory_space<vmem_shared>>
      tpu.enqueue_dma source(%arg15 : memref<64x64xf32, #tpu.memory_space<vmem>>) target(%dma_start3A_197 : memref<64x64xf32, #tpu.memory_space<vmem_shared>>) target_semaphore(%run_scoped3A : memref<!tpu.dma_semaphore, #tpu.memory_space<semaphore_mem>>)
      %dma_wait3A_198 = arith.constant 0 : i32
      %dma_wait3A_199 = tpu.memref_slice %arg20[%add3A_41, %dma_wait3A_198] : memref<10240x64xf32, #tpu.memory_space<vmem_shared>> -> memref<64x64xf32, #tpu.memory_space<vmem_shared>>
      %dma_wait3A_200 = arith.constant 0 : i32
      %dma_wait3A_201 = tpu.memref_slice %arg20[%add3A_41, %dma_wait3A_200] : memref<10240x64xf32, #tpu.memory_space<vmem_shared>> -> memref<64x64xf32, #tpu.memory_space<vmem_shared>>
      tpu.wait_dma2 semaphore(%run_scoped3A : memref<!tpu.dma_semaphore, #tpu.memory_space<semaphore_mem>>) src(%arg15 : memref<64x64xf32, #tpu.memory_space<vmem>>) dst(%dma_wait3A_201 : memref<64x64xf32, #tpu.memory_space<vmem_shared>>)
      tpu.yield
    }) : () -> ()
    %mul3A_42 = arith.constant 640 : i32
    %mul3A_43 = arith.muli %arg1, %mul3A_42 : i32
    %add3A_44 = arith.constant 576 : i32
    %add3A_45 = arith.addi %mul3A_43, %add3A_44 : i32
    "tpu.region"() ({
      %run_scoped3A = tpu.sem_alloc : memref<!tpu.dma_semaphore, #tpu.memory_space<semaphore_mem>>
      %dma_start3A_194 = arith.constant 0 : i32
      %dma_start3A_195 = tpu.memref_slice %arg20[%add3A_45, %dma_start3A_194] : memref<10240x64xf32, #tpu.memory_space<vmem_shared>> -> memref<64x64xf32, #tpu.memory_space<vmem_shared>>
      %dma_start3A_196 = arith.constant 0 : i32
      %dma_start3A_197 = tpu.memref_slice %arg20[%add3A_45, %dma_start3A_196] : memref<10240x64xf32, #tpu.memory_space<vmem_shared>> -> memref<64x64xf32, #tpu.memory_space<vmem_shared>>
      tpu.enqueue_dma source(%arg15 : memref<64x64xf32, #tpu.memory_space<vmem>>) target(%dma_start3A_197 : memref<64x64xf32, #tpu.memory_space<vmem_shared>>) target_semaphore(%run_scoped3A : memref<!tpu.dma_semaphore, #tpu.memory_space<semaphore_mem>>)
      %dma_wait3A_198 = arith.constant 0 : i32
      %dma_wait3A_199 = tpu.memref_slice %arg20[%add3A_45, %dma_wait3A_198] : memref<10240x64xf32, #tpu.memory_space<vmem_shared>> -> memref<64x64xf32, #tpu.memory_space<vmem_shared>>
      %dma_wait3A_200 = arith.constant 0 : i32
      %dma_wait3A_201 = tpu.memref_slice %arg20[%add3A_45, %dma_wait3A_200] : memref<10240x64xf32, #tpu.memory_space<vmem_shared>> -> memref<64x64xf32, #tpu.memory_space<vmem_shared>>
      tpu.wait_dma2 semaphore(%run_scoped3A : memref<!tpu.dma_semaphore, #tpu.memory_space<semaphore_mem>>) src(%arg15 : memref<64x64xf32, #tpu.memory_space<vmem>>) dst(%dma_wait3A_201 : memref<64x64xf32, #tpu.memory_space<vmem_shared>>)
      tpu.yield
    }) : () -> ()
    %barrier3A = arith.constant 0 : index
    tpu.barrier barrier_id(%barrier3A)
    "tpu.region"() ({
      %run_scoped3A = tpu.sem_alloc : memref<!tpu.dma_semaphore, #tpu.memory_space<semaphore_mem>>
      %dma_start3A_194 = arith.constant 0 : i32
      %dma_start3A_195 = arith.constant 0 : i32
      %dma_start3A_196 = tpu.memref_slice %arg4[%add3A, %dma_start3A_194, %dma_start3A_195] : memref<32x100x100xi32, #tpu.memory_space<hbm>> -> memref<1x100x100xi32, #tpu.memory_space<hbm>>
      %dma_start3A_197 = tpu.memref_squeeze %dma_start3A_196 : memref<1x100x100xi32, #tpu.memory_space<hbm>> -> memref<100x100xi32, #tpu.memory_space<hbm>>
      %dma_start3A_198 = arith.constant 0 : i32
      %dma_start3A_199 = arith.constant 0 : i32
      %dma_start3A_200 = tpu.memref_slice %arg4[%add3A, %dma_start3A_198, %dma_start3A_199] : memref<32x100x100xi32, #tpu.memory_space<hbm>> -> memref<1x100x100xi32, #tpu.memory_space<hbm>>
      %dma_start3A_201 = tpu.memref_squeeze %dma_start3A_200 : memref<1x100x100xi32, #tpu.memory_space<hbm>> -> memref<100x100xi32, #tpu.memory_space<hbm>>
      tpu.enqueue_dma source(%dma_start3A_201 : memref<100x100xi32, #tpu.memory_space<hbm>>) target(%arg8 : memref<100x100xi32, #tpu.memory_space<vmem>>) target_semaphore(%run_scoped3A : memref<!tpu.dma_semaphore, #tpu.memory_space<semaphore_mem>>)
      %dma_wait3A_202 = arith.constant 0 : i32
      %dma_wait3A_203 = arith.constant 0 : i32
      %dma_wait3A_204 = tpu.memref_slice %arg4[%add3A, %dma_wait3A_202, %dma_wait3A_203] : memref<32x100x100xi32, #tpu.memory_space<hbm>> -> memref<1x100x100xi32, #tpu.memory_space<hbm>>
      %dma_wait3A_205 = tpu.memref_squeeze %dma_wait3A_204 : memref<1x100x100xi32, #tpu.memory_space<hbm>> -> memref<100x100xi32, #tpu.memory_space<hbm>>
      %dma_wait3A_206 = arith.constant 0 : i32
      %dma_wait3A_207 = arith.constant 0 : i32
      %dma_wait3A_208 = tpu.memref_slice %arg4[%add3A, %dma_wait3A_206, %dma_wait3A_207] : memref<32x100x100xi32, #tpu.memory_space<hbm>> -> memref<1x100x100xi32, #tpu.memory_space<hbm>>
      %dma_wait3A_209 = tpu.memref_squeeze %dma_wait3A_208 : memref<1x100x100xi32, #tpu.memory_space<hbm>> -> memref<100x100xi32, #tpu.memory_space<hbm>>
      tpu.wait_dma2 semaphore(%run_scoped3A : memref<!tpu.dma_semaphore, #tpu.memory_space<semaphore_mem>>) src(%dma_wait3A_209 : memref<100x100xi32, #tpu.memory_space<hbm>>) dst(%arg8 : memref<100x100xi32, #tpu.memory_space<vmem>>)
      tpu.yield
    }) : () -> ()
    "tpu.region"() ({
      %run_scoped3A = tpu.sem_alloc : memref<!tpu.dma_semaphore, #tpu.memory_space<semaphore_mem>>
      %dma_start3A_194 = arith.constant 0 : i32
      %dma_start3A_195 = arith.constant 0 : i32
      %dma_start3A_196 = tpu.memref_slice %arg5[%add3A, %dma_start3A_194, %dma_start3A_195] : memref<32x100x100xi32, #tpu.memory_space<hbm>> -> memref<1x100x100xi32, #tpu.memory_space<hbm>>
      %dma_start3A_197 = tpu.memref_squeeze %dma_start3A_196 : memref<1x100x100xi32, #tpu.memory_space<hbm>> -> memref<100x100xi32, #tpu.memory_space<hbm>>
      %dma_start3A_198 = arith.constant 0 : i32
      %dma_start3A_199 = arith.constant 0 : i32
      %dma_start3A_200 = tpu.memref_slice %arg5[%add3A, %dma_start3A_198, %dma_start3A_199] : memref<32x100x100xi32, #tpu.memory_space<hbm>> -> memref<1x100x100xi32, #tpu.memory_space<hbm>>
      %dma_start3A_201 = tpu.memref_squeeze %dma_start3A_200 : memref<1x100x100xi32, #tpu.memory_space<hbm>> -> memref<100x100xi32, #tpu.memory_space<hbm>>
      tpu.enqueue_dma source(%dma_start3A_201 : memref<100x100xi32, #tpu.memory_space<hbm>>) target(%arg9 : memref<100x100xi32, #tpu.memory_space<vmem>>) target_semaphore(%run_scoped3A : memref<!tpu.dma_semaphore, #tpu.memory_space<semaphore_mem>>)
      %dma_wait3A_202 = arith.constant 0 : i32
      %dma_wait3A_203 = arith.constant 0 : i32
      %dma_wait3A_204 = tpu.memref_slice %arg5[%add3A, %dma_wait3A_202, %dma_wait3A_203] : memref<32x100x100xi32, #tpu.memory_space<hbm>> -> memref<1x100x100xi32, #tpu.memory_space<hbm>>
      %dma_wait3A_205 = tpu.memref_squeeze %dma_wait3A_204 : memref<1x100x100xi32, #tpu.memory_space<hbm>> -> memref<100x100xi32, #tpu.memory_space<hbm>>
      %dma_wait3A_206 = arith.constant 0 : i32
      %dma_wait3A_207 = arith.constant 0 : i32
      %dma_wait3A_208 = tpu.memref_slice %arg5[%add3A, %dma_wait3A_206, %dma_wait3A_207] : memref<32x100x100xi32, #tpu.memory_space<hbm>> -> memref<1x100x100xi32, #tpu.memory_space<hbm>>
      %dma_wait3A_209 = tpu.memref_squeeze %dma_wait3A_208 : memref<1x100x100xi32, #tpu.memory_space<hbm>> -> memref<100x100xi32, #tpu.memory_space<hbm>>
      tpu.wait_dma2 semaphore(%run_scoped3A : memref<!tpu.dma_semaphore, #tpu.memory_space<semaphore_mem>>) src(%dma_wait3A_209 : memref<100x100xi32, #tpu.memory_space<hbm>>) dst(%arg9 : memref<100x100xi32, #tpu.memory_space<vmem>>)
      tpu.yield
    }) : () -> ()
    "tpu.region"() ({
      %run_scoped3A = tpu.sem_alloc : memref<!tpu.dma_semaphore, #tpu.memory_space<semaphore_mem>>
      tpu.enqueue_dma source(%arg6 : memref<4x64xf32, #tpu.memory_space<hbm>>) target(%arg14 : memref<4x64xf32, #tpu.memory_space<vmem>>) target_semaphore(%run_scoped3A : memref<!tpu.dma_semaphore, #tpu.memory_space<semaphore_mem>>)
      tpu.wait_dma2 semaphore(%run_scoped3A : memref<!tpu.dma_semaphore, #tpu.memory_space<semaphore_mem>>) src(%arg6 : memref<4x64xf32, #tpu.memory_space<hbm>>) dst(%arg14 : memref<4x64xf32, #tpu.memory_space<vmem>>)
      tpu.yield
    }) : () -> ()
    %get3A = arith.constant 0 : i32
    %get3A_46 = arith.index_cast %get3A : i32 to index
    %get3A_47 = arith.constant 0 : index
    %get3A_48 = tpu.vector_load %arg14[%get3A_46, %get3A_47] {strides = array<i32>} : memref<4x64xf32, #tpu.memory_space<vmem>>, vector<1x16xf32>,
    %get3A_49 = vector.shape_cast %get3A_48 : vector<1x16xf32> to vector<16xf32>
    %get3A_50 = arith.constant 0 : i32
    %get3A_51 = arith.index_cast %get3A_50 : i32 to index
    %get3A_52 = arith.constant 16 : index
    %get3A_53 = tpu.vector_load %arg14[%get3A_51, %get3A_52] {strides = array<i32>} : memref<4x64xf32, #tpu.memory_space<vmem>>, vector<1x16xf32>,
    %get3A_54 = vector.shape_cast %get3A_53 : vector<1x16xf32> to vector<16xf32>
    %get3A_55 = arith.constant 0 : i32
    %get3A_56 = arith.index_cast %get3A_55 : i32 to index
    %get3A_57 = arith.constant 32 : index
    %get3A_58 = tpu.vector_load %arg14[%get3A_56, %get3A_57] {strides = array<i32>} : memref<4x64xf32, #tpu.memory_space<vmem>>, vector<1x16xf32>,
    %get3A_59 = vector.shape_cast %get3A_58 : vector<1x16xf32> to vector<16xf32>
    %get3A_60 = arith.constant 0 : i32
    %get3A_61 = arith.index_cast %get3A_60 : i32 to index
    %get3A_62 = arith.constant 48 : index
    %get3A_63 = tpu.vector_load %arg14[%get3A_61, %get3A_62] {strides = array<i32>} : memref<4x64xf32, #tpu.memory_space<vmem>>, vector<1x16xf32>,
    %get3A_64 = vector.shape_cast %get3A_63 : vector<1x16xf32> to vector<16xf32>
    %get3A_65 = arith.constant 1 : i32
    %get3A_66 = arith.index_cast %get3A_65 : i32 to index
    %get3A_67 = arith.constant 0 : index
    %get3A_68 = tpu.vector_load %arg14[%get3A_66, %get3A_67] {strides = array<i32>} : memref<4x64xf32, #tpu.memory_space<vmem>>, vector<1x16xf32>,
    %get3A_69 = vector.shape_cast %get3A_68 : vector<1x16xf32> to vector<16xf32>
    %get3A_70 = arith.constant 1 : i32
    %get3A_71 = arith.index_cast %get3A_70 : i32 to index
    %get3A_72 = arith.constant 16 : index
    %get3A_73 = tpu.vector_load %arg14[%get3A_71, %get3A_72] {strides = array<i32>} : memref<4x64xf32, #tpu.memory_space<vmem>>, vector<1x16xf32>,
    %get3A_74 = vector.shape_cast %get3A_73 : vector<1x16xf32> to vector<16xf32>
    %get3A_75 = arith.constant 1 : i32
    %get3A_76 = arith.index_cast %get3A_75 : i32 to index
    %get3A_77 = arith.constant 32 : index
    %get3A_78 = tpu.vector_load %arg14[%get3A_76, %get3A_77] {strides = array<i32>} : memref<4x64xf32, #tpu.memory_space<vmem>>, vector<1x16xf32>,
    %get3A_79 = vector.shape_cast %get3A_78 : vector<1x16xf32> to vector<16xf32>
    %get3A_80 = arith.constant 1 : i32
    %get3A_81 = arith.index_cast %get3A_80 : i32 to index
    %get3A_82 = arith.constant 48 : index
    %get3A_83 = tpu.vector_load %arg14[%get3A_81, %get3A_82] {strides = array<i32>} : memref<4x64xf32, #tpu.memory_space<vmem>>, vector<1x16xf32>,
    %get3A_84 = vector.shape_cast %get3A_83 : vector<1x16xf32> to vector<16xf32>
    %get3A_85 = arith.constant 2 : i32
    %get3A_86 = arith.index_cast %get3A_85 : i32 to index
    %get3A_87 = arith.constant 0 : index
    %get3A_88 = tpu.vector_load %arg14[%get3A_86, %get3A_87] {strides = array<i32>} : memref<4x64xf32, #tpu.memory_space<vmem>>, vector<1x16xf32>,
    %get3A_89 = vector.shape_cast %get3A_88 : vector<1x16xf32> to vector<16xf32>
    %get3A_90 = arith.constant 2 : i32
    %get3A_91 = arith.index_cast %get3A_90 : i32 to index
    %get3A_92 = arith.constant 16 : index
    %get3A_93 = tpu.vector_load %arg14[%get3A_91, %get3A_92] {strides = array<i32>} : memref<4x64xf32, #tpu.memory_space<vmem>>, vector<1x16xf32>,
    %get3A_94 = vector.shape_cast %get3A_93 : vector<1x16xf32> to vector<16xf32>
    %get3A_95 = arith.constant 2 : i32
    %get3A_96 = arith.index_cast %get3A_95 : i32 to index
    %get3A_97 = arith.constant 32 : index
    %get3A_98 = tpu.vector_load %arg14[%get3A_96, %get3A_97] {strides = array<i32>} : memref<4x64xf32, #tpu.memory_space<vmem>>, vector<1x16xf32>,
    %get3A_99 = vector.shape_cast %get3A_98 : vector<1x16xf32> to vector<16xf32>
    %get3A_100 = arith.constant 2 : i32
    %get3A_101 = arith.index_cast %get3A_100 : i32 to index
    %get3A_102 = arith.constant 48 : index
    %get3A_103 = tpu.vector_load %arg14[%get3A_101, %get3A_102] {strides = array<i32>} : memref<4x64xf32, #tpu.memory_space<vmem>>, vector<1x16xf32>,
    %get3A_104 = vector.shape_cast %get3A_103 : vector<1x16xf32> to vector<16xf32>
    %get3A_105 = arith.constant 3 : i32
    %get3A_106 = arith.index_cast %get3A_105 : i32 to index
    %get3A_107 = arith.constant 0 : index
    %get3A_108 = tpu.vector_load %arg14[%get3A_106, %get3A_107] {strides = array<i32>} : memref<4x64xf32, #tpu.memory_space<vmem>>, vector<1x16xf32>,
    %get3A_109 = vector.shape_cast %get3A_108 : vector<1x16xf32> to vector<16xf32>
    %get3A_110 = arith.constant 3 : i32
    %get3A_111 = arith.index_cast %get3A_110 : i32 to index
    %get3A_112 = arith.constant 16 : index
    %get3A_113 = tpu.vector_load %arg14[%get3A_111, %get3A_112] {strides = array<i32>} : memref<4x64xf32, #tpu.memory_space<vmem>>, vector<1x16xf32>,
    %get3A_114 = vector.shape_cast %get3A_113 : vector<1x16xf32> to vector<16xf32>
    %get3A_115 = arith.constant 3 : i32
    %get3A_116 = arith.index_cast %get3A_115 : i32 to index
    %get3A_117 = arith.constant 32 : index
    %get3A_118 = tpu.vector_load %arg14[%get3A_116, %get3A_117] {strides = array<i32>} : memref<4x64xf32, #tpu.memory_space<vmem>>, vector<1x16xf32>,
    %get3A_119 = vector.shape_cast %get3A_118 : vector<1x16xf32> to vector<16xf32>
    %get3A_120 = arith.constant 3 : i32
    %get3A_121 = arith.index_cast %get3A_120 : i32 to index
    %get3A_122 = arith.constant 48 : index
    %get3A_123 = tpu.vector_load %arg14[%get3A_121, %get3A_122] {strides = array<i32>} : memref<4x64xf32, #tpu.memory_space<vmem>>, vector<1x16xf32>,
    %get3A_124 = vector.shape_cast %get3A_123 : vector<1x16xf32> to vector<16xf32>
    %dma_start3A = arith.constant 0 : i32
    %dma_start3A_125 = arith.constant 0 : i32
    %dma_start3A_126 = tpu.memref_slice %arg8[%dma_start3A, %dma_start3A_125] : memref<100x100xi32, #tpu.memory_space<vmem>> -> memref<1x100xi32, #tpu.memory_space<vmem>>
    %dma_start3A_127 = tpu.memref_squeeze %dma_start3A_126 : memref<1x100xi32, #tpu.memory_space<vmem>> -> memref<100xi32, #tpu.memory_space<vmem>>
    %dma_start3A_128 = arith.constant 0 : i32
    %dma_start3A_129 = arith.constant 0 : i32
    %dma_start3A_130 = tpu.memref_slice %arg2[%dma_start3A_128, %dma_start3A_129] : memref<10000x64xf32, #tpu.memory_space<hbm>> -> memref<10000x64xf32, #tpu.memory_space<hbm>>
    tpu.enqueue_indirect_dma source(%dma_start3A_130 : memref<10000x64xf32, #tpu.memory_space<hbm>>) target(%arg16 : memref<100x64xf32, #tpu.memory_space<vmem>>) offsets(%dma_start3A_127 : memref<100xi32, #tpu.memory_space<vmem>>) semaphore(%arg21 : memref<!tpu.dma_semaphore, #tpu.memory_space<semaphore_mem>>)
    %dma_start3A_131 = arith.constant 0 : i32
    %dma_start3A_132 = arith.constant 0 : i32
    %dma_start3A_133 = arith.constant 0 : i32
    %dma_start3A_134 = tpu.memref_slice %arg3[%add3A, %dma_start3A_131, %dma_start3A_132, %dma_start3A_133] : memref<32x100x25x16xf32, #tpu.memory_space<hbm>> -> memref<1x1x25x16xf32, #tpu.memory_space<hbm>>
    %dma_start3A_135 = tpu.memref_squeeze %dma_start3A_134 : memref<1x1x25x16xf32, #tpu.memory_space<hbm>> -> memref<25x16xf32, #tpu.memory_space<hbm>>
    %dma_start3A_136 = arith.constant 0 : i32
    %dma_start3A_137 = arith.constant 0 : i32
    %dma_start3A_138 = tpu.memref_slice %arg3[%add3A, %dma_start3A_131, %dma_start3A_136, %dma_start3A_137] : memref<32x100x25x16xf32, #tpu.memory_space<hbm>> -> memref<1x1x25x16xf32, #tpu.memory_space<hbm>>
    %dma_start3A_139 = tpu.memref_squeeze %dma_start3A_138 : memref<1x1x25x16xf32, #tpu.memory_space<hbm>> -> memref<25x16xf32, #tpu.memory_space<hbm>>
    tpu.enqueue_dma source(%dma_start3A_139 : memref<25x16xf32, #tpu.memory_space<hbm>>) target(%arg10 : memref<25x16xf32, #tpu.memory_space<vmem>>) target_semaphore(%arg25 : memref<!tpu.dma_semaphore, #tpu.memory_space<semaphore_mem>>)
    %dma_start3A_140 = arith.constant 1 : i32
    %dma_start3A_141 = arith.constant 0 : i32
    %dma_start3A_142 = tpu.memref_slice %arg8[%dma_start3A_140, %dma_start3A_141] : memref<100x100xi32, #tpu.memory_space<vmem>> -> memref<1x100xi32, #tpu.memory_space<vmem>>
    %dma_start3A_143 = tpu.memref_squeeze %dma_start3A_142 : memref<1x100xi32, #tpu.memory_space<vmem>> -> memref<100xi32, #tpu.memory_space<vmem>>
    %dma_start3A_144 = arith.constant 0 : i32
    %dma_start3A_145 = arith.constant 0 : i32
    %dma_start3A_146 = tpu.memref_slice %arg2[%dma_start3A_144, %dma_start3A_145] : memref<10000x64xf32, #tpu.memory_space<hbm>> -> memref<10000x64xf32, #tpu.memory_space<hbm>>
    tpu.enqueue_indirect_dma source(%dma_start3A_146 : memref<10000x64xf32, #tpu.memory_space<hbm>>) target(%arg17 : memref<100x64xf32, #tpu.memory_space<vmem>>) offsets(%dma_start3A_143 : memref<100xi32, #tpu.memory_space<vmem>>) semaphore(%arg22 : memref<!tpu.dma_semaphore, #tpu.memory_space<semaphore_mem>>)
    %dma_start3A_147 = arith.constant 1 : i32
    %dma_start3A_148 = arith.constant 0 : i32
    %dma_start3A_149 = arith.constant 0 : i32
    %dma_start3A_150 = tpu.memref_slice %arg3[%add3A, %dma_start3A_147, %dma_start3A_148, %dma_start3A_149] : memref<32x100x25x16xf32, #tpu.memory_space<hbm>> -> memref<1x1x25x16xf32, #tpu.memory_space<hbm>>
    %dma_start3A_151 = tpu.memref_squeeze %dma_start3A_150 : memref<1x1x25x16xf32, #tpu.memory_space<hbm>> -> memref<25x16xf32, #tpu.memory_space<hbm>>
    %dma_start3A_152 = arith.constant 0 : i32
    %dma_start3A_153 = arith.constant 0 : i32
    %dma_start3A_154 = tpu.memref_slice %arg3[%add3A, %dma_start3A_147, %dma_start3A_152, %dma_start3A_153] : memref<32x100x25x16xf32, #tpu.memory_space<hbm>> -> memref<1x1x25x16xf32, #tpu.memory_space<hbm>>
    %dma_start3A_155 = tpu.memref_squeeze %dma_start3A_154 : memref<1x1x25x16xf32, #tpu.memory_space<hbm>> -> memref<25x16xf32, #tpu.memory_space<hbm>>
    tpu.enqueue_dma source(%dma_start3A_155 : memref<25x16xf32, #tpu.memory_space<hbm>>) target(%arg11 : memref<25x16xf32, #tpu.memory_space<vmem>>) target_semaphore(%arg26 : memref<!tpu.dma_semaphore, #tpu.memory_space<semaphore_mem>>)
    %scan3A_156 = arith.constant 0 : i32
    %scan3A_157 = arith.constant 0 : i32
    %scan3A_158 = arith.constant 25 : i32
    %scan3A_159 = arith.addi %scan3A_157, %scan3A_158 : i32
    %scan3A_160 = arith.constant 1 : i32
    scf.for %scan3A_194 = %scan3A_157 to %scan3A_159 step %scan3A_160  : i32 {
      %mul3A_195 = arith.constant 4 : i32
      %mul3A_196 = arith.muli %mul3A_195, %scan3A_194 : i32
      %add3A_197 = arith.constant 0 : i32
      %add3A_198 = arith.addi %mul3A_196, %add3A_197 : i32
      %add3A_199 = arith.constant 2 : i32
      %add3A_200 = arith.addi %add3A_198, %add3A_199 : i32
      %lt3A = arith.constant 100 : i32
      %lt3A_201 = arith.cmpi slt, %add3A_200, %lt3A : i32
      %convert_element_type3A = arith.extui %lt3A_201 : i1 to i32
      %cond3A = arith.constant 0 : i32
      %cond3A_202 = arith.cmpi ne, %convert_element_type3A, %cond3A : i32
      scf.if %cond3A_202 {
        %ge3A = arith.constant 2 : i32
        %ge3A_340 = arith.cmpi sge, %add3A_198, %ge3A : i32
        %convert_element_type3A_341 = arith.extui %ge3A_340 : i1 to i32
        %cond3A_342 = arith.constant 0 : i32
        %cond3A_343 = arith.cmpi ne, %convert_element_type3A_341, %cond3A_342 : i32
        scf.if %cond3A_343 {
          %sub3A = arith.constant 2 : i32
          %sub3A_360 = arith.subi %add3A_198, %sub3A : i32
          %dma_wait3A_361 = arith.constant 0 : i32
          %dma_wait3A_362 = tpu.memref_slice %arg9[%sub3A_360, %dma_wait3A_361] : memref<100x100xi32, #tpu.memory_space<vmem>> -> memref<1x100xi32, #tpu.memory_space<vmem>>
          %dma_wait3A_363 = tpu.memref_squeeze %dma_wait3A_362 : memref<1x100xi32, #tpu.memory_space<vmem>> -> memref<100xi32, #tpu.memory_space<vmem>>
          %dma_wait3A_364 = arith.constant 0 : i32
          %dma_wait3A_365 = arith.constant 0 : i32
          %dma_wait3A_366 = tpu.memref_slice %arg20[%dma_wait3A_364, %dma_wait3A_365] : memref<10240x64xf32, #tpu.memory_space<vmem_shared>> -> memref<10240x64xf32, #tpu.memory_space<vmem_shared>>
          tpu.wait_indirect_dma semaphore(%arg31 : memref<!tpu.dma_semaphore, #tpu.memory_space<semaphore_mem>>) src(%arg18 : memref<100x64xf32, #tpu.memory_space<vmem>>) dst(%dma_wait3A_366 : memref<10240x64xf32, #tpu.memory_space<vmem_shared>>)
        } else {
        }
        %add3A_344 = arith.constant 2 : i32
        %add3A_345 = arith.addi %add3A_198, %add3A_344 : i32
        %dma_start3A_346 = arith.constant 0 : i32
        %dma_start3A_347 = tpu.memref_slice %arg8[%add3A_345, %dma_start3A_346] : memref<100x100xi32, #tpu.memory_space<vmem>> -> memref<1x100xi32, #tpu.memory_space<vmem>>
        %dma_start3A_348 = tpu.memref_squeeze %dma_start3A_347 : memref<1x100xi32, #tpu.memory_space<vmem>> -> memref<100xi32, #tpu.memory_space<vmem>>
        %dma_start3A_349 = arith.constant 0 : i32
        %dma_start3A_350 = arith.constant 0 : i32
        %dma_start3A_351 = tpu.memref_slice %arg2[%dma_start3A_349, %dma_start3A_350] : memref<10000x64xf32, #tpu.memory_space<hbm>> -> memref<10000x64xf32, #tpu.memory_space<hbm>>
        tpu.enqueue_indirect_dma source(%dma_start3A_351 : memref<10000x64xf32, #tpu.memory_space<hbm>>) target(%arg18 : memref<100x64xf32, #tpu.memory_space<vmem>>) offsets(%dma_start3A_348 : memref<100xi32, #tpu.memory_space<vmem>>) semaphore(%arg23 : memref<!tpu.dma_semaphore, #tpu.memory_space<semaphore_mem>>)
        %dma_start3A_352 = arith.constant 0 : i32
        %dma_start3A_353 = arith.constant 0 : i32
        %dma_start3A_354 = tpu.memref_slice %arg3[%add3A, %add3A_345, %dma_start3A_352, %dma_start3A_353] : memref<32x100x25x16xf32, #tpu.memory_space<hbm>> -> memref<1x1x25x16xf32, #tpu.memory_space<hbm>>
        %dma_start3A_355 = tpu.memref_squeeze %dma_start3A_354 : memref<1x1x25x16xf32, #tpu.memory_space<hbm>> -> memref<25x16xf32, #tpu.memory_space<hbm>>
        %dma_start3A_356 = arith.constant 0 : i32
        %dma_start3A_357 = arith.constant 0 : i32
        %dma_start3A_358 = tpu.memref_slice %arg3[%add3A, %add3A_345, %dma_start3A_356, %dma_start3A_357] : memref<32x100x25x16xf32, #tpu.memory_space<hbm>> -> memref<1x1x25x16xf32, #tpu.memory_space<hbm>>
        %dma_start3A_359 = tpu.memref_squeeze %dma_start3A_358 : memref<1x1x25x16xf32, #tpu.memory_space<hbm>> -> memref<25x16xf32, #tpu.memory_space<hbm>>
        tpu.enqueue_dma source(%dma_start3A_359 : memref<25x16xf32, #tpu.memory_space<hbm>>) target(%arg12 : memref<25x16xf32, #tpu.memory_space<vmem>>) target_semaphore(%arg27 : memref<!tpu.dma_semaphore, #tpu.memory_space<semaphore_mem>>)
      } else {
      }
      %dma_wait3A_203 = arith.constant 0 : i32
      %dma_wait3A_204 = tpu.memref_slice %arg8[%add3A_198, %dma_wait3A_203] : memref<100x100xi32, #tpu.memory_space<vmem>> -> memref<1x100xi32, #tpu.memory_space<vmem>>
      %dma_wait3A_205 = tpu.memref_squeeze %dma_wait3A_204 : memref<1x100xi32, #tpu.memory_space<vmem>> -> memref<100xi32, #tpu.memory_space<vmem>>
      %dma_wait3A_206 = arith.constant 0 : i32
      %dma_wait3A_207 = arith.constant 0 : i32
      %dma_wait3A_208 = tpu.memref_slice %arg2[%dma_wait3A_206, %dma_wait3A_207] : memref<10000x64xf32, #tpu.memory_space<hbm>> -> memref<10000x64xf32, #tpu.memory_space<hbm>>
      tpu.wait_indirect_dma semaphore(%arg21 : memref<!tpu.dma_semaphore, #tpu.memory_space<semaphore_mem>>) src(%dma_wait3A_208 : memref<10000x64xf32, #tpu.memory_space<hbm>>) dst(%arg16 : memref<100x64xf32, #tpu.memory_space<vmem>>)
      %dma_wait3A_209 = arith.constant 0 : i32
      %dma_wait3A_210 = arith.constant 0 : i32
      %dma_wait3A_211 = tpu.memref_slice %arg3[%add3A, %add3A_198, %dma_wait3A_209, %dma_wait3A_210] : memref<32x100x25x16xf32, #tpu.memory_space<hbm>> -> memref<1x1x25x16xf32, #tpu.memory_space<hbm>>
      %dma_wait3A_212 = tpu.memref_squeeze %dma_wait3A_211 : memref<1x1x25x16xf32, #tpu.memory_space<hbm>> -> memref<25x16xf32, #tpu.memory_space<hbm>>
      %dma_wait3A_213 = arith.constant 0 : i32
      %dma_wait3A_214 = arith.constant 0 : i32
      %dma_wait3A_215 = tpu.memref_slice %arg3[%add3A, %add3A_198, %dma_wait3A_213, %dma_wait3A_214] : memref<32x100x25x16xf32, #tpu.memory_space<hbm>> -> memref<1x1x25x16xf32, #tpu.memory_space<hbm>>
      %dma_wait3A_216 = tpu.memref_squeeze %dma_wait3A_215 : memref<1x1x25x16xf32, #tpu.memory_space<hbm>> -> memref<25x16xf32, #tpu.memory_space<hbm>>
      tpu.wait_dma2 semaphore(%arg25 : memref<!tpu.dma_semaphore, #tpu.memory_space<semaphore_mem>>) src(%dma_wait3A_216 : memref<25x16xf32, #tpu.memory_space<hbm>>) dst(%arg10 : memref<25x16xf32, #tpu.memory_space<vmem>>)
      %scan3A_217 = arith.constant 0 : i32
      %scan3A_218 = arith.constant 0 : i32
      %scan3A_219 = arith.constant 25 : i32
      %scan3A_220 = arith.addi %scan3A_218, %scan3A_219 : i32
      %scan3A_221 = arith.constant 1 : i32
      scf.for %scan3A_340 = %scan3A_218 to %scan3A_220 step %scan3A_221  : i32 {
        %get3A_341 = arith.index_cast %scan3A_340 : i32 to index
        %get3A_342 = arith.constant 0 : index
        %get3A_343 = tpu.vector_load %arg10[%get3A_341, %get3A_342] {strides = array<i32>} : memref<25x16xf32, #tpu.memory_space<vmem>>, vector<1x16xf32>,
        %get3A_344 = vector.shape_cast %get3A_343 : vector<1x16xf32> to vector<16xf32>
        %mul3A_345 = arith.constant 4 : i32
        %mul3A_346 = arith.muli %scan3A_340, %mul3A_345 : i32
        %add3A_347 = arith.constant 0 : i32
        %add3A_348 = arith.addi %mul3A_346, %add3A_347 : i32
        %get3A_349 = arith.index_cast %add3A_348 : i32 to index
        %get3A_350 = arith.constant 0 : index
        %get3A_351 = tpu.vector_load %arg16[%get3A_349, %get3A_350] {strides = array<i32>} : memref<100x64xf32, #tpu.memory_space<vmem>>, vector<1x16xf32>,
        %get3A_352 = vector.shape_cast %get3A_351 : vector<1x16xf32> to vector<16xf32>
        %get3A_353 = arith.index_cast %add3A_348 : i32 to index
        %get3A_354 = arith.constant 16 : index
        %get3A_355 = tpu.vector_load %arg16[%get3A_353, %get3A_354] {strides = array<i32>} : memref<100x64xf32, #tpu.memory_space<vmem>>, vector<1x16xf32>,
        %get3A_356 = vector.shape_cast %get3A_355 : vector<1x16xf32> to vector<16xf32>
        %get3A_357 = arith.index_cast %add3A_348 : i32 to index
        %get3A_358 = arith.constant 32 : index
        %get3A_359 = tpu.vector_load %arg16[%get3A_357, %get3A_358] {strides = array<i32>} : memref<100x64xf32, #tpu.memory_space<vmem>>, vector<1x16xf32>,
        %get3A_360 = vector.shape_cast %get3A_359 : vector<1x16xf32> to vector<16xf32>
        %get3A_361 = arith.index_cast %add3A_348 : i32 to index
        %get3A_362 = arith.constant 48 : index
        %get3A_363 = tpu.vector_load %arg16[%get3A_361, %get3A_362] {strides = array<i32>} : memref<100x64xf32, #tpu.memory_space<vmem>>, vector<1x16xf32>,
        %get3A_364 = vector.shape_cast %get3A_363 : vector<1x16xf32> to vector<16xf32>
        %broadcast_in_dim3A = arith.constant 0 : i32
        %broadcast_in_dim3A_365 = vector.broadcast %broadcast_in_dim3A : i32 to vector<16x1xi32>
        %gather3A = vector.shape_cast %broadcast_in_dim3A_365 : vector<16x1xi32> to vector<16xi32>
        %gather3A_366 = tpu.dynamic_gather %get3A_344[%gather3A] in [0] : vector<16xf32>, vector<16xi32> -> vector<16xf32>
        %mul3A_367 = arith.mulf %gather3A_366, %get3A_49 : vector<16xf32>
        %add3A_368 = arith.addf %get3A_352, %mul3A_367 : vector<16xf32>
        %mul3A_369 = arith.mulf %gather3A_366, %get3A_54 : vector<16xf32>
        %add3A_370 = arith.addf %get3A_356, %mul3A_369 : vector<16xf32>
        %mul3A_371 = arith.mulf %gather3A_366, %get3A_59 : vector<16xf32>
        %add3A_372 = arith.addf %get3A_360, %mul3A_371 : vector<16xf32>
        %mul3A_373 = arith.mulf %gather3A_366, %get3A_64 : vector<16xf32>
        %add3A_374 = arith.addf %get3A_364, %mul3A_373 : vector<16xf32>
        %broadcast_in_dim3A_375 = arith.constant 1 : i32
        %broadcast_in_dim3A_376 = vector.broadcast %broadcast_in_dim3A_375 : i32 to vector<16x1xi32>
        %gather3A_377 = vector.shape_cast %broadcast_in_dim3A_376 : vector<16x1xi32> to vector<16xi32>
        %gather3A_378 = tpu.dynamic_gather %get3A_344[%gather3A_377] in [0] : vector<16xf32>, vector<16xi32> -> vector<16xf32>
        %mul3A_379 = arith.mulf %gather3A_378, %get3A_69 : vector<16xf32>
        %add3A_380 = arith.addf %add3A_368, %mul3A_379 : vector<16xf32>
        %mul3A_381 = arith.mulf %gather3A_378, %get3A_74 : vector<16xf32>
        %add3A_382 = arith.addf %add3A_370, %mul3A_381 : vector<16xf32>
        %mul3A_383 = arith.mulf %gather3A_378, %get3A_79 : vector<16xf32>
        %add3A_384 = arith.addf %add3A_372, %mul3A_383 : vector<16xf32>
        %mul3A_385 = arith.mulf %gather3A_378, %get3A_84 : vector<16xf32>
        %add3A_386 = arith.addf %add3A_374, %mul3A_385 : vector<16xf32>
        %broadcast_in_dim3A_387 = arith.constant 2 : i32
        %broadcast_in_dim3A_388 = vector.broadcast %broadcast_in_dim3A_387 : i32 to vector<16x1xi32>
        %gather3A_389 = vector.shape_cast %broadcast_in_dim3A_388 : vector<16x1xi32> to vector<16xi32>
        %gather3A_390 = tpu.dynamic_gather %get3A_344[%gather3A_389] in [0] : vector<16xf32>, vector<16xi32> -> vector<16xf32>
        %mul3A_391 = arith.mulf %gather3A_390, %get3A_89 : vector<16xf32>
        %add3A_392 = arith.addf %add3A_380, %mul3A_391 : vector<16xf32>
        %mul3A_393 = arith.mulf %gather3A_390, %get3A_94 : vector<16xf32>
        %add3A_394 = arith.addf %add3A_382, %mul3A_393 : vector<16xf32>
        %mul3A_395 = arith.mulf %gather3A_390, %get3A_99 : vector<16xf32>
        %add3A_396 = arith.addf %add3A_384, %mul3A_395 : vector<16xf32>
        %mul3A_397 = arith.mulf %gather3A_390, %get3A_104 : vector<16xf32>
        %add3A_398 = arith.addf %add3A_386, %mul3A_397 : vector<16xf32>
        %broadcast_in_dim3A_399 = arith.constant 3 : i32
        %broadcast_in_dim3A_400 = vector.broadcast %broadcast_in_dim3A_399 : i32 to vector<16x1xi32>
        %gather3A_401 = vector.shape_cast %broadcast_in_dim3A_400 : vector<16x1xi32> to vector<16xi32>
        %gather3A_402 = tpu.dynamic_gather %get3A_344[%gather3A_401] in [0] : vector<16xf32>, vector<16xi32> -> vector<16xf32>
        %mul3A_403 = arith.mulf %gather3A_402, %get3A_109 : vector<16xf32>
        %add3A_404 = arith.addf %add3A_392, %mul3A_403 : vector<16xf32>
        %mul3A_405 = arith.mulf %gather3A_402, %get3A_114 : vector<16xf32>
        %add3A_406 = arith.addf %add3A_394, %mul3A_405 : vector<16xf32>
        %mul3A_407 = arith.mulf %gather3A_402, %get3A_119 : vector<16xf32>
        %add3A_408 = arith.addf %add3A_396, %mul3A_407 : vector<16xf32>
        %mul3A_409 = arith.mulf %gather3A_402, %get3A_124 : vector<16xf32>
        %add3A_410 = arith.addf %add3A_398, %mul3A_409 : vector<16xf32>
        %max3A = arith.constant 0.000000e+00 : f32
        %max3A_411 = vector.broadcast %max3A : f32 to vector<16xf32>
        %max3A_412 = arith.maximumf %add3A_404, %max3A_411 : vector<16xf32>
        %swap3A = arith.index_cast %add3A_348 : i32 to index
        %swap3A_413 = arith.constant 0 : index
        %swap3A_414 = tpu.vector_load %arg16[%swap3A, %swap3A_413] {strides = array<i32>} : memref<100x64xf32, #tpu.memory_space<vmem>>, vector<1x16xf32>,
        %swap3A_415 = vector.shape_cast %swap3A_414 : vector<1x16xf32> to vector<16xf32>
        %swap3A_416 = vector.shape_cast %max3A_412 : vector<16xf32> to vector<1x16xf32>
        tpu.vector_store %arg16[%swap3A, %swap3A_413], %swap3A_416 {strides = array<i32>} : memref<100x64xf32, #tpu.memory_space<vmem>>, vector<1x16xf32>,
        %max3A_417 = arith.constant 0.000000e+00 : f32
        %max3A_418 = vector.broadcast %max3A_417 : f32 to vector<16xf32>
        %max3A_419 = arith.maximumf %add3A_406, %max3A_418 : vector<16xf32>
        %swap3A_420 = arith.index_cast %add3A_348 : i32 to index
        %swap3A_421 = arith.constant 16 : index
        %swap3A_422 = tpu.vector_load %arg16[%swap3A_420, %swap3A_421] {strides = array<i32>} : memref<100x64xf32, #tpu.memory_space<vmem>>, vector<1x16xf32>,
        %swap3A_423 = vector.shape_cast %swap3A_422 : vector<1x16xf32> to vector<16xf32>
        %swap3A_424 = vector.shape_cast %max3A_419 : vector<16xf32> to vector<1x16xf32>
        tpu.vector_store %arg16[%swap3A_420, %swap3A_421], %swap3A_424 {strides = array<i32>} : memref<100x64xf32, #tpu.memory_space<vmem>>, vector<1x16xf32>,
        %max3A_425 = arith.constant 0.000000e+00 : f32
        %max3A_426 = vector.broadcast %max3A_425 : f32 to vector<16xf32>
        %max3A_427 = arith.maximumf %add3A_408, %max3A_426 : vector<16xf32>
        %swap3A_428 = arith.index_cast %add3A_348 : i32 to index
        %swap3A_429 = arith.constant 32 : index
        %swap3A_430 = tpu.vector_load %arg16[%swap3A_428, %swap3A_429] {strides = array<i32>} : memref<100x64xf32, #tpu.memory_space<vmem>>, vector<1x16xf32>,
        %swap3A_431 = vector.shape_cast %swap3A_430 : vector<1x16xf32> to vector<16xf32>
        %swap3A_432 = vector.shape_cast %max3A_427 : vector<16xf32> to vector<1x16xf32>
        tpu.vector_store %arg16[%swap3A_428, %swap3A_429], %swap3A_432 {strides = array<i32>} : memref<100x64xf32, #tpu.memory_space<vmem>>, vector<1x16xf32>,
        %max3A_433 = arith.constant 0.000000e+00 : f32
        %max3A_434 = vector.broadcast %max3A_433 : f32 to vector<16xf32>
        %max3A_435 = arith.maximumf %add3A_410, %max3A_434 : vector<16xf32>
        %swap3A_436 = arith.index_cast %add3A_348 : i32 to index
        %swap3A_437 = arith.constant 48 : index
        %swap3A_438 = tpu.vector_load %arg16[%swap3A_436, %swap3A_437] {strides = array<i32>} : memref<100x64xf32, #tpu.memory_space<vmem>>, vector<1x16xf32>,
        %swap3A_439 = vector.shape_cast %swap3A_438 : vector<1x16xf32> to vector<16xf32>
        %swap3A_440 = vector.shape_cast %max3A_435 : vector<16xf32> to vector<1x16xf32>
        tpu.vector_store %arg16[%swap3A_436, %swap3A_437], %swap3A_440 {strides = array<i32>} : memref<100x64xf32, #tpu.memory_space<vmem>>, vector<1x16xf32>,
        %mul3A_441 = arith.constant 4 : i32
        %mul3A_442 = arith.muli %scan3A_340, %mul3A_441 : i32
        %add3A_443 = arith.constant 1 : i32
        %add3A_444 = arith.addi %mul3A_442, %add3A_443 : i32
        %get3A_445 = arith.index_cast %add3A_444 : i32 to index
        %get3A_446 = arith.constant 0 : index
        %get3A_447 = tpu.vector_load %arg16[%get3A_445, %get3A_446] {strides = array<i32>} : memref<100x64xf32, #tpu.memory_space<vmem>>, vector<1x16xf32>,
        %get3A_448 = vector.shape_cast %get3A_447 : vector<1x16xf32> to vector<16xf32>
        %get3A_449 = arith.index_cast %add3A_444 : i32 to index
        %get3A_450 = arith.constant 16 : index
        %get3A_451 = tpu.vector_load %arg16[%get3A_449, %get3A_450] {strides = array<i32>} : memref<100x64xf32, #tpu.memory_space<vmem>>, vector<1x16xf32>,
        %get3A_452 = vector.shape_cast %get3A_451 : vector<1x16xf32> to vector<16xf32>
        %get3A_453 = arith.index_cast %add3A_444 : i32 to index
        %get3A_454 = arith.constant 32 : index
        %get3A_455 = tpu.vector_load %arg16[%get3A_453, %get3A_454] {strides = array<i32>} : memref<100x64xf32, #tpu.memory_space<vmem>>, vector<1x16xf32>,
        %get3A_456 = vector.shape_cast %get3A_455 : vector<1x16xf32> to vector<16xf32>
        %get3A_457 = arith.index_cast %add3A_444 : i32 to index
        %get3A_458 = arith.constant 48 : index
        %get3A_459 = tpu.vector_load %arg16[%get3A_457, %get3A_458] {strides = array<i32>} : memref<100x64xf32, #tpu.memory_space<vmem>>, vector<1x16xf32>,
        %get3A_460 = vector.shape_cast %get3A_459 : vector<1x16xf32> to vector<16xf32>
        %broadcast_in_dim3A_461 = arith.constant 4 : i32
        %broadcast_in_dim3A_462 = vector.broadcast %broadcast_in_dim3A_461 : i32 to vector<16x1xi32>
        %gather3A_463 = vector.shape_cast %broadcast_in_dim3A_462 : vector<16x1xi32> to vector<16xi32>
        %gather3A_464 = tpu.dynamic_gather %get3A_344[%gather3A_463] in [0] : vector<16xf32>, vector<16xi32> -> vector<16xf32>
        %mul3A_465 = arith.mulf %gather3A_464, %get3A_49 : vector<16xf32>
        %add3A_466 = arith.addf %get3A_448, %mul3A_465 : vector<16xf32>
        %mul3A_467 = arith.mulf %gather3A_464, %get3A_54 : vector<16xf32>
        %add3A_468 = arith.addf %get3A_452, %mul3A_467 : vector<16xf32>
        %mul3A_469 = arith.mulf %gather3A_464, %get3A_59 : vector<16xf32>
        %add3A_470 = arith.addf %get3A_456, %mul3A_469 : vector<16xf32>
        %mul3A_471 = arith.mulf %gather3A_464, %get3A_64 : vector<16xf32>
        %add3A_472 = arith.addf %get3A_460, %mul3A_471 : vector<16xf32>
        %broadcast_in_dim3A_473 = arith.constant 5 : i32
        %broadcast_in_dim3A_474 = vector.broadcast %broadcast_in_dim3A_473 : i32 to vector<16x1xi32>
        %gather3A_475 = vector.shape_cast %broadcast_in_dim3A_474 : vector<16x1xi32> to vector<16xi32>
        %gather3A_476 = tpu.dynamic_gather %get3A_344[%gather3A_475] in [0] : vector<16xf32>, vector<16xi32> -> vector<16xf32>
        %mul3A_477 = arith.mulf %gather3A_476, %get3A_69 : vector<16xf32>
        %add3A_478 = arith.addf %add3A_466, %mul3A_477 : vector<16xf32>
        %mul3A_479 = arith.mulf %gather3A_476, %get3A_74 : vector<16xf32>
        %add3A_480 = arith.addf %add3A_468, %mul3A_479 : vector<16xf32>
        %mul3A_481 = arith.mulf %gather3A_476, %get3A_79 : vector<16xf32>
        %add3A_482 = arith.addf %add3A_470, %mul3A_481 : vector<16xf32>
        %mul3A_483 = arith.mulf %gather3A_476, %get3A_84 : vector<16xf32>
        %add3A_484 = arith.addf %add3A_472, %mul3A_483 : vector<16xf32>
        %broadcast_in_dim3A_485 = arith.constant 6 : i32
        %broadcast_in_dim3A_486 = vector.broadcast %broadcast_in_dim3A_485 : i32 to vector<16x1xi32>
        %gather3A_487 = vector.shape_cast %broadcast_in_dim3A_486 : vector<16x1xi32> to vector<16xi32>
        %gather3A_488 = tpu.dynamic_gather %get3A_344[%gather3A_487] in [0] : vector<16xf32>, vector<16xi32> -> vector<16xf32>
        %mul3A_489 = arith.mulf %gather3A_488, %get3A_89 : vector<16xf32>
        %add3A_490 = arith.addf %add3A_478, %mul3A_489 : vector<16xf32>
        %mul3A_491 = arith.mulf %gather3A_488, %get3A_94 : vector<16xf32>
        %add3A_492 = arith.addf %add3A_480, %mul3A_491 : vector<16xf32>
        %mul3A_493 = arith.mulf %gather3A_488, %get3A_99 : vector<16xf32>
        %add3A_494 = arith.addf %add3A_482, %mul3A_493 : vector<16xf32>
        %mul3A_495 = arith.mulf %gather3A_488, %get3A_104 : vector<16xf32>
        %add3A_496 = arith.addf %add3A_484, %mul3A_495 : vector<16xf32>
        %broadcast_in_dim3A_497 = arith.constant 7 : i32
        %broadcast_in_dim3A_498 = vector.broadcast %broadcast_in_dim3A_497 : i32 to vector<16x1xi32>
        %gather3A_499 = vector.shape_cast %broadcast_in_dim3A_498 : vector<16x1xi32> to vector<16xi32>
        %gather3A_500 = tpu.dynamic_gather %get3A_344[%gather3A_499] in [0] : vector<16xf32>, vector<16xi32> -> vector<16xf32>
        %mul3A_501 = arith.mulf %gather3A_500, %get3A_109 : vector<16xf32>
        %add3A_502 = arith.addf %add3A_490, %mul3A_501 : vector<16xf32>
        %mul3A_503 = arith.mulf %gather3A_500, %get3A_114 : vector<16xf32>
        %add3A_504 = arith.addf %add3A_492, %mul3A_503 : vector<16xf32>
        %mul3A_505 = arith.mulf %gather3A_500, %get3A_119 : vector<16xf32>
        %add3A_506 = arith.addf %add3A_494, %mul3A_505 : vector<16xf32>
        %mul3A_507 = arith.mulf %gather3A_500, %get3A_124 : vector<16xf32>
        %add3A_508 = arith.addf %add3A_496, %mul3A_507 : vector<16xf32>
        %max3A_509 = arith.constant 0.000000e+00 : f32
        %max3A_510 = vector.broadcast %max3A_509 : f32 to vector<16xf32>
        %max3A_511 = arith.maximumf %add3A_502, %max3A_510 : vector<16xf32>
        %swap3A_512 = arith.index_cast %add3A_444 : i32 to index
        %swap3A_513 = arith.constant 0 : index
        %swap3A_514 = tpu.vector_load %arg16[%swap3A_512, %swap3A_513] {strides = array<i32>} : memref<100x64xf32, #tpu.memory_space<vmem>>, vector<1x16xf32>,
        %swap3A_515 = vector.shape_cast %swap3A_514 : vector<1x16xf32> to vector<16xf32>
        %swap3A_516 = vector.shape_cast %max3A_511 : vector<16xf32> to vector<1x16xf32>
        tpu.vector_store %arg16[%swap3A_512, %swap3A_513], %swap3A_516 {strides = array<i32>} : memref<100x64xf32, #tpu.memory_space<vmem>>, vector<1x16xf32>,
        %max3A_517 = arith.constant 0.000000e+00 : f32
        %max3A_518 = vector.broadcast %max3A_517 : f32 to vector<16xf32>
        %max3A_519 = arith.maximumf %add3A_504, %max3A_518 : vector<16xf32>
        %swap3A_520 = arith.index_cast %add3A_444 : i32 to index
        %swap3A_521 = arith.constant 16 : index
        %swap3A_522 = tpu.vector_load %arg16[%swap3A_520, %swap3A_521] {strides = array<i32>} : memref<100x64xf32, #tpu.memory_space<vmem>>, vector<1x16xf32>,
        %swap3A_523 = vector.shape_cast %swap3A_522 : vector<1x16xf32> to vector<16xf32>
        %swap3A_524 = vector.shape_cast %max3A_519 : vector<16xf32> to vector<1x16xf32>
        tpu.vector_store %arg16[%swap3A_520, %swap3A_521], %swap3A_524 {strides = array<i32>} : memref<100x64xf32, #tpu.memory_space<vmem>>, vector<1x16xf32>,
        %max3A_525 = arith.constant 0.000000e+00 : f32
        %max3A_526 = vector.broadcast %max3A_525 : f32 to vector<16xf32>
        %max3A_527 = arith.maximumf %add3A_506, %max3A_526 : vector<16xf32>
        %swap3A_528 = arith.index_cast %add3A_444 : i32 to index
        %swap3A_529 = arith.constant 32 : index
        %swap3A_530 = tpu.vector_load %arg16[%swap3A_528, %swap3A_529] {strides = array<i32>} : memref<100x64xf32, #tpu.memory_space<vmem>>, vector<1x16xf32>,
        %swap3A_531 = vector.shape_cast %swap3A_530 : vector<1x16xf32> to vector<16xf32>
        %swap3A_532 = vector.shape_cast %max3A_527 : vector<16xf32> to vector<1x16xf32>
        tpu.vector_store %arg16[%swap3A_528, %swap3A_529], %swap3A_532 {strides = array<i32>} : memref<100x64xf32, #tpu.memory_space<vmem>>, vector<1x16xf32>,
        %max3A_533 = arith.constant 0.000000e+00 : f32
        %max3A_534 = vector.broadcast %max3A_533 : f32 to vector<16xf32>
        %max3A_535 = arith.maximumf %add3A_508, %max3A_534 : vector<16xf32>
        %swap3A_536 = arith.index_cast %add3A_444 : i32 to index
        %swap3A_537 = arith.constant 48 : index
        %swap3A_538 = tpu.vector_load %arg16[%swap3A_536, %swap3A_537] {strides = array<i32>} : memref<100x64xf32, #tpu.memory_space<vmem>>, vector<1x16xf32>,
        %swap3A_539 = vector.shape_cast %swap3A_538 : vector<1x16xf32> to vector<16xf32>
        %swap3A_540 = vector.shape_cast %max3A_535 : vector<16xf32> to vector<1x16xf32>
        tpu.vector_store %arg16[%swap3A_536, %swap3A_537], %swap3A_540 {strides = array<i32>} : memref<100x64xf32, #tpu.memory_space<vmem>>, vector<1x16xf32>,
        %mul3A_541 = arith.constant 4 : i32
        %mul3A_542 = arith.muli %scan3A_340, %mul3A_541 : i32
        %add3A_543 = arith.constant 2 : i32
        %add3A_544 = arith.addi %mul3A_542, %add3A_543 : i32
        %get3A_545 = arith.index_cast %add3A_544 : i32 to index
        %get3A_546 = arith.constant 0 : index
        %get3A_547 = tpu.vector_load %arg16[%get3A_545, %get3A_546] {strides = array<i32>} : memref<100x64xf32, #tpu.memory_space<vmem>>, vector<1x16xf32>,
        %get3A_548 = vector.shape_cast %get3A_547 : vector<1x16xf32> to vector<16xf32>
        %get3A_549 = arith.index_cast %add3A_544 : i32 to index
        %get3A_550 = arith.constant 16 : index
        %get3A_551 = tpu.vector_load %arg16[%get3A_549, %get3A_550] {strides = array<i32>} : memref<100x64xf32, #tpu.memory_space<vmem>>, vector<1x16xf32>,
        %get3A_552 = vector.shape_cast %get3A_551 : vector<1x16xf32> to vector<16xf32>
        %get3A_553 = arith.index_cast %add3A_544 : i32 to index
        %get3A_554 = arith.constant 32 : index
        %get3A_555 = tpu.vector_load %arg16[%get3A_553, %get3A_554] {strides = array<i32>} : memref<100x64xf32, #tpu.memory_space<vmem>>, vector<1x16xf32>,
        %get3A_556 = vector.shape_cast %get3A_555 : vector<1x16xf32> to vector<16xf32>
        %get3A_557 = arith.index_cast %add3A_544 : i32 to index
        %get3A_558 = arith.constant 48 : index
        %get3A_559 = tpu.vector_load %arg16[%get3A_557, %get3A_558] {strides = array<i32>} : memref<100x64xf32, #tpu.memory_space<vmem>>, vector<1x16xf32>,
        %get3A_560 = vector.shape_cast %get3A_559 : vector<1x16xf32> to vector<16xf32>
        %broadcast_in_dim3A_561 = arith.constant 8 : i32
        %broadcast_in_dim3A_562 = vector.broadcast %broadcast_in_dim3A_561 : i32 to vector<16x1xi32>
        %gather3A_563 = vector.shape_cast %broadcast_in_dim3A_562 : vector<16x1xi32> to vector<16xi32>
        %gather3A_564 = tpu.dynamic_gather %get3A_344[%gather3A_563] in [0] : vector<16xf32>, vector<16xi32> -> vector<16xf32>
        %mul3A_565 = arith.mulf %gather3A_564, %get3A_49 : vector<16xf32>
        %add3A_566 = arith.addf %get3A_548, %mul3A_565 : vector<16xf32>
        %mul3A_567 = arith.mulf %gather3A_564, %get3A_54 : vector<16xf32>
        %add3A_568 = arith.addf %get3A_552, %mul3A_567 : vector<16xf32>
        %mul3A_569 = arith.mulf %gather3A_564, %get3A_59 : vector<16xf32>
        %add3A_570 = arith.addf %get3A_556, %mul3A_569 : vector<16xf32>
        %mul3A_571 = arith.mulf %gather3A_564, %get3A_64 : vector<16xf32>
        %add3A_572 = arith.addf %get3A_560, %mul3A_571 : vector<16xf32>
        %broadcast_in_dim3A_573 = arith.constant 9 : i32
        %broadcast_in_dim3A_574 = vector.broadcast %broadcast_in_dim3A_573 : i32 to vector<16x1xi32>
        %gather3A_575 = vector.shape_cast %broadcast_in_dim3A_574 : vector<16x1xi32> to vector<16xi32>
        %gather3A_576 = tpu.dynamic_gather %get3A_344[%gather3A_575] in [0] : vector<16xf32>, vector<16xi32> -> vector<16xf32>
        %mul3A_577 = arith.mulf %gather3A_576, %get3A_69 : vector<16xf32>
        %add3A_578 = arith.addf %add3A_566, %mul3A_577 : vector<16xf32>
        %mul3A_579 = arith.mulf %gather3A_576, %get3A_74 : vector<16xf32>
        %add3A_580 = arith.addf %add3A_568, %mul3A_579 : vector<16xf32>
        %mul3A_581 = arith.mulf %gather3A_576, %get3A_79 : vector<16xf32>
        %add3A_582 = arith.addf %add3A_570, %mul3A_581 : vector<16xf32>
        %mul3A_583 = arith.mulf %gather3A_576, %get3A_84 : vector<16xf32>
        %add3A_584 = arith.addf %add3A_572, %mul3A_583 : vector<16xf32>
        %broadcast_in_dim3A_585 = arith.constant 10 : i32
        %broadcast_in_dim3A_586 = vector.broadcast %broadcast_in_dim3A_585 : i32 to vector<16x1xi32>
        %gather3A_587 = vector.shape_cast %broadcast_in_dim3A_586 : vector<16x1xi32> to vector<16xi32>
        %gather3A_588 = tpu.dynamic_gather %get3A_344[%gather3A_587] in [0] : vector<16xf32>, vector<16xi32> -> vector<16xf32>
        %mul3A_589 = arith.mulf %gather3A_588, %get3A_89 : vector<16xf32>
        %add3A_590 = arith.addf %add3A_578, %mul3A_589 : vector<16xf32>
        %mul3A_591 = arith.mulf %gather3A_588, %get3A_94 : vector<16xf32>
        %add3A_592 = arith.addf %add3A_580, %mul3A_591 : vector<16xf32>
        %mul3A_593 = arith.mulf %gather3A_588, %get3A_99 : vector<16xf32>
        %add3A_594 = arith.addf %add3A_582, %mul3A_593 : vector<16xf32>
        %mul3A_595 = arith.mulf %gather3A_588, %get3A_104 : vector<16xf32>
        %add3A_596 = arith.addf %add3A_584, %mul3A_595 : vector<16xf32>
        %broadcast_in_dim3A_597 = arith.constant 11 : i32
        %broadcast_in_dim3A_598 = vector.broadcast %broadcast_in_dim3A_597 : i32 to vector<16x1xi32>
        %gather3A_599 = vector.shape_cast %broadcast_in_dim3A_598 : vector<16x1xi32> to vector<16xi32>
        %gather3A_600 = tpu.dynamic_gather %get3A_344[%gather3A_599] in [0] : vector<16xf32>, vector<16xi32> -> vector<16xf32>
        %mul3A_601 = arith.mulf %gather3A_600, %get3A_109 : vector<16xf32>
        %add3A_602 = arith.addf %add3A_590, %mul3A_601 : vector<16xf32>
        %mul3A_603 = arith.mulf %gather3A_600, %get3A_114 : vector<16xf32>
        %add3A_604 = arith.addf %add3A_592, %mul3A_603 : vector<16xf32>
        %mul3A_605 = arith.mulf %gather3A_600, %get3A_119 : vector<16xf32>
        %add3A_606 = arith.addf %add3A_594, %mul3A_605 : vector<16xf32>
        %mul3A_607 = arith.mulf %gather3A_600, %get3A_124 : vector<16xf32>
        %add3A_608 = arith.addf %add3A_596, %mul3A_607 : vector<16xf32>
        %max3A_609 = arith.constant 0.000000e+00 : f32
        %max3A_610 = vector.broadcast %max3A_609 : f32 to vector<16xf32>
        %max3A_611 = arith.maximumf %add3A_602, %max3A_610 : vector<16xf32>
        %swap3A_612 = arith.index_cast %add3A_544 : i32 to index
        %swap3A_613 = arith.constant 0 : index
        %swap3A_614 = tpu.vector_load %arg16[%swap3A_612, %swap3A_613] {strides = array<i32>} : memref<100x64xf32, #tpu.memory_space<vmem>>, vector<1x16xf32>,
        %swap3A_615 = vector.shape_cast %swap3A_614 : vector<1x16xf32> to vector<16xf32>
        %swap3A_616 = vector.shape_cast %max3A_611 : vector<16xf32> to vector<1x16xf32>
        tpu.vector_store %arg16[%swap3A_612, %swap3A_613], %swap3A_616 {strides = array<i32>} : memref<100x64xf32, #tpu.memory_space<vmem>>, vector<1x16xf32>,
        %max3A_617 = arith.constant 0.000000e+00 : f32
        %max3A_618 = vector.broadcast %max3A_617 : f32 to vector<16xf32>
        %max3A_619 = arith.maximumf %add3A_604, %max3A_618 : vector<16xf32>
        %swap3A_620 = arith.index_cast %add3A_544 : i32 to index
        %swap3A_621 = arith.constant 16 : index
        %swap3A_622 = tpu.vector_load %arg16[%swap3A_620, %swap3A_621] {strides = array<i32>} : memref<100x64xf32, #tpu.memory_space<vmem>>, vector<1x16xf32>,
        %swap3A_623 = vector.shape_cast %swap3A_622 : vector<1x16xf32> to vector<16xf32>
        %swap3A_624 = vector.shape_cast %max3A_619 : vector<16xf32> to vector<1x16xf32>
        tpu.vector_store %arg16[%swap3A_620, %swap3A_621], %swap3A_624 {strides = array<i32>} : memref<100x64xf32, #tpu.memory_space<vmem>>, vector<1x16xf32>,
        %max3A_625 = arith.constant 0.000000e+00 : f32
        %max3A_626 = vector.broadcast %max3A_625 : f32 to vector<16xf32>
        %max3A_627 = arith.maximumf %add3A_606, %max3A_626 : vector<16xf32>
        %swap3A_628 = arith.index_cast %add3A_544 : i32 to index
        %swap3A_629 = arith.constant 32 : index
        %swap3A_630 = tpu.vector_load %arg16[%swap3A_628, %swap3A_629] {strides = array<i32>} : memref<100x64xf32, #tpu.memory_space<vmem>>, vector<1x16xf32>,
        %swap3A_631 = vector.shape_cast %swap3A_630 : vector<1x16xf32> to vector<16xf32>
        %swap3A_632 = vector.shape_cast %max3A_627 : vector<16xf32> to vector<1x16xf32>
        tpu.vector_store %arg16[%swap3A_628, %swap3A_629], %swap3A_632 {strides = array<i32>} : memref<100x64xf32, #tpu.memory_space<vmem>>, vector<1x16xf32>,
        %max3A_633 = arith.constant 0.000000e+00 : f32
        %max3A_634 = vector.broadcast %max3A_633 : f32 to vector<16xf32>
        %max3A_635 = arith.maximumf %add3A_608, %max3A_634 : vector<16xf32>
        %swap3A_636 = arith.index_cast %add3A_544 : i32 to index
        %swap3A_637 = arith.constant 48 : index
        %swap3A_638 = tpu.vector_load %arg16[%swap3A_636, %swap3A_637] {strides = array<i32>} : memref<100x64xf32, #tpu.memory_space<vmem>>, vector<1x16xf32>,
        %swap3A_639 = vector.shape_cast %swap3A_638 : vector<1x16xf32> to vector<16xf32>
        %swap3A_640 = vector.shape_cast %max3A_635 : vector<16xf32> to vector<1x16xf32>
        tpu.vector_store %arg16[%swap3A_636, %swap3A_637], %swap3A_640 {strides = array<i32>} : memref<100x64xf32, #tpu.memory_space<vmem>>, vector<1x16xf32>,
        %mul3A_641 = arith.constant 4 : i32
        %mul3A_642 = arith.muli %scan3A_340, %mul3A_641 : i32
        %add3A_643 = arith.constant 3 : i32
        %add3A_644 = arith.addi %mul3A_642, %add3A_643 : i32
        %get3A_645 = arith.index_cast %add3A_644 : i32 to index
        %get3A_646 = arith.constant 0 : index
        %get3A_647 = tpu.vector_load %arg16[%get3A_645, %get3A_646] {strides = array<i32>} : memref<100x64xf32, #tpu.memory_space<vmem>>, vector<1x16xf32>,
        %get3A_648 = vector.shape_cast %get3A_647 : vector<1x16xf32> to vector<16xf32>
        %get3A_649 = arith.index_cast %add3A_644 : i32 to index
        %get3A_650 = arith.constant 16 : index
        %get3A_651 = tpu.vector_load %arg16[%get3A_649, %get3A_650] {strides = array<i32>} : memref<100x64xf32, #tpu.memory_space<vmem>>, vector<1x16xf32>,
        %get3A_652 = vector.shape_cast %get3A_651 : vector<1x16xf32> to vector<16xf32>
        %get3A_653 = arith.index_cast %add3A_644 : i32 to index
        %get3A_654 = arith.constant 32 : index
        %get3A_655 = tpu.vector_load %arg16[%get3A_653, %get3A_654] {strides = array<i32>} : memref<100x64xf32, #tpu.memory_space<vmem>>, vector<1x16xf32>,
        %get3A_656 = vector.shape_cast %get3A_655 : vector<1x16xf32> to vector<16xf32>
        %get3A_657 = arith.index_cast %add3A_644 : i32 to index
        %get3A_658 = arith.constant 48 : index
        %get3A_659 = tpu.vector_load %arg16[%get3A_657, %get3A_658] {strides = array<i32>} : memref<100x64xf32, #tpu.memory_space<vmem>>, vector<1x16xf32>,
        %get3A_660 = vector.shape_cast %get3A_659 : vector<1x16xf32> to vector<16xf32>
        %broadcast_in_dim3A_661 = arith.constant 12 : i32
        %broadcast_in_dim3A_662 = vector.broadcast %broadcast_in_dim3A_661 : i32 to vector<16x1xi32>
        %gather3A_663 = vector.shape_cast %broadcast_in_dim3A_662 : vector<16x1xi32> to vector<16xi32>
        %gather3A_664 = tpu.dynamic_gather %get3A_344[%gather3A_663] in [0] : vector<16xf32>, vector<16xi32> -> vector<16xf32>
        %mul3A_665 = arith.mulf %gather3A_664, %get3A_49 : vector<16xf32>
        %add3A_666 = arith.addf %get3A_648, %mul3A_665 : vector<16xf32>
        %mul3A_667 = arith.mulf %gather3A_664, %get3A_54 : vector<16xf32>
        %add3A_668 = arith.addf %get3A_652, %mul3A_667 : vector<16xf32>
        %mul3A_669 = arith.mulf %gather3A_664, %get3A_59 : vector<16xf32>
        %add3A_670 = arith.addf %get3A_656, %mul3A_669 : vector<16xf32>
        %mul3A_671 = arith.mulf %gather3A_664, %get3A_64 : vector<16xf32>
        %add3A_672 = arith.addf %get3A_660, %mul3A_671 : vector<16xf32>
        %broadcast_in_dim3A_673 = arith.constant 13 : i32
        %broadcast_in_dim3A_674 = vector.broadcast %broadcast_in_dim3A_673 : i32 to vector<16x1xi32>
        %gather3A_675 = vector.shape_cast %broadcast_in_dim3A_674 : vector<16x1xi32> to vector<16xi32>
        %gather3A_676 = tpu.dynamic_gather %get3A_344[%gather3A_675] in [0] : vector<16xf32>, vector<16xi32> -> vector<16xf32>
        %mul3A_677 = arith.mulf %gather3A_676, %get3A_69 : vector<16xf32>
        %add3A_678 = arith.addf %add3A_666, %mul3A_677 : vector<16xf32>
        %mul3A_679 = arith.mulf %gather3A_676, %get3A_74 : vector<16xf32>
        %add3A_680 = arith.addf %add3A_668, %mul3A_679 : vector<16xf32>
        %mul3A_681 = arith.mulf %gather3A_676, %get3A_79 : vector<16xf32>
        %add3A_682 = arith.addf %add3A_670, %mul3A_681 : vector<16xf32>
        %mul3A_683 = arith.mulf %gather3A_676, %get3A_84 : vector<16xf32>
        %add3A_684 = arith.addf %add3A_672, %mul3A_683 : vector<16xf32>
        %broadcast_in_dim3A_685 = arith.constant 14 : i32
        %broadcast_in_dim3A_686 = vector.broadcast %broadcast_in_dim3A_685 : i32 to vector<16x1xi32>
        %gather3A_687 = vector.shape_cast %broadcast_in_dim3A_686 : vector<16x1xi32> to vector<16xi32>
        %gather3A_688 = tpu.dynamic_gather %get3A_344[%gather3A_687] in [0] : vector<16xf32>, vector<16xi32> -> vector<16xf32>
        %mul3A_689 = arith.mulf %gather3A_688, %get3A_89 : vector<16xf32>
        %add3A_690 = arith.addf %add3A_678, %mul3A_689 : vector<16xf32>
        %mul3A_691 = arith.mulf %gather3A_688, %get3A_94 : vector<16xf32>
        %add3A_692 = arith.addf %add3A_680, %mul3A_691 : vector<16xf32>
        %mul3A_693 = arith.mulf %gather3A_688, %get3A_99 : vector<16xf32>
        %add3A_694 = arith.addf %add3A_682, %mul3A_693 : vector<16xf32>
        %mul3A_695 = arith.mulf %gather3A_688, %get3A_104 : vector<16xf32>
        %add3A_696 = arith.addf %add3A_684, %mul3A_695 : vector<16xf32>
        %broadcast_in_dim3A_697 = arith.constant 15 : i32
        %broadcast_in_dim3A_698 = vector.broadcast %broadcast_in_dim3A_697 : i32 to vector<16x1xi32>
        %gather3A_699 = vector.shape_cast %broadcast_in_dim3A_698 : vector<16x1xi32> to vector<16xi32>
        %gather3A_700 = tpu.dynamic_gather %get3A_344[%gather3A_699] in [0] : vector<16xf32>, vector<16xi32> -> vector<16xf32>
        %mul3A_701 = arith.mulf %gather3A_700, %get3A_109 : vector<16xf32>
        %add3A_702 = arith.addf %add3A_690, %mul3A_701 : vector<16xf32>
        %mul3A_703 = arith.mulf %gather3A_700, %get3A_114 : vector<16xf32>
        %add3A_704 = arith.addf %add3A_692, %mul3A_703 : vector<16xf32>
        %mul3A_705 = arith.mulf %gather3A_700, %get3A_119 : vector<16xf32>
        %add3A_706 = arith.addf %add3A_694, %mul3A_705 : vector<16xf32>
        %mul3A_707 = arith.mulf %gather3A_700, %get3A_124 : vector<16xf32>
        %add3A_708 = arith.addf %add3A_696, %mul3A_707 : vector<16xf32>
        %max3A_709 = arith.constant 0.000000e+00 : f32
        %max3A_710 = vector.broadcast %max3A_709 : f32 to vector<16xf32>
        %max3A_711 = arith.maximumf %add3A_702, %max3A_710 : vector<16xf32>
        %swap3A_712 = arith.index_cast %add3A_644 : i32 to index
        %swap3A_713 = arith.constant 0 : index
        %swap3A_714 = tpu.vector_load %arg16[%swap3A_712, %swap3A_713] {strides = array<i32>} : memref<100x64xf32, #tpu.memory_space<vmem>>, vector<1x16xf32>,
        %swap3A_715 = vector.shape_cast %swap3A_714 : vector<1x16xf32> to vector<16xf32>
        %swap3A_716 = vector.shape_cast %max3A_711 : vector<16xf32> to vector<1x16xf32>
        tpu.vector_store %arg16[%swap3A_712, %swap3A_713], %swap3A_716 {strides = array<i32>} : memref<100x64xf32, #tpu.memory_space<vmem>>, vector<1x16xf32>,
        %max3A_717 = arith.constant 0.000000e+00 : f32
        %max3A_718 = vector.broadcast %max3A_717 : f32 to vector<16xf32>
        %max3A_719 = arith.maximumf %add3A_704, %max3A_718 : vector<16xf32>
        %swap3A_720 = arith.index_cast %add3A_644 : i32 to index
        %swap3A_721 = arith.constant 16 : index
        %swap3A_722 = tpu.vector_load %arg16[%swap3A_720, %swap3A_721] {strides = array<i32>} : memref<100x64xf32, #tpu.memory_space<vmem>>, vector<1x16xf32>,
        %swap3A_723 = vector.shape_cast %swap3A_722 : vector<1x16xf32> to vector<16xf32>
        %swap3A_724 = vector.shape_cast %max3A_719 : vector<16xf32> to vector<1x16xf32>
        tpu.vector_store %arg16[%swap3A_720, %swap3A_721], %swap3A_724 {strides = array<i32>} : memref<100x64xf32, #tpu.memory_space<vmem>>, vector<1x16xf32>,
        %max3A_725 = arith.constant 0.000000e+00 : f32
        %max3A_726 = vector.broadcast %max3A_725 : f32 to vector<16xf32>
        %max3A_727 = arith.maximumf %add3A_706, %max3A_726 : vector<16xf32>
        %swap3A_728 = arith.index_cast %add3A_644 : i32 to index
        %swap3A_729 = arith.constant 32 : index
        %swap3A_730 = tpu.vector_load %arg16[%swap3A_728, %swap3A_729] {strides = array<i32>} : memref<100x64xf32, #tpu.memory_space<vmem>>, vector<1x16xf32>,
        %swap3A_731 = vector.shape_cast %swap3A_730 : vector<1x16xf32> to vector<16xf32>
        %swap3A_732 = vector.shape_cast %max3A_727 : vector<16xf32> to vector<1x16xf32>
        tpu.vector_store %arg16[%swap3A_728, %swap3A_729], %swap3A_732 {strides = array<i32>} : memref<100x64xf32, #tpu.memory_space<vmem>>, vector<1x16xf32>,
        %max3A_733 = arith.constant 0.000000e+00 : f32
        %max3A_734 = vector.broadcast %max3A_733 : f32 to vector<16xf32>
        %max3A_735 = arith.maximumf %add3A_708, %max3A_734 : vector<16xf32>
        %swap3A_736 = arith.index_cast %add3A_644 : i32 to index
        %swap3A_737 = arith.constant 48 : index
        %swap3A_738 = tpu.vector_load %arg16[%swap3A_736, %swap3A_737] {strides = array<i32>} : memref<100x64xf32, #tpu.memory_space<vmem>>, vector<1x16xf32>,
        %swap3A_739 = vector.shape_cast %swap3A_738 : vector<1x16xf32> to vector<16xf32>
        %swap3A_740 = vector.shape_cast %max3A_735 : vector<16xf32> to vector<1x16xf32>
        tpu.vector_store %arg16[%swap3A_736, %swap3A_737], %swap3A_740 {strides = array<i32>} : memref<100x64xf32, #tpu.memory_space<vmem>>, vector<1x16xf32>,
      }
      %scan3A_222 = arith.constant 25 : i32
      %dma_start3A_223 = arith.constant 0 : i32
      %dma_start3A_224 = tpu.memref_slice %arg9[%add3A_198, %dma_start3A_223] : memref<100x100xi32, #tpu.memory_space<vmem>> -> memref<1x100xi32, #tpu.memory_space<vmem>>
      %dma_start3A_225 = tpu.memref_squeeze %dma_start3A_224 : memref<1x100xi32, #tpu.memory_space<vmem>> -> memref<100xi32, #tpu.memory_space<vmem>>
      %dma_start3A_226 = arith.constant 0 : i32
      %dma_start3A_227 = arith.constant 0 : i32
      %dma_start3A_228 = tpu.memref_slice %arg20[%dma_start3A_226, %dma_start3A_227] : memref<10240x64xf32, #tpu.memory_space<vmem_shared>> -> memref<10240x64xf32, #tpu.memory_space<vmem_shared>>
      tpu.enqueue_indirect_dma source(%arg16 : memref<100x64xf32, #tpu.memory_space<vmem>>) target(%dma_start3A_228 : memref<10240x64xf32, #tpu.memory_space<vmem_shared>>) offsets(%dma_start3A_225 : memref<100xi32, #tpu.memory_space<vmem>>) semaphore(%arg29 : memref<!tpu.dma_semaphore, #tpu.memory_space<semaphore_mem>>) {add = true}
      %mul3A_229 = arith.constant 4 : i32
      %mul3A_230 = arith.muli %mul3A_229, %scan3A_194 : i32
      %add3A_231 = arith.constant 1 : i32
      %add3A_232 = arith.addi %mul3A_230, %add3A_231 : i32
      %add3A_233 = arith.constant 2 : i32
      %add3A_234 = arith.addi %add3A_232, %add3A_233 : i32
      %lt3A_235 = arith.constant 100 : i32
      %lt3A_236 = arith.cmpi slt, %add3A_234, %lt3A_235 : i32
      %convert_element_type3A_237 = arith.extui %lt3A_236 : i1 to i32
      %cond3A_238 = arith.constant 0 : i32
      %cond3A_239 = arith.cmpi ne, %convert_element_type3A_237, %cond3A_238 : i32
      scf.if %cond3A_239 {
        %ge3A = arith.constant 2 : i32
        %ge3A_340 = arith.cmpi sge, %add3A_232, %ge3A : i32
        %convert_element_type3A_341 = arith.extui %ge3A_340 : i1 to i32
        %cond3A_342 = arith.constant 0 : i32
        %cond3A_343 = arith.cmpi ne, %convert_element_type3A_341, %cond3A_342 : i32
        scf.if %cond3A_343 {
          %sub3A = arith.constant 2 : i32
          %sub3A_360 = arith.subi %add3A_232, %sub3A : i32
          %dma_wait3A_361 = arith.constant 0 : i32
          %dma_wait3A_362 = tpu.memref_slice %arg9[%sub3A_360, %dma_wait3A_361] : memref<100x100xi32, #tpu.memory_space<vmem>> -> memref<1x100xi32, #tpu.memory_space<vmem>>
          %dma_wait3A_363 = tpu.memref_squeeze %dma_wait3A_362 : memref<1x100xi32, #tpu.memory_space<vmem>> -> memref<100xi32, #tpu.memory_space<vmem>>
          %dma_wait3A_364 = arith.constant 0 : i32
          %dma_wait3A_365 = arith.constant 0 : i32
          %dma_wait3A_366 = tpu.memref_slice %arg20[%dma_wait3A_364, %dma_wait3A_365] : memref<10240x64xf32, #tpu.memory_space<vmem_shared>> -> memref<10240x64xf32, #tpu.memory_space<vmem_shared>>
          tpu.wait_indirect_dma semaphore(%arg32 : memref<!tpu.dma_semaphore, #tpu.memory_space<semaphore_mem>>) src(%arg19 : memref<100x64xf32, #tpu.memory_space<vmem>>) dst(%dma_wait3A_366 : memref<10240x64xf32, #tpu.memory_space<vmem_shared>>)
        } else {
        }
        %add3A_344 = arith.constant 2 : i32
        %add3A_345 = arith.addi %add3A_232, %add3A_344 : i32
        %dma_start3A_346 = arith.constant 0 : i32
        %dma_start3A_347 = tpu.memref_slice %arg8[%add3A_345, %dma_start3A_346] : memref<100x100xi32, #tpu.memory_space<vmem>> -> memref<1x100xi32, #tpu.memory_space<vmem>>
        %dma_start3A_348 = tpu.memref_squeeze %dma_start3A_347 : memref<1x100xi32, #tpu.memory_space<vmem>> -> memref<100xi32, #tpu.memory_space<vmem>>
        %dma_start3A_349 = arith.constant 0 : i32
        %dma_start3A_350 = arith.constant 0 : i32
        %dma_start3A_351 = tpu.memref_slice %arg2[%dma_start3A_349, %dma_start3A_350] : memref<10000x64xf32, #tpu.memory_space<hbm>> -> memref<10000x64xf32, #tpu.memory_space<hbm>>
        tpu.enqueue_indirect_dma source(%dma_start3A_351 : memref<10000x64xf32, #tpu.memory_space<hbm>>) target(%arg19 : memref<100x64xf32, #tpu.memory_space<vmem>>) offsets(%dma_start3A_348 : memref<100xi32, #tpu.memory_space<vmem>>) semaphore(%arg24 : memref<!tpu.dma_semaphore, #tpu.memory_space<semaphore_mem>>)
        %dma_start3A_352 = arith.constant 0 : i32
        %dma_start3A_353 = arith.constant 0 : i32
        %dma_start3A_354 = tpu.memref_slice %arg3[%add3A, %add3A_345, %dma_start3A_352, %dma_start3A_353] : memref<32x100x25x16xf32, #tpu.memory_space<hbm>> -> memref<1x1x25x16xf32, #tpu.memory_space<hbm>>
        %dma_start3A_355 = tpu.memref_squeeze %dma_start3A_354 : memref<1x1x25x16xf32, #tpu.memory_space<hbm>> -> memref<25x16xf32, #tpu.memory_space<hbm>>
        %dma_start3A_356 = arith.constant 0 : i32
        %dma_start3A_357 = arith.constant 0 : i32
        %dma_start3A_358 = tpu.memref_slice %arg3[%add3A, %add3A_345, %dma_start3A_356, %dma_start3A_357] : memref<32x100x25x16xf32, #tpu.memory_space<hbm>> -> memref<1x1x25x16xf32, #tpu.memory_space<hbm>>
        %dma_start3A_359 = tpu.memref_squeeze %dma_start3A_358 : memref<1x1x25x16xf32, #tpu.memory_space<hbm>> -> memref<25x16xf32, #tpu.memory_space<hbm>>
        tpu.enqueue_dma source(%dma_start3A_359 : memref<25x16xf32, #tpu.memory_space<hbm>>) target(%arg13 : memref<25x16xf32, #tpu.memory_space<vmem>>) target_semaphore(%arg28 : memref<!tpu.dma_semaphore, #tpu.memory_space<semaphore_mem>>)
      } else {
      }
      %dma_wait3A_240 = arith.constant 0 : i32
      %dma_wait3A_241 = tpu.memref_slice %arg8[%add3A_232, %dma_wait3A_240] : memref<100x100xi32, #tpu.memory_space<vmem>> -> memref<1x100xi32, #tpu.memory_space<vmem>>
      %dma_wait3A_242 = tpu.memref_squeeze %dma_wait3A_241 : memref<1x100xi32, #tpu.memory_space<vmem>> -> memref<100xi32, #tpu.memory_space<vmem>>
      %dma_wait3A_243 = arith.constant 0 : i32
      %dma_wait3A_244 = arith.constant 0 : i32
      %dma_wait3A_245 = tpu.memref_slice %arg2[%dma_wait3A_243, %dma_wait3A_244] : memref<10000x64xf32, #tpu.memory_space<hbm>> -> memref<10000x64xf32, #tpu.memory_space<hbm>>
      tpu.wait_indirect_dma semaphore(%arg22 : memref<!tpu.dma_semaphore, #tpu.memory_space<semaphore_mem>>) src(%dma_wait3A_245 : memref<10000x64xf32, #tpu.memory_space<hbm>>) dst(%arg17 : memref<100x64xf32, #tpu.memory_space<vmem>>)
      %dma_wait3A_246 = arith.constant 0 : i32
      %dma_wait3A_247 = arith.constant 0 : i32
      %dma_wait3A_248 = tpu.memref_slice %arg3[%add3A, %add3A_232, %dma_wait3A_246, %dma_wait3A_247] : memref<32x100x25x16xf32, #tpu.memory_space<hbm>> -> memref<1x1x25x16xf32, #tpu.memory_space<hbm>>
      %dma_wait3A_249 = tpu.memref_squeeze %dma_wait3A_248 : memref<1x1x25x16xf32, #tpu.memory_space<hbm>> -> memref<25x16xf32, #tpu.memory_space<hbm>>
      %dma_wait3A_250 = arith.constant 0 : i32
      %dma_wait3A_251 = arith.constant 0 : i32
      %dma_wait3A_252 = tpu.memref_slice %arg3[%add3A, %add3A_232, %dma_wait3A_250, %dma_wait3A_251] : memref<32x100x25x16xf32, #tpu.memory_space<hbm>> -> memref<1x1x25x16xf32, #tpu.memory_space<hbm>>
      %dma_wait3A_253 = tpu.memref_squeeze %dma_wait3A_252 : memref<1x1x25x16xf32, #tpu.memory_space<hbm>> -> memref<25x16xf32, #tpu.memory_space<hbm>>
      tpu.wait_dma2 semaphore(%arg26 : memref<!tpu.dma_semaphore, #tpu.memory_space<semaphore_mem>>) src(%dma_wait3A_253 : memref<25x16xf32, #tpu.memory_space<hbm>>) dst(%arg11 : memref<25x16xf32, #tpu.memory_space<vmem>>)
      %scan3A_254 = arith.constant 0 : i32
      %scan3A_255 = arith.constant 0 : i32
      %scan3A_256 = arith.constant 25 : i32
      %scan3A_257 = arith.addi %scan3A_255, %scan3A_256 : i32
      %scan3A_258 = arith.constant 1 : i32
      scf.for %scan3A_340 = %scan3A_255 to %scan3A_257 step %scan3A_258  : i32 {
        %get3A_341 = arith.index_cast %scan3A_340 : i32 to index
        %get3A_342 = arith.constant 0 : index
        %get3A_343 = tpu.vector_load %arg11[%get3A_341, %get3A_342] {strides = array<i32>} : memref<25x16xf32, #tpu.memory_space<vmem>>, vector<1x16xf32>,
        %get3A_344 = vector.shape_cast %get3A_343 : vector<1x16xf32> to vector<16xf32>
        %mul3A_345 = arith.constant 4 : i32
        %mul3A_346 = arith.muli %scan3A_340, %mul3A_345 : i32
        %add3A_347 = arith.constant 0 : i32
        %add3A_348 = arith.addi %mul3A_346, %add3A_347 : i32
        %get3A_349 = arith.index_cast %add3A_348 : i32 to index
        %get3A_350 = arith.constant 0 : index
        %get3A_351 = tpu.vector_load %arg17[%get3A_349, %get3A_350] {strides = array<i32>} : memref<100x64xf32, #tpu.memory_space<vmem>>, vector<1x16xf32>,
        %get3A_352 = vector.shape_cast %get3A_351 : vector<1x16xf32> to vector<16xf32>
        %get3A_353 = arith.index_cast %add3A_348 : i32 to index
        %get3A_354 = arith.constant 16 : index
        %get3A_355 = tpu.vector_load %arg17[%get3A_353, %get3A_354] {strides = array<i32>} : memref<100x64xf32, #tpu.memory_space<vmem>>, vector<1x16xf32>,
        %get3A_356 = vector.shape_cast %get3A_355 : vector<1x16xf32> to vector<16xf32>
        %get3A_357 = arith.index_cast %add3A_348 : i32 to index
        %get3A_358 = arith.constant 32 : index
        %get3A_359 = tpu.vector_load %arg17[%get3A_357, %get3A_358] {strides = array<i32>} : memref<100x64xf32, #tpu.memory_space<vmem>>, vector<1x16xf32>,
        %get3A_360 = vector.shape_cast %get3A_359 : vector<1x16xf32> to vector<16xf32>
        %get3A_361 = arith.index_cast %add3A_348 : i32 to index
        %get3A_362 = arith.constant 48 : index
        %get3A_363 = tpu.vector_load %arg17[%get3A_361, %get3A_362] {strides = array<i32>} : memref<100x64xf32, #tpu.memory_space<vmem>>, vector<1x16xf32>,
        %get3A_364 = vector.shape_cast %get3A_363 : vector<1x16xf32> to vector<16xf32>
        %broadcast_in_dim3A = arith.constant 0 : i32
        %broadcast_in_dim3A_365 = vector.broadcast %broadcast_in_dim3A : i32 to vector<16x1xi32>
        %gather3A = vector.shape_cast %broadcast_in_dim3A_365 : vector<16x1xi32> to vector<16xi32>
        %gather3A_366 = tpu.dynamic_gather %get3A_344[%gather3A] in [0] : vector<16xf32>, vector<16xi32> -> vector<16xf32>
        %mul3A_367 = arith.mulf %gather3A_366, %get3A_49 : vector<16xf32>
        %add3A_368 = arith.addf %get3A_352, %mul3A_367 : vector<16xf32>
        %mul3A_369 = arith.mulf %gather3A_366, %get3A_54 : vector<16xf32>
        %add3A_370 = arith.addf %get3A_356, %mul3A_369 : vector<16xf32>
        %mul3A_371 = arith.mulf %gather3A_366, %get3A_59 : vector<16xf32>
        %add3A_372 = arith.addf %get3A_360, %mul3A_371 : vector<16xf32>
        %mul3A_373 = arith.mulf %gather3A_366, %get3A_64 : vector<16xf32>
        %add3A_374 = arith.addf %get3A_364, %mul3A_373 : vector<16xf32>
        %broadcast_in_dim3A_375 = arith.constant 1 : i32
        %broadcast_in_dim3A_376 = vector.broadcast %broadcast_in_dim3A_375 : i32 to vector<16x1xi32>
        %gather3A_377 = vector.shape_cast %broadcast_in_dim3A_376 : vector<16x1xi32> to vector<16xi32>
        %gather3A_378 = tpu.dynamic_gather %get3A_344[%gather3A_377] in [0] : vector<16xf32>, vector<16xi32> -> vector<16xf32>
        %mul3A_379 = arith.mulf %gather3A_378, %get3A_69 : vector<16xf32>
        %add3A_380 = arith.addf %add3A_368, %mul3A_379 : vector<16xf32>
        %mul3A_381 = arith.mulf %gather3A_378, %get3A_74 : vector<16xf32>
        %add3A_382 = arith.addf %add3A_370, %mul3A_381 : vector<16xf32>
        %mul3A_383 = arith.mulf %gather3A_378, %get3A_79 : vector<16xf32>
        %add3A_384 = arith.addf %add3A_372, %mul3A_383 : vector<16xf32>
        %mul3A_385 = arith.mulf %gather3A_378, %get3A_84 : vector<16xf32>
        %add3A_386 = arith.addf %add3A_374, %mul3A_385 : vector<16xf32>
        %broadcast_in_dim3A_387 = arith.constant 2 : i32
        %broadcast_in_dim3A_388 = vector.broadcast %broadcast_in_dim3A_387 : i32 to vector<16x1xi32>
        %gather3A_389 = vector.shape_cast %broadcast_in_dim3A_388 : vector<16x1xi32> to vector<16xi32>
        %gather3A_390 = tpu.dynamic_gather %get3A_344[%gather3A_389] in [0] : vector<16xf32>, vector<16xi32> -> vector<16xf32>
        %mul3A_391 = arith.mulf %gather3A_390, %get3A_89 : vector<16xf32>
        %add3A_392 = arith.addf %add3A_380, %mul3A_391 : vector<16xf32>
        %mul3A_393 = arith.mulf %gather3A_390, %get3A_94 : vector<16xf32>
        %add3A_394 = arith.addf %add3A_382, %mul3A_393 : vector<16xf32>
        %mul3A_395 = arith.mulf %gather3A_390, %get3A_99 : vector<16xf32>
        %add3A_396 = arith.addf %add3A_384, %mul3A_395 : vector<16xf32>
        %mul3A_397 = arith.mulf %gather3A_390, %get3A_104 : vector<16xf32>
        %add3A_398 = arith.addf %add3A_386, %mul3A_397 : vector<16xf32>
        %broadcast_in_dim3A_399 = arith.constant 3 : i32
        %broadcast_in_dim3A_400 = vector.broadcast %broadcast_in_dim3A_399 : i32 to vector<16x1xi32>
        %gather3A_401 = vector.shape_cast %broadcast_in_dim3A_400 : vector<16x1xi32> to vector<16xi32>
        %gather3A_402 = tpu.dynamic_gather %get3A_344[%gather3A_401] in [0] : vector<16xf32>, vector<16xi32> -> vector<16xf32>
        %mul3A_403 = arith.mulf %gather3A_402, %get3A_109 : vector<16xf32>
        %add3A_404 = arith.addf %add3A_392, %mul3A_403 : vector<16xf32>
        %mul3A_405 = arith.mulf %gather3A_402, %get3A_114 : vector<16xf32>
        %add3A_406 = arith.addf %add3A_394, %mul3A_405 : vector<16xf32>
        %mul3A_407 = arith.mulf %gather3A_402, %get3A_119 : vector<16xf32>
        %add3A_408 = arith.addf %add3A_396, %mul3A_407 : vector<16xf32>
        %mul3A_409 = arith.mulf %gather3A_402, %get3A_124 : vector<16xf32>
        %add3A_410 = arith.addf %add3A_398, %mul3A_409 : vector<16xf32>
        %max3A = arith.constant 0.000000e+00 : f32
        %max3A_411 = vector.broadcast %max3A : f32 to vector<16xf32>
        %max3A_412 = arith.maximumf %add3A_404, %max3A_411 : vector<16xf32>
        %swap3A = arith.index_cast %add3A_348 : i32 to index
        %swap3A_413 = arith.constant 0 : index
        %swap3A_414 = tpu.vector_load %arg17[%swap3A, %swap3A_413] {strides = array<i32>} : memref<100x64xf32, #tpu.memory_space<vmem>>, vector<1x16xf32>,
        %swap3A_415 = vector.shape_cast %swap3A_414 : vector<1x16xf32> to vector<16xf32>
        %swap3A_416 = vector.shape_cast %max3A_412 : vector<16xf32> to vector<1x16xf32>
        tpu.vector_store %arg17[%swap3A, %swap3A_413], %swap3A_416 {strides = array<i32>} : memref<100x64xf32, #tpu.memory_space<vmem>>, vector<1x16xf32>,
        %max3A_417 = arith.constant 0.000000e+00 : f32
        %max3A_418 = vector.broadcast %max3A_417 : f32 to vector<16xf32>
        %max3A_419 = arith.maximumf %add3A_406, %max3A_418 : vector<16xf32>
        %swap3A_420 = arith.index_cast %add3A_348 : i32 to index
        %swap3A_421 = arith.constant 16 : index
        %swap3A_422 = tpu.vector_load %arg17[%swap3A_420, %swap3A_421] {strides = array<i32>} : memref<100x64xf32, #tpu.memory_space<vmem>>, vector<1x16xf32>,
        %swap3A_423 = vector.shape_cast %swap3A_422 : vector<1x16xf32> to vector<16xf32>
        %swap3A_424 = vector.shape_cast %max3A_419 : vector<16xf32> to vector<1x16xf32>
        tpu.vector_store %arg17[%swap3A_420, %swap3A_421], %swap3A_424 {strides = array<i32>} : memref<100x64xf32, #tpu.memory_space<vmem>>, vector<1x16xf32>,
        %max3A_425 = arith.constant 0.000000e+00 : f32
        %max3A_426 = vector.broadcast %max3A_425 : f32 to vector<16xf32>
        %max3A_427 = arith.maximumf %add3A_408, %max3A_426 : vector<16xf32>
        %swap3A_428 = arith.index_cast %add3A_348 : i32 to index
        %swap3A_429 = arith.constant 32 : index
        %swap3A_430 = tpu.vector_load %arg17[%swap3A_428, %swap3A_429] {strides = array<i32>} : memref<100x64xf32, #tpu.memory_space<vmem>>, vector<1x16xf32>,
        %swap3A_431 = vector.shape_cast %swap3A_430 : vector<1x16xf32> to vector<16xf32>
        %swap3A_432 = vector.shape_cast %max3A_427 : vector<16xf32> to vector<1x16xf32>
        tpu.vector_store %arg17[%swap3A_428, %swap3A_429], %swap3A_432 {strides = array<i32>} : memref<100x64xf32, #tpu.memory_space<vmem>>, vector<1x16xf32>,
        %max3A_433 = arith.constant 0.000000e+00 : f32
        %max3A_434 = vector.broadcast %max3A_433 : f32 to vector<16xf32>
        %max3A_435 = arith.maximumf %add3A_410, %max3A_434 : vector<16xf32>
        %swap3A_436 = arith.index_cast %add3A_348 : i32 to index
        %swap3A_437 = arith.constant 48 : index
        %swap3A_438 = tpu.vector_load %arg17[%swap3A_436, %swap3A_437] {strides = array<i32>} : memref<100x64xf32, #tpu.memory_space<vmem>>, vector<1x16xf32>,
        %swap3A_439 = vector.shape_cast %swap3A_438 : vector<1x16xf32> to vector<16xf32>
        %swap3A_440 = vector.shape_cast %max3A_435 : vector<16xf32> to vector<1x16xf32>
        tpu.vector_store %arg17[%swap3A_436, %swap3A_437], %swap3A_440 {strides = array<i32>} : memref<100x64xf32, #tpu.memory_space<vmem>>, vector<1x16xf32>,
        %mul3A_441 = arith.constant 4 : i32
        %mul3A_442 = arith.muli %scan3A_340, %mul3A_441 : i32
        %add3A_443 = arith.constant 1 : i32
        %add3A_444 = arith.addi %mul3A_442, %add3A_443 : i32
        %get3A_445 = arith.index_cast %add3A_444 : i32 to index
        %get3A_446 = arith.constant 0 : index
        %get3A_447 = tpu.vector_load %arg17[%get3A_445, %get3A_446] {strides = array<i32>} : memref<100x64xf32, #tpu.memory_space<vmem>>, vector<1x16xf32>,
        %get3A_448 = vector.shape_cast %get3A_447 : vector<1x16xf32> to vector<16xf32>
        %get3A_449 = arith.index_cast %add3A_444 : i32 to index
        %get3A_450 = arith.constant 16 : index
        %get3A_451 = tpu.vector_load %arg17[%get3A_449, %get3A_450] {strides = array<i32>} : memref<100x64xf32, #tpu.memory_space<vmem>>, vector<1x16xf32>,
        %get3A_452 = vector.shape_cast %get3A_451 : vector<1x16xf32> to vector<16xf32>
        %get3A_453 = arith.index_cast %add3A_444 : i32 to index
        %get3A_454 = arith.constant 32 : index
        %get3A_455 = tpu.vector_load %arg17[%get3A_453, %get3A_454] {strides = array<i32>} : memref<100x64xf32, #tpu.memory_space<vmem>>, vector<1x16xf32>,
        %get3A_456 = vector.shape_cast %get3A_455 : vector<1x16xf32> to vector<16xf32>
        %get3A_457 = arith.index_cast %add3A_444 : i32 to index
        %get3A_458 = arith.constant 48 : index
        %get3A_459 = tpu.vector_load %arg17[%get3A_457, %get3A_458] {strides = array<i32>} : memref<100x64xf32, #tpu.memory_space<vmem>>, vector<1x16xf32>,
        %get3A_460 = vector.shape_cast %get3A_459 : vector<1x16xf32> to vector<16xf32>
        %broadcast_in_dim3A_461 = arith.constant 4 : i32
        %broadcast_in_dim3A_462 = vector.broadcast %broadcast_in_dim3A_461 : i32 to vector<16x1xi32>
        %gather3A_463 = vector.shape_cast %broadcast_in_dim3A_462 : vector<16x1xi32> to vector<16xi32>
        %gather3A_464 = tpu.dynamic_gather %get3A_344[%gather3A_463] in [0] : vector<16xf32>, vector<16xi32> -> vector<16xf32>
        %mul3A_465 = arith.mulf %gather3A_464, %get3A_49 : vector<16xf32>
        %add3A_466 = arith.addf %get3A_448, %mul3A_465 : vector<16xf32>
        %mul3A_467 = arith.mulf %gather3A_464, %get3A_54 : vector<16xf32>
        %add3A_468 = arith.addf %get3A_452, %mul3A_467 : vector<16xf32>
        %mul3A_469 = arith.mulf %gather3A_464, %get3A_59 : vector<16xf32>
        %add3A_470 = arith.addf %get3A_456, %mul3A_469 : vector<16xf32>
        %mul3A_471 = arith.mulf %gather3A_464, %get3A_64 : vector<16xf32>
        %add3A_472 = arith.addf %get3A_460, %mul3A_471 : vector<16xf32>
        %broadcast_in_dim3A_473 = arith.constant 5 : i32
        %broadcast_in_dim3A_474 = vector.broadcast %broadcast_in_dim3A_473 : i32 to vector<16x1xi32>
        %gather3A_475 = vector.shape_cast %broadcast_in_dim3A_474 : vector<16x1xi32> to vector<16xi32>
        %gather3A_476 = tpu.dynamic_gather %get3A_344[%gather3A_475] in [0] : vector<16xf32>, vector<16xi32> -> vector<16xf32>
        %mul3A_477 = arith.mulf %gather3A_476, %get3A_69 : vector<16xf32>
        %add3A_478 = arith.addf %add3A_466, %mul3A_477 : vector<16xf32>
        %mul3A_479 = arith.mulf %gather3A_476, %get3A_74 : vector<16xf32>
        %add3A_480 = arith.addf %add3A_468, %mul3A_479 : vector<16xf32>
        %mul3A_481 = arith.mulf %gather3A_476, %get3A_79 : vector<16xf32>
        %add3A_482 = arith.addf %add3A_470, %mul3A_481 : vector<16xf32>
        %mul3A_483 = arith.mulf %gather3A_476, %get3A_84 : vector<16xf32>
        %add3A_484 = arith.addf %add3A_472, %mul3A_483 : vector<16xf32>
        %broadcast_in_dim3A_485 = arith.constant 6 : i32
        %broadcast_in_dim3A_486 = vector.broadcast %broadcast_in_dim3A_485 : i32 to vector<16x1xi32>
        %gather3A_487 = vector.shape_cast %broadcast_in_dim3A_486 : vector<16x1xi32> to vector<16xi32>
        %gather3A_488 = tpu.dynamic_gather %get3A_344[%gather3A_487] in [0] : vector<16xf32>, vector<16xi32> -> vector<16xf32>
        %mul3A_489 = arith.mulf %gather3A_488, %get3A_89 : vector<16xf32>
        %add3A_490 = arith.addf %add3A_478, %mul3A_489 : vector<16xf32>
        %mul3A_491 = arith.mulf %gather3A_488, %get3A_94 : vector<16xf32>
        %add3A_492 = arith.addf %add3A_480, %mul3A_491 : vector<16xf32>
        %mul3A_493 = arith.mulf %gather3A_488, %get3A_99 : vector<16xf32>
        %add3A_494 = arith.addf %add3A_482, %mul3A_493 : vector<16xf32>
        %mul3A_495 = arith.mulf %gather3A_488, %get3A_104 : vector<16xf32>
        %add3A_496 = arith.addf %add3A_484, %mul3A_495 : vector<16xf32>
        %broadcast_in_dim3A_497 = arith.constant 7 : i32
        %broadcast_in_dim3A_498 = vector.broadcast %broadcast_in_dim3A_497 : i32 to vector<16x1xi32>
        %gather3A_499 = vector.shape_cast %broadcast_in_dim3A_498 : vector<16x1xi32> to vector<16xi32>
        %gather3A_500 = tpu.dynamic_gather %get3A_344[%gather3A_499] in [0] : vector<16xf32>, vector<16xi32> -> vector<16xf32>
        %mul3A_501 = arith.mulf %gather3A_500, %get3A_109 : vector<16xf32>
        %add3A_502 = arith.addf %add3A_490, %mul3A_501 : vector<16xf32>
        %mul3A_503 = arith.mulf %gather3A_500, %get3A_114 : vector<16xf32>
        %add3A_504 = arith.addf %add3A_492, %mul3A_503 : vector<16xf32>
        %mul3A_505 = arith.mulf %gather3A_500, %get3A_119 : vector<16xf32>
        %add3A_506 = arith.addf %add3A_494, %mul3A_505 : vector<16xf32>
        %mul3A_507 = arith.mulf %gather3A_500, %get3A_124 : vector<16xf32>
        %add3A_508 = arith.addf %add3A_496, %mul3A_507 : vector<16xf32>
        %max3A_509 = arith.constant 0.000000e+00 : f32
        %max3A_510 = vector.broadcast %max3A_509 : f32 to vector<16xf32>
        %max3A_511 = arith.maximumf %add3A_502, %max3A_510 : vector<16xf32>
        %swap3A_512 = arith.index_cast %add3A_444 : i32 to index
        %swap3A_513 = arith.constant 0 : index
        %swap3A_514 = tpu.vector_load %arg17[%swap3A_512, %swap3A_513] {strides = array<i32>} : memref<100x64xf32, #tpu.memory_space<vmem>>, vector<1x16xf32>,
        %swap3A_515 = vector.shape_cast %swap3A_514 : vector<1x16xf32> to vector<16xf32>
        %swap3A_516 = vector.shape_cast %max3A_511 : vector<16xf32> to vector<1x16xf32>
        tpu.vector_store %arg17[%swap3A_512, %swap3A_513], %swap3A_516 {strides = array<i32>} : memref<100x64xf32, #tpu.memory_space<vmem>>, vector<1x16xf32>,
        %max3A_517 = arith.constant 0.000000e+00 : f32
        %max3A_518 = vector.broadcast %max3A_517 : f32 to vector<16xf32>
        %max3A_519 = arith.maximumf %add3A_504, %max3A_518 : vector<16xf32>
        %swap3A_520 = arith.index_cast %add3A_444 : i32 to index
        %swap3A_521 = arith.constant 16 : index
        %swap3A_522 = tpu.vector_load %arg17[%swap3A_520, %swap3A_521] {strides = array<i32>} : memref<100x64xf32, #tpu.memory_space<vmem>>, vector<1x16xf32>,
        %swap3A_523 = vector.shape_cast %swap3A_522 : vector<1x16xf32> to vector<16xf32>
        %swap3A_524 = vector.shape_cast %max3A_519 : vector<16xf32> to vector<1x16xf32>
        tpu.vector_store %arg17[%swap3A_520, %swap3A_521], %swap3A_524 {strides = array<i32>} : memref<100x64xf32, #tpu.memory_space<vmem>>, vector<1x16xf32>,
        %max3A_525 = arith.constant 0.000000e+00 : f32
        %max3A_526 = vector.broadcast %max3A_525 : f32 to vector<16xf32>
        %max3A_527 = arith.maximumf %add3A_506, %max3A_526 : vector<16xf32>
        %swap3A_528 = arith.index_cast %add3A_444 : i32 to index
        %swap3A_529 = arith.constant 32 : index
        %swap3A_530 = tpu.vector_load %arg17[%swap3A_528, %swap3A_529] {strides = array<i32>} : memref<100x64xf32, #tpu.memory_space<vmem>>, vector<1x16xf32>,
        %swap3A_531 = vector.shape_cast %swap3A_530 : vector<1x16xf32> to vector<16xf32>
        %swap3A_532 = vector.shape_cast %max3A_527 : vector<16xf32> to vector<1x16xf32>
        tpu.vector_store %arg17[%swap3A_528, %swap3A_529], %swap3A_532 {strides = array<i32>} : memref<100x64xf32, #tpu.memory_space<vmem>>, vector<1x16xf32>,
        %max3A_533 = arith.constant 0.000000e+00 : f32
        %max3A_534 = vector.broadcast %max3A_533 : f32 to vector<16xf32>
        %max3A_535 = arith.maximumf %add3A_508, %max3A_534 : vector<16xf32>
        %swap3A_536 = arith.index_cast %add3A_444 : i32 to index
        %swap3A_537 = arith.constant 48 : index
        %swap3A_538 = tpu.vector_load %arg17[%swap3A_536, %swap3A_537] {strides = array<i32>} : memref<100x64xf32, #tpu.memory_space<vmem>>, vector<1x16xf32>,
        %swap3A_539 = vector.shape_cast %swap3A_538 : vector<1x16xf32> to vector<16xf32>
        %swap3A_540 = vector.shape_cast %max3A_535 : vector<16xf32> to vector<1x16xf32>
        tpu.vector_store %arg17[%swap3A_536, %swap3A_537], %swap3A_540 {strides = array<i32>} : memref<100x64xf32, #tpu.memory_space<vmem>>, vector<1x16xf32>,
        %mul3A_541 = arith.constant 4 : i32
        %mul3A_542 = arith.muli %scan3A_340, %mul3A_541 : i32
        %add3A_543 = arith.constant 2 : i32
        %add3A_544 = arith.addi %mul3A_542, %add3A_543 : i32
        %get3A_545 = arith.index_cast %add3A_544 : i32 to index
        %get3A_546 = arith.constant 0 : index
        %get3A_547 = tpu.vector_load %arg17[%get3A_545, %get3A_546] {strides = array<i32>} : memref<100x64xf32, #tpu.memory_space<vmem>>, vector<1x16xf32>,
        %get3A_548 = vector.shape_cast %get3A_547 : vector<1x16xf32> to vector<16xf32>
        %get3A_549 = arith.index_cast %add3A_544 : i32 to index
        %get3A_550 = arith.constant 16 : index
        %get3A_551 = tpu.vector_load %arg17[%get3A_549, %get3A_550] {strides = array<i32>} : memref<100x64xf32, #tpu.memory_space<vmem>>, vector<1x16xf32>,
        %get3A_552 = vector.shape_cast %get3A_551 : vector<1x16xf32> to vector<16xf32>
        %get3A_553 = arith.index_cast %add3A_544 : i32 to index
        %get3A_554 = arith.constant 32 : index
        %get3A_555 = tpu.vector_load %arg17[%get3A_553, %get3A_554] {strides = array<i32>} : memref<100x64xf32, #tpu.memory_space<vmem>>, vector<1x16xf32>,
        %get3A_556 = vector.shape_cast %get3A_555 : vector<1x16xf32> to vector<16xf32>
        %get3A_557 = arith.index_cast %add3A_544 : i32 to index
        %get3A_558 = arith.constant 48 : index
        %get3A_559 = tpu.vector_load %arg17[%get3A_557, %get3A_558] {strides = array<i32>} : memref<100x64xf32, #tpu.memory_space<vmem>>, vector<1x16xf32>,
        %get3A_560 = vector.shape_cast %get3A_559 : vector<1x16xf32> to vector<16xf32>
        %broadcast_in_dim3A_561 = arith.constant 8 : i32
        %broadcast_in_dim3A_562 = vector.broadcast %broadcast_in_dim3A_561 : i32 to vector<16x1xi32>
        %gather3A_563 = vector.shape_cast %broadcast_in_dim3A_562 : vector<16x1xi32> to vector<16xi32>
        %gather3A_564 = tpu.dynamic_gather %get3A_344[%gather3A_563] in [0] : vector<16xf32>, vector<16xi32> -> vector<16xf32>
        %mul3A_565 = arith.mulf %gather3A_564, %get3A_49 : vector<16xf32>
        %add3A_566 = arith.addf %get3A_548, %mul3A_565 : vector<16xf32>
        %mul3A_567 = arith.mulf %gather3A_564, %get3A_54 : vector<16xf32>
        %add3A_568 = arith.addf %get3A_552, %mul3A_567 : vector<16xf32>
        %mul3A_569 = arith.mulf %gather3A_564, %get3A_59 : vector<16xf32>
        %add3A_570 = arith.addf %get3A_556, %mul3A_569 : vector<16xf32>
        %mul3A_571 = arith.mulf %gather3A_564, %get3A_64 : vector<16xf32>
        %add3A_572 = arith.addf %get3A_560, %mul3A_571 : vector<16xf32>
        %broadcast_in_dim3A_573 = arith.constant 9 : i32
        %broadcast_in_dim3A_574 = vector.broadcast %broadcast_in_dim3A_573 : i32 to vector<16x1xi32>
        %gather3A_575 = vector.shape_cast %broadcast_in_dim3A_574 : vector<16x1xi32> to vector<16xi32>
        %gather3A_576 = tpu.dynamic_gather %get3A_344[%gather3A_575] in [0] : vector<16xf32>, vector<16xi32> -> vector<16xf32>
        %mul3A_577 = arith.mulf %gather3A_576, %get3A_69 : vector<16xf32>
        %add3A_578 = arith.addf %add3A_566, %mul3A_577 : vector<16xf32>
        %mul3A_579 = arith.mulf %gather3A_576, %get3A_74 : vector<16xf32>
        %add3A_580 = arith.addf %add3A_568, %mul3A_579 : vector<16xf32>
        %mul3A_581 = arith.mulf %gather3A_576, %get3A_79 : vector<16xf32>
        %add3A_582 = arith.addf %add3A_570, %mul3A_581 : vector<16xf32>
        %mul3A_583 = arith.mulf %gather3A_576, %get3A_84 : vector<16xf32>
        %add3A_584 = arith.addf %add3A_572, %mul3A_583 : vector<16xf32>
        %broadcast_in_dim3A_585 = arith.constant 10 : i32
        %broadcast_in_dim3A_586 = vector.broadcast %broadcast_in_dim3A_585 : i32 to vector<16x1xi32>
        %gather3A_587 = vector.shape_cast %broadcast_in_dim3A_586 : vector<16x1xi32> to vector<16xi32>
        %gather3A_588 = tpu.dynamic_gather %get3A_344[%gather3A_587] in [0] : vector<16xf32>, vector<16xi32> -> vector<16xf32>
        %mul3A_589 = arith.mulf %gather3A_588, %get3A_89 : vector<16xf32>
        %add3A_590 = arith.addf %add3A_578, %mul3A_589 : vector<16xf32>
        %mul3A_591 = arith.mulf %gather3A_588, %get3A_94 : vector<16xf32>
        %add3A_592 = arith.addf %add3A_580, %mul3A_591 : vector<16xf32>
        %mul3A_593 = arith.mulf %gather3A_588, %get3A_99 : vector<16xf32>
        %add3A_594 = arith.addf %add3A_582, %mul3A_593 : vector<16xf32>
        %mul3A_595 = arith.mulf %gather3A_588, %get3A_104 : vector<16xf32>
        %add3A_596 = arith.addf %add3A_584, %mul3A_595 : vector<16xf32>
        %broadcast_in_dim3A_597 = arith.constant 11 : i32
        %broadcast_in_dim3A_598 = vector.broadcast %broadcast_in_dim3A_597 : i32 to vector<16x1xi32>
        %gather3A_599 = vector.shape_cast %broadcast_in_dim3A_598 : vector<16x1xi32> to vector<16xi32>
        %gather3A_600 = tpu.dynamic_gather %get3A_344[%gather3A_599] in [0] : vector<16xf32>, vector<16xi32> -> vector<16xf32>
        %mul3A_601 = arith.mulf %gather3A_600, %get3A_109 : vector<16xf32>
        %add3A_602 = arith.addf %add3A_590, %mul3A_601 : vector<16xf32>
        %mul3A_603 = arith.mulf %gather3A_600, %get3A_114 : vector<16xf32>
        %add3A_604 = arith.addf %add3A_592, %mul3A_603 : vector<16xf32>
        %mul3A_605 = arith.mulf %gather3A_600, %get3A_119 : vector<16xf32>
        %add3A_606 = arith.addf %add3A_594, %mul3A_605 : vector<16xf32>
        %mul3A_607 = arith.mulf %gather3A_600, %get3A_124 : vector<16xf32>
        %add3A_608 = arith.addf %add3A_596, %mul3A_607 : vector<16xf32>
        %max3A_609 = arith.constant 0.000000e+00 : f32
        %max3A_610 = vector.broadcast %max3A_609 : f32 to vector<16xf32>
        %max3A_611 = arith.maximumf %add3A_602, %max3A_610 : vector<16xf32>
        %swap3A_612 = arith.index_cast %add3A_544 : i32 to index
        %swap3A_613 = arith.constant 0 : index
        %swap3A_614 = tpu.vector_load %arg17[%swap3A_612, %swap3A_613] {strides = array<i32>} : memref<100x64xf32, #tpu.memory_space<vmem>>, vector<1x16xf32>,
        %swap3A_615 = vector.shape_cast %swap3A_614 : vector<1x16xf32> to vector<16xf32>
        %swap3A_616 = vector.shape_cast %max3A_611 : vector<16xf32> to vector<1x16xf32>
        tpu.vector_store %arg17[%swap3A_612, %swap3A_613], %swap3A_616 {strides = array<i32>} : memref<100x64xf32, #tpu.memory_space<vmem>>, vector<1x16xf32>,
        %max3A_617 = arith.constant 0.000000e+00 : f32
        %max3A_618 = vector.broadcast %max3A_617 : f32 to vector<16xf32>
        %max3A_619 = arith.maximumf %add3A_604, %max3A_618 : vector<16xf32>
        %swap3A_620 = arith.index_cast %add3A_544 : i32 to index
        %swap3A_621 = arith.constant 16 : index
        %swap3A_622 = tpu.vector_load %arg17[%swap3A_620, %swap3A_621] {strides = array<i32>} : memref<100x64xf32, #tpu.memory_space<vmem>>, vector<1x16xf32>,
        %swap3A_623 = vector.shape_cast %swap3A_622 : vector<1x16xf32> to vector<16xf32>
        %swap3A_624 = vector.shape_cast %max3A_619 : vector<16xf32> to vector<1x16xf32>
        tpu.vector_store %arg17[%swap3A_620, %swap3A_621], %swap3A_624 {strides = array<i32>} : memref<100x64xf32, #tpu.memory_space<vmem>>, vector<1x16xf32>,
        %max3A_625 = arith.constant 0.000000e+00 : f32
        %max3A_626 = vector.broadcast %max3A_625 : f32 to vector<16xf32>
        %max3A_627 = arith.maximumf %add3A_606, %max3A_626 : vector<16xf32>
        %swap3A_628 = arith.index_cast %add3A_544 : i32 to index
        %swap3A_629 = arith.constant 32 : index
        %swap3A_630 = tpu.vector_load %arg17[%swap3A_628, %swap3A_629] {strides = array<i32>} : memref<100x64xf32, #tpu.memory_space<vmem>>, vector<1x16xf32>,
        %swap3A_631 = vector.shape_cast %swap3A_630 : vector<1x16xf32> to vector<16xf32>
        %swap3A_632 = vector.shape_cast %max3A_627 : vector<16xf32> to vector<1x16xf32>
        tpu.vector_store %arg17[%swap3A_628, %swap3A_629], %swap3A_632 {strides = array<i32>} : memref<100x64xf32, #tpu.memory_space<vmem>>, vector<1x16xf32>,
        %max3A_633 = arith.constant 0.000000e+00 : f32
        %max3A_634 = vector.broadcast %max3A_633 : f32 to vector<16xf32>
        %max3A_635 = arith.maximumf %add3A_608, %max3A_634 : vector<16xf32>
        %swap3A_636 = arith.index_cast %add3A_544 : i32 to index
        %swap3A_637 = arith.constant 48 : index
        %swap3A_638 = tpu.vector_load %arg17[%swap3A_636, %swap3A_637] {strides = array<i32>} : memref<100x64xf32, #tpu.memory_space<vmem>>, vector<1x16xf32>,
        %swap3A_639 = vector.shape_cast %swap3A_638 : vector<1x16xf32> to vector<16xf32>
        %swap3A_640 = vector.shape_cast %max3A_635 : vector<16xf32> to vector<1x16xf32>
        tpu.vector_store %arg17[%swap3A_636, %swap3A_637], %swap3A_640 {strides = array<i32>} : memref<100x64xf32, #tpu.memory_space<vmem>>, vector<1x16xf32>,
        %mul3A_641 = arith.constant 4 : i32
        %mul3A_642 = arith.muli %scan3A_340, %mul3A_641 : i32
        %add3A_643 = arith.constant 3 : i32
        %add3A_644 = arith.addi %mul3A_642, %add3A_643 : i32
        %get3A_645 = arith.index_cast %add3A_644 : i32 to index
        %get3A_646 = arith.constant 0 : index
        %get3A_647 = tpu.vector_load %arg17[%get3A_645, %get3A_646] {strides = array<i32>} : memref<100x64xf32, #tpu.memory_space<vmem>>, vector<1x16xf32>,
        %get3A_648 = vector.shape_cast %get3A_647 : vector<1x16xf32> to vector<16xf32>
        %get3A_649 = arith.index_cast %add3A_644 : i32 to index
        %get3A_650 = arith.constant 16 : index
        %get3A_651 = tpu.vector_load %arg17[%get3A_649, %get3A_650] {strides = array<i32>} : memref<100x64xf32, #tpu.memory_space<vmem>>, vector<1x16xf32>,
        %get3A_652 = vector.shape_cast %get3A_651 : vector<1x16xf32> to vector<16xf32>
        %get3A_653 = arith.index_cast %add3A_644 : i32 to index
        %get3A_654 = arith.constant 32 : index
        %get3A_655 = tpu.vector_load %arg17[%get3A_653, %get3A_654] {strides = array<i32>} : memref<100x64xf32, #tpu.memory_space<vmem>>, vector<1x16xf32>,
        %get3A_656 = vector.shape_cast %get3A_655 : vector<1x16xf32> to vector<16xf32>
        %get3A_657 = arith.index_cast %add3A_644 : i32 to index
        %get3A_658 = arith.constant 48 : index
        %get3A_659 = tpu.vector_load %arg17[%get3A_657, %get3A_658] {strides = array<i32>} : memref<100x64xf32, #tpu.memory_space<vmem>>, vector<1x16xf32>,
        %get3A_660 = vector.shape_cast %get3A_659 : vector<1x16xf32> to vector<16xf32>
        %broadcast_in_dim3A_661 = arith.constant 12 : i32
        %broadcast_in_dim3A_662 = vector.broadcast %broadcast_in_dim3A_661 : i32 to vector<16x1xi32>
        %gather3A_663 = vector.shape_cast %broadcast_in_dim3A_662 : vector<16x1xi32> to vector<16xi32>
        %gather3A_664 = tpu.dynamic_gather %get3A_344[%gather3A_663] in [0] : vector<16xf32>, vector<16xi32> -> vector<16xf32>
        %mul3A_665 = arith.mulf %gather3A_664, %get3A_49 : vector<16xf32>
        %add3A_666 = arith.addf %get3A_648, %mul3A_665 : vector<16xf32>
        %mul3A_667 = arith.mulf %gather3A_664, %get3A_54 : vector<16xf32>
        %add3A_668 = arith.addf %get3A_652, %mul3A_667 : vector<16xf32>
        %mul3A_669 = arith.mulf %gather3A_664, %get3A_59 : vector<16xf32>
        %add3A_670 = arith.addf %get3A_656, %mul3A_669 : vector<16xf32>
        %mul3A_671 = arith.mulf %gather3A_664, %get3A_64 : vector<16xf32>
        %add3A_672 = arith.addf %get3A_660, %mul3A_671 : vector<16xf32>
        %broadcast_in_dim3A_673 = arith.constant 13 : i32
        %broadcast_in_dim3A_674 = vector.broadcast %broadcast_in_dim3A_673 : i32 to vector<16x1xi32>
        %gather3A_675 = vector.shape_cast %broadcast_in_dim3A_674 : vector<16x1xi32> to vector<16xi32>
        %gather3A_676 = tpu.dynamic_gather %get3A_344[%gather3A_675] in [0] : vector<16xf32>, vector<16xi32> -> vector<16xf32>
        %mul3A_677 = arith.mulf %gather3A_676, %get3A_69 : vector<16xf32>
        %add3A_678 = arith.addf %add3A_666, %mul3A_677 : vector<16xf32>
        %mul3A_679 = arith.mulf %gather3A_676, %get3A_74 : vector<16xf32>
        %add3A_680 = arith.addf %add3A_668, %mul3A_679 : vector<16xf32>
        %mul3A_681 = arith.mulf %gather3A_676, %get3A_79 : vector<16xf32>
        %add3A_682 = arith.addf %add3A_670, %mul3A_681 : vector<16xf32>
        %mul3A_683 = arith.mulf %gather3A_676, %get3A_84 : vector<16xf32>
        %add3A_684 = arith.addf %add3A_672, %mul3A_683 : vector<16xf32>
        %broadcast_in_dim3A_685 = arith.constant 14 : i32
        %broadcast_in_dim3A_686 = vector.broadcast %broadcast_in_dim3A_685 : i32 to vector<16x1xi32>
        %gather3A_687 = vector.shape_cast %broadcast_in_dim3A_686 : vector<16x1xi32> to vector<16xi32>
        %gather3A_688 = tpu.dynamic_gather %get3A_344[%gather3A_687] in [0] : vector<16xf32>, vector<16xi32> -> vector<16xf32>
        %mul3A_689 = arith.mulf %gather3A_688, %get3A_89 : vector<16xf32>
        %add3A_690 = arith.addf %add3A_678, %mul3A_689 : vector<16xf32>
        %mul3A_691 = arith.mulf %gather3A_688, %get3A_94 : vector<16xf32>
        %add3A_692 = arith.addf %add3A_680, %mul3A_691 : vector<16xf32>
        %mul3A_693 = arith.mulf %gather3A_688, %get3A_99 : vector<16xf32>
        %add3A_694 = arith.addf %add3A_682, %mul3A_693 : vector<16xf32>
        %mul3A_695 = arith.mulf %gather3A_688, %get3A_104 : vector<16xf32>
        %add3A_696 = arith.addf %add3A_684, %mul3A_695 : vector<16xf32>
        %broadcast_in_dim3A_697 = arith.constant 15 : i32
        %broadcast_in_dim3A_698 = vector.broadcast %broadcast_in_dim3A_697 : i32 to vector<16x1xi32>
        %gather3A_699 = vector.shape_cast %broadcast_in_dim3A_698 : vector<16x1xi32> to vector<16xi32>
        %gather3A_700 = tpu.dynamic_gather %get3A_344[%gather3A_699] in [0] : vector<16xf32>, vector<16xi32> -> vector<16xf32>
        %mul3A_701 = arith.mulf %gather3A_700, %get3A_109 : vector<16xf32>
        %add3A_702 = arith.addf %add3A_690, %mul3A_701 : vector<16xf32>
        %mul3A_703 = arith.mulf %gather3A_700, %get3A_114 : vector<16xf32>
        %add3A_704 = arith.addf %add3A_692, %mul3A_703 : vector<16xf32>
        %mul3A_705 = arith.mulf %gather3A_700, %get3A_119 : vector<16xf32>
        %add3A_706 = arith.addf %add3A_694, %mul3A_705 : vector<16xf32>
        %mul3A_707 = arith.mulf %gather3A_700, %get3A_124 : vector<16xf32>
        %add3A_708 = arith.addf %add3A_696, %mul3A_707 : vector<16xf32>
        %max3A_709 = arith.constant 0.000000e+00 : f32
        %max3A_710 = vector.broadcast %max3A_709 : f32 to vector<16xf32>
        %max3A_711 = arith.maximumf %add3A_702, %max3A_710 : vector<16xf32>
        %swap3A_712 = arith.index_cast %add3A_644 : i32 to index
        %swap3A_713 = arith.constant 0 : index
        %swap3A_714 = tpu.vector_load %arg17[%swap3A_712, %swap3A_713] {strides = array<i32>} : memref<100x64xf32, #tpu.memory_space<vmem>>, vector<1x16xf32>,
        %swap3A_715 = vector.shape_cast %swap3A_714 : vector<1x16xf32> to vector<16xf32>
        %swap3A_716 = vector.shape_cast %max3A_711 : vector<16xf32> to vector<1x16xf32>
        tpu.vector_store %arg17[%swap3A_712, %swap3A_713], %swap3A_716 {strides = array<i32>} : memref<100x64xf32, #tpu.memory_space<vmem>>, vector<1x16xf32>,
        %max3A_717 = arith.constant 0.000000e+00 : f32
        %max3A_718 = vector.broadcast %max3A_717 : f32 to vector<16xf32>
        %max3A_719 = arith.maximumf %add3A_704, %max3A_718 : vector<16xf32>
        %swap3A_720 = arith.index_cast %add3A_644 : i32 to index
        %swap3A_721 = arith.constant 16 : index
        %swap3A_722 = tpu.vector_load %arg17[%swap3A_720, %swap3A_721] {strides = array<i32>} : memref<100x64xf32, #tpu.memory_space<vmem>>, vector<1x16xf32>,
        %swap3A_723 = vector.shape_cast %swap3A_722 : vector<1x16xf32> to vector<16xf32>
        %swap3A_724 = vector.shape_cast %max3A_719 : vector<16xf32> to vector<1x16xf32>
        tpu.vector_store %arg17[%swap3A_720, %swap3A_721], %swap3A_724 {strides = array<i32>} : memref<100x64xf32, #tpu.memory_space<vmem>>, vector<1x16xf32>,
        %max3A_725 = arith.constant 0.000000e+00 : f32
        %max3A_726 = vector.broadcast %max3A_725 : f32 to vector<16xf32>
        %max3A_727 = arith.maximumf %add3A_706, %max3A_726 : vector<16xf32>
        %swap3A_728 = arith.index_cast %add3A_644 : i32 to index
        %swap3A_729 = arith.constant 32 : index
        %swap3A_730 = tpu.vector_load %arg17[%swap3A_728, %swap3A_729] {strides = array<i32>} : memref<100x64xf32, #tpu.memory_space<vmem>>, vector<1x16xf32>,
        %swap3A_731 = vector.shape_cast %swap3A_730 : vector<1x16xf32> to vector<16xf32>
        %swap3A_732 = vector.shape_cast %max3A_727 : vector<16xf32> to vector<1x16xf32>
        tpu.vector_store %arg17[%swap3A_728, %swap3A_729], %swap3A_732 {strides = array<i32>} : memref<100x64xf32, #tpu.memory_space<vmem>>, vector<1x16xf32>,
        %max3A_733 = arith.constant 0.000000e+00 : f32
        %max3A_734 = vector.broadcast %max3A_733 : f32 to vector<16xf32>
        %max3A_735 = arith.maximumf %add3A_708, %max3A_734 : vector<16xf32>
        %swap3A_736 = arith.index_cast %add3A_644 : i32 to index
        %swap3A_737 = arith.constant 48 : index
        %swap3A_738 = tpu.vector_load %arg17[%swap3A_736, %swap3A_737] {strides = array<i32>} : memref<100x64xf32, #tpu.memory_space<vmem>>, vector<1x16xf32>,
        %swap3A_739 = vector.shape_cast %swap3A_738 : vector<1x16xf32> to vector<16xf32>
        %swap3A_740 = vector.shape_cast %max3A_735 : vector<16xf32> to vector<1x16xf32>
        tpu.vector_store %arg17[%swap3A_736, %swap3A_737], %swap3A_740 {strides = array<i32>} : memref<100x64xf32, #tpu.memory_space<vmem>>, vector<1x16xf32>,
      }
      %scan3A_259 = arith.constant 25 : i32
      %dma_start3A_260 = arith.constant 0 : i32
      %dma_start3A_261 = tpu.memref_slice %arg9[%add3A_232, %dma_start3A_260] : memref<100x100xi32, #tpu.memory_space<vmem>> -> memref<1x100xi32, #tpu.memory_space<vmem>>
      %dma_start3A_262 = tpu.memref_squeeze %dma_start3A_261 : memref<1x100xi32, #tpu.memory_space<vmem>> -> memref<100xi32, #tpu.memory_space<vmem>>
      %dma_start3A_263 = arith.constant 0 : i32
      %dma_start3A_264 = arith.constant 0 : i32
      %dma_start3A_265 = tpu.memref_slice %arg20[%dma_start3A_263, %dma_start3A_264] : memref<10240x64xf32, #tpu.memory_space<vmem_shared>> -> memref<10240x64xf32, #tpu.memory_space<vmem_shared>>
      tpu.enqueue_indirect_dma source(%arg17 : memref<100x64xf32, #tpu.memory_space<vmem>>) target(%dma_start3A_265 : memref<10240x64xf32, #tpu.memory_space<vmem_shared>>) offsets(%dma_start3A_262 : memref<100xi32, #tpu.memory_space<vmem>>) semaphore(%arg30 : memref<!tpu.dma_semaphore, #tpu.memory_space<semaphore_mem>>) {add = true}
      %mul3A_266 = arith.constant 4 : i32
      %mul3A_267 = arith.muli %mul3A_266, %scan3A_194 : i32
      %add3A_268 = arith.constant 2 : i32
      %add3A_269 = arith.addi %mul3A_267, %add3A_268 : i32
      %add3A_270 = arith.constant 2 : i32
      %add3A_271 = arith.addi %add3A_269, %add3A_270 : i32
      %lt3A_272 = arith.constant 100 : i32
      %lt3A_273 = arith.cmpi slt, %add3A_271, %lt3A_272 : i32
      %convert_element_type3A_274 = arith.extui %lt3A_273 : i1 to i32
      %cond3A_275 = arith.constant 0 : i32
      %cond3A_276 = arith.cmpi ne, %convert_element_type3A_274, %cond3A_275 : i32
      scf.if %cond3A_276 {
        %ge3A = arith.constant 2 : i32
        %ge3A_340 = arith.cmpi sge, %add3A_269, %ge3A : i32
        %convert_element_type3A_341 = arith.extui %ge3A_340 : i1 to i32
        %cond3A_342 = arith.constant 0 : i32
        %cond3A_343 = arith.cmpi ne, %convert_element_type3A_341, %cond3A_342 : i32
        scf.if %cond3A_343 {
          %sub3A = arith.constant 2 : i32
          %sub3A_360 = arith.subi %add3A_269, %sub3A : i32
          %dma_wait3A_361 = arith.constant 0 : i32
          %dma_wait3A_362 = tpu.memref_slice %arg9[%sub3A_360, %dma_wait3A_361] : memref<100x100xi32, #tpu.memory_space<vmem>> -> memref<1x100xi32, #tpu.memory_space<vmem>>
          %dma_wait3A_363 = tpu.memref_squeeze %dma_wait3A_362 : memref<1x100xi32, #tpu.memory_space<vmem>> -> memref<100xi32, #tpu.memory_space<vmem>>
          %dma_wait3A_364 = arith.constant 0 : i32
          %dma_wait3A_365 = arith.constant 0 : i32
          %dma_wait3A_366 = tpu.memref_slice %arg20[%dma_wait3A_364, %dma_wait3A_365] : memref<10240x64xf32, #tpu.memory_space<vmem_shared>> -> memref<10240x64xf32, #tpu.memory_space<vmem_shared>>
          tpu.wait_indirect_dma semaphore(%arg29 : memref<!tpu.dma_semaphore, #tpu.memory_space<semaphore_mem>>) src(%arg16 : memref<100x64xf32, #tpu.memory_space<vmem>>) dst(%dma_wait3A_366 : memref<10240x64xf32, #tpu.memory_space<vmem_shared>>)
        } else {
        }
        %add3A_344 = arith.constant 2 : i32
        %add3A_345 = arith.addi %add3A_269, %add3A_344 : i32
        %dma_start3A_346 = arith.constant 0 : i32
        %dma_start3A_347 = tpu.memref_slice %arg8[%add3A_345, %dma_start3A_346] : memref<100x100xi32, #tpu.memory_space<vmem>> -> memref<1x100xi32, #tpu.memory_space<vmem>>
        %dma_start3A_348 = tpu.memref_squeeze %dma_start3A_347 : memref<1x100xi32, #tpu.memory_space<vmem>> -> memref<100xi32, #tpu.memory_space<vmem>>
        %dma_start3A_349 = arith.constant 0 : i32
        %dma_start3A_350 = arith.constant 0 : i32
        %dma_start3A_351 = tpu.memref_slice %arg2[%dma_start3A_349, %dma_start3A_350] : memref<10000x64xf32, #tpu.memory_space<hbm>> -> memref<10000x64xf32, #tpu.memory_space<hbm>>
        tpu.enqueue_indirect_dma source(%dma_start3A_351 : memref<10000x64xf32, #tpu.memory_space<hbm>>) target(%arg16 : memref<100x64xf32, #tpu.memory_space<vmem>>) offsets(%dma_start3A_348 : memref<100xi32, #tpu.memory_space<vmem>>) semaphore(%arg21 : memref<!tpu.dma_semaphore, #tpu.memory_space<semaphore_mem>>)
        %dma_start3A_352 = arith.constant 0 : i32
        %dma_start3A_353 = arith.constant 0 : i32
        %dma_start3A_354 = tpu.memref_slice %arg3[%add3A, %add3A_345, %dma_start3A_352, %dma_start3A_353] : memref<32x100x25x16xf32, #tpu.memory_space<hbm>> -> memref<1x1x25x16xf32, #tpu.memory_space<hbm>>
        %dma_start3A_355 = tpu.memref_squeeze %dma_start3A_354 : memref<1x1x25x16xf32, #tpu.memory_space<hbm>> -> memref<25x16xf32, #tpu.memory_space<hbm>>
        %dma_start3A_356 = arith.constant 0 : i32
        %dma_start3A_357 = arith.constant 0 : i32
        %dma_start3A_358 = tpu.memref_slice %arg3[%add3A, %add3A_345, %dma_start3A_356, %dma_start3A_357] : memref<32x100x25x16xf32, #tpu.memory_space<hbm>> -> memref<1x1x25x16xf32, #tpu.memory_space<hbm>>
        %dma_start3A_359 = tpu.memref_squeeze %dma_start3A_358 : memref<1x1x25x16xf32, #tpu.memory_space<hbm>> -> memref<25x16xf32, #tpu.memory_space<hbm>>
        tpu.enqueue_dma source(%dma_start3A_359 : memref<25x16xf32, #tpu.memory_space<hbm>>) target(%arg10 : memref<25x16xf32, #tpu.memory_space<vmem>>) target_semaphore(%arg25 : memref<!tpu.dma_semaphore, #tpu.memory_space<semaphore_mem>>)
      } else {
      }
      %dma_wait3A_277 = arith.constant 0 : i32
      %dma_wait3A_278 = tpu.memref_slice %arg8[%add3A_269, %dma_wait3A_277] : memref<100x100xi32, #tpu.memory_space<vmem>> -> memref<1x100xi32, #tpu.memory_space<vmem>>
      %dma_wait3A_279 = tpu.memref_squeeze %dma_wait3A_278 : memref<1x100xi32, #tpu.memory_space<vmem>> -> memref<100xi32, #tpu.memory_space<vmem>>
      %dma_wait3A_280 = arith.constant 0 : i32
      %dma_wait3A_281 = arith.constant 0 : i32
      %dma_wait3A_282 = tpu.memref_slice %arg2[%dma_wait3A_280, %dma_wait3A_281] : memref<10000x64xf32, #tpu.memory_space<hbm>> -> memref<10000x64xf32, #tpu.memory_space<hbm>>
      tpu.wait_indirect_dma semaphore(%arg23 : memref<!tpu.dma_semaphore, #tpu.memory_space<semaphore_mem>>) src(%dma_wait3A_282 : memref<10000x64xf32, #tpu.memory_space<hbm>>) dst(%arg18 : memref<100x64xf32, #tpu.memory_space<vmem>>)
      %dma_wait3A_283 = arith.constant 0 : i32
      %dma_wait3A_284 = arith.constant 0 : i32
      %dma_wait3A_285 = tpu.memref_slice %arg3[%add3A, %add3A_269, %dma_wait3A_283, %dma_wait3A_284] : memref<32x100x25x16xf32, #tpu.memory_space<hbm>> -> memref<1x1x25x16xf32, #tpu.memory_space<hbm>>
      %dma_wait3A_286 = tpu.memref_squeeze %dma_wait3A_285 : memref<1x1x25x16xf32, #tpu.memory_space<hbm>> -> memref<25x16xf32, #tpu.memory_space<hbm>>
      %dma_wait3A_287 = arith.constant 0 : i32
      %dma_wait3A_288 = arith.constant 0 : i32
      %dma_wait3A_289 = tpu.memref_slice %arg3[%add3A, %add3A_269, %dma_wait3A_287, %dma_wait3A_288] : memref<32x100x25x16xf32, #tpu.memory_space<hbm>> -> memref<1x1x25x16xf32, #tpu.memory_space<hbm>>
      %dma_wait3A_290 = tpu.memref_squeeze %dma_wait3A_289 : memref<1x1x25x16xf32, #tpu.memory_space<hbm>> -> memref<25x16xf32, #tpu.memory_space<hbm>>
      tpu.wait_dma2 semaphore(%arg27 : memref<!tpu.dma_semaphore, #tpu.memory_space<semaphore_mem>>) src(%dma_wait3A_290 : memref<25x16xf32, #tpu.memory_space<hbm>>) dst(%arg12 : memref<25x16xf32, #tpu.memory_space<vmem>>)
      %scan3A_291 = arith.constant 0 : i32
      %scan3A_292 = arith.constant 0 : i32
      %scan3A_293 = arith.constant 25 : i32
      %scan3A_294 = arith.addi %scan3A_292, %scan3A_293 : i32
      %scan3A_295 = arith.constant 1 : i32
      scf.for %scan3A_340 = %scan3A_292 to %scan3A_294 step %scan3A_295  : i32 {
        %get3A_341 = arith.index_cast %scan3A_340 : i32 to index
        %get3A_342 = arith.constant 0 : index
        %get3A_343 = tpu.vector_load %arg12[%get3A_341, %get3A_342] {strides = array<i32>} : memref<25x16xf32, #tpu.memory_space<vmem>>, vector<1x16xf32>,
        %get3A_344 = vector.shape_cast %get3A_343 : vector<1x16xf32> to vector<16xf32>
        %mul3A_345 = arith.constant 4 : i32
        %mul3A_346 = arith.muli %scan3A_340, %mul3A_345 : i32
        %add3A_347 = arith.constant 0 : i32
        %add3A_348 = arith.addi %mul3A_346, %add3A_347 : i32
        %get3A_349 = arith.index_cast %add3A_348 : i32 to index
        %get3A_350 = arith.constant 0 : index
        %get3A_351 = tpu.vector_load %arg18[%get3A_349, %get3A_350] {strides = array<i32>} : memref<100x64xf32, #tpu.memory_space<vmem>>, vector<1x16xf32>,
        %get3A_352 = vector.shape_cast %get3A_351 : vector<1x16xf32> to vector<16xf32>
        %get3A_353 = arith.index_cast %add3A_348 : i32 to index
        %get3A_354 = arith.constant 16 : index
        %get3A_355 = tpu.vector_load %arg18[%get3A_353, %get3A_354] {strides = array<i32>} : memref<100x64xf32, #tpu.memory_space<vmem>>, vector<1x16xf32>,
        %get3A_356 = vector.shape_cast %get3A_355 : vector<1x16xf32> to vector<16xf32>
        %get3A_357 = arith.index_cast %add3A_348 : i32 to index
        %get3A_358 = arith.constant 32 : index
        %get3A_359 = tpu.vector_load %arg18[%get3A_357, %get3A_358] {strides = array<i32>} : memref<100x64xf32, #tpu.memory_space<vmem>>, vector<1x16xf32>,
        %get3A_360 = vector.shape_cast %get3A_359 : vector<1x16xf32> to vector<16xf32>
        %get3A_361 = arith.index_cast %add3A_348 : i32 to index
        %get3A_362 = arith.constant 48 : index
        %get3A_363 = tpu.vector_load %arg18[%get3A_361, %get3A_362] {strides = array<i32>} : memref<100x64xf32, #tpu.memory_space<vmem>>, vector<1x16xf32>,
        %get3A_364 = vector.shape_cast %get3A_363 : vector<1x16xf32> to vector<16xf32>
        %broadcast_in_dim3A = arith.constant 0 : i32
        %broadcast_in_dim3A_365 = vector.broadcast %broadcast_in_dim3A : i32 to vector<16x1xi32>
        %gather3A = vector.shape_cast %broadcast_in_dim3A_365 : vector<16x1xi32> to vector<16xi32>
        %gather3A_366 = tpu.dynamic_gather %get3A_344[%gather3A] in [0] : vector<16xf32>, vector<16xi32> -> vector<16xf32>
        %mul3A_367 = arith.mulf %gather3A_366, %get3A_49 : vector<16xf32>
        %add3A_368 = arith.addf %get3A_352, %mul3A_367 : vector<16xf32>
        %mul3A_369 = arith.mulf %gather3A_366, %get3A_54 : vector<16xf32>
        %add3A_370 = arith.addf %get3A_356, %mul3A_369 : vector<16xf32>
        %mul3A_371 = arith.mulf %gather3A_366, %get3A_59 : vector<16xf32>
        %add3A_372 = arith.addf %get3A_360, %mul3A_371 : vector<16xf32>
        %mul3A_373 = arith.mulf %gather3A_366, %get3A_64 : vector<16xf32>
        %add3A_374 = arith.addf %get3A_364, %mul3A_373 : vector<16xf32>
        %broadcast_in_dim3A_375 = arith.constant 1 : i32
        %broadcast_in_dim3A_376 = vector.broadcast %broadcast_in_dim3A_375 : i32 to vector<16x1xi32>
        %gather3A_377 = vector.shape_cast %broadcast_in_dim3A_376 : vector<16x1xi32> to vector<16xi32>
        %gather3A_378 = tpu.dynamic_gather %get3A_344[%gather3A_377] in [0] : vector<16xf32>, vector<16xi32> -> vector<16xf32>
        %mul3A_379 = arith.mulf %gather3A_378, %get3A_69 : vector<16xf32>
        %add3A_380 = arith.addf %add3A_368, %mul3A_379 : vector<16xf32>
        %mul3A_381 = arith.mulf %gather3A_378, %get3A_74 : vector<16xf32>
        %add3A_382 = arith.addf %add3A_370, %mul3A_381 : vector<16xf32>
        %mul3A_383 = arith.mulf %gather3A_378, %get3A_79 : vector<16xf32>
        %add3A_384 = arith.addf %add3A_372, %mul3A_383 : vector<16xf32>
        %mul3A_385 = arith.mulf %gather3A_378, %get3A_84 : vector<16xf32>
        %add3A_386 = arith.addf %add3A_374, %mul3A_385 : vector<16xf32>
        %broadcast_in_dim3A_387 = arith.constant 2 : i32
        %broadcast_in_dim3A_388 = vector.broadcast %broadcast_in_dim3A_387 : i32 to vector<16x1xi32>
        %gather3A_389 = vector.shape_cast %broadcast_in_dim3A_388 : vector<16x1xi32> to vector<16xi32>
        %gather3A_390 = tpu.dynamic_gather %get3A_344[%gather3A_389] in [0] : vector<16xf32>, vector<16xi32> -> vector<16xf32>
        %mul3A_391 = arith.mulf %gather3A_390, %get3A_89 : vector<16xf32>
        %add3A_392 = arith.addf %add3A_380, %mul3A_391 : vector<16xf32>
        %mul3A_393 = arith.mulf %gather3A_390, %get3A_94 : vector<16xf32>
        %add3A_394 = arith.addf %add3A_382, %mul3A_393 : vector<16xf32>
        %mul3A_395 = arith.mulf %gather3A_390, %get3A_99 : vector<16xf32>
        %add3A_396 = arith.addf %add3A_384, %mul3A_395 : vector<16xf32>
        %mul3A_397 = arith.mulf %gather3A_390, %get3A_104 : vector<16xf32>
        %add3A_398 = arith.addf %add3A_386, %mul3A_397 : vector<16xf32>
        %broadcast_in_dim3A_399 = arith.constant 3 : i32
        %broadcast_in_dim3A_400 = vector.broadcast %broadcast_in_dim3A_399 : i32 to vector<16x1xi32>
        %gather3A_401 = vector.shape_cast %broadcast_in_dim3A_400 : vector<16x1xi32> to vector<16xi32>
        %gather3A_402 = tpu.dynamic_gather %get3A_344[%gather3A_401] in [0] : vector<16xf32>, vector<16xi32> -> vector<16xf32>
        %mul3A_403 = arith.mulf %gather3A_402, %get3A_109 : vector<16xf32>
        %add3A_404 = arith.addf %add3A_392, %mul3A_403 : vector<16xf32>
        %mul3A_405 = arith.mulf %gather3A_402, %get3A_114 : vector<16xf32>
        %add3A_406 = arith.addf %add3A_394, %mul3A_405 : vector<16xf32>
        %mul3A_407 = arith.mulf %gather3A_402, %get3A_119 : vector<16xf32>
        %add3A_408 = arith.addf %add3A_396, %mul3A_407 : vector<16xf32>
        %mul3A_409 = arith.mulf %gather3A_402, %get3A_124 : vector<16xf32>
        %add3A_410 = arith.addf %add3A_398, %mul3A_409 : vector<16xf32>
        %max3A = arith.constant 0.000000e+00 : f32
        %max3A_411 = vector.broadcast %max3A : f32 to vector<16xf32>
        %max3A_412 = arith.maximumf %add3A_404, %max3A_411 : vector<16xf32>
        %swap3A = arith.index_cast %add3A_348 : i32 to index
        %swap3A_413 = arith.constant 0 : index
        %swap3A_414 = tpu.vector_load %arg18[%swap3A, %swap3A_413] {strides = array<i32>} : memref<100x64xf32, #tpu.memory_space<vmem>>, vector<1x16xf32>,
        %swap3A_415 = vector.shape_cast %swap3A_414 : vector<1x16xf32> to vector<16xf32>
        %swap3A_416 = vector.shape_cast %max3A_412 : vector<16xf32> to vector<1x16xf32>
        tpu.vector_store %arg18[%swap3A, %swap3A_413], %swap3A_416 {strides = array<i32>} : memref<100x64xf32, #tpu.memory_space<vmem>>, vector<1x16xf32>,
        %max3A_417 = arith.constant 0.000000e+00 : f32
        %max3A_418 = vector.broadcast %max3A_417 : f32 to vector<16xf32>
        %max3A_419 = arith.maximumf %add3A_406, %max3A_418 : vector<16xf32>
        %swap3A_420 = arith.index_cast %add3A_348 : i32 to index
        %swap3A_421 = arith.constant 16 : index
        %swap3A_422 = tpu.vector_load %arg18[%swap3A_420, %swap3A_421] {strides = array<i32>} : memref<100x64xf32, #tpu.memory_space<vmem>>, vector<1x16xf32>,
        %swap3A_423 = vector.shape_cast %swap3A_422 : vector<1x16xf32> to vector<16xf32>
        %swap3A_424 = vector.shape_cast %max3A_419 : vector<16xf32> to vector<1x16xf32>
        tpu.vector_store %arg18[%swap3A_420, %swap3A_421], %swap3A_424 {strides = array<i32>} : memref<100x64xf32, #tpu.memory_space<vmem>>, vector<1x16xf32>,
        %max3A_425 = arith.constant 0.000000e+00 : f32
        %max3A_426 = vector.broadcast %max3A_425 : f32 to vector<16xf32>
        %max3A_427 = arith.maximumf %add3A_408, %max3A_426 : vector<16xf32>
        %swap3A_428 = arith.index_cast %add3A_348 : i32 to index
        %swap3A_429 = arith.constant 32 : index
        %swap3A_430 = tpu.vector_load %arg18[%swap3A_428, %swap3A_429] {strides = array<i32>} : memref<100x64xf32, #tpu.memory_space<vmem>>, vector<1x16xf32>,
        %swap3A_431 = vector.shape_cast %swap3A_430 : vector<1x16xf32> to vector<16xf32>
        %swap3A_432 = vector.shape_cast %max3A_427 : vector<16xf32> to vector<1x16xf32>
        tpu.vector_store %arg18[%swap3A_428, %swap3A_429], %swap3A_432 {strides = array<i32>} : memref<100x64xf32, #tpu.memory_space<vmem>>, vector<1x16xf32>,
        %max3A_433 = arith.constant 0.000000e+00 : f32
        %max3A_434 = vector.broadcast %max3A_433 : f32 to vector<16xf32>
        %max3A_435 = arith.maximumf %add3A_410, %max3A_434 : vector<16xf32>
        %swap3A_436 = arith.index_cast %add3A_348 : i32 to index
        %swap3A_437 = arith.constant 48 : index
        %swap3A_438 = tpu.vector_load %arg18[%swap3A_436, %swap3A_437] {strides = array<i32>} : memref<100x64xf32, #tpu.memory_space<vmem>>, vector<1x16xf32>,
        %swap3A_439 = vector.shape_cast %swap3A_438 : vector<1x16xf32> to vector<16xf32>
        %swap3A_440 = vector.shape_cast %max3A_435 : vector<16xf32> to vector<1x16xf32>
        tpu.vector_store %arg18[%swap3A_436, %swap3A_437], %swap3A_440 {strides = array<i32>} : memref<100x64xf32, #tpu.memory_space<vmem>>, vector<1x16xf32>,
        %mul3A_441 = arith.constant 4 : i32
        %mul3A_442 = arith.muli %scan3A_340, %mul3A_441 : i32
        %add3A_443 = arith.constant 1 : i32
        %add3A_444 = arith.addi %mul3A_442, %add3A_443 : i32
        %get3A_445 = arith.index_cast %add3A_444 : i32 to index
        %get3A_446 = arith.constant 0 : index
        %get3A_447 = tpu.vector_load %arg18[%get3A_445, %get3A_446] {strides = array<i32>} : memref<100x64xf32, #tpu.memory_space<vmem>>, vector<1x16xf32>,
        %get3A_448 = vector.shape_cast %get3A_447 : vector<1x16xf32> to vector<16xf32>
        %get3A_449 = arith.index_cast %add3A_444 : i32 to index
        %get3A_450 = arith.constant 16 : index
        %get3A_451 = tpu.vector_load %arg18[%get3A_449, %get3A_450] {strides = array<i32>} : memref<100x64xf32, #tpu.memory_space<vmem>>, vector<1x16xf32>,
        %get3A_452 = vector.shape_cast %get3A_451 : vector<1x16xf32> to vector<16xf32>
        %get3A_453 = arith.index_cast %add3A_444 : i32 to index
        %get3A_454 = arith.constant 32 : index
        %get3A_455 = tpu.vector_load %arg18[%get3A_453, %get3A_454] {strides = array<i32>} : memref<100x64xf32, #tpu.memory_space<vmem>>, vector<1x16xf32>,
        %get3A_456 = vector.shape_cast %get3A_455 : vector<1x16xf32> to vector<16xf32>
        %get3A_457 = arith.index_cast %add3A_444 : i32 to index
        %get3A_458 = arith.constant 48 : index
        %get3A_459 = tpu.vector_load %arg18[%get3A_457, %get3A_458] {strides = array<i32>} : memref<100x64xf32, #tpu.memory_space<vmem>>, vector<1x16xf32>,
        %get3A_460 = vector.shape_cast %get3A_459 : vector<1x16xf32> to vector<16xf32>
        %broadcast_in_dim3A_461 = arith.constant 4 : i32
        %broadcast_in_dim3A_462 = vector.broadcast %broadcast_in_dim3A_461 : i32 to vector<16x1xi32>
        %gather3A_463 = vector.shape_cast %broadcast_in_dim3A_462 : vector<16x1xi32> to vector<16xi32>
        %gather3A_464 = tpu.dynamic_gather %get3A_344[%gather3A_463] in [0] : vector<16xf32>, vector<16xi32> -> vector<16xf32>
        %mul3A_465 = arith.mulf %gather3A_464, %get3A_49 : vector<16xf32>
        %add3A_466 = arith.addf %get3A_448, %mul3A_465 : vector<16xf32>
        %mul3A_467 = arith.mulf %gather3A_464, %get3A_54 : vector<16xf32>
        %add3A_468 = arith.addf %get3A_452, %mul3A_467 : vector<16xf32>
        %mul3A_469 = arith.mulf %gather3A_464, %get3A_59 : vector<16xf32>
        %add3A_470 = arith.addf %get3A_456, %mul3A_469 : vector<16xf32>
        %mul3A_471 = arith.mulf %gather3A_464, %get3A_64 : vector<16xf32>
        %add3A_472 = arith.addf %get3A_460, %mul3A_471 : vector<16xf32>
        %broadcast_in_dim3A_473 = arith.constant 5 : i32
        %broadcast_in_dim3A_474 = vector.broadcast %broadcast_in_dim3A_473 : i32 to vector<16x1xi32>
        %gather3A_475 = vector.shape_cast %broadcast_in_dim3A_474 : vector<16x1xi32> to vector<16xi32>
        %gather3A_476 = tpu.dynamic_gather %get3A_344[%gather3A_475] in [0] : vector<16xf32>, vector<16xi32> -> vector<16xf32>
        %mul3A_477 = arith.mulf %gather3A_476, %get3A_69 : vector<16xf32>
        %add3A_478 = arith.addf %add3A_466, %mul3A_477 : vector<16xf32>
        %mul3A_479 = arith.mulf %gather3A_476, %get3A_74 : vector<16xf32>
        %add3A_480 = arith.addf %add3A_468, %mul3A_479 : vector<16xf32>
        %mul3A_481 = arith.mulf %gather3A_476, %get3A_79 : vector<16xf32>
        %add3A_482 = arith.addf %add3A_470, %mul3A_481 : vector<16xf32>
        %mul3A_483 = arith.mulf %gather3A_476, %get3A_84 : vector<16xf32>
        %add3A_484 = arith.addf %add3A_472, %mul3A_483 : vector<16xf32>
        %broadcast_in_dim3A_485 = arith.constant 6 : i32
        %broadcast_in_dim3A_486 = vector.broadcast %broadcast_in_dim3A_485 : i32 to vector<16x1xi32>
        %gather3A_487 = vector.shape_cast %broadcast_in_dim3A_486 : vector<16x1xi32> to vector<16xi32>
        %gather3A_488 = tpu.dynamic_gather %get3A_344[%gather3A_487] in [0] : vector<16xf32>, vector<16xi32> -> vector<16xf32>
        %mul3A_489 = arith.mulf %gather3A_488, %get3A_89 : vector<16xf32>
        %add3A_490 = arith.addf %add3A_478, %mul3A_489 : vector<16xf32>
        %mul3A_491 = arith.mulf %gather3A_488, %get3A_94 : vector<16xf32>
        %add3A_492 = arith.addf %add3A_480, %mul3A_491 : vector<16xf32>
        %mul3A_493 = arith.mulf %gather3A_488, %get3A_99 : vector<16xf32>
        %add3A_494 = arith.addf %add3A_482, %mul3A_493 : vector<16xf32>
        %mul3A_495 = arith.mulf %gather3A_488, %get3A_104 : vector<16xf32>
        %add3A_496 = arith.addf %add3A_484, %mul3A_495 : vector<16xf32>
        %broadcast_in_dim3A_497 = arith.constant 7 : i32
        %broadcast_in_dim3A_498 = vector.broadcast %broadcast_in_dim3A_497 : i32 to vector<16x1xi32>
        %gather3A_499 = vector.shape_cast %broadcast_in_dim3A_498 : vector<16x1xi32> to vector<16xi32>
        %gather3A_500 = tpu.dynamic_gather %get3A_344[%gather3A_499] in [0] : vector<16xf32>, vector<16xi32> -> vector<16xf32>
        %mul3A_501 = arith.mulf %gather3A_500, %get3A_109 : vector<16xf32>
        %add3A_502 = arith.addf %add3A_490, %mul3A_501 : vector<16xf32>
        %mul3A_503 = arith.mulf %gather3A_500, %get3A_114 : vector<16xf32>
        %add3A_504 = arith.addf %add3A_492, %mul3A_503 : vector<16xf32>
        %mul3A_505 = arith.mulf %gather3A_500, %get3A_119 : vector<16xf32>
        %add3A_506 = arith.addf %add3A_494, %mul3A_505 : vector<16xf32>
        %mul3A_507 = arith.mulf %gather3A_500, %get3A_124 : vector<16xf32>
        %add3A_508 = arith.addf %add3A_496, %mul3A_507 : vector<16xf32>
        %max3A_509 = arith.constant 0.000000e+00 : f32
        %max3A_510 = vector.broadcast %max3A_509 : f32 to vector<16xf32>
        %max3A_511 = arith.maximumf %add3A_502, %max3A_510 : vector<16xf32>
        %swap3A_512 = arith.index_cast %add3A_444 : i32 to index
        %swap3A_513 = arith.constant 0 : index
        %swap3A_514 = tpu.vector_load %arg18[%swap3A_512, %swap3A_513] {strides = array<i32>} : memref<100x64xf32, #tpu.memory_space<vmem>>, vector<1x16xf32>,
        %swap3A_515 = vector.shape_cast %swap3A_514 : vector<1x16xf32> to vector<16xf32>
        %swap3A_516 = vector.shape_cast %max3A_511 : vector<16xf32> to vector<1x16xf32>
        tpu.vector_store %arg18[%swap3A_512, %swap3A_513], %swap3A_516 {strides = array<i32>} : memref<100x64xf32, #tpu.memory_space<vmem>>, vector<1x16xf32>,
        %max3A_517 = arith.constant 0.000000e+00 : f32
        %max3A_518 = vector.broadcast %max3A_517 : f32 to vector<16xf32>
        %max3A_519 = arith.maximumf %add3A_504, %max3A_518 : vector<16xf32>
        %swap3A_520 = arith.index_cast %add3A_444 : i32 to index
        %swap3A_521 = arith.constant 16 : index
        %swap3A_522 = tpu.vector_load %arg18[%swap3A_520, %swap3A_521] {strides = array<i32>} : memref<100x64xf32, #tpu.memory_space<vmem>>, vector<1x16xf32>,
        %swap3A_523 = vector.shape_cast %swap3A_522 : vector<1x16xf32> to vector<16xf32>
        %swap3A_524 = vector.shape_cast %max3A_519 : vector<16xf32> to vector<1x16xf32>
        tpu.vector_store %arg18[%swap3A_520, %swap3A_521], %swap3A_524 {strides = array<i32>} : memref<100x64xf32, #tpu.memory_space<vmem>>, vector<1x16xf32>,
        %max3A_525 = arith.constant 0.000000e+00 : f32
        %max3A_526 = vector.broadcast %max3A_525 : f32 to vector<16xf32>
        %max3A_527 = arith.maximumf %add3A_506, %max3A_526 : vector<16xf32>
        %swap3A_528 = arith.index_cast %add3A_444 : i32 to index
        %swap3A_529 = arith.constant 32 : index
        %swap3A_530 = tpu.vector_load %arg18[%swap3A_528, %swap3A_529] {strides = array<i32>} : memref<100x64xf32, #tpu.memory_space<vmem>>, vector<1x16xf32>,
        %swap3A_531 = vector.shape_cast %swap3A_530 : vector<1x16xf32> to vector<16xf32>
        %swap3A_532 = vector.shape_cast %max3A_527 : vector<16xf32> to vector<1x16xf32>
        tpu.vector_store %arg18[%swap3A_528, %swap3A_529], %swap3A_532 {strides = array<i32>} : memref<100x64xf32, #tpu.memory_space<vmem>>, vector<1x16xf32>,
        %max3A_533 = arith.constant 0.000000e+00 : f32
        %max3A_534 = vector.broadcast %max3A_533 : f32 to vector<16xf32>
        %max3A_535 = arith.maximumf %add3A_508, %max3A_534 : vector<16xf32>
        %swap3A_536 = arith.index_cast %add3A_444 : i32 to index
        %swap3A_537 = arith.constant 48 : index
        %swap3A_538 = tpu.vector_load %arg18[%swap3A_536, %swap3A_537] {strides = array<i32>} : memref<100x64xf32, #tpu.memory_space<vmem>>, vector<1x16xf32>,
        %swap3A_539 = vector.shape_cast %swap3A_538 : vector<1x16xf32> to vector<16xf32>
        %swap3A_540 = vector.shape_cast %max3A_535 : vector<16xf32> to vector<1x16xf32>
        tpu.vector_store %arg18[%swap3A_536, %swap3A_537], %swap3A_540 {strides = array<i32>} : memref<100x64xf32, #tpu.memory_space<vmem>>, vector<1x16xf32>,
        %mul3A_541 = arith.constant 4 : i32
        %mul3A_542 = arith.muli %scan3A_340, %mul3A_541 : i32
        %add3A_543 = arith.constant 2 : i32
        %add3A_544 = arith.addi %mul3A_542, %add3A_543 : i32
        %get3A_545 = arith.index_cast %add3A_544 : i32 to index
        %get3A_546 = arith.constant 0 : index
        %get3A_547 = tpu.vector_load %arg18[%get3A_545, %get3A_546] {strides = array<i32>} : memref<100x64xf32, #tpu.memory_space<vmem>>, vector<1x16xf32>,
        %get3A_548 = vector.shape_cast %get3A_547 : vector<1x16xf32> to vector<16xf32>
        %get3A_549 = arith.index_cast %add3A_544 : i32 to index
        %get3A_550 = arith.constant 16 : index
        %get3A_551 = tpu.vector_load %arg18[%get3A_549, %get3A_550] {strides = array<i32>} : memref<100x64xf32, #tpu.memory_space<vmem>>, vector<1x16xf32>,
        %get3A_552 = vector.shape_cast %get3A_551 : vector<1x16xf32> to vector<16xf32>
        %get3A_553 = arith.index_cast %add3A_544 : i32 to index
        %get3A_554 = arith.constant 32 : index
        %get3A_555 = tpu.vector_load %arg18[%get3A_553, %get3A_554] {strides = array<i32>} : memref<100x64xf32, #tpu.memory_space<vmem>>, vector<1x16xf32>,
        %get3A_556 = vector.shape_cast %get3A_555 : vector<1x16xf32> to vector<16xf32>
        %get3A_557 = arith.index_cast %add3A_544 : i32 to index
        %get3A_558 = arith.constant 48 : index
        %get3A_559 = tpu.vector_load %arg18[%get3A_557, %get3A_558] {strides = array<i32>} : memref<100x64xf32, #tpu.memory_space<vmem>>, vector<1x16xf32>,
        %get3A_560 = vector.shape_cast %get3A_559 : vector<1x16xf32> to vector<16xf32>
        %broadcast_in_dim3A_561 = arith.constant 8 : i32
        %broadcast_in_dim3A_562 = vector.broadcast %broadcast_in_dim3A_561 : i32 to vector<16x1xi32>
        %gather3A_563 = vector.shape_cast %broadcast_in_dim3A_562 : vector<16x1xi32> to vector<16xi32>
        %gather3A_564 = tpu.dynamic_gather %get3A_344[%gather3A_563] in [0] : vector<16xf32>, vector<16xi32> -> vector<16xf32>
        %mul3A_565 = arith.mulf %gather3A_564, %get3A_49 : vector<16xf32>
        %add3A_566 = arith.addf %get3A_548, %mul3A_565 : vector<16xf32>
        %mul3A_567 = arith.mulf %gather3A_564, %get3A_54 : vector<16xf32>
        %add3A_568 = arith.addf %get3A_552, %mul3A_567 : vector<16xf32>
        %mul3A_569 = arith.mulf %gather3A_564, %get3A_59 : vector<16xf32>
        %add3A_570 = arith.addf %get3A_556, %mul3A_569 : vector<16xf32>
        %mul3A_571 = arith.mulf %gather3A_564, %get3A_64 : vector<16xf32>
        %add3A_572 = arith.addf %get3A_560, %mul3A_571 : vector<16xf32>
        %broadcast_in_dim3A_573 = arith.constant 9 : i32
        %broadcast_in_dim3A_574 = vector.broadcast %broadcast_in_dim3A_573 : i32 to vector<16x1xi32>
        %gather3A_575 = vector.shape_cast %broadcast_in_dim3A_574 : vector<16x1xi32> to vector<16xi32>
        %gather3A_576 = tpu.dynamic_gather %get3A_344[%gather3A_575] in [0] : vector<16xf32>, vector<16xi32> -> vector<16xf32>
        %mul3A_577 = arith.mulf %gather3A_576, %get3A_69 : vector<16xf32>
        %add3A_578 = arith.addf %add3A_566, %mul3A_577 : vector<16xf32>
        %mul3A_579 = arith.mulf %gather3A_576, %get3A_74 : vector<16xf32>
        %add3A_580 = arith.addf %add3A_568, %mul3A_579 : vector<16xf32>
        %mul3A_581 = arith.mulf %gather3A_576, %get3A_79 : vector<16xf32>
        %add3A_582 = arith.addf %add3A_570, %mul3A_581 : vector<16xf32>
        %mul3A_583 = arith.mulf %gather3A_576, %get3A_84 : vector<16xf32>
        %add3A_584 = arith.addf %add3A_572, %mul3A_583 : vector<16xf32>
        %broadcast_in_dim3A_585 = arith.constant 10 : i32
        %broadcast_in_dim3A_586 = vector.broadcast %broadcast_in_dim3A_585 : i32 to vector<16x1xi32>
        %gather3A_587 = vector.shape_cast %broadcast_in_dim3A_586 : vector<16x1xi32> to vector<16xi32>
        %gather3A_588 = tpu.dynamic_gather %get3A_344[%gather3A_587] in [0] : vector<16xf32>, vector<16xi32> -> vector<16xf32>
        %mul3A_589 = arith.mulf %gather3A_588, %get3A_89 : vector<16xf32>
        %add3A_590 = arith.addf %add3A_578, %mul3A_589 : vector<16xf32>
        %mul3A_591 = arith.mulf %gather3A_588, %get3A_94 : vector<16xf32>
        %add3A_592 = arith.addf %add3A_580, %mul3A_591 : vector<16xf32>
        %mul3A_593 = arith.mulf %gather3A_588, %get3A_99 : vector<16xf32>
        %add3A_594 = arith.addf %add3A_582, %mul3A_593 : vector<16xf32>
        %mul3A_595 = arith.mulf %gather3A_588, %get3A_104 : vector<16xf32>
        %add3A_596 = arith.addf %add3A_584, %mul3A_595 : vector<16xf32>
        %broadcast_in_dim3A_597 = arith.constant 11 : i32
        %broadcast_in_dim3A_598 = vector.broadcast %broadcast_in_dim3A_597 : i32 to vector<16x1xi32>
        %gather3A_599 = vector.shape_cast %broadcast_in_dim3A_598 : vector<16x1xi32> to vector<16xi32>
        %gather3A_600 = tpu.dynamic_gather %get3A_344[%gather3A_599] in [0] : vector<16xf32>, vector<16xi32> -> vector<16xf32>
        %mul3A_601 = arith.mulf %gather3A_600, %get3A_109 : vector<16xf32>
        %add3A_602 = arith.addf %add3A_590, %mul3A_601 : vector<16xf32>
        %mul3A_603 = arith.mulf %gather3A_600, %get3A_114 : vector<16xf32>
        %add3A_604 = arith.addf %add3A_592, %mul3A_603 : vector<16xf32>
        %mul3A_605 = arith.mulf %gather3A_600, %get3A_119 : vector<16xf32>
        %add3A_606 = arith.addf %add3A_594, %mul3A_605 : vector<16xf32>
        %mul3A_607 = arith.mulf %gather3A_600, %get3A_124 : vector<16xf32>
        %add3A_608 = arith.addf %add3A_596, %mul3A_607 : vector<16xf32>
        %max3A_609 = arith.constant 0.000000e+00 : f32
        %max3A_610 = vector.broadcast %max3A_609 : f32 to vector<16xf32>
        %max3A_611 = arith.maximumf %add3A_602, %max3A_610 : vector<16xf32>
        %swap3A_612 = arith.index_cast %add3A_544 : i32 to index
        %swap3A_613 = arith.constant 0 : index
        %swap3A_614 = tpu.vector_load %arg18[%swap3A_612, %swap3A_613] {strides = array<i32>} : memref<100x64xf32, #tpu.memory_space<vmem>>, vector<1x16xf32>,
        %swap3A_615 = vector.shape_cast %swap3A_614 : vector<1x16xf32> to vector<16xf32>
        %swap3A_616 = vector.shape_cast %max3A_611 : vector<16xf32> to vector<1x16xf32>
        tpu.vector_store %arg18[%swap3A_612, %swap3A_613], %swap3A_616 {strides = array<i32>} : memref<100x64xf32, #tpu.memory_space<vmem>>, vector<1x16xf32>,
        %max3A_617 = arith.constant 0.000000e+00 : f32
        %max3A_618 = vector.broadcast %max3A_617 : f32 to vector<16xf32>
        %max3A_619 = arith.maximumf %add3A_604, %max3A_618 : vector<16xf32>
        %swap3A_620 = arith.index_cast %add3A_544 : i32 to index
        %swap3A_621 = arith.constant 16 : index
        %swap3A_622 = tpu.vector_load %arg18[%swap3A_620, %swap3A_621] {strides = array<i32>} : memref<100x64xf32, #tpu.memory_space<vmem>>, vector<1x16xf32>,
        %swap3A_623 = vector.shape_cast %swap3A_622 : vector<1x16xf32> to vector<16xf32>
        %swap3A_624 = vector.shape_cast %max3A_619 : vector<16xf32> to vector<1x16xf32>
        tpu.vector_store %arg18[%swap3A_620, %swap3A_621], %swap3A_624 {strides = array<i32>} : memref<100x64xf32, #tpu.memory_space<vmem>>, vector<1x16xf32>,
        %max3A_625 = arith.constant 0.000000e+00 : f32
        %max3A_626 = vector.broadcast %max3A_625 : f32 to vector<16xf32>
        %max3A_627 = arith.maximumf %add3A_606, %max3A_626 : vector<16xf32>
        %swap3A_628 = arith.index_cast %add3A_544 : i32 to index
        %swap3A_629 = arith.constant 32 : index
        %swap3A_630 = tpu.vector_load %arg18[%swap3A_628, %swap3A_629] {strides = array<i32>} : memref<100x64xf32, #tpu.memory_space<vmem>>, vector<1x16xf32>,
        %swap3A_631 = vector.shape_cast %swap3A_630 : vector<1x16xf32> to vector<16xf32>
        %swap3A_632 = vector.shape_cast %max3A_627 : vector<16xf32> to vector<1x16xf32>
        tpu.vector_store %arg18[%swap3A_628, %swap3A_629], %swap3A_632 {strides = array<i32>} : memref<100x64xf32, #tpu.memory_space<vmem>>, vector<1x16xf32>,
        %max3A_633 = arith.constant 0.000000e+00 : f32
        %max3A_634 = vector.broadcast %max3A_633 : f32 to vector<16xf32>
        %max3A_635 = arith.maximumf %add3A_608, %max3A_634 : vector<16xf32>
        %swap3A_636 = arith.index_cast %add3A_544 : i32 to index
        %swap3A_637 = arith.constant 48 : index
        %swap3A_638 = tpu.vector_load %arg18[%swap3A_636, %swap3A_637] {strides = array<i32>} : memref<100x64xf32, #tpu.memory_space<vmem>>, vector<1x16xf32>,
        %swap3A_639 = vector.shape_cast %swap3A_638 : vector<1x16xf32> to vector<16xf32>
        %swap3A_640 = vector.shape_cast %max3A_635 : vector<16xf32> to vector<1x16xf32>
        tpu.vector_store %arg18[%swap3A_636, %swap3A_637], %swap3A_640 {strides = array<i32>} : memref<100x64xf32, #tpu.memory_space<vmem>>, vector<1x16xf32>,
        %mul3A_641 = arith.constant 4 : i32
        %mul3A_642 = arith.muli %scan3A_340, %mul3A_641 : i32
        %add3A_643 = arith.constant 3 : i32
        %add3A_644 = arith.addi %mul3A_642, %add3A_643 : i32
        %get3A_645 = arith.index_cast %add3A_644 : i32 to index
        %get3A_646 = arith.constant 0 : index
        %get3A_647 = tpu.vector_load %arg18[%get3A_645, %get3A_646] {strides = array<i32>} : memref<100x64xf32, #tpu.memory_space<vmem>>, vector<1x16xf32>,
        %get3A_648 = vector.shape_cast %get3A_647 : vector<1x16xf32> to vector<16xf32>
        %get3A_649 = arith.index_cast %add3A_644 : i32 to index
        %get3A_650 = arith.constant 16 : index
        %get3A_651 = tpu.vector_load %arg18[%get3A_649, %get3A_650] {strides = array<i32>} : memref<100x64xf32, #tpu.memory_space<vmem>>, vector<1x16xf32>,
        %get3A_652 = vector.shape_cast %get3A_651 : vector<1x16xf32> to vector<16xf32>
        %get3A_653 = arith.index_cast %add3A_644 : i32 to index
        %get3A_654 = arith.constant 32 : index
        %get3A_655 = tpu.vector_load %arg18[%get3A_653, %get3A_654] {strides = array<i32>} : memref<100x64xf32, #tpu.memory_space<vmem>>, vector<1x16xf32>,
        %get3A_656 = vector.shape_cast %get3A_655 : vector<1x16xf32> to vector<16xf32>
        %get3A_657 = arith.index_cast %add3A_644 : i32 to index
        %get3A_658 = arith.constant 48 : index
        %get3A_659 = tpu.vector_load %arg18[%get3A_657, %get3A_658] {strides = array<i32>} : memref<100x64xf32, #tpu.memory_space<vmem>>, vector<1x16xf32>,
        %get3A_660 = vector.shape_cast %get3A_659 : vector<1x16xf32> to vector<16xf32>
        %broadcast_in_dim3A_661 = arith.constant 12 : i32
        %broadcast_in_dim3A_662 = vector.broadcast %broadcast_in_dim3A_661 : i32 to vector<16x1xi32>
        %gather3A_663 = vector.shape_cast %broadcast_in_dim3A_662 : vector<16x1xi32> to vector<16xi32>
        %gather3A_664 = tpu.dynamic_gather %get3A_344[%gather3A_663] in [0] : vector<16xf32>, vector<16xi32> -> vector<16xf32>
        %mul3A_665 = arith.mulf %gather3A_664, %get3A_49 : vector<16xf32>
        %add3A_666 = arith.addf %get3A_648, %mul3A_665 : vector<16xf32>
        %mul3A_667 = arith.mulf %gather3A_664, %get3A_54 : vector<16xf32>
        %add3A_668 = arith.addf %get3A_652, %mul3A_667 : vector<16xf32>
        %mul3A_669 = arith.mulf %gather3A_664, %get3A_59 : vector<16xf32>
        %add3A_670 = arith.addf %get3A_656, %mul3A_669 : vector<16xf32>
        %mul3A_671 = arith.mulf %gather3A_664, %get3A_64 : vector<16xf32>
        %add3A_672 = arith.addf %get3A_660, %mul3A_671 : vector<16xf32>
        %broadcast_in_dim3A_673 = arith.constant 13 : i32
        %broadcast_in_dim3A_674 = vector.broadcast %broadcast_in_dim3A_673 : i32 to vector<16x1xi32>
        %gather3A_675 = vector.shape_cast %broadcast_in_dim3A_674 : vector<16x1xi32> to vector<16xi32>
        %gather3A_676 = tpu.dynamic_gather %get3A_344[%gather3A_675] in [0] : vector<16xf32>, vector<16xi32> -> vector<16xf32>
        %mul3A_677 = arith.mulf %gather3A_676, %get3A_69 : vector<16xf32>
        %add3A_678 = arith.addf %add3A_666, %mul3A_677 : vector<16xf32>
        %mul3A_679 = arith.mulf %gather3A_676, %get3A_74 : vector<16xf32>
        %add3A_680 = arith.addf %add3A_668, %mul3A_679 : vector<16xf32>
        %mul3A_681 = arith.mulf %gather3A_676, %get3A_79 : vector<16xf32>
        %add3A_682 = arith.addf %add3A_670, %mul3A_681 : vector<16xf32>
        %mul3A_683 = arith.mulf %gather3A_676, %get3A_84 : vector<16xf32>
        %add3A_684 = arith.addf %add3A_672, %mul3A_683 : vector<16xf32>
        %broadcast_in_dim3A_685 = arith.constant 14 : i32
        %broadcast_in_dim3A_686 = vector.broadcast %broadcast_in_dim3A_685 : i32 to vector<16x1xi32>
        %gather3A_687 = vector.shape_cast %broadcast_in_dim3A_686 : vector<16x1xi32> to vector<16xi32>
        %gather3A_688 = tpu.dynamic_gather %get3A_344[%gather3A_687] in [0] : vector<16xf32>, vector<16xi32> -> vector<16xf32>
        %mul3A_689 = arith.mulf %gather3A_688, %get3A_89 : vector<16xf32>
        %add3A_690 = arith.addf %add3A_678, %mul3A_689 : vector<16xf32>
        %mul3A_691 = arith.mulf %gather3A_688, %get3A_94 : vector<16xf32>
        %add3A_692 = arith.addf %add3A_680, %mul3A_691 : vector<16xf32>
        %mul3A_693 = arith.mulf %gather3A_688, %get3A_99 : vector<16xf32>
        %add3A_694 = arith.addf %add3A_682, %mul3A_693 : vector<16xf32>
        %mul3A_695 = arith.mulf %gather3A_688, %get3A_104 : vector<16xf32>
        %add3A_696 = arith.addf %add3A_684, %mul3A_695 : vector<16xf32>
        %broadcast_in_dim3A_697 = arith.constant 15 : i32
        %broadcast_in_dim3A_698 = vector.broadcast %broadcast_in_dim3A_697 : i32 to vector<16x1xi32>
        %gather3A_699 = vector.shape_cast %broadcast_in_dim3A_698 : vector<16x1xi32> to vector<16xi32>
        %gather3A_700 = tpu.dynamic_gather %get3A_344[%gather3A_699] in [0] : vector<16xf32>, vector<16xi32> -> vector<16xf32>
        %mul3A_701 = arith.mulf %gather3A_700, %get3A_109 : vector<16xf32>
        %add3A_702 = arith.addf %add3A_690, %mul3A_701 : vector<16xf32>
        %mul3A_703 = arith.mulf %gather3A_700, %get3A_114 : vector<16xf32>
        %add3A_704 = arith.addf %add3A_692, %mul3A_703 : vector<16xf32>
        %mul3A_705 = arith.mulf %gather3A_700, %get3A_119 : vector<16xf32>
        %add3A_706 = arith.addf %add3A_694, %mul3A_705 : vector<16xf32>
        %mul3A_707 = arith.mulf %gather3A_700, %get3A_124 : vector<16xf32>
        %add3A_708 = arith.addf %add3A_696, %mul3A_707 : vector<16xf32>
        %max3A_709 = arith.constant 0.000000e+00 : f32
        %max3A_710 = vector.broadcast %max3A_709 : f32 to vector<16xf32>
        %max3A_711 = arith.maximumf %add3A_702, %max3A_710 : vector<16xf32>
        %swap3A_712 = arith.index_cast %add3A_644 : i32 to index
        %swap3A_713 = arith.constant 0 : index
        %swap3A_714 = tpu.vector_load %arg18[%swap3A_712, %swap3A_713] {strides = array<i32>} : memref<100x64xf32, #tpu.memory_space<vmem>>, vector<1x16xf32>,
        %swap3A_715 = vector.shape_cast %swap3A_714 : vector<1x16xf32> to vector<16xf32>
        %swap3A_716 = vector.shape_cast %max3A_711 : vector<16xf32> to vector<1x16xf32>
        tpu.vector_store %arg18[%swap3A_712, %swap3A_713], %swap3A_716 {strides = array<i32>} : memref<100x64xf32, #tpu.memory_space<vmem>>, vector<1x16xf32>,
        %max3A_717 = arith.constant 0.000000e+00 : f32
        %max3A_718 = vector.broadcast %max3A_717 : f32 to vector<16xf32>
        %max3A_719 = arith.maximumf %add3A_704, %max3A_718 : vector<16xf32>
        %swap3A_720 = arith.index_cast %add3A_644 : i32 to index
        %swap3A_721 = arith.constant 16 : index
        %swap3A_722 = tpu.vector_load %arg18[%swap3A_720, %swap3A_721] {strides = array<i32>} : memref<100x64xf32, #tpu.memory_space<vmem>>, vector<1x16xf32>,
        %swap3A_723 = vector.shape_cast %swap3A_722 : vector<1x16xf32> to vector<16xf32>
        %swap3A_724 = vector.shape_cast %max3A_719 : vector<16xf32> to vector<1x16xf32>
        tpu.vector_store %arg18[%swap3A_720, %swap3A_721], %swap3A_724 {strides = array<i32>} : memref<100x64xf32, #tpu.memory_space<vmem>>, vector<1x16xf32>,
        %max3A_725 = arith.constant 0.000000e+00 : f32
        %max3A_726 = vector.broadcast %max3A_725 : f32 to vector<16xf32>
        %max3A_727 = arith.maximumf %add3A_706, %max3A_726 : vector<16xf32>
        %swap3A_728 = arith.index_cast %add3A_644 : i32 to index
        %swap3A_729 = arith.constant 32 : index
        %swap3A_730 = tpu.vector_load %arg18[%swap3A_728, %swap3A_729] {strides = array<i32>} : memref<100x64xf32, #tpu.memory_space<vmem>>, vector<1x16xf32>,
        %swap3A_731 = vector.shape_cast %swap3A_730 : vector<1x16xf32> to vector<16xf32>
        %swap3A_732 = vector.shape_cast %max3A_727 : vector<16xf32> to vector<1x16xf32>
        tpu.vector_store %arg18[%swap3A_728, %swap3A_729], %swap3A_732 {strides = array<i32>} : memref<100x64xf32, #tpu.memory_space<vmem>>, vector<1x16xf32>,
        %max3A_733 = arith.constant 0.000000e+00 : f32
        %max3A_734 = vector.broadcast %max3A_733 : f32 to vector<16xf32>
        %max3A_735 = arith.maximumf %add3A_708, %max3A_734 : vector<16xf32>
        %swap3A_736 = arith.index_cast %add3A_644 : i32 to index
        %swap3A_737 = arith.constant 48 : index
        %swap3A_738 = tpu.vector_load %arg18[%swap3A_736, %swap3A_737] {strides = array<i32>} : memref<100x64xf32, #tpu.memory_space<vmem>>, vector<1x16xf32>,
        %swap3A_739 = vector.shape_cast %swap3A_738 : vector<1x16xf32> to vector<16xf32>
        %swap3A_740 = vector.shape_cast %max3A_735 : vector<16xf32> to vector<1x16xf32>
        tpu.vector_store %arg18[%swap3A_736, %swap3A_737], %swap3A_740 {strides = array<i32>} : memref<100x64xf32, #tpu.memory_space<vmem>>, vector<1x16xf32>,
      }
      %scan3A_296 = arith.constant 25 : i32
      %dma_start3A_297 = arith.constant 0 : i32
      %dma_start3A_298 = tpu.memref_slice %arg9[%add3A_269, %dma_start3A_297] : memref<100x100xi32, #tpu.memory_space<vmem>> -> memref<1x100xi32, #tpu.memory_space<vmem>>
      %dma_start3A_299 = tpu.memref_squeeze %dma_start3A_298 : memref<1x100xi32, #tpu.memory_space<vmem>> -> memref<100xi32, #tpu.memory_space<vmem>>
      %dma_start3A_300 = arith.constant 0 : i32
      %dma_start3A_301 = arith.constant 0 : i32
      %dma_start3A_302 = tpu.memref_slice %arg20[%dma_start3A_300, %dma_start3A_301] : memref<10240x64xf32, #tpu.memory_space<vmem_shared>> -> memref<10240x64xf32, #tpu.memory_space<vmem_shared>>
      tpu.enqueue_indirect_dma source(%arg18 : memref<100x64xf32, #tpu.memory_space<vmem>>) target(%dma_start3A_302 : memref<10240x64xf32, #tpu.memory_space<vmem_shared>>) offsets(%dma_start3A_299 : memref<100xi32, #tpu.memory_space<vmem>>) semaphore(%arg31 : memref<!tpu.dma_semaphore, #tpu.memory_space<semaphore_mem>>) {add = true}
      %mul3A_303 = arith.constant 4 : i32
      %mul3A_304 = arith.muli %mul3A_303, %scan3A_194 : i32
      %add3A_305 = arith.constant 3 : i32
      %add3A_306 = arith.addi %mul3A_304, %add3A_305 : i32
      %add3A_307 = arith.constant 2 : i32
      %add3A_308 = arith.addi %add3A_306, %add3A_307 : i32
      %lt3A_309 = arith.constant 100 : i32
      %lt3A_310 = arith.cmpi slt, %add3A_308, %lt3A_309 : i32
      %convert_element_type3A_311 = arith.extui %lt3A_310 : i1 to i32
      %cond3A_312 = arith.constant 0 : i32
      %cond3A_313 = arith.cmpi ne, %convert_element_type3A_311, %cond3A_312 : i32
      scf.if %cond3A_313 {
        %ge3A = arith.constant 2 : i32
        %ge3A_340 = arith.cmpi sge, %add3A_306, %ge3A : i32
        %convert_element_type3A_341 = arith.extui %ge3A_340 : i1 to i32
        %cond3A_342 = arith.constant 0 : i32
        %cond3A_343 = arith.cmpi ne, %convert_element_type3A_341, %cond3A_342 : i32
        scf.if %cond3A_343 {
          %sub3A = arith.constant 2 : i32
          %sub3A_360 = arith.subi %add3A_306, %sub3A : i32
          %dma_wait3A_361 = arith.constant 0 : i32
          %dma_wait3A_362 = tpu.memref_slice %arg9[%sub3A_360, %dma_wait3A_361] : memref<100x100xi32, #tpu.memory_space<vmem>> -> memref<1x100xi32, #tpu.memory_space<vmem>>
          %dma_wait3A_363 = tpu.memref_squeeze %dma_wait3A_362 : memref<1x100xi32, #tpu.memory_space<vmem>> -> memref<100xi32, #tpu.memory_space<vmem>>
          %dma_wait3A_364 = arith.constant 0 : i32
          %dma_wait3A_365 = arith.constant 0 : i32
          %dma_wait3A_366 = tpu.memref_slice %arg20[%dma_wait3A_364, %dma_wait3A_365] : memref<10240x64xf32, #tpu.memory_space<vmem_shared>> -> memref<10240x64xf32, #tpu.memory_space<vmem_shared>>
          tpu.wait_indirect_dma semaphore(%arg30 : memref<!tpu.dma_semaphore, #tpu.memory_space<semaphore_mem>>) src(%arg17 : memref<100x64xf32, #tpu.memory_space<vmem>>) dst(%dma_wait3A_366 : memref<10240x64xf32, #tpu.memory_space<vmem_shared>>)
        } else {
        }
        %add3A_344 = arith.constant 2 : i32
        %add3A_345 = arith.addi %add3A_306, %add3A_344 : i32
        %dma_start3A_346 = arith.constant 0 : i32
        %dma_start3A_347 = tpu.memref_slice %arg8[%add3A_345, %dma_start3A_346] : memref<100x100xi32, #tpu.memory_space<vmem>> -> memref<1x100xi32, #tpu.memory_space<vmem>>
        %dma_start3A_348 = tpu.memref_squeeze %dma_start3A_347 : memref<1x100xi32, #tpu.memory_space<vmem>> -> memref<100xi32, #tpu.memory_space<vmem>>
        %dma_start3A_349 = arith.constant 0 : i32
        %dma_start3A_350 = arith.constant 0 : i32
        %dma_start3A_351 = tpu.memref_slice %arg2[%dma_start3A_349, %dma_start3A_350] : memref<10000x64xf32, #tpu.memory_space<hbm>> -> memref<10000x64xf32, #tpu.memory_space<hbm>>
        tpu.enqueue_indirect_dma source(%dma_start3A_351 : memref<10000x64xf32, #tpu.memory_space<hbm>>) target(%arg17 : memref<100x64xf32, #tpu.memory_space<vmem>>) offsets(%dma_start3A_348 : memref<100xi32, #tpu.memory_space<vmem>>) semaphore(%arg22 : memref<!tpu.dma_semaphore, #tpu.memory_space<semaphore_mem>>)
        %dma_start3A_352 = arith.constant 0 : i32
        %dma_start3A_353 = arith.constant 0 : i32
        %dma_start3A_354 = tpu.memref_slice %arg3[%add3A, %add3A_345, %dma_start3A_352, %dma_start3A_353] : memref<32x100x25x16xf32, #tpu.memory_space<hbm>> -> memref<1x1x25x16xf32, #tpu.memory_space<hbm>>
        %dma_start3A_355 = tpu.memref_squeeze %dma_start3A_354 : memref<1x1x25x16xf32, #tpu.memory_space<hbm>> -> memref<25x16xf32, #tpu.memory_space<hbm>>
        %dma_start3A_356 = arith.constant 0 : i32
        %dma_start3A_357 = arith.constant 0 : i32
        %dma_start3A_358 = tpu.memref_slice %arg3[%add3A, %add3A_345, %dma_start3A_356, %dma_start3A_357] : memref<32x100x25x16xf32, #tpu.memory_space<hbm>> -> memref<1x1x25x16xf32, #tpu.memory_space<hbm>>
        %dma_start3A_359 = tpu.memref_squeeze %dma_start3A_358 : memref<1x1x25x16xf32, #tpu.memory_space<hbm>> -> memref<25x16xf32, #tpu.memory_space<hbm>>
        tpu.enqueue_dma source(%dma_start3A_359 : memref<25x16xf32, #tpu.memory_space<hbm>>) target(%arg11 : memref<25x16xf32, #tpu.memory_space<vmem>>) target_semaphore(%arg26 : memref<!tpu.dma_semaphore, #tpu.memory_space<semaphore_mem>>)
      } else {
      }
      %dma_wait3A_314 = arith.constant 0 : i32
      %dma_wait3A_315 = tpu.memref_slice %arg8[%add3A_306, %dma_wait3A_314] : memref<100x100xi32, #tpu.memory_space<vmem>> -> memref<1x100xi32, #tpu.memory_space<vmem>>
      %dma_wait3A_316 = tpu.memref_squeeze %dma_wait3A_315 : memref<1x100xi32, #tpu.memory_space<vmem>> -> memref<100xi32, #tpu.memory_space<vmem>>
      %dma_wait3A_317 = arith.constant 0 : i32
      %dma_wait3A_318 = arith.constant 0 : i32
      %dma_wait3A_319 = tpu.memref_slice %arg2[%dma_wait3A_317, %dma_wait3A_318] : memref<10000x64xf32, #tpu.memory_space<hbm>> -> memref<10000x64xf32, #tpu.memory_space<hbm>>
      tpu.wait_indirect_dma semaphore(%arg24 : memref<!tpu.dma_semaphore, #tpu.memory_space<semaphore_mem>>) src(%dma_wait3A_319 : memref<10000x64xf32, #tpu.memory_space<hbm>>) dst(%arg19 : memref<100x64xf32, #tpu.memory_space<vmem>>)
      %dma_wait3A_320 = arith.constant 0 : i32
      %dma_wait3A_321 = arith.constant 0 : i32
      %dma_wait3A_322 = tpu.memref_slice %arg3[%add3A, %add3A_306, %dma_wait3A_320, %dma_wait3A_321] : memref<32x100x25x16xf32, #tpu.memory_space<hbm>> -> memref<1x1x25x16xf32, #tpu.memory_space<hbm>>
      %dma_wait3A_323 = tpu.memref_squeeze %dma_wait3A_322 : memref<1x1x25x16xf32, #tpu.memory_space<hbm>> -> memref<25x16xf32, #tpu.memory_space<hbm>>
      %dma_wait3A_324 = arith.constant 0 : i32
      %dma_wait3A_325 = arith.constant 0 : i32
      %dma_wait3A_326 = tpu.memref_slice %arg3[%add3A, %add3A_306, %dma_wait3A_324, %dma_wait3A_325] : memref<32x100x25x16xf32, #tpu.memory_space<hbm>> -> memref<1x1x25x16xf32, #tpu.memory_space<hbm>>
      %dma_wait3A_327 = tpu.memref_squeeze %dma_wait3A_326 : memref<1x1x25x16xf32, #tpu.memory_space<hbm>> -> memref<25x16xf32, #tpu.memory_space<hbm>>
      tpu.wait_dma2 semaphore(%arg28 : memref<!tpu.dma_semaphore, #tpu.memory_space<semaphore_mem>>) src(%dma_wait3A_327 : memref<25x16xf32, #tpu.memory_space<hbm>>) dst(%arg13 : memref<25x16xf32, #tpu.memory_space<vmem>>)
      %scan3A_328 = arith.constant 0 : i32
      %scan3A_329 = arith.constant 0 : i32
      %scan3A_330 = arith.constant 25 : i32
      %scan3A_331 = arith.addi %scan3A_329, %scan3A_330 : i32
      %scan3A_332 = arith.constant 1 : i32
      scf.for %scan3A_340 = %scan3A_329 to %scan3A_331 step %scan3A_332  : i32 {
        %get3A_341 = arith.index_cast %scan3A_340 : i32 to index
        %get3A_342 = arith.constant 0 : index
        %get3A_343 = tpu.vector_load %arg13[%get3A_341, %get3A_342] {strides = array<i32>} : memref<25x16xf32, #tpu.memory_space<vmem>>, vector<1x16xf32>,
        %get3A_344 = vector.shape_cast %get3A_343 : vector<1x16xf32> to vector<16xf32>
        %mul3A_345 = arith.constant 4 : i32
        %mul3A_346 = arith.muli %scan3A_340, %mul3A_345 : i32
        %add3A_347 = arith.constant 0 : i32
        %add3A_348 = arith.addi %mul3A_346, %add3A_347 : i32
        %get3A_349 = arith.index_cast %add3A_348 : i32 to index
        %get3A_350 = arith.constant 0 : index
        %get3A_351 = tpu.vector_load %arg19[%get3A_349, %get3A_350] {strides = array<i32>} : memref<100x64xf32, #tpu.memory_space<vmem>>, vector<1x16xf32>,
        %get3A_352 = vector.shape_cast %get3A_351 : vector<1x16xf32> to vector<16xf32>
        %get3A_353 = arith.index_cast %add3A_348 : i32 to index
        %get3A_354 = arith.constant 16 : index
        %get3A_355 = tpu.vector_load %arg19[%get3A_353, %get3A_354] {strides = array<i32>} : memref<100x64xf32, #tpu.memory_space<vmem>>, vector<1x16xf32>,
        %get3A_356 = vector.shape_cast %get3A_355 : vector<1x16xf32> to vector<16xf32>
        %get3A_357 = arith.index_cast %add3A_348 : i32 to index
        %get3A_358 = arith.constant 32 : index
        %get3A_359 = tpu.vector_load %arg19[%get3A_357, %get3A_358] {strides = array<i32>} : memref<100x64xf32, #tpu.memory_space<vmem>>, vector<1x16xf32>,
        %get3A_360 = vector.shape_cast %get3A_359 : vector<1x16xf32> to vector<16xf32>
        %get3A_361 = arith.index_cast %add3A_348 : i32 to index
        %get3A_362 = arith.constant 48 : index
        %get3A_363 = tpu.vector_load %arg19[%get3A_361, %get3A_362] {strides = array<i32>} : memref<100x64xf32, #tpu.memory_space<vmem>>, vector<1x16xf32>,
        %get3A_364 = vector.shape_cast %get3A_363 : vector<1x16xf32> to vector<16xf32>
        %broadcast_in_dim3A = arith.constant 0 : i32
        %broadcast_in_dim3A_365 = vector.broadcast %broadcast_in_dim3A : i32 to vector<16x1xi32>
        %gather3A = vector.shape_cast %broadcast_in_dim3A_365 : vector<16x1xi32> to vector<16xi32>
        %gather3A_366 = tpu.dynamic_gather %get3A_344[%gather3A] in [0] : vector<16xf32>, vector<16xi32> -> vector<16xf32>
        %mul3A_367 = arith.mulf %gather3A_366, %get3A_49 : vector<16xf32>
        %add3A_368 = arith.addf %get3A_352, %mul3A_367 : vector<16xf32>
        %mul3A_369 = arith.mulf %gather3A_366, %get3A_54 : vector<16xf32>
        %add3A_370 = arith.addf %get3A_356, %mul3A_369 : vector<16xf32>
        %mul3A_371 = arith.mulf %gather3A_366, %get3A_59 : vector<16xf32>
        %add3A_372 = arith.addf %get3A_360, %mul3A_371 : vector<16xf32>
        %mul3A_373 = arith.mulf %gather3A_366, %get3A_64 : vector<16xf32>
        %add3A_374 = arith.addf %get3A_364, %mul3A_373 : vector<16xf32>
        %broadcast_in_dim3A_375 = arith.constant 1 : i32
        %broadcast_in_dim3A_376 = vector.broadcast %broadcast_in_dim3A_375 : i32 to vector<16x1xi32>
        %gather3A_377 = vector.shape_cast %broadcast_in_dim3A_376 : vector<16x1xi32> to vector<16xi32>
        %gather3A_378 = tpu.dynamic_gather %get3A_344[%gather3A_377] in [0] : vector<16xf32>, vector<16xi32> -> vector<16xf32>
        %mul3A_379 = arith.mulf %gather3A_378, %get3A_69 : vector<16xf32>
        %add3A_380 = arith.addf %add3A_368, %mul3A_379 : vector<16xf32>
        %mul3A_381 = arith.mulf %gather3A_378, %get3A_74 : vector<16xf32>
        %add3A_382 = arith.addf %add3A_370, %mul3A_381 : vector<16xf32>
        %mul3A_383 = arith.mulf %gather3A_378, %get3A_79 : vector<16xf32>
        %add3A_384 = arith.addf %add3A_372, %mul3A_383 : vector<16xf32>
        %mul3A_385 = arith.mulf %gather3A_378, %get3A_84 : vector<16xf32>
        %add3A_386 = arith.addf %add3A_374, %mul3A_385 : vector<16xf32>
        %broadcast_in_dim3A_387 = arith.constant 2 : i32
        %broadcast_in_dim3A_388 = vector.broadcast %broadcast_in_dim3A_387 : i32 to vector<16x1xi32>
        %gather3A_389 = vector.shape_cast %broadcast_in_dim3A_388 : vector<16x1xi32> to vector<16xi32>
        %gather3A_390 = tpu.dynamic_gather %get3A_344[%gather3A_389] in [0] : vector<16xf32>, vector<16xi32> -> vector<16xf32>
        %mul3A_391 = arith.mulf %gather3A_390, %get3A_89 : vector<16xf32>
        %add3A_392 = arith.addf %add3A_380, %mul3A_391 : vector<16xf32>
        %mul3A_393 = arith.mulf %gather3A_390, %get3A_94 : vector<16xf32>
        %add3A_394 = arith.addf %add3A_382, %mul3A_393 : vector<16xf32>
        %mul3A_395 = arith.mulf %gather3A_390, %get3A_99 : vector<16xf32>
        %add3A_396 = arith.addf %add3A_384, %mul3A_395 : vector<16xf32>
        %mul3A_397 = arith.mulf %gather3A_390, %get3A_104 : vector<16xf32>
        %add3A_398 = arith.addf %add3A_386, %mul3A_397 : vector<16xf32>
        %broadcast_in_dim3A_399 = arith.constant 3 : i32
        %broadcast_in_dim3A_400 = vector.broadcast %broadcast_in_dim3A_399 : i32 to vector<16x1xi32>
        %gather3A_401 = vector.shape_cast %broadcast_in_dim3A_400 : vector<16x1xi32> to vector<16xi32>
        %gather3A_402 = tpu.dynamic_gather %get3A_344[%gather3A_401] in [0] : vector<16xf32>, vector<16xi32> -> vector<16xf32>
        %mul3A_403 = arith.mulf %gather3A_402, %get3A_109 : vector<16xf32>
        %add3A_404 = arith.addf %add3A_392, %mul3A_403 : vector<16xf32>
        %mul3A_405 = arith.mulf %gather3A_402, %get3A_114 : vector<16xf32>
        %add3A_406 = arith.addf %add3A_394, %mul3A_405 : vector<16xf32>
        %mul3A_407 = arith.mulf %gather3A_402, %get3A_119 : vector<16xf32>
        %add3A_408 = arith.addf %add3A_396, %mul3A_407 : vector<16xf32>
        %mul3A_409 = arith.mulf %gather3A_402, %get3A_124 : vector<16xf32>
        %add3A_410 = arith.addf %add3A_398, %mul3A_409 : vector<16xf32>
        %max3A = arith.constant 0.000000e+00 : f32
        %max3A_411 = vector.broadcast %max3A : f32 to vector<16xf32>
        %max3A_412 = arith.maximumf %add3A_404, %max3A_411 : vector<16xf32>
        %swap3A = arith.index_cast %add3A_348 : i32 to index
        %swap3A_413 = arith.constant 0 : index
        %swap3A_414 = tpu.vector_load %arg19[%swap3A, %swap3A_413] {strides = array<i32>} : memref<100x64xf32, #tpu.memory_space<vmem>>, vector<1x16xf32>,
        %swap3A_415 = vector.shape_cast %swap3A_414 : vector<1x16xf32> to vector<16xf32>
        %swap3A_416 = vector.shape_cast %max3A_412 : vector<16xf32> to vector<1x16xf32>
        tpu.vector_store %arg19[%swap3A, %swap3A_413], %swap3A_416 {strides = array<i32>} : memref<100x64xf32, #tpu.memory_space<vmem>>, vector<1x16xf32>,
        %max3A_417 = arith.constant 0.000000e+00 : f32
        %max3A_418 = vector.broadcast %max3A_417 : f32 to vector<16xf32>
        %max3A_419 = arith.maximumf %add3A_406, %max3A_418 : vector<16xf32>
        %swap3A_420 = arith.index_cast %add3A_348 : i32 to index
        %swap3A_421 = arith.constant 16 : index
        %swap3A_422 = tpu.vector_load %arg19[%swap3A_420, %swap3A_421] {strides = array<i32>} : memref<100x64xf32, #tpu.memory_space<vmem>>, vector<1x16xf32>,
        %swap3A_423 = vector.shape_cast %swap3A_422 : vector<1x16xf32> to vector<16xf32>
        %swap3A_424 = vector.shape_cast %max3A_419 : vector<16xf32> to vector<1x16xf32>
        tpu.vector_store %arg19[%swap3A_420, %swap3A_421], %swap3A_424 {strides = array<i32>} : memref<100x64xf32, #tpu.memory_space<vmem>>, vector<1x16xf32>,
        %max3A_425 = arith.constant 0.000000e+00 : f32
        %max3A_426 = vector.broadcast %max3A_425 : f32 to vector<16xf32>
        %max3A_427 = arith.maximumf %add3A_408, %max3A_426 : vector<16xf32>
        %swap3A_428 = arith.index_cast %add3A_348 : i32 to index
        %swap3A_429 = arith.constant 32 : index
        %swap3A_430 = tpu.vector_load %arg19[%swap3A_428, %swap3A_429] {strides = array<i32>} : memref<100x64xf32, #tpu.memory_space<vmem>>, vector<1x16xf32>,
        %swap3A_431 = vector.shape_cast %swap3A_430 : vector<1x16xf32> to vector<16xf32>
        %swap3A_432 = vector.shape_cast %max3A_427 : vector<16xf32> to vector<1x16xf32>
        tpu.vector_store %arg19[%swap3A_428, %swap3A_429], %swap3A_432 {strides = array<i32>} : memref<100x64xf32, #tpu.memory_space<vmem>>, vector<1x16xf32>,
        %max3A_433 = arith.constant 0.000000e+00 : f32
        %max3A_434 = vector.broadcast %max3A_433 : f32 to vector<16xf32>
        %max3A_435 = arith.maximumf %add3A_410, %max3A_434 : vector<16xf32>
        %swap3A_436 = arith.index_cast %add3A_348 : i32 to index
        %swap3A_437 = arith.constant 48 : index
        %swap3A_438 = tpu.vector_load %arg19[%swap3A_436, %swap3A_437] {strides = array<i32>} : memref<100x64xf32, #tpu.memory_space<vmem>>, vector<1x16xf32>,
        %swap3A_439 = vector.shape_cast %swap3A_438 : vector<1x16xf32> to vector<16xf32>
        %swap3A_440 = vector.shape_cast %max3A_435 : vector<16xf32> to vector<1x16xf32>
        tpu.vector_store %arg19[%swap3A_436, %swap3A_437], %swap3A_440 {strides = array<i32>} : memref<100x64xf32, #tpu.memory_space<vmem>>, vector<1x16xf32>,
        %mul3A_441 = arith.constant 4 : i32
        %mul3A_442 = arith.muli %scan3A_340, %mul3A_441 : i32
        %add3A_443 = arith.constant 1 : i32
        %add3A_444 = arith.addi %mul3A_442, %add3A_443 : i32
        %get3A_445 = arith.index_cast %add3A_444 : i32 to index
        %get3A_446 = arith.constant 0 : index
        %get3A_447 = tpu.vector_load %arg19[%get3A_445, %get3A_446] {strides = array<i32>} : memref<100x64xf32, #tpu.memory_space<vmem>>, vector<1x16xf32>,
        %get3A_448 = vector.shape_cast %get3A_447 : vector<1x16xf32> to vector<16xf32>
        %get3A_449 = arith.index_cast %add3A_444 : i32 to index
        %get3A_450 = arith.constant 16 : index
        %get3A_451 = tpu.vector_load %arg19[%get3A_449, %get3A_450] {strides = array<i32>} : memref<100x64xf32, #tpu.memory_space<vmem>>, vector<1x16xf32>,
        %get3A_452 = vector.shape_cast %get3A_451 : vector<1x16xf32> to vector<16xf32>
        %get3A_453 = arith.index_cast %add3A_444 : i32 to index
        %get3A_454 = arith.constant 32 : index
        %get3A_455 = tpu.vector_load %arg19[%get3A_453, %get3A_454] {strides = array<i32>} : memref<100x64xf32, #tpu.memory_space<vmem>>, vector<1x16xf32>,
        %get3A_456 = vector.shape_cast %get3A_455 : vector<1x16xf32> to vector<16xf32>
        %get3A_457 = arith.index_cast %add3A_444 : i32 to index
        %get3A_458 = arith.constant 48 : index
        %get3A_459 = tpu.vector_load %arg19[%get3A_457, %get3A_458] {strides = array<i32>} : memref<100x64xf32, #tpu.memory_space<vmem>>, vector<1x16xf32>,
        %get3A_460 = vector.shape_cast %get3A_459 : vector<1x16xf32> to vector<16xf32>
        %broadcast_in_dim3A_461 = arith.constant 4 : i32
        %broadcast_in_dim3A_462 = vector.broadcast %broadcast_in_dim3A_461 : i32 to vector<16x1xi32>
        %gather3A_463 = vector.shape_cast %broadcast_in_dim3A_462 : vector<16x1xi32> to vector<16xi32>
        %gather3A_464 = tpu.dynamic_gather %get3A_344[%gather3A_463] in [0] : vector<16xf32>, vector<16xi32> -> vector<16xf32>
        %mul3A_465 = arith.mulf %gather3A_464, %get3A_49 : vector<16xf32>
        %add3A_466 = arith.addf %get3A_448, %mul3A_465 : vector<16xf32>
        %mul3A_467 = arith.mulf %gather3A_464, %get3A_54 : vector<16xf32>
        %add3A_468 = arith.addf %get3A_452, %mul3A_467 : vector<16xf32>
        %mul3A_469 = arith.mulf %gather3A_464, %get3A_59 : vector<16xf32>
        %add3A_470 = arith.addf %get3A_456, %mul3A_469 : vector<16xf32>
        %mul3A_471 = arith.mulf %gather3A_464, %get3A_64 : vector<16xf32>
        %add3A_472 = arith.addf %get3A_460, %mul3A_471 : vector<16xf32>
        %broadcast_in_dim3A_473 = arith.constant 5 : i32
        %broadcast_in_dim3A_474 = vector.broadcast %broadcast_in_dim3A_473 : i32 to vector<16x1xi32>
        %gather3A_475 = vector.shape_cast %broadcast_in_dim3A_474 : vector<16x1xi32> to vector<16xi32>
        %gather3A_476 = tpu.dynamic_gather %get3A_344[%gather3A_475] in [0] : vector<16xf32>, vector<16xi32> -> vector<16xf32>
        %mul3A_477 = arith.mulf %gather3A_476, %get3A_69 : vector<16xf32>
        %add3A_478 = arith.addf %add3A_466, %mul3A_477 : vector<16xf32>
        %mul3A_479 = arith.mulf %gather3A_476, %get3A_74 : vector<16xf32>
        %add3A_480 = arith.addf %add3A_468, %mul3A_479 : vector<16xf32>
        %mul3A_481 = arith.mulf %gather3A_476, %get3A_79 : vector<16xf32>
        %add3A_482 = arith.addf %add3A_470, %mul3A_481 : vector<16xf32>
        %mul3A_483 = arith.mulf %gather3A_476, %get3A_84 : vector<16xf32>
        %add3A_484 = arith.addf %add3A_472, %mul3A_483 : vector<16xf32>
        %broadcast_in_dim3A_485 = arith.constant 6 : i32
        %broadcast_in_dim3A_486 = vector.broadcast %broadcast_in_dim3A_485 : i32 to vector<16x1xi32>
        %gather3A_487 = vector.shape_cast %broadcast_in_dim3A_486 : vector<16x1xi32> to vector<16xi32>
        %gather3A_488 = tpu.dynamic_gather %get3A_344[%gather3A_487] in [0] : vector<16xf32>, vector<16xi32> -> vector<16xf32>
        %mul3A_489 = arith.mulf %gather3A_488, %get3A_89 : vector<16xf32>
        %add3A_490 = arith.addf %add3A_478, %mul3A_489 : vector<16xf32>
        %mul3A_491 = arith.mulf %gather3A_488, %get3A_94 : vector<16xf32>
        %add3A_492 = arith.addf %add3A_480, %mul3A_491 : vector<16xf32>
        %mul3A_493 = arith.mulf %gather3A_488, %get3A_99 : vector<16xf32>
        %add3A_494 = arith.addf %add3A_482, %mul3A_493 : vector<16xf32>
        %mul3A_495 = arith.mulf %gather3A_488, %get3A_104 : vector<16xf32>
        %add3A_496 = arith.addf %add3A_484, %mul3A_495 : vector<16xf32>
        %broadcast_in_dim3A_497 = arith.constant 7 : i32
        %broadcast_in_dim3A_498 = vector.broadcast %broadcast_in_dim3A_497 : i32 to vector<16x1xi32>
        %gather3A_499 = vector.shape_cast %broadcast_in_dim3A_498 : vector<16x1xi32> to vector<16xi32>
        %gather3A_500 = tpu.dynamic_gather %get3A_344[%gather3A_499] in [0] : vector<16xf32>, vector<16xi32> -> vector<16xf32>
        %mul3A_501 = arith.mulf %gather3A_500, %get3A_109 : vector<16xf32>
        %add3A_502 = arith.addf %add3A_490, %mul3A_501 : vector<16xf32>
        %mul3A_503 = arith.mulf %gather3A_500, %get3A_114 : vector<16xf32>
        %add3A_504 = arith.addf %add3A_492, %mul3A_503 : vector<16xf32>
        %mul3A_505 = arith.mulf %gather3A_500, %get3A_119 : vector<16xf32>
        %add3A_506 = arith.addf %add3A_494, %mul3A_505 : vector<16xf32>
        %mul3A_507 = arith.mulf %gather3A_500, %get3A_124 : vector<16xf32>
        %add3A_508 = arith.addf %add3A_496, %mul3A_507 : vector<16xf32>
        %max3A_509 = arith.constant 0.000000e+00 : f32
        %max3A_510 = vector.broadcast %max3A_509 : f32 to vector<16xf32>
        %max3A_511 = arith.maximumf %add3A_502, %max3A_510 : vector<16xf32>
        %swap3A_512 = arith.index_cast %add3A_444 : i32 to index
        %swap3A_513 = arith.constant 0 : index
        %swap3A_514 = tpu.vector_load %arg19[%swap3A_512, %swap3A_513] {strides = array<i32>} : memref<100x64xf32, #tpu.memory_space<vmem>>, vector<1x16xf32>,
        %swap3A_515 = vector.shape_cast %swap3A_514 : vector<1x16xf32> to vector<16xf32>
        %swap3A_516 = vector.shape_cast %max3A_511 : vector<16xf32> to vector<1x16xf32>
        tpu.vector_store %arg19[%swap3A_512, %swap3A_513], %swap3A_516 {strides = array<i32>} : memref<100x64xf32, #tpu.memory_space<vmem>>, vector<1x16xf32>,
        %max3A_517 = arith.constant 0.000000e+00 : f32
        %max3A_518 = vector.broadcast %max3A_517 : f32 to vector<16xf32>
        %max3A_519 = arith.maximumf %add3A_504, %max3A_518 : vector<16xf32>
        %swap3A_520 = arith.index_cast %add3A_444 : i32 to index
        %swap3A_521 = arith.constant 16 : index
        %swap3A_522 = tpu.vector_load %arg19[%swap3A_520, %swap3A_521] {strides = array<i32>} : memref<100x64xf32, #tpu.memory_space<vmem>>, vector<1x16xf32>,
        %swap3A_523 = vector.shape_cast %swap3A_522 : vector<1x16xf32> to vector<16xf32>
        %swap3A_524 = vector.shape_cast %max3A_519 : vector<16xf32> to vector<1x16xf32>
        tpu.vector_store %arg19[%swap3A_520, %swap3A_521], %swap3A_524 {strides = array<i32>} : memref<100x64xf32, #tpu.memory_space<vmem>>, vector<1x16xf32>,
        %max3A_525 = arith.constant 0.000000e+00 : f32
        %max3A_526 = vector.broadcast %max3A_525 : f32 to vector<16xf32>
        %max3A_527 = arith.maximumf %add3A_506, %max3A_526 : vector<16xf32>
        %swap3A_528 = arith.index_cast %add3A_444 : i32 to index
        %swap3A_529 = arith.constant 32 : index
        %swap3A_530 = tpu.vector_load %arg19[%swap3A_528, %swap3A_529] {strides = array<i32>} : memref<100x64xf32, #tpu.memory_space<vmem>>, vector<1x16xf32>,
        %swap3A_531 = vector.shape_cast %swap3A_530 : vector<1x16xf32> to vector<16xf32>
        %swap3A_532 = vector.shape_cast %max3A_527 : vector<16xf32> to vector<1x16xf32>
        tpu.vector_store %arg19[%swap3A_528, %swap3A_529], %swap3A_532 {strides = array<i32>} : memref<100x64xf32, #tpu.memory_space<vmem>>, vector<1x16xf32>,
        %max3A_533 = arith.constant 0.000000e+00 : f32
        %max3A_534 = vector.broadcast %max3A_533 : f32 to vector<16xf32>
        %max3A_535 = arith.maximumf %add3A_508, %max3A_534 : vector<16xf32>
        %swap3A_536 = arith.index_cast %add3A_444 : i32 to index
        %swap3A_537 = arith.constant 48 : index
        %swap3A_538 = tpu.vector_load %arg19[%swap3A_536, %swap3A_537] {strides = array<i32>} : memref<100x64xf32, #tpu.memory_space<vmem>>, vector<1x16xf32>,
        %swap3A_539 = vector.shape_cast %swap3A_538 : vector<1x16xf32> to vector<16xf32>
        %swap3A_540 = vector.shape_cast %max3A_535 : vector<16xf32> to vector<1x16xf32>
        tpu.vector_store %arg19[%swap3A_536, %swap3A_537], %swap3A_540 {strides = array<i32>} : memref<100x64xf32, #tpu.memory_space<vmem>>, vector<1x16xf32>,
        %mul3A_541 = arith.constant 4 : i32
        %mul3A_542 = arith.muli %scan3A_340, %mul3A_541 : i32
        %add3A_543 = arith.constant 2 : i32
        %add3A_544 = arith.addi %mul3A_542, %add3A_543 : i32
        %get3A_545 = arith.index_cast %add3A_544 : i32 to index
        %get3A_546 = arith.constant 0 : index
        %get3A_547 = tpu.vector_load %arg19[%get3A_545, %get3A_546] {strides = array<i32>} : memref<100x64xf32, #tpu.memory_space<vmem>>, vector<1x16xf32>,
        %get3A_548 = vector.shape_cast %get3A_547 : vector<1x16xf32> to vector<16xf32>
        %get3A_549 = arith.index_cast %add3A_544 : i32 to index
        %get3A_550 = arith.constant 16 : index
        %get3A_551 = tpu.vector_load %arg19[%get3A_549, %get3A_550] {strides = array<i32>} : memref<100x64xf32, #tpu.memory_space<vmem>>, vector<1x16xf32>,
        %get3A_552 = vector.shape_cast %get3A_551 : vector<1x16xf32> to vector<16xf32>
        %get3A_553 = arith.index_cast %add3A_544 : i32 to index
        %get3A_554 = arith.constant 32 : index
        %get3A_555 = tpu.vector_load %arg19[%get3A_553, %get3A_554] {strides = array<i32>} : memref<100x64xf32, #tpu.memory_space<vmem>>, vector<1x16xf32>,
        %get3A_556 = vector.shape_cast %get3A_555 : vector<1x16xf32> to vector<16xf32>
        %get3A_557 = arith.index_cast %add3A_544 : i32 to index
        %get3A_558 = arith.constant 48 : index
        %get3A_559 = tpu.vector_load %arg19[%get3A_557, %get3A_558] {strides = array<i32>} : memref<100x64xf32, #tpu.memory_space<vmem>>, vector<1x16xf32>,
        %get3A_560 = vector.shape_cast %get3A_559 : vector<1x16xf32> to vector<16xf32>
        %broadcast_in_dim3A_561 = arith.constant 8 : i32
        %broadcast_in_dim3A_562 = vector.broadcast %broadcast_in_dim3A_561 : i32 to vector<16x1xi32>
        %gather3A_563 = vector.shape_cast %broadcast_in_dim3A_562 : vector<16x1xi32> to vector<16xi32>
        %gather3A_564 = tpu.dynamic_gather %get3A_344[%gather3A_563] in [0] : vector<16xf32>, vector<16xi32> -> vector<16xf32>
        %mul3A_565 = arith.mulf %gather3A_564, %get3A_49 : vector<16xf32>
        %add3A_566 = arith.addf %get3A_548, %mul3A_565 : vector<16xf32>
        %mul3A_567 = arith.mulf %gather3A_564, %get3A_54 : vector<16xf32>
        %add3A_568 = arith.addf %get3A_552, %mul3A_567 : vector<16xf32>
        %mul3A_569 = arith.mulf %gather3A_564, %get3A_59 : vector<16xf32>
        %add3A_570 = arith.addf %get3A_556, %mul3A_569 : vector<16xf32>
        %mul3A_571 = arith.mulf %gather3A_564, %get3A_64 : vector<16xf32>
        %add3A_572 = arith.addf %get3A_560, %mul3A_571 : vector<16xf32>
        %broadcast_in_dim3A_573 = arith.constant 9 : i32
        %broadcast_in_dim3A_574 = vector.broadcast %broadcast_in_dim3A_573 : i32 to vector<16x1xi32>
        %gather3A_575 = vector.shape_cast %broadcast_in_dim3A_574 : vector<16x1xi32> to vector<16xi32>
        %gather3A_576 = tpu.dynamic_gather %get3A_344[%gather3A_575] in [0] : vector<16xf32>, vector<16xi32> -> vector<16xf32>
        %mul3A_577 = arith.mulf %gather3A_576, %get3A_69 : vector<16xf32>
        %add3A_578 = arith.addf %add3A_566, %mul3A_577 : vector<16xf32>
        %mul3A_579 = arith.mulf %gather3A_576, %get3A_74 : vector<16xf32>
        %add3A_580 = arith.addf %add3A_568, %mul3A_579 : vector<16xf32>
        %mul3A_581 = arith.mulf %gather3A_576, %get3A_79 : vector<16xf32>
        %add3A_582 = arith.addf %add3A_570, %mul3A_581 : vector<16xf32>
        %mul3A_583 = arith.mulf %gather3A_576, %get3A_84 : vector<16xf32>
        %add3A_584 = arith.addf %add3A_572, %mul3A_583 : vector<16xf32>
        %broadcast_in_dim3A_585 = arith.constant 10 : i32
        %broadcast_in_dim3A_586 = vector.broadcast %broadcast_in_dim3A_585 : i32 to vector<16x1xi32>
        %gather3A_587 = vector.shape_cast %broadcast_in_dim3A_586 : vector<16x1xi32> to vector<16xi32>
        %gather3A_588 = tpu.dynamic_gather %get3A_344[%gather3A_587] in [0] : vector<16xf32>, vector<16xi32> -> vector<16xf32>
        %mul3A_589 = arith.mulf %gather3A_588, %get3A_89 : vector<16xf32>
        %add3A_590 = arith.addf %add3A_578, %mul3A_589 : vector<16xf32>
        %mul3A_591 = arith.mulf %gather3A_588, %get3A_94 : vector<16xf32>
        %add3A_592 = arith.addf %add3A_580, %mul3A_591 : vector<16xf32>
        %mul3A_593 = arith.mulf %gather3A_588, %get3A_99 : vector<16xf32>
        %add3A_594 = arith.addf %add3A_582, %mul3A_593 : vector<16xf32>
        %mul3A_595 = arith.mulf %gather3A_588, %get3A_104 : vector<16xf32>
        %add3A_596 = arith.addf %add3A_584, %mul3A_595 : vector<16xf32>
        %broadcast_in_dim3A_597 = arith.constant 11 : i32
        %broadcast_in_dim3A_598 = vector.broadcast %broadcast_in_dim3A_597 : i32 to vector<16x1xi32>
        %gather3A_599 = vector.shape_cast %broadcast_in_dim3A_598 : vector<16x1xi32> to vector<16xi32>
        %gather3A_600 = tpu.dynamic_gather %get3A_344[%gather3A_599] in [0] : vector<16xf32>, vector<16xi32> -> vector<16xf32>
        %mul3A_601 = arith.mulf %gather3A_600, %get3A_109 : vector<16xf32>
        %add3A_602 = arith.addf %add3A_590, %mul3A_601 : vector<16xf32>
        %mul3A_603 = arith.mulf %gather3A_600, %get3A_114 : vector<16xf32>
        %add3A_604 = arith.addf %add3A_592, %mul3A_603 : vector<16xf32>
        %mul3A_605 = arith.mulf %gather3A_600, %get3A_119 : vector<16xf32>
        %add3A_606 = arith.addf %add3A_594, %mul3A_605 : vector<16xf32>
        %mul3A_607 = arith.mulf %gather3A_600, %get3A_124 : vector<16xf32>
        %add3A_608 = arith.addf %add3A_596, %mul3A_607 : vector<16xf32>
        %max3A_609 = arith.constant 0.000000e+00 : f32
        %max3A_610 = vector.broadcast %max3A_609 : f32 to vector<16xf32>
        %max3A_611 = arith.maximumf %add3A_602, %max3A_610 : vector<16xf32>
        %swap3A_612 = arith.index_cast %add3A_544 : i32 to index
        %swap3A_613 = arith.constant 0 : index
        %swap3A_614 = tpu.vector_load %arg19[%swap3A_612, %swap3A_613] {strides = array<i32>} : memref<100x64xf32, #tpu.memory_space<vmem>>, vector<1x16xf32>,
        %swap3A_615 = vector.shape_cast %swap3A_614 : vector<1x16xf32> to vector<16xf32>
        %swap3A_616 = vector.shape_cast %max3A_611 : vector<16xf32> to vector<1x16xf32>
        tpu.vector_store %arg19[%swap3A_612, %swap3A_613], %swap3A_616 {strides = array<i32>} : memref<100x64xf32, #tpu.memory_space<vmem>>, vector<1x16xf32>,
        %max3A_617 = arith.constant 0.000000e+00 : f32
        %max3A_618 = vector.broadcast %max3A_617 : f32 to vector<16xf32>
        %max3A_619 = arith.maximumf %add3A_604, %max3A_618 : vector<16xf32>
        %swap3A_620 = arith.index_cast %add3A_544 : i32 to index
        %swap3A_621 = arith.constant 16 : index
        %swap3A_622 = tpu.vector_load %arg19[%swap3A_620, %swap3A_621] {strides = array<i32>} : memref<100x64xf32, #tpu.memory_space<vmem>>, vector<1x16xf32>,
        %swap3A_623 = vector.shape_cast %swap3A_622 : vector<1x16xf32> to vector<16xf32>
        %swap3A_624 = vector.shape_cast %max3A_619 : vector<16xf32> to vector<1x16xf32>
        tpu.vector_store %arg19[%swap3A_620, %swap3A_621], %swap3A_624 {strides = array<i32>} : memref<100x64xf32, #tpu.memory_space<vmem>>, vector<1x16xf32>,
        %max3A_625 = arith.constant 0.000000e+00 : f32
        %max3A_626 = vector.broadcast %max3A_625 : f32 to vector<16xf32>
        %max3A_627 = arith.maximumf %add3A_606, %max3A_626 : vector<16xf32>
        %swap3A_628 = arith.index_cast %add3A_544 : i32 to index
        %swap3A_629 = arith.constant 32 : index
        %swap3A_630 = tpu.vector_load %arg19[%swap3A_628, %swap3A_629] {strides = array<i32>} : memref<100x64xf32, #tpu.memory_space<vmem>>, vector<1x16xf32>,
        %swap3A_631 = vector.shape_cast %swap3A_630 : vector<1x16xf32> to vector<16xf32>
        %swap3A_632 = vector.shape_cast %max3A_627 : vector<16xf32> to vector<1x16xf32>
        tpu.vector_store %arg19[%swap3A_628, %swap3A_629], %swap3A_632 {strides = array<i32>} : memref<100x64xf32, #tpu.memory_space<vmem>>, vector<1x16xf32>,
        %max3A_633 = arith.constant 0.000000e+00 : f32
        %max3A_634 = vector.broadcast %max3A_633 : f32 to vector<16xf32>
        %max3A_635 = arith.maximumf %add3A_608, %max3A_634 : vector<16xf32>
        %swap3A_636 = arith.index_cast %add3A_544 : i32 to index
        %swap3A_637 = arith.constant 48 : index
        %swap3A_638 = tpu.vector_load %arg19[%swap3A_636, %swap3A_637] {strides = array<i32>} : memref<100x64xf32, #tpu.memory_space<vmem>>, vector<1x16xf32>,
        %swap3A_639 = vector.shape_cast %swap3A_638 : vector<1x16xf32> to vector<16xf32>
        %swap3A_640 = vector.shape_cast %max3A_635 : vector<16xf32> to vector<1x16xf32>
        tpu.vector_store %arg19[%swap3A_636, %swap3A_637], %swap3A_640 {strides = array<i32>} : memref<100x64xf32, #tpu.memory_space<vmem>>, vector<1x16xf32>,
        %mul3A_641 = arith.constant 4 : i32
        %mul3A_642 = arith.muli %scan3A_340, %mul3A_641 : i32
        %add3A_643 = arith.constant 3 : i32
        %add3A_644 = arith.addi %mul3A_642, %add3A_643 : i32
        %get3A_645 = arith.index_cast %add3A_644 : i32 to index
        %get3A_646 = arith.constant 0 : index
        %get3A_647 = tpu.vector_load %arg19[%get3A_645, %get3A_646] {strides = array<i32>} : memref<100x64xf32, #tpu.memory_space<vmem>>, vector<1x16xf32>,
        %get3A_648 = vector.shape_cast %get3A_647 : vector<1x16xf32> to vector<16xf32>
        %get3A_649 = arith.index_cast %add3A_644 : i32 to index
        %get3A_650 = arith.constant 16 : index
        %get3A_651 = tpu.vector_load %arg19[%get3A_649, %get3A_650] {strides = array<i32>} : memref<100x64xf32, #tpu.memory_space<vmem>>, vector<1x16xf32>,
        %get3A_652 = vector.shape_cast %get3A_651 : vector<1x16xf32> to vector<16xf32>
        %get3A_653 = arith.index_cast %add3A_644 : i32 to index
        %get3A_654 = arith.constant 32 : index
        %get3A_655 = tpu.vector_load %arg19[%get3A_653, %get3A_654] {strides = array<i32>} : memref<100x64xf32, #tpu.memory_space<vmem>>, vector<1x16xf32>,
        %get3A_656 = vector.shape_cast %get3A_655 : vector<1x16xf32> to vector<16xf32>
        %get3A_657 = arith.index_cast %add3A_644 : i32 to index
        %get3A_658 = arith.constant 48 : index
        %get3A_659 = tpu.vector_load %arg19[%get3A_657, %get3A_658] {strides = array<i32>} : memref<100x64xf32, #tpu.memory_space<vmem>>, vector<1x16xf32>,
        %get3A_660 = vector.shape_cast %get3A_659 : vector<1x16xf32> to vector<16xf32>
        %broadcast_in_dim3A_661 = arith.constant 12 : i32
        %broadcast_in_dim3A_662 = vector.broadcast %broadcast_in_dim3A_661 : i32 to vector<16x1xi32>
        %gather3A_663 = vector.shape_cast %broadcast_in_dim3A_662 : vector<16x1xi32> to vector<16xi32>
        %gather3A_664 = tpu.dynamic_gather %get3A_344[%gather3A_663] in [0] : vector<16xf32>, vector<16xi32> -> vector<16xf32>
        %mul3A_665 = arith.mulf %gather3A_664, %get3A_49 : vector<16xf32>
        %add3A_666 = arith.addf %get3A_648, %mul3A_665 : vector<16xf32>
        %mul3A_667 = arith.mulf %gather3A_664, %get3A_54 : vector<16xf32>
        %add3A_668 = arith.addf %get3A_652, %mul3A_667 : vector<16xf32>
        %mul3A_669 = arith.mulf %gather3A_664, %get3A_59 : vector<16xf32>
        %add3A_670 = arith.addf %get3A_656, %mul3A_669 : vector<16xf32>
        %mul3A_671 = arith.mulf %gather3A_664, %get3A_64 : vector<16xf32>
        %add3A_672 = arith.addf %get3A_660, %mul3A_671 : vector<16xf32>
        %broadcast_in_dim3A_673 = arith.constant 13 : i32
        %broadcast_in_dim3A_674 = vector.broadcast %broadcast_in_dim3A_673 : i32 to vector<16x1xi32>
        %gather3A_675 = vector.shape_cast %broadcast_in_dim3A_674 : vector<16x1xi32> to vector<16xi32>
        %gather3A_676 = tpu.dynamic_gather %get3A_344[%gather3A_675] in [0] : vector<16xf32>, vector<16xi32> -> vector<16xf32>
        %mul3A_677 = arith.mulf %gather3A_676, %get3A_69 : vector<16xf32>
        %add3A_678 = arith.addf %add3A_666, %mul3A_677 : vector<16xf32>
        %mul3A_679 = arith.mulf %gather3A_676, %get3A_74 : vector<16xf32>
        %add3A_680 = arith.addf %add3A_668, %mul3A_679 : vector<16xf32>
        %mul3A_681 = arith.mulf %gather3A_676, %get3A_79 : vector<16xf32>
        %add3A_682 = arith.addf %add3A_670, %mul3A_681 : vector<16xf32>
        %mul3A_683 = arith.mulf %gather3A_676, %get3A_84 : vector<16xf32>
        %add3A_684 = arith.addf %add3A_672, %mul3A_683 : vector<16xf32>
        %broadcast_in_dim3A_685 = arith.constant 14 : i32
        %broadcast_in_dim3A_686 = vector.broadcast %broadcast_in_dim3A_685 : i32 to vector<16x1xi32>
        %gather3A_687 = vector.shape_cast %broadcast_in_dim3A_686 : vector<16x1xi32> to vector<16xi32>
        %gather3A_688 = tpu.dynamic_gather %get3A_344[%gather3A_687] in [0] : vector<16xf32>, vector<16xi32> -> vector<16xf32>
        %mul3A_689 = arith.mulf %gather3A_688, %get3A_89 : vector<16xf32>
        %add3A_690 = arith.addf %add3A_678, %mul3A_689 : vector<16xf32>
        %mul3A_691 = arith.mulf %gather3A_688, %get3A_94 : vector<16xf32>
        %add3A_692 = arith.addf %add3A_680, %mul3A_691 : vector<16xf32>
        %mul3A_693 = arith.mulf %gather3A_688, %get3A_99 : vector<16xf32>
        %add3A_694 = arith.addf %add3A_682, %mul3A_693 : vector<16xf32>
        %mul3A_695 = arith.mulf %gather3A_688, %get3A_104 : vector<16xf32>
        %add3A_696 = arith.addf %add3A_684, %mul3A_695 : vector<16xf32>
        %broadcast_in_dim3A_697 = arith.constant 15 : i32
        %broadcast_in_dim3A_698 = vector.broadcast %broadcast_in_dim3A_697 : i32 to vector<16x1xi32>
        %gather3A_699 = vector.shape_cast %broadcast_in_dim3A_698 : vector<16x1xi32> to vector<16xi32>
        %gather3A_700 = tpu.dynamic_gather %get3A_344[%gather3A_699] in [0] : vector<16xf32>, vector<16xi32> -> vector<16xf32>
        %mul3A_701 = arith.mulf %gather3A_700, %get3A_109 : vector<16xf32>
        %add3A_702 = arith.addf %add3A_690, %mul3A_701 : vector<16xf32>
        %mul3A_703 = arith.mulf %gather3A_700, %get3A_114 : vector<16xf32>
        %add3A_704 = arith.addf %add3A_692, %mul3A_703 : vector<16xf32>
        %mul3A_705 = arith.mulf %gather3A_700, %get3A_119 : vector<16xf32>
        %add3A_706 = arith.addf %add3A_694, %mul3A_705 : vector<16xf32>
        %mul3A_707 = arith.mulf %gather3A_700, %get3A_124 : vector<16xf32>
        %add3A_708 = arith.addf %add3A_696, %mul3A_707 : vector<16xf32>
        %max3A_709 = arith.constant 0.000000e+00 : f32
        %max3A_710 = vector.broadcast %max3A_709 : f32 to vector<16xf32>
        %max3A_711 = arith.maximumf %add3A_702, %max3A_710 : vector<16xf32>
        %swap3A_712 = arith.index_cast %add3A_644 : i32 to index
        %swap3A_713 = arith.constant 0 : index
        %swap3A_714 = tpu.vector_load %arg19[%swap3A_712, %swap3A_713] {strides = array<i32>} : memref<100x64xf32, #tpu.memory_space<vmem>>, vector<1x16xf32>,
        %swap3A_715 = vector.shape_cast %swap3A_714 : vector<1x16xf32> to vector<16xf32>
        %swap3A_716 = vector.shape_cast %max3A_711 : vector<16xf32> to vector<1x16xf32>
        tpu.vector_store %arg19[%swap3A_712, %swap3A_713], %swap3A_716 {strides = array<i32>} : memref<100x64xf32, #tpu.memory_space<vmem>>, vector<1x16xf32>,
        %max3A_717 = arith.constant 0.000000e+00 : f32
        %max3A_718 = vector.broadcast %max3A_717 : f32 to vector<16xf32>
        %max3A_719 = arith.maximumf %add3A_704, %max3A_718 : vector<16xf32>
        %swap3A_720 = arith.index_cast %add3A_644 : i32 to index
        %swap3A_721 = arith.constant 16 : index
        %swap3A_722 = tpu.vector_load %arg19[%swap3A_720, %swap3A_721] {strides = array<i32>} : memref<100x64xf32, #tpu.memory_space<vmem>>, vector<1x16xf32>,
        %swap3A_723 = vector.shape_cast %swap3A_722 : vector<1x16xf32> to vector<16xf32>
        %swap3A_724 = vector.shape_cast %max3A_719 : vector<16xf32> to vector<1x16xf32>
        tpu.vector_store %arg19[%swap3A_720, %swap3A_721], %swap3A_724 {strides = array<i32>} : memref<100x64xf32, #tpu.memory_space<vmem>>, vector<1x16xf32>,
        %max3A_725 = arith.constant 0.000000e+00 : f32
        %max3A_726 = vector.broadcast %max3A_725 : f32 to vector<16xf32>
        %max3A_727 = arith.maximumf %add3A_706, %max3A_726 : vector<16xf32>
        %swap3A_728 = arith.index_cast %add3A_644 : i32 to index
        %swap3A_729 = arith.constant 32 : index
        %swap3A_730 = tpu.vector_load %arg19[%swap3A_728, %swap3A_729] {strides = array<i32>} : memref<100x64xf32, #tpu.memory_space<vmem>>, vector<1x16xf32>,
        %swap3A_731 = vector.shape_cast %swap3A_730 : vector<1x16xf32> to vector<16xf32>
        %swap3A_732 = vector.shape_cast %max3A_727 : vector<16xf32> to vector<1x16xf32>
        tpu.vector_store %arg19[%swap3A_728, %swap3A_729], %swap3A_732 {strides = array<i32>} : memref<100x64xf32, #tpu.memory_space<vmem>>, vector<1x16xf32>,
        %max3A_733 = arith.constant 0.000000e+00 : f32
        %max3A_734 = vector.broadcast %max3A_733 : f32 to vector<16xf32>
        %max3A_735 = arith.maximumf %add3A_708, %max3A_734 : vector<16xf32>
        %swap3A_736 = arith.index_cast %add3A_644 : i32 to index
        %swap3A_737 = arith.constant 48 : index
        %swap3A_738 = tpu.vector_load %arg19[%swap3A_736, %swap3A_737] {strides = array<i32>} : memref<100x64xf32, #tpu.memory_space<vmem>>, vector<1x16xf32>,
        %swap3A_739 = vector.shape_cast %swap3A_738 : vector<1x16xf32> to vector<16xf32>
        %swap3A_740 = vector.shape_cast %max3A_735 : vector<16xf32> to vector<1x16xf32>
        tpu.vector_store %arg19[%swap3A_736, %swap3A_737], %swap3A_740 {strides = array<i32>} : memref<100x64xf32, #tpu.memory_space<vmem>>, vector<1x16xf32>,
      }
      %scan3A_333 = arith.constant 25 : i32
      %dma_start3A_334 = arith.constant 0 : i32
      %dma_start3A_335 = tpu.memref_slice %arg9[%add3A_306, %dma_start3A_334] : memref<100x100xi32, #tpu.memory_space<vmem>> -> memref<1x100xi32, #tpu.memory_space<vmem>>
      %dma_start3A_336 = tpu.memref_squeeze %dma_start3A_335 : memref<1x100xi32, #tpu.memory_space<vmem>> -> memref<100xi32, #tpu.memory_space<vmem>>
      %dma_start3A_337 = arith.constant 0 : i32
      %dma_start3A_338 = arith.constant 0 : i32
      %dma_start3A_339 = tpu.memref_slice %arg20[%dma_start3A_337, %dma_start3A_338] : memref<10240x64xf32, #tpu.memory_space<vmem_shared>> -> memref<10240x64xf32, #tpu.memory_space<vmem_shared>>
      tpu.enqueue_indirect_dma source(%arg19 : memref<100x64xf32, #tpu.memory_space<vmem>>) target(%dma_start3A_339 : memref<10240x64xf32, #tpu.memory_space<vmem_shared>>) offsets(%dma_start3A_336 : memref<100xi32, #tpu.memory_space<vmem>>) semaphore(%arg32 : memref<!tpu.dma_semaphore, #tpu.memory_space<semaphore_mem>>) {add = true}
    }
    %scan3A_161 = arith.constant 25 : i32
    %dma_wait3A = arith.constant 96 : i32
    %dma_wait3A_162 = arith.constant 0 : i32
    %dma_wait3A_163 = tpu.memref_slice %arg9[%dma_wait3A, %dma_wait3A_162] : memref<100x100xi32, #tpu.memory_space<vmem>> -> memref<1x100xi32, #tpu.memory_space<vmem>>
    %dma_wait3A_164 = tpu.memref_squeeze %dma_wait3A_163 : memref<1x100xi32, #tpu.memory_space<vmem>> -> memref<100xi32, #tpu.memory_space<vmem>>
    %dma_wait3A_165 = arith.constant 0 : i32
    %dma_wait3A_166 = arith.constant 0 : i32
    %dma_wait3A_167 = tpu.memref_slice %arg20[%dma_wait3A_165, %dma_wait3A_166] : memref<10240x64xf32, #tpu.memory_space<vmem_shared>> -> memref<10240x64xf32, #tpu.memory_space<vmem_shared>>
    tpu.wait_indirect_dma semaphore(%arg29 : memref<!tpu.dma_semaphore, #tpu.memory_space<semaphore_mem>>) src(%arg16 : memref<100x64xf32, #tpu.memory_space<vmem>>) dst(%dma_wait3A_167 : memref<10240x64xf32, #tpu.memory_space<vmem_shared>>)
    %dma_wait3A_168 = arith.constant 97 : i32
    %dma_wait3A_169 = arith.constant 0 : i32
    %dma_wait3A_170 = tpu.memref_slice %arg9[%dma_wait3A_168, %dma_wait3A_169] : memref<100x100xi32, #tpu.memory_space<vmem>> -> memref<1x100xi32, #tpu.memory_space<vmem>>
    %dma_wait3A_171 = tpu.memref_squeeze %dma_wait3A_170 : memref<1x100xi32, #tpu.memory_space<vmem>> -> memref<100xi32, #tpu.memory_space<vmem>>
    %dma_wait3A_172 = arith.constant 0 : i32
    %dma_wait3A_173 = arith.constant 0 : i32
    %dma_wait3A_174 = tpu.memref_slice %arg20[%dma_wait3A_172, %dma_wait3A_173] : memref<10240x64xf32, #tpu.memory_space<vmem_shared>> -> memref<10240x64xf32, #tpu.memory_space<vmem_shared>>
    tpu.wait_indirect_dma semaphore(%arg30 : memref<!tpu.dma_semaphore, #tpu.memory_space<semaphore_mem>>) src(%arg17 : memref<100x64xf32, #tpu.memory_space<vmem>>) dst(%dma_wait3A_174 : memref<10240x64xf32, #tpu.memory_space<vmem_shared>>)
    %dma_wait3A_175 = arith.constant 98 : i32
    %dma_wait3A_176 = arith.constant 0 : i32
    %dma_wait3A_177 = tpu.memref_slice %arg9[%dma_wait3A_175, %dma_wait3A_176] : memref<100x100xi32, #tpu.memory_space<vmem>> -> memref<1x100xi32, #tpu.memory_space<vmem>>
    %dma_wait3A_178 = tpu.memref_squeeze %dma_wait3A_177 : memref<1x100xi32, #tpu.memory_space<vmem>> -> memref<100xi32, #tpu.memory_space<vmem>>
    %dma_wait3A_179 = arith.constant 0 : i32
    %dma_wait3A_180 = arith.constant 0 : i32
    %dma_wait3A_181 = tpu.memref_slice %arg20[%dma_wait3A_179, %dma_wait3A_180] : memref<10240x64xf32, #tpu.memory_space<vmem_shared>> -> memref<10240x64xf32, #tpu.memory_space<vmem_shared>>
    tpu.wait_indirect_dma semaphore(%arg31 : memref<!tpu.dma_semaphore, #tpu.memory_space<semaphore_mem>>) src(%arg18 : memref<100x64xf32, #tpu.memory_space<vmem>>) dst(%dma_wait3A_181 : memref<10240x64xf32, #tpu.memory_space<vmem_shared>>)
    %dma_wait3A_182 = arith.constant 99 : i32
    %dma_wait3A_183 = arith.constant 0 : i32
    %dma_wait3A_184 = tpu.memref_slice %arg9[%dma_wait3A_182, %dma_wait3A_183] : memref<100x100xi32, #tpu.memory_space<vmem>> -> memref<1x100xi32, #tpu.memory_space<vmem>>
    %dma_wait3A_185 = tpu.memref_squeeze %dma_wait3A_184 : memref<1x100xi32, #tpu.memory_space<vmem>> -> memref<100xi32, #tpu.memory_space<vmem>>
    %dma_wait3A_186 = arith.constant 0 : i32
    %dma_wait3A_187 = arith.constant 0 : i32
    %dma_wait3A_188 = tpu.memref_slice %arg20[%dma_wait3A_186, %dma_wait3A_187] : memref<10240x64xf32, #tpu.memory_space<vmem_shared>> -> memref<10240x64xf32, #tpu.memory_space<vmem_shared>>
    tpu.wait_indirect_dma semaphore(%arg32 : memref<!tpu.dma_semaphore, #tpu.memory_space<semaphore_mem>>) src(%arg19 : memref<100x64xf32, #tpu.memory_space<vmem>>) dst(%dma_wait3A_188 : memref<10240x64xf32, #tpu.memory_space<vmem_shared>>)
    %barrier3A_189 = arith.constant 0 : index
    tpu.barrier barrier_id(%barrier3A_189)
    %mul3A_190 = arith.constant 640 : i32
    %mul3A_191 = arith.muli %arg1, %mul3A_190 : i32
    %mul3A_192 = arith.constant 640 : i32
    %mul3A_193 = arith.muli %arg1, %mul3A_192 : i32
    "tpu.region"() ({
      %run_scoped3A = tpu.sem_alloc : memref<!tpu.dma_semaphore, #tpu.memory_space<semaphore_mem>>
      %dma_start3A_194 = arith.constant 0 : i32
      %dma_start3A_195 = tpu.memref_slice %arg7[%arg0, %mul3A_193, %dma_start3A_194] : memref<2x10240x64xf32, #tpu.memory_space<hbm>> -> memref<1x640x64xf32, #tpu.memory_space<hbm>>
      %dma_start3A_196 = tpu.memref_squeeze %dma_start3A_195 : memref<1x640x64xf32, #tpu.memory_space<hbm>> -> memref<640x64xf32, #tpu.memory_space<hbm>>
      %dma_start3A_197 = arith.constant 0 : i32
      %dma_start3A_198 = tpu.memref_slice %arg20[%mul3A_191, %dma_start3A_197] : memref<10240x64xf32, #tpu.memory_space<vmem_shared>> -> memref<640x64xf32, #tpu.memory_space<vmem_shared>>
      tpu.enqueue_dma source(%dma_start3A_198 : memref<640x64xf32, #tpu.memory_space<vmem_shared>>) target(%dma_start3A_196 : memref<640x64xf32, #tpu.memory_space<hbm>>) target_semaphore(%run_scoped3A : memref<!tpu.dma_semaphore, #tpu.memory_space<semaphore_mem>>)
      %dma_wait3A_199 = arith.constant 0 : i32
      %dma_wait3A_200 = tpu.memref_slice %arg7[%arg0, %mul3A_193, %dma_wait3A_199] : memref<2x10240x64xf32, #tpu.memory_space<hbm>> -> memref<1x640x64xf32, #tpu.memory_space<hbm>>
      %dma_wait3A_201 = tpu.memref_squeeze %dma_wait3A_200 : memref<1x640x64xf32, #tpu.memory_space<hbm>> -> memref<640x64xf32, #tpu.memory_space<hbm>>
      %dma_wait3A_202 = arith.constant 0 : i32
      %dma_wait3A_203 = tpu.memref_slice %arg20[%mul3A_191, %dma_wait3A_202] : memref<10240x64xf32, #tpu.memory_space<vmem_shared>> -> memref<640x64xf32, #tpu.memory_space<vmem_shared>>
      tpu.wait_dma2 semaphore(%run_scoped3A : memref<!tpu.dma_semaphore, #tpu.memory_space<semaphore_mem>>) src(%dma_wait3A_203 : memref<640x64xf32, #tpu.memory_space<vmem_shared>>) dst(%dma_wait3A_201 : memref<640x64xf32, #tpu.memory_space<hbm>>)
      tpu.yield
    }) : () -> ()
    return
  }
}

module attributes {stable_mosaic.version = 14 : i64} {
  func.func @_xp_body(%arg0: memref<10000x128xf32, #tpu.memory_space<vmem>>, %arg1: memref<128x64xf32, #tpu.memory_space<vmem>>, %arg2: memref<1x64xf32, #tpu.memory_space<vmem>>, %arg3: memref<10000x64xf32, #tpu.memory_space<vmem>>) attributes {dimension_semantics = [], scalar_prefetch = 0 : i64, scratch_operands = 0 : i64, tpu.core_type = #tpu.core_type<tc>} {
    %get3A = arith.constant 0 : index
    %get3A_0 = arith.constant 0 : index
    %get3A_1 = vector.load %arg0[%get3A, %get3A_0] : memref<10000x128xf32, #tpu.memory_space<vmem>>, vector<10000x128xf32>
    %get3A_2 = arith.constant 0 : index
    %get3A_3 = arith.constant 0 : index
    %get3A_4 = vector.load %arg1[%get3A_2, %get3A_3] : memref<128x64xf32, #tpu.memory_space<vmem>>, vector<128x64xf32>
    %dot_general3A = arith.constant dense<0.000000e+00> : vector<10000x64xf32>
    %dot_general3A_5 = tpu.matmul %get3A_1, %get3A_4, %dot_general3A {dimension_numbers = #tpu.dot_dimension_numbers<[1], [0], [0], [1], [0, 0, 1, 1], [], []>, transpose_lhs_hint = false} : vector<10000x128xf32>, vector<128x64xf32>, vector<10000x64xf32> -> vector<10000x64xf32>
    %get3A_6 = arith.constant 0 : index
    %get3A_7 = arith.constant 0 : index
    %get3A_8 = vector.load %arg2[%get3A_6, %get3A_7] : memref<1x64xf32, #tpu.memory_space<vmem>>, vector<1x64xf32>
    %add3A = vector.broadcast %get3A_8 : vector<1x64xf32> to vector<10000x64xf32>
    %add3A_9 = arith.addf %dot_general3A_5, %add3A : vector<10000x64xf32>
    %swap3A = arith.constant 0 : index
    %swap3A_10 = arith.constant 0 : index
    %swap3A_11 = vector.load %arg3[%swap3A, %swap3A_10] : memref<10000x64xf32, #tpu.memory_space<vmem>>, vector<10000x64xf32>
    tpu.vector_store %arg3[%swap3A, %swap3A_10], %add3A_9 {strides = array<i32>} : memref<10000x64xf32, #tpu.memory_space<vmem>>, vector<10000x64xf32>,
    return
  }
}

module attributes {stable_mosaic.version = 14 : i64} {
  func.func @_out_body(%arg0: memref<10000x128xf32, #tpu.memory_space<vmem>>, %arg1: memref<2x10240x64xf32, #tpu.memory_space<vmem>>, %arg2: memref<128x128xf32, #tpu.memory_space<vmem>>, %arg3: memref<64x128xf32, #tpu.memory_space<vmem>>, %arg4: memref<1x128xf32, #tpu.memory_space<vmem>>, %arg5: memref<10000x128xf32, #tpu.memory_space<vmem>>) attributes {dimension_semantics = [], scalar_prefetch = 0 : i64, scratch_operands = 0 : i64, tpu.core_type = #tpu.core_type<tc>} {
    %get3A = arith.constant 0 : index
    %get3A_0 = arith.constant 0 : index
    %get3A_1 = arith.constant 0 : index
    %get3A_2 = vector.load %arg1[%get3A, %get3A_0, %get3A_1] : memref<2x10240x64xf32, #tpu.memory_space<vmem>>, vector<1x10000x64xf32>
    %get3A_3 = vector.shape_cast %get3A_2 : vector<1x10000x64xf32> to vector<10000x64xf32>
    %get3A_4 = arith.constant 1 : index
    %get3A_5 = arith.constant 0 : index
    %get3A_6 = arith.constant 0 : index
    %get3A_7 = vector.load %arg1[%get3A_4, %get3A_5, %get3A_6] : memref<2x10240x64xf32, #tpu.memory_space<vmem>>, vector<1x10000x64xf32>
    %get3A_8 = vector.shape_cast %get3A_7 : vector<1x10000x64xf32> to vector<10000x64xf32>
    %add3A = arith.addf %get3A_3, %get3A_8 : vector<10000x64xf32>
    %get3A_9 = arith.constant 0 : index
    %get3A_10 = arith.constant 0 : index
    %get3A_11 = vector.load %arg0[%get3A_9, %get3A_10] : memref<10000x128xf32, #tpu.memory_space<vmem>>, vector<10000x128xf32>
    %get3A_12 = arith.constant 0 : index
    %get3A_13 = arith.constant 0 : index
    %get3A_14 = vector.load %arg2[%get3A_12, %get3A_13] : memref<128x128xf32, #tpu.memory_space<vmem>>, vector<128x128xf32>
    %dot_general3A = arith.constant dense<0.000000e+00> : vector<10000x128xf32>
    %dot_general3A_15 = tpu.matmul %get3A_11, %get3A_14, %dot_general3A {dimension_numbers = #tpu.dot_dimension_numbers<[1], [0], [0], [1], [0, 0, 1, 1], [], []>, transpose_lhs_hint = false} : vector<10000x128xf32>, vector<128x128xf32>, vector<10000x128xf32> -> vector<10000x128xf32>
    %get3A_16 = arith.constant 0 : index
    %get3A_17 = arith.constant 0 : index
    %get3A_18 = vector.load %arg3[%get3A_16, %get3A_17] : memref<64x128xf32, #tpu.memory_space<vmem>>, vector<64x128xf32>
    %dot_general3A_19 = arith.constant dense<0.000000e+00> : vector<10000x128xf32>
    %dot_general3A_20 = tpu.matmul %add3A, %get3A_18, %dot_general3A_19 {dimension_numbers = #tpu.dot_dimension_numbers<[1], [0], [0], [1], [0, 0, 1, 1], [], []>, transpose_lhs_hint = false} : vector<10000x64xf32>, vector<64x128xf32>, vector<10000x128xf32> -> vector<10000x128xf32>
    %add3A_21 = arith.addf %dot_general3A_15, %dot_general3A_20 : vector<10000x128xf32>
    %get3A_22 = arith.constant 0 : index
    %get3A_23 = arith.constant 0 : index
    %get3A_24 = vector.load %arg4[%get3A_22, %get3A_23] : memref<1x128xf32, #tpu.memory_space<vmem>>, vector<1x128xf32>
    %add3A_25 = vector.broadcast %get3A_24 : vector<1x128xf32> to vector<10000x128xf32>
    %add3A_26 = arith.addf %add3A_21, %add3A_25 : vector<10000x128xf32>
    %swap3A = arith.constant 0 : index
    %swap3A_27 = arith.constant 0 : index
    %swap3A_28 = vector.load %arg5[%swap3A, %swap3A_27] : memref<10000x128xf32, #tpu.memory_space<vmem>>, vector<10000x128xf32>
    tpu.vector_store %arg5[%swap3A, %swap3A_27], %add3A_26 {strides = array<i32>} : memref<10000x128xf32, #tpu.memory_space<vmem>>, vector<10000x128xf32>,
    return
  }
}

</mosaic_0001>

<sc_bundles>
// kernel: kernel.5.cloned.1.call-start
scs
__scs_entry_jumppad:
0x0: {  	(pc) =	sbr.rel $0x88, $3  }
0x1: {  	(tag) =	ssettag $0x0;
	lr =	simm.s32 $0x1  }
0x2: {  	[smem:$0x3F9A] =	sst lr;
	_ =	strace $0xD0000000  }
0x3: {  	_ = 	snop  }
0x4: {  	_ = 	snop  }
0x5: {  	_ = 	snop  }
0x6: {  	_ = 	snop  }
0x7: {  	_ = 	snop  }
__scs_overlays_trampoline_lowered:
0x8: {  	[smem:$0x3FA9] =	sst s0  }
0x9: {  	[smem:$0x3FAA] =	sst s1  }
0xa: {  	[smem:$0x3FAB] =	sst s2  }
0xb: {  	[smem:$0x3FAC] =	sst s3  }
0xc: {  	[smem:$0x3FAD] =	sst s4  }
0xd: {  	[smem:$0x3FAE] =	sst s5  }
0xe: {  	[smem:$0x3FAF] =	sst s6  }
0xf: {  	[smem:$0x3FB0] =	sst s7  }
0x10: {  	[smem:$0x3FB1] =	sst s8  }
0x11: {  	[smem:$0x3FB2] =	sst s9;
	s0 =	simm.s32 @!p0 $0x0  }
0x12: {  	s1 =	sld [smem:$0x3F98];
	s0 =	simm.s32 @p0 $0x1  }
0x13: {  	[smem:$0x3FB3] =	sst s0;
	s0 =	simm.s32 @!p1 $0x0  }
0x14: {  	s2 =	sld [smem:$0x3F97];
	s0 =	simm.s32 @p1 $0x1  }
0x15: {  	[smem:$0x3FB4] =	sst s0;
	s0 =	simm.s32 @!p2 $0x0  }
0x16: {  	s3 =	sld [smem:$0x3FDB];
	s0 =	simm.s32 @p2 $0x1  }
0x17: {  	s4 =	simm.s32 $0x1BF5;
	[smem:$0x3FB6] =	sst s0  }
0x18: {  	s0 =	sld [smem:$0x3F99];
	_ =	swait.ge [sflag:s4], $0x0  }
0x19: {  	s7 =	sld [smem:$0x3F9A]  }
0x1a: {  	s8 =	sadd.s32 $0xFFFFE003, lr  }
0x1b: {  	s9 =	sadd.s32 $0xFFFFFEF7, lr;
	s5 =	simm.s32 $0xFFFFFFFF;
	p2 =	slt.u32 s8, $0xFFFFF086  }
0x1c: {  	p1 =	slt.u32 s9, $0xF7A;
	s5 =	simm.s32 @!p2 $0x0  }
0x1d: {  	s5 =	simm.s32 @p1 $0x1;
	p0 =	seq.s32 s7, s2  }
0x1e: {  	s7 =	smul.u32 @!p0 $0xF7A, s2;
	p2 =	seq.s32 @!p0 s5, $0x0  }
0x1f: {  	s9 =	smul.u32 $0xF7A, s1;
	s8 =	simm.s32 @!p0 $0x1BF5;
	p2 =	por !p2, p0  }
0x20: {  	[sflag:s8] =	ssyncset.s32 @!p0 $0xFFFFF086;
	s6 =	sadd.s32 @!p0 s3, s7;
	s7 =	simm.s32 @!p0 $0x108  }
0x21: {  	s3 =	sadd.s32 s3, s9;
	s6 =	sadd.s32 @!p0 $0x88, s6;
	s7 =	simm.s32 @p2 $0x1082  }
0x22: {  	[simem:s7], [sflag:s8] =	dma.local @!p0 [hbm:s6], $0xF7A  }
0x23: {  	s9 =	sor.u32 $0xD0000000, s2;
	s6 =	simm.s32 $0x108;
	_ =	swait.ge @!p0 [sflag:s8], $0x0  }
0x24: {  	s3 =	sadd.s32 $0x88, s3;
	s6 =	simm.s32 @!p1 $0x1082;
	[sflag:s4] =	ssyncset.s32 $0xFFFFF086  }
0x25: {  	[simem:s6], [sflag:s4] =	dma.local [hbm:s3], $0xF7A  }
0x26: {  	[smem:$0x3F9A] =	sst s1;
	(tag) =	ssettag s2;
	_ =	strace s9  }
0x27: {  	s1 =	sld [smem:$0x3FAA]  }
0x28: {  	s2 =	sld [smem:$0x3FAB]  }
0x29: {  	s4 =	sld [smem:$0x3FAD]  }
0x2a: {  	p0 =	seq.s32 s5, $0x0;
	s5 =	sld [smem:$0x3FAE]  }
0x2b: {  	s6 =	sld [smem:$0x3FAF]  }
0x2c: {  	s7 =	sld [smem:$0x3FB0]  }
0x2d: {  	s3 =	simm.s32 $0x108;
	s8 =	sld [smem:$0x3FB1]  }
0x2e: {  	s3 =	simm.s32 @!p0 $0x1082;
	s9 =	sld [smem:$0x3FB2]  }
0x2f: {  	lr =	sadd.s32 s0, s3;
	s0 =	sld [smem:$0x3FA9]  }
0x30: {  	s3 =	sld [smem:$0x3FAC]  }
0x31: {  	[smem:$0x3FB5] =	sst s10  }
0x32: {  	s10 =	sld [smem:$0x3FB3];
	_ =	sdelay $0x3  }
0x33: {  	p0 =	seq.s32 s10, $0x1;
	s10 =	sld [smem:$0x3FB5];
	_ =	sdelay $0x3  }
0x34: {  	[smem:$0x3FB5] =	sst s10  }
0x35: {  	s10 =	sld [smem:$0x3FB4];
	_ =	sdelay $0x3  }
0x36: {  	p1 =	seq.s32 s10, $0x1;
	s10 =	sld [smem:$0x3FB5];
	_ =	sdelay $0x3  }
0x37: {  	[smem:$0x3FB5] =	sst s10  }
0x38: {  	s10 =	sld [smem:$0x3FB6]  }
0x39: {  	_ = 	snop;
	(pc) =	sbr.ind lr, $3  }
0x3a: {  	_ = 	snop  }
0x3b: {  	_ = 	snop  }
0x3c: {  	p2 =	seq.s32 s10, $0x1;
	s10 =	sld [smem:$0x3FB5]  }
0x3d: {  	_ =	shalt  }
0x3e: {  	_ =	shalt  }
0x3f: {  	_ =	shalt  }
0x40: {  	_ =	shalt  }
0x41: {  	_ =	shalt  }
0x42: {  	_ =	shalt  }
0x43: {  	_ =	shalt  }
0x44: {  	_ =	shalt  }
0x45: {  	_ =	shalt  }
0x46: {  	_ =	shalt  }
0x47: {  	_ =	shalt  }
0x48: {  	_ =	shalt  }
0x49: {  	_ =	shalt  }
0x4a: {  	_ =	shalt  }
0x4b: {  	_ =	shalt  }
0x4c: {  	_ =	shalt  }
0x4d: {  	_ =	shalt  }
0x4e: {  	_ =	shalt  }
0x4f: {  	_ =	shalt  }
0x50: {  	_ =	shalt  }
0x51: {  	_ =	shalt  }
0x52: {  	_ =	shalt  }
0x53: {  	_ =	shalt  }
0x54: {  	_ =	shalt  }
0x55: {  	_ =	shalt  }
0x56: {  	_ =	shalt  }
0x57: {  	_ =	shalt  }
0x58: {  	_ =	shalt  }
0x59: {  	_ =	shalt  }
0x5a: {  	_ =	shalt  }
0x5b: {  	_ =	shalt  }
0x5c: {  	_ =	shalt  }
0x5d: {  	_ =	shalt  }
0x5e: {  	_ =	shalt  }
0x5f: {  	_ =	shalt  }
0x60: {  	_ =	shalt  }
0x61: {  	_ =	shalt  }
0x62: {  	_ =	shalt  }
0x63: {  	_ =	shalt  }
0x64: {  	_ =	shalt  }
0x65: {  	_ =	shalt  }
0x66: {  	_ =	shalt  }
0x67: {  	_ =	shalt  }
0x68: {  	_ =	shalt  }
0x69: {  	_ =	shalt  }
0x6a: {  	_ =	shalt  }
0x6b: {  	_ =	shalt  }
0x6c: {  	_ =	shalt  }
0x6d: {  	_ =	shalt  }
0x6e: {  	_ =	shalt  }
0x6f: {  	_ =	shalt  }
0x70: {  	_ =	shalt  }
0x71: {  	_ =	shalt  }
0x72: {  	_ =	shalt  }
0x73: {  	_ =	shalt  }
0x74: {  	_ =	shalt  }
0x75: {  	_ =	shalt  }
0x76: {  	_ =	shalt  }
0x77: {  	_ =	shalt  }
0x78: {  	_ =	shalt  }
0x79: {  	_ =	shalt  }
0x7a: {  	_ =	shalt  }
0x7b: {  	_ =	shalt  }
0x7c: {  	_ =	shalt  }
0x7d: {  	_ =	shalt  }
0x7e: {  	_ =	shalt  }
0x7f: {  	_ =	shalt  }
0x80: {  	_ =	shalt  }
0x81: {  	_ =	shalt  }
0x82: {  	_ =	shalt  }
0x83: {  	_ =	shalt  }
0x84: {  	_ =	shalt  }
0x85: {  	_ =	shalt  }
0x86: {  	_ =	shalt  }
0x87: {  	_ =	shalt  }
.Lfunc_end0:
.L_simem_size_0:
called_computation_lowered:
.L_overlay_start_0:
0x88: {  	s2 =	sld [smem:$0x3FD9]  }
0x89: {  	s3 =	sld [smem:$0x3FFE];
	_ =	sdelay $0x1  }
0x8a: {  	s1 =	srdreg.scid  }
0x8b: {  	s0 =	sand.u32 $0x1, s1  }
0x8c: {  	s17 =	sshll.u32 s0, $0xA;
	s2 =	sadd.s32 s3, s2  }
0x8d: {  	s2 =	sadd.s32 s2, s17  }
0x8e: {  	[smem:$0x3FC1] =	sst s2  }
0x8f: {  	_ = 	snop  }
0x90: {  	s2 =	sld [smem:$0x3FD0];
	(tm) =	ssettm $0x1  }
0x91: {  	s18 =	sld [smem:$0x3FFB];
	_ =	sdelay $0x3  }
0x92: {  	_ =	strace s18  }
0x93: {  	s3 =	sld [smem:$0x3FFC];
	_ =	sdelay $0x3  }
0x94: {  	_ =	strace s3  }
0x95: {  	s3 =	sld [smem:$0x3FFD];
	_ =	sdelay $0x3  }
0x96: {  	_ =	strace s3  }
0x97: {  	_ =	strace $0x8FFFFFFF  }
0x98: {  	s19 =	sld [smem:$0x3FDB];
	_ =	sdelay $0x1  }
0x99: {  	s4 =	simm.s32 $_scs_section_size  }
0x9a: {  	s5 =	simm.s32 $_size__tile_overlayer_lowered;
	s6 =	simm.s32 $_tile_overlayer_lowered  }
0x9b: {  	s22 =	simm.s32 $0x1BFF;
	s21 =	sshll.u32 s6, $0x1;
	s3 =	sadd.s32 s4, s19  }
0x9c: {  	s7 =	simm.s32 $0x0;
	s20 =	sshll.u32 s5, $0x1;
	s5 =	sadd.s32 s21, s3  }
0x9d: {  	[timem:s7], [sflag:s22] =	dma.local [hbm:s5], s20  }
0x9e: {  	_ =	swait.ge [sflag:s22], s20  }
0x9f: {  	s4 =	ssub.s32 $0x0, s20;
	[sflag:s22] =	ssyncset.done $0x0  }
0xa0: {  	[sflag:s22] =	ssyncadd.s32 s4;
	_ =	sdelay $0x1  }
0xa1: {  	s23 =	simm.s32 $0x1B8B  }
0xa2: {  	_ =	swait.ge [sflag:s23], $0x1  }
0xa3: {  	[sflag:s23] =	ssyncset.done $0x0  }
0xa4: {  	s25 =	simm.s32 $0x1B8E;
	s24 =	sld [smem:$0x3FFE];
	[sflag:s23] =	ssyncadd.s32 $0xFFFFFFFF  }
0xa5: {  	s26 =	simm.s32 $execute0_lowered;
	[smem:$0x3FD2] =	sst s25  }
0xa6: {  	s5 =	sshll.u32 s26, $0x1;
	_ =	strace $0x80000046;
	[dreg:$0x1] =	wrdreg $0xFFFFFFFF  }
0xa7: {  	s28 =	simm.s32 $_size_execute0_lowered;
	s3 =	sadd.s32 s3, s5;
	[dreg:$0x0] =	wrdreg $0x0  }
0xa8: {  	s5 =	sshll.u32 s28, $0x1;
	[dreg:$0x2] =	wrdreg s3  }
0xa9: {  	[dreg:$0x3] =	wrdreg s5  }
0xaa: {  	[dreg:$0x4] =	wrdreg $0xC0  }
0xab: {  	_ =	task [dreg:s7], $0x5FFFF  }
0xac: {  	[dreg:$0x1] =	wrdreg $0xFFFFFFFF  }
0xad: {  	[dreg:$0x0] =	wrdreg $0x60  }
0xae: {  	[dreg:$0x2] =	wrdreg s24  }
0xaf: {  	[dreg:$0x3] =	wrdreg s2  }
0xb0: {  	[dreg:$0x4] =	wrdreg $0xCC800  }
0xb1: {  	[dreg:$0x5] =	wrdreg $0x9  }
0xb2: {  	_ =	task.clear_ibuf [dreg:s7], $0x6FFFF;
	_ =	strace $0x90000046  }
0xb3: {  	s29 =	simm.s32 $0x9;
	_ =	strace $0x80000048  }
0xb4: {  	_ =	swait.ge [sflag:s29], $0x1  }
0xb5: {  	[sflag:s29] =	ssyncadd.s32 $0xFFFFFFFF  }
0xb6: {  	_ =	strace $0x90000048  }
0xb7: {  	_ =	sfence  }
0xb8: {  	s30 =	sld [smem:$0x0];
	_ =	sdelay $0x2  }
0xb9: {  	s31 =	sshll.u32 s1, $0xD;
	s1 =	sshrl.u32 s1, $0x2  }
0xba: {  	s3 =	sand.u32 $0x4000, s31;
	s1 =	sadd.s32 s1, s30  }
0xbb: {  	s0 =	sor.u32 s3, s0;
	s1 =	sshll.u32 s1, $0x11  }
0xbc: {  	s0 =	sor.u32 s1, s0  }
0xbd: {  	s0 =	sadd.s32 $0x8F2B, s0  }
0xbe: {  	[sflag:s0] =	ssyncadd.remote.s32 $0x1  }
0xbf: {  	_ =	sfence.sel $0xFFFF  }
0xc0: {  	[dreg:$0x0] =	wrdreg $0xFFFFFFFF;
	(pc) =	sbr.abs _section_cstart, $3  }
0xc1: {  	[dreg:$0x1] =	wrdreg $0xFFFFFFFF  }
0xc2: {  	_ =	task.clear_ibuf [dreg:s7], $0x2FFFF;
	_ =	strace $0x9FFFFFFF  }
0xc3: {  	(tm) =	ssettm $0x7FFFFFFF  }
tec
execute0_lowered:
.L_overlay_start_1:
0x0: {  	(tag) =	ssettag $0x1  }
0x1: {  	s0 =	srdreg.scid;
	s1 =	rddreg [dreg:$0x0]  }
0x2: {  	s10 =	stileid.u32;
	s2 =	rddreg [dreg:$0x1]  }
0x3: {  	s4 =	simm.s32 $0x0;
	s29 =	simm.s32 $0x64;
	s30 =	simm.s32 $0x6880  }
0x4: {  	s31 =	simm.s32 $0x9A80;
	s28 =	simm.s32 $0x1;
	s12 =	simm.s32 $0x3  }
0x5: {  	s13 =	simm.s32 $0x7;
	s0 =	sand.u32 $0x1, s0;
	s8 =	smul.u32 $0xA000, s10  }
0x6: {  	[smem:$0x7FF] =	sst s4;
	s5 =	sadd.s32 $0xC00, s1;
	s11 =	sadd.s32 $0x28E00, s1  }
0x7: {  	s3 =	sshll.u32 s0, $0x4;
	s9 =	smul.u32 $0xA0000, s0;
	s0 =	ssub.s32 $0x2, s0  }
0x8: {  	s6 =	sor.u32 s10, s3;
	s3 =	rddreg [dreg:$0x2];
	s10 =	smul.u32 $0x28000, s10  }
0x9: {  	_ =	strace $0x80000047;
	[dreg:$0x4] =	wrdreg s11;
	s14 =	sshrl.u32 s0, $0x1  }
0xa: {  	s0 =	ssub.s32 s0, s14;
	s18 =	sadd.s32 s8, s3;
	s10 =	sshrl.u32 s10, $0x2  }
0xb: {  	s0 =	smax.u32 s0, $0x1;
	[dreg:$0x5] =	wrdreg s18;
	s10 =	sadd.s32 s10, s3  }
0xc: {  	s7 =	smul.u32 $0x514, s6;
	[dreg:$0x14] =	wrdreg s0;
	s15 =	sadd.s32 $0x1000, s10  }
0xd: {  	s9 =	sadd.s32 s8, s9;
	s16 =	sadd.s32 $0x2000, s10;
	[dreg:$0x6] =	wrdreg s15  }
0xe: {  	s11 =	smul.u32 $0x9C40, s6;
	s17 =	sadd.s32 $0x3000, s10;
	[dreg:$0x7] =	wrdreg s16  }
0xf: {  	s8 =	simm.s32 $0x55F0;
	s19 =	sadd.s32 $0x4000, s10;
	[dreg:$0x8] =	wrdreg s17  }
0x10: {  	s14 =	simm.s32 $0x4;
	s20 =	sadd.s32 $0x5000, s10;
	[dreg:$0x9] =	wrdreg s19  }
0x11: {  	s9 =	sshrl.u32 s9, $0x3;
	s21 =	sadd.s32 $0x6000, s10;
	[dreg:$0xa] =	wrdreg s20  }
0x12: {  	s7 =	sadd.s32 s7, s1;
	s22 =	sadd.s32 $0x7000, s10;
	[dreg:$0xb] =	wrdreg s21  }
0x13: {  	s1 =	sadd.s32 s9, s1;
	s23 =	sadd.s32 $0x8000, s10;
	[dreg:$0xc] =	wrdreg s22  }
0x14: {  	s24 =	sshrl.u32 s11, $0x3;
	s25 =	sadd.s32 $0x9000, s10;
	[dreg:$0xd] =	wrdreg s23  }
0x15: {  	s0 =	simm.s32 $0x5;
	s26 =	sadd.s32 $0x14600, s7;
	[dreg:$0xe] =	wrdreg s25  }
0x16: {  	v0 =	vimm.f32 $0.0e+00;
	v1 =	vimm.s32 $0x0;
	s9 =	simm.s32 $0x2;
	s7 =	sadd.s32 $0x1EA00, s7;
	[dreg:$0xf] =	wrdreg s26  }
0x17: {  	v2 =	vimm.s32 $0x1;
	v3 =	vimm.s32 $0x2;
	v4 =	vimm.s32 $0x3;
	s6 =	sadd.s32 s2, s24;
	s1 =	sadd.s32 $0x29000, s1;
	[dreg:$0x11] =	wrdreg s7  }
0x18: {  	v5 =	vimm.s32 $0x4;
	v6 =	vimm.s32 $0x5;
	v7 =	vimm.s32 $0x6;
	s24 =	simm.s32 $0x5880;
	s10 =	simm.s32 $0x6;
	[dreg:$0x10] =	wrdreg s6  }
0x19: {  	v8 =	vimm.s32 $0x7;
	v9 =	vimm.s32 $0x8;
	v10 =	vimm.s32 $0x9;
	s6 =	sadd.s32 $0x32, s6;
	[dreg:$0x13] =	wrdreg s1;
	s25 =	simm.s32 $0xD  }
0x1a: {  	v11 =	vimm.s32 $0xA;
	v12 =	vimm.s32 $0xB;
	v13 =	vimm.s32 $0xC;
	s26 =	simm.s32 $0x8180;
	s1 =	simm.s32 $0x5460;
	s15 =	simm.s32 $0x8  }
0x1b: {  	v14 =	vimm.s32 $0xD;
	v15 =	vimm.s32 $0xE;
	v16 =	vimm.s32 $0xF;
	s21 =	simm.s32 $0x0;
	[dreg:$0x12] =	wrdreg s6;
	s6 =	simm.s32 $0xB380  }
.LBB2_1:
0x1c: {  	s17 =	simm.s32 $0x100;
	s16 =	simm.s32 $0x0  }
.LBB2_2:
0x1d: {  	p0 =	sne.s32 s17, $0x3F00;
	[tilespmem:s16+$0x58B0] =	vst v0;
	s7 =	smov.u32 s17;
	s17 =	sadd.s32 $0x100, s17  }
.Ltmp0:
0x1e: {  	[tilespmem:s16+$0x58A0] =	vst v0;
	(pc) =	sbr.rel @p0 .LBB2_2-.Ltmp0, $3  }
0x1f: {  	[tilespmem:s16+$0x5880] =	vst v0  }
0x20: {  	[tilespmem:s16+$0x5890] =	vst v0;
	_ =	sdelay $0x1  }
0x21: {  	s16 =	sshra.s32 s7, $0x2  }
0x22: {  	[tilespmem:s16+$0x58B0] =	vst v0  }
0x23: {  	[tilespmem:s16+$0x58A0] =	vst v0  }
0x24: {  	[tilespmem:s16+$0x5880] =	vst v0  }
0x25: {  	[tilespmem:s16+$0x5890] =	vst v0  }
0x26: {  	[spmem:s18] =	stream.linear.scatter [tilespmem:s24], [sflag:$0xD], $0x1000, $0x38;
	[tilespmem:$0x16C80] =	vst v63  }
0x27: {  	_ =	swait.ge [sflag:s25], $0x1000  }
0x28: {  	[sflag:s25] =	ssyncset.done $0x0  }
0x29: {  	s7 =	rddreg [dreg:$0x6];
	[sflag:s25] =	ssyncadd.s32 $0xFFFFF000  }
0x2a: {  	[spmem:s7] =	stream.linear.scatter [tilespmem:s24], [sflag:$0xD], $0x1000, $0x38;
	[tilespmem:$0x16C80] =	vst v63  }
0x2b: {  	_ =	swait.ge [sflag:s25], $0x1000  }
0x2c: {  	[sflag:s25] =	ssyncset.done $0x0  }
0x2d: {  	s19 =	rddreg [dreg:$0x7];
	[sflag:s25] =	ssyncadd.s32 $0xFFFFF000  }
0x2e: {  	[spmem:s19] =	stream.linear.scatter [tilespmem:s24], [sflag:$0xD], $0x1000, $0x38;
	[tilespmem:$0x16C80] =	vst v63  }
0x2f: {  	_ =	swait.ge [sflag:s25], $0x1000  }
0x30: {  	[sflag:s25] =	ssyncset.done $0x0  }
0x31: {  	s20 =	rddreg [dreg:$0x8];
	[sflag:s25] =	ssyncadd.s32 $0xFFFFF000  }
0x32: {  	[spmem:s20] =	stream.linear.scatter [tilespmem:s24], [sflag:$0xD], $0x1000, $0x38;
	[tilespmem:$0x16C80] =	vst v63  }
0x33: {  	_ =	swait.ge [sflag:s25], $0x1000  }
0x34: {  	[sflag:s25] =	ssyncset.done $0x0  }
0x35: {  	s22 =	rddreg [dreg:$0x9];
	[sflag:s25] =	ssyncadd.s32 $0xFFFFF000  }
0x36: {  	[spmem:s22] =	stream.linear.scatter [tilespmem:s24], [sflag:$0xD], $0x1000, $0x38;
	[tilespmem:$0x16C80] =	vst v63  }
0x37: {  	_ =	swait.ge [sflag:s25], $0x1000  }
0x38: {  	[sflag:s25] =	ssyncset.done $0x0  }
0x39: {  	s23 =	rddreg [dreg:$0xa];
	[sflag:s25] =	ssyncadd.s32 $0xFFFFF000  }
0x3a: {  	[spmem:s23] =	stream.linear.scatter [tilespmem:s24], [sflag:$0xD], $0x1000, $0x38;
	[tilespmem:$0x16C80] =	vst v63  }
0x3b: {  	_ =	swait.ge [sflag:s25], $0x1000  }
0x3c: {  	[sflag:s25] =	ssyncset.done $0x0  }
0x3d: {  	s16 =	rddreg [dreg:$0xb];
	[sflag:s25] =	ssyncadd.s32 $0xFFFFF000  }
0x3e: {  	[spmem:s16] =	stream.linear.scatter [tilespmem:s24], [sflag:$0xD], $0x1000, $0x38;
	[tilespmem:$0x16C80] =	vst v63  }
0x3f: {  	_ =	swait.ge [sflag:s25], $0x1000  }
0x40: {  	[sflag:s25] =	ssyncset.done $0x0  }
0x41: {  	s17 =	rddreg [dreg:$0xc];
	[sflag:s25] =	ssyncadd.s32 $0xFFFFF000  }
0x42: {  	[spmem:s17] =	stream.linear.scatter [tilespmem:s24], [sflag:$0xD], $0x1000, $0x38;
	[tilespmem:$0x16C80] =	vst v63  }
0x43: {  	_ =	swait.ge [sflag:s25], $0x1000  }
0x44: {  	[sflag:s25] =	ssyncset.done $0x0  }
0x45: {  	s18 =	rddreg [dreg:$0xd];
	[sflag:s25] =	ssyncadd.s32 $0xFFFFF000  }
0x46: {  	[spmem:s18] =	stream.linear.scatter [tilespmem:s24], [sflag:$0xD], $0x1000, $0x38;
	[tilespmem:$0x16C80] =	vst v63  }
0x47: {  	_ =	swait.ge [sflag:s25], $0x1000  }
0x48: {  	[sflag:s25] =	ssyncset.done $0x0  }
0x49: {  	s19 =	rddreg [dreg:$0xe];
	[sflag:s25] =	ssyncadd.s32 $0xFFFFF000  }
0x4a: {  	[spmem:s19] =	stream.linear.scatter [tilespmem:s24], [sflag:$0xD], $0x1000, $0x38;
	[tilespmem:$0x16C80] =	vst v63  }
0x4b: {  	_ =	swait.ge [sflag:s25], $0x1000  }
0x4c: {  	[sflag:s25] =	ssyncset.done $0x0  }
0x4d: {  	[sflag:s25] =	ssyncadd.s32 $0xFFFFF000  }
0x4e: {  	[bflag:$0x0] =	sbarrier.arrive $0xFFFF  }
0x4f: {  	s20 =	rddreg [dreg:$0xf]  }
0x50: {  	[tilespmem:s21], [sflag:$0xD] =	stream.linear.gather [hbm4b:s20+s21], $0x28A0, $0x38;
	[tilespmem:$0x16C80] =	vst v63  }
0x51: {  	_ =	swait.ge [sflag:s25], $0x28A0  }
0x52: {  	[sflag:s25] =	ssyncset.done $0x0  }
0x53: {  	s23 =	simm.s32 $0x28A0;
	s22 =	rddreg [dreg:$0x11];
	[sflag:s25] =	ssyncadd.s32 $0xFFFFD760  }
0x54: {  	[tilespmem:s23], [sflag:$0xD] =	stream.linear.gather [hbm4b:s22+s21], $0x28A0, $0x38;
	[tilespmem:$0x16C80] =	vst v63  }
0x55: {  	_ =	swait.ge [sflag:s25], $0x28A0  }
0x56: {  	[sflag:s25] =	ssyncset.done $0x0  }
0x57: {  	s17 =	simm.s32 $0x5780;
	s16 =	rddreg [dreg:$0x4];
	[sflag:s25] =	ssyncadd.s32 $0xFFFFD760  }
0x58: {  	[tilespmem:s17], [sflag:$0xD] =	stream.linear.gather [hbm4b:s16+s21], $0x100, $0x38;
	[tilespmem:$0x16C80] =	vst v63  }
0x59: {  	_ =	swait.ge [sflag:s25], $0x100  }
0x5a: {  	[sflag:s25] =	ssyncset.done $0x0  }
0x5b: {  	[sflag:s25] =	ssyncadd.s32 $0xFFFFFF00  }
0x5c: {  	v17 =	vld [tilespmem:$0x5780]  }
0x5d: {  	v18 =	vld [tilespmem:$0x5790]  }
0x5e: {  	v19 =	vld [tilespmem:$0x57A0]  }
0x5f: {  	v20 =	vld [tilespmem:$0x57B0]  }
0x60: {  	v21 =	vld [tilespmem:$0x57C0]  }
0x61: {  	v22 =	vld [tilespmem:$0x57D0]  }
0x62: {  	v23 =	vld [tilespmem:$0x57E0]  }
0x63: {  	v24 =	vld [tilespmem:$0x57F0]  }
0x64: {  	v25 =	vld [tilespmem:$0x5800]  }
0x65: {  	v26 =	vld [tilespmem:$0x5810]  }
0x66: {  	v27 =	vld [tilespmem:$0x5820]  }
0x67: {  	v28 =	vld [tilespmem:$0x5830]  }
0x68: {  	v29 =	vld [tilespmem:$0x5840]  }
0x69: {  	v30 =	vld [tilespmem:$0x5850]  }
0x6a: {  	v31 =	vld [tilespmem:$0x5860]  }
0x6b: {  	v32 =	vld [tilespmem:$0x5870];
	[tilespmem:s30], [sflag:$0x1] =	stream.indirect.gather [hbm4b:s5+s29], $0x40, s21, s29, $0xb8  }
0x6c: {  	s19 =	simm.s32 $0x5140;
	s18 =	rddreg [dreg:$0x10]  }
0x6d: {  	[tilespmem:s19], [sflag:$0x5] =	stream.linear.gather [hbm4b:s18+s21], $0x190, $0x38;
	[tilespmem:$0x16C80] =	vst v63  }
0x6e: {  	s20 =	simm.s32 $0x68  }
0x6f: {  	[tilespmem:s26], [sflag:$0x2] =	stream.indirect.gather [hbm4b:s5+s29], $0x40, s20, s29, $0xb8;
	[tilespmem:$0x16C80] =	vst v63  }
0x70: {  	s23 =	simm.s32 $0x52D0;
	s22 =	rddreg [dreg:$0x12]  }
0x71: {  	[tilespmem:s23], [sflag:$0x6] =	stream.linear.gather [hbm4b:s22+s21], $0x190, $0x38;
	[tilespmem:$0x16C80] =	vst v63  }
0x72: {  	s22 =	simm.s32 $0x0  }
.LBB2_4:
0x73: {  	s23 =	sshll.u32 s22, $0x2  }
0x74: {  	p0 =	seq.s32 s22, $0x0;
	s7 =	sor.u32 $0x2, s23  }
0x75: {  	s16 =	simm.s32 @!p0 $0xB;
	s17 =	smul.u32 $0x1A0, s7  }
0x76: {  	_ =	swait.ge @!p0 [sflag:s16], $0x1900;
	s7 =	smul.u32 $0x190, s7  }
0x77: {  	[sflag:s16] =	ssyncset.done @!p0 $0x0  }
0x78: {  	[sflag:s16] =	ssyncadd.s32 @!p0 $0xFFFFE700;
	s16 =	sshra.s32 s17, $0x2;
	s7 =	sadd.s32 s11, s7  }
0x79: {  	[tilespmem:s31], [sflag:$0x3] =	stream.indirect.gather [hbm4b:s5+s29], $0x40, s16, s29, $0xb8;
	[tilespmem:$0x16C80] =	vst v63  }
0x7a: {  	s7 =	sshrl.u32 s7, $0x3  }
0x7b: {  	s7 =	sadd.s32 s2, s7  }
0x7c: {  	[tilespmem:s1], [sflag:$0x7] =	stream.linear.gather [hbm4b:s7+s21], $0x190, $0x38;
	[tilespmem:$0x16C80] =	vst v63  }
0x7d: {  	_ =	swait.ge [sflag:s28], $0x1900  }
0x7e: {  	[sflag:s28] =	ssyncset.done $0x0  }
0x7f: {  	[sflag:s28] =	ssyncadd.s32 $0xFFFFE700  }
0x80: {  	_ =	swait.ge [sflag:s0], $0x190  }
0x81: {  	[sflag:s0] =	ssyncset.done $0x0  }
0x82: {  	s20 =	simm.s32 $0x0;
	[sflag:s0] =	ssyncadd.s32 $0xFFFFFE70  }
0x83: {  	v33 =	vld [tilespmem:s20+$0x5140];
	_ =	sdelay $0x4  }
0x84: {  	v36 =	vperm.xlane v33, v1  }
0x85: {  	v37 =	vperm.xlane v33, v5;
	v38 =	vperm.xlane v33, v6  }
0x86: {  	v41 =	vperm.xlane v33, v2;
	v42 =	vperm.xlane v33, v7  }
0x87: {  	v44 =	vperm.xlane v33, v3;
	v46 =	vperm.xlane v33, v4  }
0x88: {  	v40 =	vmul.f32 v36, v17;
	v43 =	vmul.f32 v36, v18  }
0x89: {  	s17 =	simm.s32 $0x6900;
	v58 =	vmul.f32 v41, v21;
	v45 =	vmul.f32 v36, v19  }
0x8a: {  	v34 =	vld [tilespmem:s17+$0xFFFFFF80];
	v59 =	vmul.f32 v41, v22;
	v60 =	vmul.f32 v44, v25  }
0x8b: {  	v35 =	vld [tilespmem:s17+$0xFFFFFF90];
	v62 =	vmul.f32 v41, v23;
	v47 =	vmul.f32 v44, v26  }
0x8c: {  	v39 =	vld [tilespmem:s17+$0xFFFFFFA0];
	v63 =	vmul.f32 v46, v29;
	v48 =	vmul.f32 v46, v30  }
0x8d: {  	v61 =	vld [tilespmem:s17+$0xFFFFFFB0];
	v50 =	vmul.f32 v44, v27;
	v36 =	vmul.f32 v36, v20  }
0x8e: {  	v52 =	vld [tilespmem:s17+$0xFFFFFFC0];
	v51 =	vmul.f32 v46, v31;
	v41 =	vmul.f32 v41, v24  }
0x8f: {  	v44 =	vmul.f32 v44, v28;
	v53 =	vmul.f32 v46, v32  }
0x90: {  	v55 =	vmul.f32 v37, v17;
	v56 =	vmul.f32 v38, v21  }
0x91: {  	v57 =	vmul.f32 v42, v25;
	v34 =	vadd.f32 v40, v34;
	v35 =	vadd.f32 v43, v35  }
0x92: {  	v49 =	vmul.f32 v38, v22;
	v39 =	vadd.f32 v45, v39;
	v36 =	vadd.f32 v36, v61  }
0x93: {  	v54 =	vld [tilespmem:s17+$0xFFFFFFD0];
	v43 =	vadd.f32 v55, v52;
	v61 =	vmul.f32 v42, v26;
	v34 =	vadd.f32 v58, v34  }
0x94: {  	v52 =	vmul.f32 v38, v23;
	v35 =	vadd.f32 v59, v35;
	v39 =	vadd.f32 v62, v39  }
0x95: {  	v38 =	vmul.f32 v38, v24;
	v36 =	vadd.f32 v41, v36;
	v34 =	vadd.f32 v60, v34  }
0x96: {  	v59 =	vmul.f32 v37, v18;
	v35 =	vadd.f32 v47, v35;
	v39 =	vadd.f32 v50, v39  }
0x97: {  	v45 =	vperm.xlane v33, v9;
	v36 =	vadd.f32 v44, v36;
	v60 =	vadd.f32 v56, v43  }
0x98: {  	v41 =	vadd.f32 v59, v54;
	v54 =	vmul.f32 v42, v27;
	v42 =	vmul.f32 v42, v28  }
0x99: {  	v59 =	vmul.f32 v45, v18;
	v47 =	vperm.xlane v33, v12;
	v34 =	vadd.f32 v63, v34  }
0x9a: {  	v58 =	vld [tilespmem:s17+$0xFFFFFFE0];
	v35 =	vadd.f32 v48, v35;
	v39 =	vadd.f32 v51, v39;
	v48 =	vperm.xlane v33, v8  }
0x9b: {  	v62 =	vld [tilespmem:s17+$0xFFFFFFF0];
	v36 =	vadd.f32 v53, v36;
	v63 =	vmul.f32 v37, v19;
	v40 =	vadd.f32 v57, v60  }
0x9c: {  	v41 =	vadd.f32 v49, v41;
	v37 =	vmul.f32 v37, v20;
	v49 =	vperm.xlane v33, v11  }
0x9d: {  	v34 =	vmax.f32 v34, $0.0e+00;
	v35 =	vmax.f32 v35, $0.0e+00;
	v39 =	vmax.f32 v39, $0.0e+00  }
0x9e: {  	v56 =	vld [tilespmem:s17+$0x0];
	v50 =	vmul.f32 v48, v29;
	v51 =	vmul.f32 v48, v30;
	v36 =	vmax.f32 v36, $0.0e+00  }
0x9f: {  	v44 =	vadd.f32 v63, v58;
	v55 =	vmul.f32 v48, v31;
	v41 =	vadd.f32 v61, v41  }
0xa0: {  	v37 =	vadd.f32 v37, v62;
	v48 =	vmul.f32 v48, v32;
	v58 =	vmul.f32 v45, v17  }
0xa1: {  	v57 =	vld [tilespmem:s17+$0x10];
	v62 =	vmul.f32 v49, v25;
	v40 =	vadd.f32 v50, v40;
	v44 =	vadd.f32 v52, v44  }
0xa2: {  	v41 =	vadd.f32 v51, v41;
	v37 =	vadd.f32 v38, v37;
	v38 =	vperm.xlane v33, v10  }
0xa3: {  	v43 =	vadd.f32 v58, v56;
	v58 =	vmul.f32 v49, v26;
	v51 =	vperm.xlane v33, v13  }
0xa4: {  	v40 =	vmax.f32 v40, $0.0e+00;
	v44 =	vadd.f32 v54, v44;
	v41 =	vmax.f32 v41, $0.0e+00  }
0xa5: {  	v37 =	vadd.f32 v42, v37;
	v60 =	vmul.f32 v38, v21;
	v61 =	vmul.f32 v38, v22  }
0xa6: {  	v63 =	vld [tilespmem:s17+$0x20];
	v42 =	vadd.f32 v59, v57;
	v57 =	vmul.f32 v47, v29;
	v59 =	vmul.f32 v47, v30  }
0xa7: {  	v53 =	vld [tilespmem:s17+$0x30];
	v54 =	vmul.f32 v38, v23;
	v38 =	vmul.f32 v38, v24;
	v44 =	vadd.f32 v55, v44  }
0xa8: {  	v43 =	vadd.f32 v60, v43;
	v42 =	vadd.f32 v61, v42;
	v60 =	vmul.f32 v45, v19  }
0xa9: {  	v37 =	vadd.f32 v48, v37;
	v61 =	vmul.f32 v49, v27;
	v45 =	vmul.f32 v45, v20  }
0xaa: {  	v44 =	vmax.f32 v44, $0.0e+00;
	v43 =	vadd.f32 v62, v43;
	v42 =	vadd.f32 v58, v42  }
0xab: {  	v62 =	vmul.f32 v47, v31;
	v46 =	vadd.f32 v60, v63;
	v63 =	vmul.f32 v49, v28  }
0xac: {  	v45 =	vadd.f32 v45, v53;
	v58 =	vld [tilespmem:s17+$0x50];
	v47 =	vmul.f32 v47, v32;
	v43 =	vadd.f32 v57, v43  }
0xad: {  	v60 =	vmul.f32 v51, v18;
	v42 =	vadd.f32 v59, v42;
	v46 =	vadd.f32 v54, v46  }
0xae: {  	v57 =	vld [tilespmem:s17+$0x40];
	v38 =	vadd.f32 v38, v45;
	v45 =	vperm.xlane v33, v14;
	v59 =	vmul.f32 v51, v17  }
0xaf: {  	v37 =	vmax.f32 v37, $0.0e+00;
	v54 =	vperm.xlane v33, v15;
	v33 =	vperm.xlane v33, v16  }
0xb0: {  	v43 =	vmax.f32 v43, $0.0e+00;
	v42 =	vmax.f32 v42, $0.0e+00;
	v46 =	vadd.f32 v61, v46  }
0xb1: {  	[tilespmem:s17+$0xFFFFFF80] =	vst v34;
	v50 =	vld [tilespmem:s17+$0x60];
	v38 =	vadd.f32 v63, v38;
	v52 =	vmul.f32 v45, v22;
	v53 =	vadd.f32 v60, v58  }
0xb2: {  	[tilespmem:s17+$0xFFFFFF90] =	vst v35;
	v55 =	vld [tilespmem:s17+$0x70];
	v60 =	vmul.f32 v33, v29;
	v61 =	vadd.f32 v62, v46;
	v62 =	vmul.f32 v45, v21  }
0xb3: {  	[tilespmem:s17+$0xFFFFFFA0] =	vst v39;
	v63 =	vadd.f32 v47, v38;
	v49 =	vadd.f32 v59, v57;
	v57 =	vmul.f32 v54, v25  }
0xb4: {  	[tilespmem:s17+$0xFFFFFFB0] =	vst v36;
	v58 =	vadd.f32 v52, v53;
	v59 =	vmul.f32 v51, v19;
	v52 =	vmul.f32 v33, v30  }
0xb5: {  	[tilespmem:s17+$0xFFFFFFC0] =	vst v40;
	v34 =	vmax.f32 v61, $0.0e+00;
	v35 =	vmax.f32 v63, $0.0e+00;
	v61 =	vmul.f32 v51, v20  }
0xb6: {  	[tilespmem:s17+$0xFFFFFFD0] =	vst v41;
	v63 =	vmul.f32 v45, v23;
	v56 =	vadd.f32 v62, v49;
	v38 =	vadd.f32 v59, v50  }
0xb7: {  	[tilespmem:s17+$0xFFFFFFE0] =	vst v44;
	v45 =	vmul.f32 v45, v24;
	v62 =	vmul.f32 v54, v26;
	v51 =	vadd.f32 v61, v55  }
0xb8: {  	[tilespmem:s17+$0xFFFFFFF0] =	vst v37;
	v55 =	vmul.f32 v54, v27;
	v53 =	vadd.f32 v57, v56;
	v38 =	vadd.f32 v63, v38  }
0xb9: {  	[tilespmem:s17+$0x0] =	vst v43;
	v36 =	vadd.f32 v62, v58;
	v56 =	vmul.f32 v54, v28;
	v57 =	vadd.f32 v45, v51  }
0xba: {  	[tilespmem:s17+$0x10] =	vst v42;
	v58 =	vmul.f32 v33, v31;
	v37 =	vadd.f32 v60, v53;
	v38 =	vadd.f32 v55, v38  }
0xbb: {  	[tilespmem:s17+$0x20] =	vst v34;
	v33 =	vmul.f32 v33, v32;
	v59 =	vadd.f32 v52, v36;
	v60 =	vadd.f32 v56, v57  }
0xbc: {  	[tilespmem:s17+$0x30] =	vst v35;
	v61 =	vmax.f32 v37, $0.0e+00;
	v62 =	vadd.f32 v58, v38  }
0xbd: {  	v34 =	vmax.f32 v59, $0.0e+00;
	[tilespmem:s17+$0x40] =	vst v61;
	v33 =	vadd.f32 v33, v60  }
0xbe: {  	[tilespmem:s17+$0x50] =	vst v34;
	v63 =	vmax.f32 v62, $0.0e+00  }
0xbf: {  	[tilespmem:s17+$0x60] =	vst v63;
	v33 =	vmax.f32 v33, $0.0e+00  }
0xc0: {  	s19 =	simm.s32 $0x10;
	s18 =	simm.s32 $0x80;
	[tilespmem:s17+$0x70] =	vst v33  }
.LBB2_5:
0xc1: {  	p1 =	sne.s32 s18, $0x600;
	v33 =	vld [tilespmem:s19+$0x5140];
	_ =	sdelay $0x1  }
0xc2: {  	s17 =	sadd.s32 $0x100, s17  }
0xc3: {  	v34 =	vld [tilespmem:s17+$0xFFFFFFA0]  }
0xc4: {  	v35 =	vld [tilespmem:s17+$0xFFFFFF80]  }
0xc5: {  	v36 =	vld [tilespmem:s17+$0xFFFFFF90];
	v37 =	vperm.xlane v33, v1;
	v38 =	vperm.xlane v33, v5  }
0xc6: {  	v39 =	vperm.xlane v33, v6;
	v40 =	vperm.xlane v33, v7  }
0xc7: {  	v42 =	vperm.xlane v33, v2;
	v41 =	vmul.f32 v37, v17  }
0xc8: {  	v43 =	vmul.f32 v37, v18;
	v44 =	vmul.f32 v37, v19  }
0xc9: {  	v45 =	vperm.xlane v33, v3;
	v35 =	vadd.f32 v41, v35;
	v41 =	vmul.f32 v42, v21  }
0xca: {  	v34 =	vadd.f32 v44, v34;
	v36 =	vadd.f32 v43, v36;
	v43 =	vmul.f32 v42, v22  }
0xcb: {  	v44 =	vperm.xlane v33, v4;
	v35 =	vadd.f32 v41, v35;
	v41 =	vmul.f32 v45, v25  }
0xcc: {  	v47 =	vmul.f32 v45, v26;
	v46 =	vld [tilespmem:s17+$0xFFFFFFB0];
	v36 =	vadd.f32 v43, v36;
	v43 =	vmul.f32 v42, v23  }
0xcd: {  	v48 =	vmul.f32 v44, v30;
	v35 =	vadd.f32 v41, v35;
	v41 =	vmul.f32 v44, v29  }
0xce: {  	v34 =	vadd.f32 v43, v34;
	v36 =	vadd.f32 v47, v36;
	v43 =	vmul.f32 v45, v27  }
0xcf: {  	v37 =	vmul.f32 v37, v20;
	v35 =	vadd.f32 v41, v35;
	v41 =	vmul.f32 v44, v31  }
0xd0: {  	v42 =	vmul.f32 v42, v24;
	v34 =	vadd.f32 v43, v34;
	v36 =	vadd.f32 v48, v36;
	v43 =	vld [tilespmem:s17+$0xFFFFFFC0]  }
0xd1: {  	v45 =	vmul.f32 v45, v28;
	v37 =	vadd.f32 v37, v46;
	v35 =	vmax.f32 v35, $0.0e+00  }
0xd2: {  	v34 =	vadd.f32 v41, v34;
	v41 =	vmul.f32 v44, v32;
	[tilespmem:s17+$0xFFFFFF80] =	vst v35;
	v35 =	vmax.f32 v36, $0.0e+00  }
0xd3: {  	v36 =	vadd.f32 v42, v37;
	[tilespmem:s17+$0xFFFFFF90] =	vst v35;
	v35 =	vld [tilespmem:s17+$0xFFFFFFD0];
	v37 =	vmul.f32 v38, v17;
	v42 =	vmul.f32 v39, v21  }
0xd4: {  	v46 =	vperm.xlane v33, v8;
	v44 =	vmul.f32 v40, v25;
	v34 =	vmax.f32 v34, $0.0e+00  }
0xd5: {  	v36 =	vadd.f32 v45, v36;
	[tilespmem:s17+$0xFFFFFFA0] =	vst v34;
	v34 =	vld [tilespmem:s17+$0xFFFFFFE0];
	v37 =	vadd.f32 v37, v43;
	v43 =	vmul.f32 v38, v18  }
0xd6: {  	v47 =	vmul.f32 v46, v29;
	v45 =	vmul.f32 v39, v22  }
0xd7: {  	v36 =	vadd.f32 v41, v36;
	v37 =	vadd.f32 v42, v37;
	v41 =	vmul.f32 v40, v26  }
0xd8: {  	v48 =	vmul.f32 v46, v30;
	v42 =	vld [tilespmem:s17+$0xFFFFFFF0];
	v35 =	vadd.f32 v43, v35;
	v43 =	vmul.f32 v38, v19  }
0xd9: {  	v49 =	vmul.f32 v39, v23;
	v36 =	vmax.f32 v36, $0.0e+00;
	v37 =	vadd.f32 v44, v37  }
0xda: {  	[tilespmem:s17+$0xFFFFFFB0] =	vst v36;
	v34 =	vadd.f32 v43, v34;
	v35 =	vadd.f32 v45, v35;
	v36 =	vmul.f32 v40, v27  }
0xdb: {  	v38 =	vmul.f32 v38, v20;
	v43 =	vmul.f32 v46, v31;
	v37 =	vadd.f32 v47, v37  }
0xdc: {  	v39 =	vmul.f32 v39, v24;
	v34 =	vadd.f32 v49, v34;
	v35 =	vadd.f32 v41, v35  }
0xdd: {  	v40 =	vmul.f32 v40, v28;
	v38 =	vadd.f32 v38, v42;
	v37 =	vmax.f32 v37, $0.0e+00  }
0xde: {  	v34 =	vadd.f32 v36, v34;
	v35 =	vadd.f32 v48, v35;
	v36 =	vmul.f32 v46, v32;
	[tilespmem:s17+$0xFFFFFFC0] =	vst v37;
	v37 =	vld [tilespmem:s17+$0x0]  }
0xdf: {  	v41 =	vperm.xlane v33, v10;
	v38 =	vadd.f32 v39, v38;
	v39 =	vperm.xlane v33, v9  }
0xe0: {  	v34 =	vadd.f32 v43, v34;
	v35 =	vmax.f32 v35, $0.0e+00;
	v42 =	vld [tilespmem:s17+$0x10];
	v43 =	vperm.xlane v33, v11  }
0xe1: {  	v38 =	vadd.f32 v40, v38;
	[tilespmem:s17+$0xFFFFFFD0] =	vst v35;
	v35 =	vmul.f32 v39, v17;
	v40 =	vmul.f32 v41, v21  }
0xe2: {  	v45 =	vperm.xlane v33, v12;
	v34 =	vmax.f32 v34, $0.0e+00;
	v44 =	vmul.f32 v43, v25  }
0xe3: {  	v36 =	vadd.f32 v36, v38;
	[tilespmem:s17+$0xFFFFFFE0] =	vst v34;
	v34 =	vadd.f32 v35, v37;
	v35 =	vmul.f32 v39, v18  }
0xe4: {  	v37 =	vmul.f32 v41, v22;
	v38 =	vmul.f32 v45, v29  }
0xe5: {  	v36 =	vmax.f32 v36, $0.0e+00;
	v46 =	vld [tilespmem:s17+$0x20];
	v35 =	vadd.f32 v35, v42;
	v34 =	vadd.f32 v40, v34  }
0xe6: {  	v40 =	vmul.f32 v45, v30;
	[tilespmem:s17+$0xFFFFFFF0] =	vst v36;
	v36 =	vmul.f32 v43, v26  }
0xe7: {  	v47 =	vmul.f32 v39, v19;
	v42 =	vld [tilespmem:s17+$0x30];
	v35 =	vadd.f32 v37, v35;
	v34 =	vadd.f32 v44, v34  }
0xe8: {  	v37 =	vmul.f32 v41, v23;
	v44 =	vmul.f32 v43, v27  }
0xe9: {  	v35 =	vadd.f32 v36, v35;
	v34 =	vadd.f32 v38, v34;
	v36 =	vmul.f32 v45, v31  }
0xea: {  	v39 =	vmul.f32 v39, v20;
	v41 =	vmul.f32 v41, v24;
	v38 =	vadd.f32 v47, v46  }
0xeb: {  	v43 =	vmul.f32 v43, v28;
	v35 =	vadd.f32 v40, v35;
	v34 =	vmax.f32 v34, $0.0e+00  }
0xec: {  	v39 =	vadd.f32 v39, v42;
	v37 =	vadd.f32 v37, v38;
	v38 =	vmul.f32 v45, v32;
	[tilespmem:s17+$0x0] =	vst v34;
	v34 =	vld [tilespmem:s17+$0x40]  }
0xed: {  	v40 =	vperm.xlane v33, v13;
	v42 =	vperm.xlane v33, v14;
	v35 =	vmax.f32 v35, $0.0e+00  }
0xee: {  	v39 =	vadd.f32 v41, v39;
	v37 =	vadd.f32 v44, v37;
	[tilespmem:s17+$0x10] =	vst v35;
	v35 =	vld [tilespmem:s17+$0x50];
	v41 =	vperm.xlane v33, v15  }
0xef: {  	v44 =	vmul.f32 v40, v17;
	v45 =	vmul.f32 v42, v21  }
0xf0: {  	v39 =	vadd.f32 v43, v39;
	v36 =	vadd.f32 v36, v37;
	v37 =	vmul.f32 v41, v25  }
0xf1: {  	v33 =	vperm.xlane v33, v16;
	v43 =	vmul.f32 v40, v18;
	v34 =	vadd.f32 v44, v34  }
0xf2: {  	v38 =	vadd.f32 v38, v39;
	v36 =	vmax.f32 v36, $0.0e+00;
	v39 =	vmul.f32 v42, v22  }
0xf3: {  	[tilespmem:s17+$0x20] =	vst v36;
	v36 =	vld [tilespmem:s17+$0x60];
	v35 =	vadd.f32 v43, v35;
	v34 =	vadd.f32 v45, v34;
	v43 =	vmul.f32 v33, v29  }
0xf4: {  	v44 =	vmul.f32 v41, v26;
	v45 =	vmul.f32 v33, v30;
	v38 =	vmax.f32 v38, $0.0e+00  }
0xf5: {  	v46 =	vmul.f32 v40, v19;
	[tilespmem:s17+$0x30] =	vst v38;
	v38 =	vld [tilespmem:s17+$0x70];
	v35 =	vadd.f32 v39, v35;
	v34 =	vadd.f32 v37, v34  }
0xf6: {  	v37 =	vmul.f32 v42, v23;
	v39 =	vmul.f32 v41, v27  }
0xf7: {  	v35 =	vadd.f32 v44, v35;
	v34 =	vadd.f32 v43, v34;
	v43 =	vmul.f32 v33, v31  }
0xf8: {  	v40 =	vmul.f32 v40, v20;
	v42 =	vmul.f32 v42, v24;
	v36 =	vadd.f32 v46, v36  }
0xf9: {  	v41 =	vmul.f32 v41, v28;
	v35 =	vadd.f32 v45, v35;
	v34 =	vmax.f32 v34, $0.0e+00  }
0xfa: {  	v33 =	vmul.f32 v33, v32;
	v38 =	vadd.f32 v40, v38;
	v36 =	vadd.f32 v37, v36;
	[tilespmem:s17+$0x40] =	vst v34  }
0xfb: {  	v34 =	vmax.f32 v35, $0.0e+00  }
0xfc: {  	v35 =	vadd.f32 v42, v38;
	v36 =	vadd.f32 v39, v36;
	[tilespmem:s17+$0x50] =	vst v34;
	_ =	sdelay $0x1  }
0xfd: {  	v34 =	vadd.f32 v41, v35;
	v35 =	vadd.f32 v43, v36  }
.Ltmp1:
0xfe: {  	(pc) =	sbr.rel @p1 .LBB2_5-.Ltmp1, $4  }
0xff: {  	v33 =	vadd.f32 v33, v34;
	v34 =	vmax.f32 v35, $0.0e+00  }
0x100: {  	[tilespmem:s17+$0x60] =	vst v34  }
0x101: {  	v33 =	vmax.f32 v33, $0.0e+00  }
0x102: {  	s19 =	sshra.s32 s18, $0x2;
	s18 =	sadd.s32 $0x40, s18;
	[tilespmem:s17+$0x70] =	vst v33  }
0x103: {  	v33 =	vld [tilespmem:s19+$0x5140];
	_ =	sdelay $0x4  }
0x104: {  	v36 =	vperm.xlane v33, v1;
	v37 =	vperm.xlane v33, v5  }
0x105: {  	v38 =	vperm.xlane v33, v6;
	v41 =	vperm.xlane v33, v2  }
0x106: {  	v42 =	vperm.xlane v33, v7;
	v44 =	vperm.xlane v33, v3  }
0x107: {  	s18 =	sadd.s32 $0x100, s17;
	v46 =	vperm.xlane v33, v4;
	v40 =	vmul.f32 v36, v17  }
0x108: {  	v34 =	vld [tilespmem:s18+$0xFFFFFF80];
	v43 =	vmul.f32 v36, v18;
	v55 =	vmul.f32 v41, v21  }
0x109: {  	v35 =	vld [tilespmem:s18+$0xFFFFFF90];
	v45 =	vmul.f32 v36, v19;
	v56 =	vmul.f32 v41, v22  }
0x10a: {  	v39 =	vld [tilespmem:s18+$0xFFFFFFA0];
	v57 =	vmul.f32 v44, v25;
	v59 =	vmul.f32 v41, v23  }
0x10b: {  	v58 =	vld [tilespmem:s18+$0xFFFFFFB0];
	v47 =	vmul.f32 v44, v26;
	v60 =	vmul.f32 v46, v29  }
0x10c: {  	v63 =	vld [tilespmem:s18+$0xFFFFFFC0];
	v48 =	vmul.f32 v46, v30;
	v61 =	vmul.f32 v44, v27  }
0x10d: {  	v36 =	vmul.f32 v36, v20;
	v62 =	vmul.f32 v46, v31  }
0x10e: {  	v41 =	vmul.f32 v41, v24;
	v44 =	vmul.f32 v44, v28  }
0x10f: {  	v52 =	vmul.f32 v46, v32;
	v54 =	vmul.f32 v37, v17;
	v34 =	vadd.f32 v40, v34  }
0x110: {  	v49 =	vmul.f32 v38, v22;
	v35 =	vadd.f32 v43, v35;
	v39 =	vadd.f32 v45, v39  }
0x111: {  	v36 =	vadd.f32 v36, v58;
	v43 =	vadd.f32 v54, v63;
	v63 =	vmul.f32 v37, v19  }
0x112: {  	v53 =	vld [tilespmem:s18+$0xFFFFFFD0];
	v54 =	vmul.f32 v42, v27;
	v45 =	vperm.xlane v33, v9;
	v34 =	vadd.f32 v55, v34  }
0x113: {  	v58 =	vld [tilespmem:s18+$0xFFFFFFE0];
	v35 =	vadd.f32 v56, v35;
	v39 =	vadd.f32 v59, v39;
	v55 =	vmul.f32 v38, v21  }
0x114: {  	v36 =	vadd.f32 v41, v36;
	v56 =	vmul.f32 v42, v25;
	v59 =	vmul.f32 v37, v18  }
0x115: {  	v37 =	vmul.f32 v37, v20;
	v34 =	vadd.f32 v57, v34;
	v35 =	vadd.f32 v47, v35  }
0x116: {  	v39 =	vadd.f32 v61, v39;
	v57 =	vperm.xlane v33, v8;
	v36 =	vadd.f32 v44, v36  }
0x117: {  	v61 =	vmul.f32 v42, v26;
	v41 =	vadd.f32 v59, v53;
	v42 =	vmul.f32 v42, v28  }
0x118: {  	v59 =	vmul.f32 v45, v17;
	v44 =	vadd.f32 v63, v58;
	v34 =	vadd.f32 v60, v34  }
0x119: {  	v35 =	vadd.f32 v48, v35;
	v39 =	vadd.f32 v62, v39;
	v50 =	vmul.f32 v57, v29  }
0x11a: {  	v36 =	vadd.f32 v52, v36;
	v51 =	vmul.f32 v57, v30;
	v52 =	vmul.f32 v38, v23  }
0x11b: {  	v60 =	vadd.f32 v55, v43;
	v55 =	vmul.f32 v57, v31;
	v38 =	vmul.f32 v38, v24  }
0x11c: {  	v58 =	vld [tilespmem:s18+$0x10];
	v41 =	vadd.f32 v49, v41;
	v57 =	vmul.f32 v57, v32;
	v49 =	vperm.xlane v33, v11  }
0x11d: {  	v62 =	vld [tilespmem:s18+$0xFFFFFFF0];
	v34 =	vmax.f32 v34, $0.0e+00;
	v35 =	vmax.f32 v35, $0.0e+00;
	v40 =	vadd.f32 v56, v60  }
0x11e: {  	v39 =	vmax.f32 v39, $0.0e+00;
	v44 =	vadd.f32 v52, v44;
	v41 =	vadd.f32 v61, v41  }
0x11f: {  	v36 =	vmax.f32 v36, $0.0e+00;
	v61 =	vmul.f32 v45, v18;
	v40 =	vadd.f32 v50, v40  }
0x120: {  	v56 =	vld [tilespmem:s18+$0x0];
	v52 =	vperm.xlane v33, v15;
	v44 =	vadd.f32 v54, v44;
	v41 =	vadd.f32 v51, v41  }
0x121: {  	v50 =	vperm.xlane v33, v12;
	v47 =	vadd.f32 v61, v58;
	v61 =	vmul.f32 v49, v27  }
0x122: {  	v51 =	vperm.xlane v33, v13;
	v37 =	vadd.f32 v37, v62;
	v62 =	vmul.f32 v49, v25  }
0x123: {  	v40 =	vmax.f32 v40, $0.0e+00;
	v44 =	vadd.f32 v55, v44;
	v41 =	vmax.f32 v41, $0.0e+00  }
0x124: {  	v54 =	vld [tilespmem:s18+$0x20];
	v53 =	vmul.f32 v50, v29;
	v37 =	vadd.f32 v38, v37;
	v38 =	vperm.xlane v33, v10  }
0x125: {  	v58 =	vmul.f32 v50, v30;
	v55 =	vmul.f32 v45, v19;
	v43 =	vadd.f32 v59, v56;
	v59 =	vld [tilespmem:s18+$0x30]  }
0x126: {  	v45 =	vmul.f32 v45, v20;
	v37 =	vadd.f32 v42, v37;
	v60 =	vmul.f32 v38, v21  }
0x127: {  	v48 =	vmul.f32 v50, v32;
	v44 =	vmax.f32 v44, $0.0e+00;
	v63 =	vmul.f32 v38, v22  }
0x128: {  	v42 =	vadd.f32 v60, v43;
	v37 =	vadd.f32 v57, v37;
	v57 =	vmul.f32 v49, v26  }
0x129: {  	v47 =	vadd.f32 v63, v47;
	v60 =	vmul.f32 v38, v23;
	v63 =	vadd.f32 v55, v54  }
0x12a: {  	v38 =	vmul.f32 v38, v24;
	v49 =	vmul.f32 v49, v28;
	v45 =	vadd.f32 v45, v59  }
0x12b: {  	v59 =	vmul.f32 v51, v17;
	v42 =	vadd.f32 v62, v42;
	v43 =	vadd.f32 v57, v47  }
0x12c: {  	v37 =	vmax.f32 v37, $0.0e+00;
	v56 =	vadd.f32 v60, v63;
	v57 =	vld [tilespmem:s18+$0x40];
	v38 =	vadd.f32 v38, v45  }
0x12d: {  	v62 =	vmul.f32 v50, v31;
	v42 =	vadd.f32 v53, v42;
	v43 =	vadd.f32 v58, v43  }
0x12e: {  	v53 =	vperm.xlane v33, v14;
	v58 =	vld [tilespmem:s18+$0x50];
	v46 =	vadd.f32 v61, v56;
	v33 =	vperm.xlane v33, v16  }
0x12f: {  	v38 =	vadd.f32 v49, v38;
	v42 =	vmax.f32 v42, $0.0e+00;
	v43 =	vmax.f32 v43, $0.0e+00  }
0x130: {  	[tilespmem:s18+$0xFFFFFF80] =	vst v34;
	v49 =	vld [tilespmem:s18+$0x60];
	v60 =	vmul.f32 v53, v21;
	v61 =	vadd.f32 v62, v46;
	v46 =	vmul.f32 v52, v25  }
0x131: {  	[tilespmem:s18+$0xFFFFFF90] =	vst v35;
	v54 =	vld [tilespmem:s18+$0x70];
	v62 =	vmul.f32 v51, v18;
	v56 =	vmul.f32 v53, v22;
	v63 =	vadd.f32 v59, v57  }
0x132: {  	[tilespmem:s18+$0xFFFFFFA0] =	vst v39;
	v38 =	vadd.f32 v48, v38;
	v57 =	vmul.f32 v33, v29;
	v59 =	vmul.f32 v52, v26  }
0x133: {  	[tilespmem:s18+$0xFFFFFFB0] =	vst v36;
	v34 =	vmax.f32 v61, $0.0e+00;
	v45 =	vadd.f32 v62, v58;
	v58 =	vmul.f32 v51, v19  }
0x134: {  	[tilespmem:s18+$0xFFFFFFC0] =	vst v40;
	v61 =	vmul.f32 v33, v30;
	v35 =	vadd.f32 v60, v63;
	v60 =	vmul.f32 v51, v20  }
0x135: {  	[tilespmem:s18+$0xFFFFFFD0] =	vst v41;
	v38 =	vmax.f32 v38, $0.0e+00;
	v62 =	vmul.f32 v53, v23;
	v47 =	vadd.f32 v58, v49  }
0x136: {  	[tilespmem:s18+$0xFFFFFFE0] =	vst v44;
	v63 =	vmul.f32 v53, v24;
	v39 =	vadd.f32 v56, v45;
	v48 =	vadd.f32 v60, v54  }
0x137: {  	[tilespmem:s18+$0xFFFFFFF0] =	vst v37;
	v35 =	vadd.f32 v46, v35;
	v49 =	vmul.f32 v52, v27;
	v50 =	vadd.f32 v62, v47  }
0x138: {  	[tilespmem:s18+$0x0] =	vst v42;
	v51 =	vmul.f32 v52, v28;
	v39 =	vadd.f32 v59, v39;
	v52 =	vadd.f32 v63, v48  }
0x139: {  	[tilespmem:s18+$0x10] =	vst v43;
	v53 =	vmul.f32 v33, v31;
	v35 =	vadd.f32 v57, v35;
	v37 =	vadd.f32 v49, v50  }
0x13a: {  	[tilespmem:s18+$0x20] =	vst v34;
	v33 =	vmul.f32 v33, v32;
	v54 =	vadd.f32 v61, v39;
	v55 =	vadd.f32 v51, v52  }
0x13b: {  	[tilespmem:s18+$0x30] =	vst v38;
	v35 =	vmax.f32 v35, $0.0e+00;
	v36 =	vadd.f32 v53, v37  }
0x13c: {  	s7 =	smul.u32 $0x680, s22;
	[tilespmem:s18+$0x40] =	vst v35;
	v34 =	vmax.f32 v54, $0.0e+00;
	v33 =	vadd.f32 v33, v55  }
0x13d: {  	[tilespmem:s18+$0x50] =	vst v34;
	v56 =	vmax.f32 v36, $0.0e+00  }
0x13e: {  	s17 =	sshra.s32 s7, $0x2;
	v33 =	vmax.f32 v33, $0.0e+00;
	[tilespmem:s18+$0x60] =	vst v56  }
0x13f: {  	s7 =	sadd.s32 $0x28A0, s17;
	[tilespmem:s18+$0x70] =	vst v33  }
0x140: {  	[spmem:s3] =	stream.indirect.scatter.add.f32 [tilespmem:s30], [sflag:$0x9], $0x40, s7, s29, $0xb8;
	[tilespmem:$0x16C80] =	vst v63  }
0x141: {  	s7 =	sor.u32 $0x3, s23  }
0x142: {  	s18 =	simm.s32 @!p0 $0xC;
	s20 =	smul.u32 $0x1A0, s7  }
0x143: {  	_ =	swait.ge @!p0 [sflag:s18], $0x1900;
	s7 =	smul.u32 $0x190, s7  }
0x144: {  	[sflag:s18] =	ssyncset.done @!p0 $0x0  }
0x145: {  	[sflag:s18] =	ssyncadd.s32 @!p0 $0xFFFFE700;
	s19 =	sshra.s32 s20, $0x2;
	s7 =	sadd.s32 s11, s7  }
0x146: {  	[tilespmem:s6], [sflag:$0x4] =	stream.indirect.gather [hbm4b:s5+s29], $0x40, s19, s29, $0xb8;
	[tilespmem:$0x16C80] =	vst v63  }
0x147: {  	s7 =	sshrl.u32 s7, $0x3  }
0x148: {  	s20 =	simm.s32 $0x0;
	s7 =	sadd.s32 s2, s7  }
0x149: {  	[tilespmem:s8], [sflag:$0x8] =	stream.linear.gather [hbm4b:s7+s20], $0x190, $0x38;
	[tilespmem:$0x16C80] =	vst v63  }
0x14a: {  	_ =	swait.ge [sflag:s9], $0x1900  }
0x14b: {  	[sflag:s9] =	ssyncset.done $0x0  }
0x14c: {  	[sflag:s9] =	ssyncadd.s32 $0xFFFFE700  }
0x14d: {  	_ =	swait.ge [sflag:s10], $0x190  }
0x14e: {  	[sflag:s10] =	ssyncset.done $0x0  }
0x14f: {  	s20 =	simm.s32 $0x0;
	[sflag:s10] =	ssyncadd.s32 $0xFFFFFE70  }
0x150: {  	v33 =	vld [tilespmem:s20+$0x52D0];
	_ =	sdelay $0x4  }
0x151: {  	v36 =	vperm.xlane v33, v1  }
0x152: {  	v37 =	vperm.xlane v33, v5;
	v38 =	vperm.xlane v33, v6  }
0x153: {  	v41 =	vperm.xlane v33, v2;
	v42 =	vperm.xlane v33, v7  }
0x154: {  	v63 =	vperm.xlane v33, v3;
	v54 =	vperm.xlane v33, v4  }
0x155: {  	s18 =	simm.s32 $0x8200;
	v48 =	vperm.xlane v33, v8;
	v45 =	vperm.xlane v33, v9  }
0x156: {  	v57 =	vld [tilespmem:s18+$0xFFFFFF80];
	v49 =	vperm.xlane v33, v11;
	v60 =	vmul.f32 v36, v17  }
0x157: {  	v58 =	vld [tilespmem:s18+$0xFFFFFF90];
	v61 =	vmul.f32 v36, v18;
	v62 =	vmul.f32 v41, v21  }
0x158: {  	v59 =	vld [tilespmem:s18+$0xFFFFFFA0];
	v51 =	vmul.f32 v36, v19;
	v52 =	vmul.f32 v41, v22  }
0x159: {  	v55 =	vld [tilespmem:s18+$0xFFFFFFB0];
	v53 =	vmul.f32 v63, v25;
	v56 =	vmul.f32 v41, v23  }
0x15a: {  	v36 =	vmul.f32 v36, v20;
	v41 =	vmul.f32 v41, v24  }
0x15b: {  	v44 =	vmul.f32 v63, v28;
	v47 =	vmul.f32 v42, v25;
	v34 =	vadd.f32 v60, v57  }
0x15c: {  	v35 =	vadd.f32 v61, v58;
	v57 =	vmul.f32 v63, v26;
	v58 =	vmul.f32 v54, v29  }
0x15d: {  	v39 =	vadd.f32 v51, v59;
	v59 =	vmul.f32 v54, v30;
	v60 =	vmul.f32 v63, v27  }
0x15e: {  	v61 =	vmul.f32 v54, v31;
	v36 =	vadd.f32 v36, v55;
	v63 =	vmul.f32 v54, v32  }
0x15f: {  	v54 =	vmul.f32 v38, v21;
	v55 =	vmul.f32 v37, v18;
	v34 =	vadd.f32 v62, v34  }
0x160: {  	v51 =	vperm.xlane v33, v13;
	v35 =	vadd.f32 v52, v35;
	v39 =	vadd.f32 v56, v39  }
0x161: {  	v62 =	vld [tilespmem:s18+$0xFFFFFFC0];
	v36 =	vadd.f32 v41, v36;
	v56 =	vmul.f32 v38, v22;
	v34 =	vadd.f32 v53, v34  }
0x162: {  	v52 =	vld [tilespmem:s18+$0xFFFFFFD0];
	v35 =	vadd.f32 v57, v35;
	v39 =	vadd.f32 v60, v39;
	v53 =	vmul.f32 v37, v17  }
0x163: {  	v36 =	vadd.f32 v44, v36;
	v57 =	vmul.f32 v48, v29;
	v34 =	vadd.f32 v58, v34  }
0x164: {  	v35 =	vadd.f32 v59, v35;
	v39 =	vadd.f32 v61, v39;
	v59 =	vmul.f32 v42, v26  }
0x165: {  	v44 =	vld [tilespmem:s18+$0xFFFFFFE0];
	v36 =	vadd.f32 v63, v36;
	v61 =	vmul.f32 v37, v19;
	v63 =	vmul.f32 v38, v23  }
0x166: {  	v60 =	vld [tilespmem:s18+$0xFFFFFFF0];
	v37 =	vmul.f32 v37, v20;
	v38 =	vmul.f32 v38, v24;
	v43 =	vadd.f32 v53, v62  }
0x167: {  	v41 =	vadd.f32 v55, v52;
	v62 =	vmul.f32 v48, v30;
	v53 =	vmul.f32 v42, v27  }
0x168: {  	v42 =	vmul.f32 v42, v28;
	v34 =	vmax.f32 v34, $0.0e+00;
	v35 =	vmax.f32 v35, $0.0e+00  }
0x169: {  	v39 =	vmax.f32 v39, $0.0e+00;
	v36 =	vmax.f32 v36, $0.0e+00;
	v58 =	vadd.f32 v54, v43  }
0x16a: {  	v44 =	vadd.f32 v61, v44;
	v41 =	vadd.f32 v56, v41;
	v54 =	vmul.f32 v48, v31  }
0x16b: {  	v37 =	vadd.f32 v37, v60;
	v48 =	vmul.f32 v48, v32;
	v40 =	vadd.f32 v47, v58  }
0x16c: {  	v56 =	vld [tilespmem:s18+$0x10];
	v61 =	vmul.f32 v49, v25;
	v44 =	vadd.f32 v63, v44;
	v41 =	vadd.f32 v59, v41  }
0x16d: {  	v37 =	vadd.f32 v38, v37;
	v38 =	vperm.xlane v33, v10;
	v58 =	vmul.f32 v45, v18  }
0x16e: {  	v55 =	vld [tilespmem:s18+$0x0];
	v47 =	vperm.xlane v33, v12;
	v63 =	vmul.f32 v49, v26;
	v40 =	vadd.f32 v57, v40  }
0x16f: {  	v44 =	vadd.f32 v53, v44;
	v41 =	vadd.f32 v62, v41;
	v57 =	vmul.f32 v45, v17  }
0x170: {  	v37 =	vadd.f32 v42, v37;
	v59 =	vmul.f32 v38, v21;
	v60 =	vmul.f32 v38, v22  }
0x171: {  	v62 =	vmul.f32 v47, v29;
	v42 =	vadd.f32 v58, v56;
	v58 =	vmul.f32 v47, v30  }
0x172: {  	v40 =	vmax.f32 v40, $0.0e+00;
	v44 =	vadd.f32 v54, v44;
	v37 =	vadd.f32 v48, v37;
	v48 =	vld [tilespmem:s18+$0x20]  }
0x173: {  	v41 =	vmax.f32 v41, $0.0e+00;
	v43 =	vadd.f32 v57, v55;
	v57 =	vld [tilespmem:s18+$0x30];
	v54 =	vperm.xlane v33, v15  }
0x174: {  	v42 =	vadd.f32 v60, v42;
	v60 =	vmul.f32 v38, v23;
	v38 =	vmul.f32 v38, v24  }
0x175: {  	v44 =	vmax.f32 v44, $0.0e+00;
	v43 =	vadd.f32 v59, v43;
	v59 =	vmul.f32 v45, v19  }
0x176: {  	v37 =	vmax.f32 v37, $0.0e+00;
	v45 =	vmul.f32 v45, v20;
	v42 =	vadd.f32 v63, v42  }
0x177: {  	v63 =	vmul.f32 v49, v28;
	v43 =	vadd.f32 v61, v43;
	v46 =	vadd.f32 v59, v48  }
0x178: {  	v61 =	vmul.f32 v49, v27;
	v42 =	vadd.f32 v58, v42;
	v45 =	vadd.f32 v45, v57;
	v57 =	vld [tilespmem:s18+$0x40]  }
0x179: {  	v58 =	vld [tilespmem:s18+$0x50];
	v59 =	vmul.f32 v51, v17;
	v43 =	vadd.f32 v62, v43;
	v62 =	vmul.f32 v47, v31  }
0x17a: {  	v47 =	vmul.f32 v47, v32;
	v46 =	vadd.f32 v60, v46;
	v42 =	vmax.f32 v42, $0.0e+00  }
0x17b: {  	v50 =	vld [tilespmem:s18+$0x60];
	v38 =	vadd.f32 v38, v45;
	v45 =	vperm.xlane v33, v14;
	v60 =	vmul.f32 v51, v18  }
0x17c: {  	v33 =	vperm.xlane v33, v16;
	v43 =	vmax.f32 v43, $0.0e+00;
	v46 =	vadd.f32 v61, v46  }
0x17d: {  	[tilespmem:s18+$0xFFFFFF80] =	vst v34;
	v38 =	vadd.f32 v63, v38;
	v52 =	vmul.f32 v45, v22;
	v49 =	vadd.f32 v59, v57  }
0x17e: {  	[tilespmem:s18+$0xFFFFFF90] =	vst v35;
	v55 =	vld [tilespmem:s18+$0x70];
	v53 =	vadd.f32 v60, v58;
	v57 =	vmul.f32 v54, v25;
	v59 =	vmul.f32 v51, v19  }
0x17f: {  	[tilespmem:s18+$0xFFFFFFA0] =	vst v39;
	v60 =	vmul.f32 v33, v29;
	v61 =	vadd.f32 v62, v46;
	v63 =	vadd.f32 v47, v38  }
0x180: {  	[tilespmem:s18+$0xFFFFFFB0] =	vst v36;
	v62 =	vmul.f32 v45, v21;
	v58 =	vadd.f32 v52, v53;
	v38 =	vadd.f32 v59, v50  }
0x181: {  	[tilespmem:s18+$0xFFFFFFC0] =	vst v40;
	v52 =	vmul.f32 v33, v30;
	v34 =	vmax.f32 v61, $0.0e+00;
	v61 =	vmul.f32 v51, v20  }
0x182: {  	[tilespmem:s18+$0xFFFFFFD0] =	vst v41;
	v56 =	vadd.f32 v62, v49;
	v35 =	vmax.f32 v63, $0.0e+00;
	v63 =	vmul.f32 v45, v23  }
0x183: {  	[tilespmem:s18+$0xFFFFFFE0] =	vst v44;
	v62 =	vmul.f32 v54, v26;
	v45 =	vmul.f32 v45, v24;
	v51 =	vadd.f32 v61, v55  }
0x184: {  	[tilespmem:s18+$0xFFFFFFF0] =	vst v37;
	v53 =	vadd.f32 v57, v56;
	v55 =	vmul.f32 v54, v27;
	v38 =	vadd.f32 v63, v38  }
0x185: {  	[tilespmem:s18+$0x10] =	vst v42;
	v36 =	vadd.f32 v62, v58;
	v56 =	vmul.f32 v54, v28;
	v57 =	vadd.f32 v45, v51  }
0x186: {  	[tilespmem:s18+$0x0] =	vst v43;
	v58 =	vmul.f32 v33, v31;
	v37 =	vadd.f32 v60, v53;
	v38 =	vadd.f32 v55, v38  }
0x187: {  	[tilespmem:s18+$0x20] =	vst v34;
	v33 =	vmul.f32 v33, v32;
	v59 =	vadd.f32 v52, v36;
	v60 =	vadd.f32 v56, v57  }
0x188: {  	[tilespmem:s18+$0x30] =	vst v35;
	v61 =	vmax.f32 v37, $0.0e+00;
	v62 =	vadd.f32 v58, v38  }
0x189: {  	v34 =	vmax.f32 v59, $0.0e+00;
	[tilespmem:s18+$0x40] =	vst v61;
	v33 =	vadd.f32 v33, v60  }
0x18a: {  	[tilespmem:s18+$0x50] =	vst v34;
	v63 =	vmax.f32 v62, $0.0e+00  }
0x18b: {  	[tilespmem:s18+$0x60] =	vst v63;
	v33 =	vmax.f32 v33, $0.0e+00  }
0x18c: {  	s7 =	simm.s32 $0x10;
	s20 =	simm.s32 $0x80;
	[tilespmem:s18+$0x70] =	vst v33  }
.LBB2_7:
0x18d: {  	p0 =	sne.s32 s20, $0x600;
	v33 =	vld [tilespmem:s7+$0x52D0];
	_ =	sdelay $0x1  }
0x18e: {  	s18 =	sadd.s32 $0x100, s18  }
0x18f: {  	v34 =	vld [tilespmem:s18+$0xFFFFFFA0]  }
0x190: {  	v35 =	vld [tilespmem:s18+$0xFFFFFF80]  }
0x191: {  	v36 =	vld [tilespmem:s18+$0xFFFFFF90];
	v37 =	vperm.xlane v33, v1;
	v38 =	vperm.xlane v33, v5  }
0x192: {  	v39 =	vperm.xlane v33, v6;
	v40 =	vperm.xlane v33, v7  }
0x193: {  	v42 =	vperm.xlane v33, v2;
	v41 =	vmul.f32 v37, v17  }
0x194: {  	v43 =	vmul.f32 v37, v18;
	v44 =	vmul.f32 v37, v19  }
0x195: {  	v45 =	vperm.xlane v33, v3;
	v35 =	vadd.f32 v41, v35;
	v41 =	vmul.f32 v42, v21  }
0x196: {  	v34 =	vadd.f32 v44, v34;
	v36 =	vadd.f32 v43, v36;
	v43 =	vmul.f32 v42, v22  }
0x197: {  	v44 =	vperm.xlane v33, v4;
	v35 =	vadd.f32 v41, v35;
	v41 =	vmul.f32 v45, v25  }
0x198: {  	v47 =	vmul.f32 v45, v26;
	v46 =	vld [tilespmem:s18+$0xFFFFFFB0];
	v36 =	vadd.f32 v43, v36;
	v43 =	vmul.f32 v42, v23  }
0x199: {  	v48 =	vmul.f32 v44, v30;
	v35 =	vadd.f32 v41, v35;
	v41 =	vmul.f32 v44, v29  }
0x19a: {  	v34 =	vadd.f32 v43, v34;
	v36 =	vadd.f32 v47, v36;
	v43 =	vmul.f32 v45, v27  }
0x19b: {  	v37 =	vmul.f32 v37, v20;
	v35 =	vadd.f32 v41, v35;
	v41 =	vmul.f32 v44, v31  }
0x19c: {  	v42 =	vmul.f32 v42, v24;
	v34 =	vadd.f32 v43, v34;
	v36 =	vadd.f32 v48, v36;
	v43 =	vld [tilespmem:s18+$0xFFFFFFC0]  }
0x19d: {  	v45 =	vmul.f32 v45, v28;
	v37 =	vadd.f32 v37, v46;
	v35 =	vmax.f32 v35, $0.0e+00  }
0x19e: {  	v34 =	vadd.f32 v41, v34;
	v41 =	vmul.f32 v44, v32;
	[tilespmem:s18+$0xFFFFFF80] =	vst v35;
	v35 =	vmax.f32 v36, $0.0e+00  }
0x19f: {  	v36 =	vadd.f32 v42, v37;
	[tilespmem:s18+$0xFFFFFF90] =	vst v35;
	v35 =	vld [tilespmem:s18+$0xFFFFFFD0];
	v37 =	vmul.f32 v38, v17;
	v42 =	vmul.f32 v39, v21  }
0x1a0: {  	v46 =	vperm.xlane v33, v8;
	v44 =	vmul.f32 v40, v25;
	v34 =	vmax.f32 v34, $0.0e+00  }
0x1a1: {  	v36 =	vadd.f32 v45, v36;
	[tilespmem:s18+$0xFFFFFFA0] =	vst v34;
	v34 =	vld [tilespmem:s18+$0xFFFFFFE0];
	v37 =	vadd.f32 v37, v43;
	v43 =	vmul.f32 v38, v18  }
0x1a2: {  	v47 =	vmul.f32 v46, v29;
	v45 =	vmul.f32 v39, v22  }
0x1a3: {  	v36 =	vadd.f32 v41, v36;
	v37 =	vadd.f32 v42, v37;
	v41 =	vmul.f32 v40, v26  }
0x1a4: {  	v48 =	vmul.f32 v46, v30;
	v42 =	vld [tilespmem:s18+$0xFFFFFFF0];
	v35 =	vadd.f32 v43, v35;
	v43 =	vmul.f32 v38, v19  }
0x1a5: {  	v49 =	vmul.f32 v39, v23;
	v36 =	vmax.f32 v36, $0.0e+00;
	v37 =	vadd.f32 v44, v37  }
0x1a6: {  	[tilespmem:s18+$0xFFFFFFB0] =	vst v36;
	v34 =	vadd.f32 v43, v34;
	v35 =	vadd.f32 v45, v35;
	v36 =	vmul.f32 v40, v27  }
0x1a7: {  	v38 =	vmul.f32 v38, v20;
	v43 =	vmul.f32 v46, v31;
	v37 =	vadd.f32 v47, v37  }
0x1a8: {  	v39 =	vmul.f32 v39, v24;
	v34 =	vadd.f32 v49, v34;
	v35 =	vadd.f32 v41, v35  }
0x1a9: {  	v40 =	vmul.f32 v40, v28;
	v38 =	vadd.f32 v38, v42;
	v37 =	vmax.f32 v37, $0.0e+00  }
0x1aa: {  	v34 =	vadd.f32 v36, v34;
	v35 =	vadd.f32 v48, v35;
	v36 =	vmul.f32 v46, v32;
	[tilespmem:s18+$0xFFFFFFC0] =	vst v37;
	v37 =	vld [tilespmem:s18+$0x0]  }
0x1ab: {  	v41 =	vperm.xlane v33, v10;
	v38 =	vadd.f32 v39, v38;
	v39 =	vperm.xlane v33, v9  }
0x1ac: {  	v34 =	vadd.f32 v43, v34;
	v35 =	vmax.f32 v35, $0.0e+00;
	v42 =	vld [tilespmem:s18+$0x10];
	v43 =	vperm.xlane v33, v11  }
0x1ad: {  	v38 =	vadd.f32 v40, v38;
	[tilespmem:s18+$0xFFFFFFD0] =	vst v35;
	v35 =	vmul.f32 v39, v17;
	v40 =	vmul.f32 v41, v21  }
0x1ae: {  	v45 =	vperm.xlane v33, v12;
	v34 =	vmax.f32 v34, $0.0e+00;
	v44 =	vmul.f32 v43, v25  }
0x1af: {  	v36 =	vadd.f32 v36, v38;
	[tilespmem:s18+$0xFFFFFFE0] =	vst v34;
	v34 =	vadd.f32 v35, v37;
	v35 =	vmul.f32 v39, v18  }
0x1b0: {  	v37 =	vmul.f32 v41, v22;
	v38 =	vmul.f32 v45, v29  }
0x1b1: {  	v36 =	vmax.f32 v36, $0.0e+00;
	v46 =	vld [tilespmem:s18+$0x20];
	v35 =	vadd.f32 v35, v42;
	v34 =	vadd.f32 v40, v34  }
0x1b2: {  	v40 =	vmul.f32 v45, v30;
	[tilespmem:s18+$0xFFFFFFF0] =	vst v36;
	v36 =	vmul.f32 v43, v26  }
0x1b3: {  	v47 =	vmul.f32 v39, v19;
	v42 =	vld [tilespmem:s18+$0x30];
	v35 =	vadd.f32 v37, v35;
	v34 =	vadd.f32 v44, v34  }
0x1b4: {  	v37 =	vmul.f32 v41, v23;
	v44 =	vmul.f32 v43, v27  }
0x1b5: {  	v35 =	vadd.f32 v36, v35;
	v34 =	vadd.f32 v38, v34;
	v36 =	vmul.f32 v45, v31  }
0x1b6: {  	v39 =	vmul.f32 v39, v20;
	v41 =	vmul.f32 v41, v24;
	v38 =	vadd.f32 v47, v46  }
0x1b7: {  	v43 =	vmul.f32 v43, v28;
	v35 =	vadd.f32 v40, v35;
	v34 =	vmax.f32 v34, $0.0e+00  }
0x1b8: {  	v39 =	vadd.f32 v39, v42;
	v37 =	vadd.f32 v37, v38;
	v38 =	vmul.f32 v45, v32;
	[tilespmem:s18+$0x0] =	vst v34;
	v34 =	vld [tilespmem:s18+$0x40]  }
0x1b9: {  	v40 =	vperm.xlane v33, v13;
	v42 =	vperm.xlane v33, v14;
	v35 =	vmax.f32 v35, $0.0e+00  }
0x1ba: {  	v39 =	vadd.f32 v41, v39;
	v37 =	vadd.f32 v44, v37;
	[tilespmem:s18+$0x10] =	vst v35;
	v35 =	vld [tilespmem:s18+$0x50];
	v41 =	vperm.xlane v33, v15  }
0x1bb: {  	v44 =	vmul.f32 v40, v17;
	v45 =	vmul.f32 v42, v21  }
0x1bc: {  	v39 =	vadd.f32 v43, v39;
	v36 =	vadd.f32 v36, v37;
	v37 =	vmul.f32 v41, v25  }
0x1bd: {  	v33 =	vperm.xlane v33, v16;
	v43 =	vmul.f32 v40, v18;
	v34 =	vadd.f32 v44, v34  }
0x1be: {  	v38 =	vadd.f32 v38, v39;
	v36 =	vmax.f32 v36, $0.0e+00;
	v39 =	vmul.f32 v42, v22  }
0x1bf: {  	[tilespmem:s18+$0x20] =	vst v36;
	v36 =	vld [tilespmem:s18+$0x60];
	v35 =	vadd.f32 v43, v35;
	v34 =	vadd.f32 v45, v34;
	v43 =	vmul.f32 v33, v29  }
0x1c0: {  	v44 =	vmul.f32 v41, v26;
	v45 =	vmul.f32 v33, v30;
	v38 =	vmax.f32 v38, $0.0e+00  }
0x1c1: {  	v46 =	vmul.f32 v40, v19;
	[tilespmem:s18+$0x30] =	vst v38;
	v38 =	vld [tilespmem:s18+$0x70];
	v35 =	vadd.f32 v39, v35;
	v34 =	vadd.f32 v37, v34  }
0x1c2: {  	v37 =	vmul.f32 v42, v23;
	v39 =	vmul.f32 v41, v27  }
0x1c3: {  	v35 =	vadd.f32 v44, v35;
	v34 =	vadd.f32 v43, v34;
	v43 =	vmul.f32 v33, v31  }
0x1c4: {  	v40 =	vmul.f32 v40, v20;
	v42 =	vmul.f32 v42, v24;
	v36 =	vadd.f32 v46, v36  }
0x1c5: {  	v41 =	vmul.f32 v41, v28;
	v35 =	vadd.f32 v45, v35;
	v34 =	vmax.f32 v34, $0.0e+00  }
0x1c6: {  	v33 =	vmul.f32 v33, v32;
	v38 =	vadd.f32 v40, v38;
	v36 =	vadd.f32 v37, v36;
	[tilespmem:s18+$0x40] =	vst v34  }
0x1c7: {  	v34 =	vmax.f32 v35, $0.0e+00  }
0x1c8: {  	v35 =	vadd.f32 v42, v38;
	v36 =	vadd.f32 v39, v36;
	[tilespmem:s18+$0x50] =	vst v34;
	_ =	sdelay $0x1  }
0x1c9: {  	v34 =	vadd.f32 v41, v35;
	v35 =	vadd.f32 v43, v36  }
.Ltmp2:
0x1ca: {  	(pc) =	sbr.rel @p0 .LBB2_7-.Ltmp2, $4  }
0x1cb: {  	v33 =	vadd.f32 v33, v34;
	v34 =	vmax.f32 v35, $0.0e+00  }
0x1cc: {  	[tilespmem:s18+$0x60] =	vst v34  }
0x1cd: {  	v33 =	vmax.f32 v33, $0.0e+00  }
0x1ce: {  	s7 =	sshra.s32 s20, $0x2;
	s20 =	sadd.s32 $0x40, s20;
	[tilespmem:s18+$0x70] =	vst v33  }
0x1cf: {  	v33 =	vld [tilespmem:s7+$0x52D0];
	_ =	sdelay $0x4  }
0x1d0: {  	v36 =	vperm.xlane v33, v1;
	v37 =	vperm.xlane v33, v5  }
0x1d1: {  	v38 =	vperm.xlane v33, v6;
	v41 =	vperm.xlane v33, v2  }
0x1d2: {  	v42 =	vperm.xlane v33, v7;
	v44 =	vperm.xlane v33, v3  }
0x1d3: {  	s18 =	sadd.s32 $0x100, s18;
	v46 =	vperm.xlane v33, v4;
	v40 =	vmul.f32 v36, v17  }
0x1d4: {  	v34 =	vld [tilespmem:s18+$0xFFFFFF80];
	v43 =	vmul.f32 v36, v18;
	v55 =	vmul.f32 v41, v21  }
0x1d5: {  	v35 =	vld [tilespmem:s18+$0xFFFFFF90];
	v45 =	vmul.f32 v36, v19;
	v56 =	vmul.f32 v41, v22  }
0x1d6: {  	v39 =	vld [tilespmem:s18+$0xFFFFFFA0];
	v57 =	vmul.f32 v44, v25;
	v59 =	vmul.f32 v41, v23  }
0x1d7: {  	v58 =	vld [tilespmem:s18+$0xFFFFFFB0];
	v47 =	vmul.f32 v44, v26;
	v60 =	vmul.f32 v46, v29  }
0x1d8: {  	v63 =	vld [tilespmem:s18+$0xFFFFFFC0];
	v48 =	vmul.f32 v46, v30;
	v61 =	vmul.f32 v44, v27  }
0x1d9: {  	v36 =	vmul.f32 v36, v20;
	v62 =	vmul.f32 v46, v31  }
0x1da: {  	v41 =	vmul.f32 v41, v24;
	v44 =	vmul.f32 v44, v28  }
0x1db: {  	v52 =	vmul.f32 v46, v32;
	v54 =	vmul.f32 v37, v17;
	v34 =	vadd.f32 v40, v34  }
0x1dc: {  	v49 =	vmul.f32 v38, v22;
	v35 =	vadd.f32 v43, v35;
	v39 =	vadd.f32 v45, v39  }
0x1dd: {  	v36 =	vadd.f32 v36, v58;
	v43 =	vadd.f32 v54, v63;
	v63 =	vmul.f32 v37, v19  }
0x1de: {  	v53 =	vld [tilespmem:s18+$0xFFFFFFD0];
	v54 =	vmul.f32 v42, v27;
	v45 =	vperm.xlane v33, v9;
	v34 =	vadd.f32 v55, v34  }
0x1df: {  	v58 =	vld [tilespmem:s18+$0xFFFFFFE0];
	v35 =	vadd.f32 v56, v35;
	v39 =	vadd.f32 v59, v39;
	v55 =	vmul.f32 v38, v21  }
0x1e0: {  	v36 =	vadd.f32 v41, v36;
	v56 =	vmul.f32 v42, v25;
	v59 =	vmul.f32 v37, v18  }
0x1e1: {  	v37 =	vmul.f32 v37, v20;
	v34 =	vadd.f32 v57, v34;
	v35 =	vadd.f32 v47, v35  }
0x1e2: {  	v39 =	vadd.f32 v61, v39;
	v57 =	vperm.xlane v33, v8;
	v36 =	vadd.f32 v44, v36  }
0x1e3: {  	v61 =	vmul.f32 v42, v26;
	v41 =	vadd.f32 v59, v53;
	v42 =	vmul.f32 v42, v28  }
0x1e4: {  	v59 =	vmul.f32 v45, v17;
	v44 =	vadd.f32 v63, v58;
	v34 =	vadd.f32 v60, v34  }
0x1e5: {  	v35 =	vadd.f32 v48, v35;
	v39 =	vadd.f32 v62, v39;
	v50 =	vmul.f32 v57, v29  }
0x1e6: {  	v36 =	vadd.f32 v52, v36;
	v51 =	vmul.f32 v57, v30;
	v52 =	vmul.f32 v38, v23  }
0x1e7: {  	v60 =	vadd.f32 v55, v43;
	v55 =	vmul.f32 v57, v31;
	v38 =	vmul.f32 v38, v24  }
0x1e8: {  	v58 =	vld [tilespmem:s18+$0x10];
	v41 =	vadd.f32 v49, v41;
	v57 =	vmul.f32 v57, v32;
	v49 =	vperm.xlane v33, v11  }
0x1e9: {  	v62 =	vld [tilespmem:s18+$0xFFFFFFF0];
	v34 =	vmax.f32 v34, $0.0e+00;
	v35 =	vmax.f32 v35, $0.0e+00;
	v40 =	vadd.f32 v56, v60  }
0x1ea: {  	v39 =	vmax.f32 v39, $0.0e+00;
	v44 =	vadd.f32 v52, v44;
	v41 =	vadd.f32 v61, v41  }
0x1eb: {  	v36 =	vmax.f32 v36, $0.0e+00;
	v61 =	vmul.f32 v45, v18;
	v40 =	vadd.f32 v50, v40  }
0x1ec: {  	v56 =	vld [tilespmem:s18+$0x0];
	v52 =	vperm.xlane v33, v15;
	v44 =	vadd.f32 v54, v44;
	v41 =	vadd.f32 v51, v41  }
0x1ed: {  	v50 =	vperm.xlane v33, v12;
	v47 =	vadd.f32 v61, v58;
	v61 =	vmul.f32 v49, v27  }
0x1ee: {  	v51 =	vperm.xlane v33, v13;
	v37 =	vadd.f32 v37, v62;
	v62 =	vmul.f32 v49, v25  }
0x1ef: {  	v40 =	vmax.f32 v40, $0.0e+00;
	v44 =	vadd.f32 v55, v44;
	v41 =	vmax.f32 v41, $0.0e+00  }
0x1f0: {  	v54 =	vld [tilespmem:s18+$0x20];
	v53 =	vmul.f32 v50, v29;
	v37 =	vadd.f32 v38, v37;
	v38 =	vperm.xlane v33, v10  }
0x1f1: {  	v58 =	vmul.f32 v50, v30;
	v55 =	vmul.f32 v45, v19;
	v43 =	vadd.f32 v59, v56;
	v59 =	vld [tilespmem:s18+$0x30]  }
0x1f2: {  	v45 =	vmul.f32 v45, v20;
	v37 =	vadd.f32 v42, v37;
	v60 =	vmul.f32 v38, v21  }
0x1f3: {  	v48 =	vmul.f32 v50, v32;
	v44 =	vmax.f32 v44, $0.0e+00;
	v63 =	vmul.f32 v38, v22  }
0x1f4: {  	v42 =	vadd.f32 v60, v43;
	v37 =	vadd.f32 v57, v37;
	v57 =	vmul.f32 v49, v26  }
0x1f5: {  	v47 =	vadd.f32 v63, v47;
	v60 =	vmul.f32 v38, v23;
	v63 =	vadd.f32 v55, v54  }
0x1f6: {  	v38 =	vmul.f32 v38, v24;
	v49 =	vmul.f32 v49, v28;
	v45 =	vadd.f32 v45, v59  }
0x1f7: {  	v59 =	vmul.f32 v51, v17;
	v42 =	vadd.f32 v62, v42;
	v43 =	vadd.f32 v57, v47  }
0x1f8: {  	v37 =	vmax.f32 v37, $0.0e+00;
	v56 =	vadd.f32 v60, v63;
	v57 =	vld [tilespmem:s18+$0x40];
	v38 =	vadd.f32 v38, v45  }
0x1f9: {  	v62 =	vmul.f32 v50, v31;
	v42 =	vadd.f32 v53, v42;
	v43 =	vadd.f32 v58, v43  }
0x1fa: {  	v53 =	vperm.xlane v33, v14;
	v58 =	vld [tilespmem:s18+$0x50];
	v46 =	vadd.f32 v61, v56;
	v33 =	vperm.xlane v33, v16  }
0x1fb: {  	v38 =	vadd.f32 v49, v38;
	v42 =	vmax.f32 v42, $0.0e+00;
	v43 =	vmax.f32 v43, $0.0e+00  }
0x1fc: {  	[tilespmem:s18+$0xFFFFFF80] =	vst v34;
	v49 =	vld [tilespmem:s18+$0x60];
	v60 =	vmul.f32 v53, v21;
	v61 =	vadd.f32 v62, v46;
	v46 =	vmul.f32 v52, v25  }
0x1fd: {  	[tilespmem:s18+$0xFFFFFF90] =	vst v35;
	v54 =	vld [tilespmem:s18+$0x70];
	v62 =	vmul.f32 v51, v18;
	v56 =	vmul.f32 v53, v22;
	v63 =	vadd.f32 v59, v57  }
0x1fe: {  	[tilespmem:s18+$0xFFFFFFA0] =	vst v39;
	v38 =	vadd.f32 v48, v38;
	v57 =	vmul.f32 v33, v29;
	v59 =	vmul.f32 v52, v26  }
0x1ff: {  	[tilespmem:s18+$0xFFFFFFB0] =	vst v36;
	v34 =	vmax.f32 v61, $0.0e+00;
	v45 =	vadd.f32 v62, v58;
	v58 =	vmul.f32 v51, v19  }
0x200: {  	[tilespmem:s18+$0xFFFFFFC0] =	vst v40;
	v61 =	vmul.f32 v33, v30;
	v35 =	vadd.f32 v60, v63;
	v60 =	vmul.f32 v51, v20  }
0x201: {  	[tilespmem:s18+$0xFFFFFFD0] =	vst v41;
	v38 =	vmax.f32 v38, $0.0e+00;
	v62 =	vmul.f32 v53, v23;
	v47 =	vadd.f32 v58, v49  }
0x202: {  	[tilespmem:s18+$0xFFFFFFE0] =	vst v44;
	v63 =	vmul.f32 v53, v24;
	v39 =	vadd.f32 v56, v45;
	v48 =	vadd.f32 v60, v54  }
0x203: {  	[tilespmem:s18+$0xFFFFFFF0] =	vst v37;
	v35 =	vadd.f32 v46, v35;
	v49 =	vmul.f32 v52, v27;
	v50 =	vadd.f32 v62, v47  }
0x204: {  	[tilespmem:s18+$0x0] =	vst v42;
	v51 =	vmul.f32 v52, v28;
	v39 =	vadd.f32 v59, v39;
	v52 =	vadd.f32 v63, v48  }
0x205: {  	[tilespmem:s18+$0x10] =	vst v43;
	v53 =	vmul.f32 v33, v31;
	v35 =	vadd.f32 v57, v35;
	v37 =	vadd.f32 v49, v50  }
0x206: {  	[tilespmem:s18+$0x20] =	vst v34;
	v33 =	vmul.f32 v33, v32;
	v54 =	vadd.f32 v61, v39;
	v55 =	vadd.f32 v51, v52  }
0x207: {  	[tilespmem:s18+$0x30] =	vst v38;
	v35 =	vmax.f32 v35, $0.0e+00;
	v36 =	vadd.f32 v53, v37  }
0x208: {  	[tilespmem:s18+$0x40] =	vst v35;
	v34 =	vmax.f32 v54, $0.0e+00;
	v33 =	vadd.f32 v33, v55  }
0x209: {  	[tilespmem:s18+$0x50] =	vst v34;
	v56 =	vmax.f32 v36, $0.0e+00  }
0x20a: {  	p0 =	seq.s32 s22, $0x18;
	v33 =	vmax.f32 v33, $0.0e+00;
	[tilespmem:s18+$0x60] =	vst v56  }
0x20b: {  	s7 =	sadd.s32 @!p0 $0x4, s23;
	[tilespmem:s18+$0x70] =	vst v33;
	s18 =	sadd.s32 $0x2908, s17  }
0x20c: {  	[spmem:s3] =	stream.indirect.scatter.add.f32 [tilespmem:s26], [sflag:$0xA], $0x40, s18, s29, $0xb8;
	[tilespmem:$0x16C80] =	vst v63  }
0x20d: {  	s17 =	simm.s32 @!p0 $0x9;
	s18 =	smul.u32 @!p0 $0x1A0, s7  }
0x20e: {  	s7 =	smul.u32 @!p0 $0x190, s7;
	_ =	swait.ge @!p0 [sflag:s17], $0x1900  }
0x20f: {  	[sflag:s17] =	ssyncset.done @!p0 $0x0  }
0x210: {  	s20 =	simm.s32 @!p0 $0x6880;
	s7 =	sadd.s32 @!p0 s11, s7;
	[sflag:s17] =	ssyncadd.s32 @!p0 $0xFFFFE700  }
0x211: {  	s17 =	sshra.s32 @!p0 s18, $0x2;
	s18 =	simm.s32 @!p0 $0x64;
	s7 =	sshrl.u32 @!p0 s7, $0x3  }
0x212: {  	[tilespmem:s20], [sflag:$0x1] =	stream.indirect.gather @!p0 [hbm4b:s5+s18], $0x40, s17, s18, $0xb8;
	[tilespmem:$0x16C80] =	vst v63  }
0x213: {  	s7 =	sadd.s32 @!p0 s2, s7;
	s17 =	simm.s32 @!p0 $0x0;
	s18 =	simm.s32 @!p0 $0x5140  }
0x214: {  	[tilespmem:s18], [sflag:$0x5] =	stream.linear.gather @!p0 [hbm4b:s7+s17], $0x190, $0x38;
	[tilespmem:$0x16C80] =	vst v63  }
0x215: {  	_ =	swait.ge [sflag:s12], $0x1900  }
0x216: {  	[sflag:s12] =	ssyncset.done $0x0  }
0x217: {  	[sflag:s12] =	ssyncadd.s32 $0xFFFFE700  }
0x218: {  	_ =	swait.ge [sflag:s13], $0x190  }
0x219: {  	[sflag:s13] =	ssyncset.done $0x0  }
0x21a: {  	s20 =	simm.s32 $0x0;
	[sflag:s13] =	ssyncadd.s32 $0xFFFFFE70  }
0x21b: {  	v33 =	vld [tilespmem:s20+$0x5460];
	_ =	sdelay $0x4  }
0x21c: {  	v36 =	vperm.xlane v33, v1  }
0x21d: {  	v37 =	vperm.xlane v33, v5;
	v38 =	vperm.xlane v33, v6  }
0x21e: {  	v41 =	vperm.xlane v33, v2;
	v42 =	vperm.xlane v33, v7  }
0x21f: {  	v63 =	vperm.xlane v33, v3;
	v54 =	vperm.xlane v33, v4  }
0x220: {  	s17 =	simm.s32 $0x9B00;
	v48 =	vperm.xlane v33, v8;
	v45 =	vperm.xlane v33, v9  }
0x221: {  	v57 =	vld [tilespmem:s17+$0xFFFFFF80];
	v49 =	vperm.xlane v33, v11;
	v60 =	vmul.f32 v36, v17  }
0x222: {  	v58 =	vld [tilespmem:s17+$0xFFFFFF90];
	v61 =	vmul.f32 v36, v18;
	v62 =	vmul.f32 v41, v21  }
0x223: {  	v59 =	vld [tilespmem:s17+$0xFFFFFFA0];
	v51 =	vmul.f32 v36, v19;
	v52 =	vmul.f32 v41, v22  }
0x224: {  	v55 =	vld [tilespmem:s17+$0xFFFFFFB0];
	v53 =	vmul.f32 v63, v25;
	v56 =	vmul.f32 v41, v23  }
0x225: {  	v36 =	vmul.f32 v36, v20;
	v41 =	vmul.f32 v41, v24  }
0x226: {  	v44 =	vmul.f32 v63, v28;
	v47 =	vmul.f32 v42, v25;
	v34 =	vadd.f32 v60, v57  }
0x227: {  	v35 =	vadd.f32 v61, v58;
	v57 =	vmul.f32 v63, v26;
	v58 =	vmul.f32 v54, v29  }
0x228: {  	v39 =	vadd.f32 v51, v59;
	v59 =	vmul.f32 v54, v30;
	v60 =	vmul.f32 v63, v27  }
0x229: {  	v61 =	vmul.f32 v54, v31;
	v36 =	vadd.f32 v36, v55;
	v63 =	vmul.f32 v54, v32  }
0x22a: {  	v54 =	vmul.f32 v38, v21;
	v55 =	vmul.f32 v37, v18;
	v34 =	vadd.f32 v62, v34  }
0x22b: {  	v51 =	vperm.xlane v33, v13;
	v35 =	vadd.f32 v52, v35;
	v39 =	vadd.f32 v56, v39  }
0x22c: {  	v62 =	vld [tilespmem:s17+$0xFFFFFFC0];
	v36 =	vadd.f32 v41, v36;
	v56 =	vmul.f32 v38, v22;
	v34 =	vadd.f32 v53, v34  }
0x22d: {  	v52 =	vld [tilespmem:s17+$0xFFFFFFD0];
	v35 =	vadd.f32 v57, v35;
	v39 =	vadd.f32 v60, v39;
	v53 =	vmul.f32 v37, v17  }
0x22e: {  	v36 =	vadd.f32 v44, v36;
	v57 =	vmul.f32 v48, v29;
	v34 =	vadd.f32 v58, v34  }
0x22f: {  	v35 =	vadd.f32 v59, v35;
	v39 =	vadd.f32 v61, v39;
	v59 =	vmul.f32 v42, v26  }
0x230: {  	v44 =	vld [tilespmem:s17+$0xFFFFFFE0];
	v36 =	vadd.f32 v63, v36;
	v61 =	vmul.f32 v37, v19;
	v63 =	vmul.f32 v38, v23  }
0x231: {  	v60 =	vld [tilespmem:s17+$0xFFFFFFF0];
	v37 =	vmul.f32 v37, v20;
	v38 =	vmul.f32 v38, v24;
	v43 =	vadd.f32 v53, v62  }
0x232: {  	v41 =	vadd.f32 v55, v52;
	v62 =	vmul.f32 v48, v30;
	v53 =	vmul.f32 v42, v27  }
0x233: {  	v42 =	vmul.f32 v42, v28;
	v34 =	vmax.f32 v34, $0.0e+00;
	v35 =	vmax.f32 v35, $0.0e+00  }
0x234: {  	v39 =	vmax.f32 v39, $0.0e+00;
	v36 =	vmax.f32 v36, $0.0e+00;
	v58 =	vadd.f32 v54, v43  }
0x235: {  	v44 =	vadd.f32 v61, v44;
	v41 =	vadd.f32 v56, v41;
	v54 =	vmul.f32 v48, v31  }
0x236: {  	v37 =	vadd.f32 v37, v60;
	v48 =	vmul.f32 v48, v32;
	v40 =	vadd.f32 v47, v58  }
0x237: {  	v56 =	vld [tilespmem:s17+$0x10];
	v61 =	vmul.f32 v49, v25;
	v44 =	vadd.f32 v63, v44;
	v41 =	vadd.f32 v59, v41  }
0x238: {  	v37 =	vadd.f32 v38, v37;
	v38 =	vperm.xlane v33, v10;
	v58 =	vmul.f32 v45, v18  }
0x239: {  	v55 =	vld [tilespmem:s17+$0x0];
	v47 =	vperm.xlane v33, v12;
	v63 =	vmul.f32 v49, v26;
	v40 =	vadd.f32 v57, v40  }
0x23a: {  	v44 =	vadd.f32 v53, v44;
	v41 =	vadd.f32 v62, v41;
	v57 =	vmul.f32 v45, v17  }
0x23b: {  	v37 =	vadd.f32 v42, v37;
	v59 =	vmul.f32 v38, v21;
	v60 =	vmul.f32 v38, v22  }
0x23c: {  	v62 =	vmul.f32 v47, v29;
	v42 =	vadd.f32 v58, v56;
	v58 =	vmul.f32 v47, v30  }
0x23d: {  	v40 =	vmax.f32 v40, $0.0e+00;
	v44 =	vadd.f32 v54, v44;
	v37 =	vadd.f32 v48, v37;
	v48 =	vld [tilespmem:s17+$0x20]  }
0x23e: {  	v41 =	vmax.f32 v41, $0.0e+00;
	v43 =	vadd.f32 v57, v55;
	v57 =	vld [tilespmem:s17+$0x30];
	v54 =	vperm.xlane v33, v15  }
0x23f: {  	v42 =	vadd.f32 v60, v42;
	v60 =	vmul.f32 v38, v23;
	v38 =	vmul.f32 v38, v24  }
0x240: {  	v44 =	vmax.f32 v44, $0.0e+00;
	v43 =	vadd.f32 v59, v43;
	v59 =	vmul.f32 v45, v19  }
0x241: {  	v37 =	vmax.f32 v37, $0.0e+00;
	v45 =	vmul.f32 v45, v20;
	v42 =	vadd.f32 v63, v42  }
0x242: {  	v63 =	vmul.f32 v49, v28;
	v43 =	vadd.f32 v61, v43;
	v46 =	vadd.f32 v59, v48  }
0x243: {  	v61 =	vmul.f32 v49, v27;
	v42 =	vadd.f32 v58, v42;
	v45 =	vadd.f32 v45, v57;
	v57 =	vld [tilespmem:s17+$0x40]  }
0x244: {  	v58 =	vld [tilespmem:s17+$0x50];
	v59 =	vmul.f32 v51, v17;
	v43 =	vadd.f32 v62, v43;
	v62 =	vmul.f32 v47, v31  }
0x245: {  	v47 =	vmul.f32 v47, v32;
	v46 =	vadd.f32 v60, v46;
	v42 =	vmax.f32 v42, $0.0e+00  }
0x246: {  	v50 =	vld [tilespmem:s17+$0x60];
	v38 =	vadd.f32 v38, v45;
	v45 =	vperm.xlane v33, v14;
	v60 =	vmul.f32 v51, v18  }
0x247: {  	v33 =	vperm.xlane v33, v16;
	v43 =	vmax.f32 v43, $0.0e+00;
	v46 =	vadd.f32 v61, v46  }
0x248: {  	[tilespmem:s17+$0xFFFFFF80] =	vst v34;
	v38 =	vadd.f32 v63, v38;
	v52 =	vmul.f32 v45, v22;
	v49 =	vadd.f32 v59, v57  }
0x249: {  	[tilespmem:s17+$0xFFFFFF90] =	vst v35;
	v55 =	vld [tilespmem:s17+$0x70];
	v53 =	vadd.f32 v60, v58;
	v57 =	vmul.f32 v54, v25;
	v59 =	vmul.f32 v51, v19  }
0x24a: {  	[tilespmem:s17+$0xFFFFFFA0] =	vst v39;
	v60 =	vmul.f32 v33, v29;
	v61 =	vadd.f32 v62, v46;
	v63 =	vadd.f32 v47, v38  }
0x24b: {  	[tilespmem:s17+$0xFFFFFFB0] =	vst v36;
	v62 =	vmul.f32 v45, v21;
	v58 =	vadd.f32 v52, v53;
	v38 =	vadd.f32 v59, v50  }
0x24c: {  	[tilespmem:s17+$0xFFFFFFC0] =	vst v40;
	v52 =	vmul.f32 v33, v30;
	v34 =	vmax.f32 v61, $0.0e+00;
	v61 =	vmul.f32 v51, v20  }
0x24d: {  	[tilespmem:s17+$0xFFFFFFD0] =	vst v41;
	v56 =	vadd.f32 v62, v49;
	v35 =	vmax.f32 v63, $0.0e+00;
	v63 =	vmul.f32 v45, v23  }
0x24e: {  	[tilespmem:s17+$0xFFFFFFE0] =	vst v44;
	v62 =	vmul.f32 v54, v26;
	v45 =	vmul.f32 v45, v24;
	v51 =	vadd.f32 v61, v55  }
0x24f: {  	[tilespmem:s17+$0xFFFFFFF0] =	vst v37;
	v53 =	vadd.f32 v57, v56;
	v55 =	vmul.f32 v54, v27;
	v38 =	vadd.f32 v63, v38  }
0x250: {  	[tilespmem:s17+$0x10] =	vst v42;
	v36 =	vadd.f32 v62, v58;
	v56 =	vmul.f32 v54, v28;
	v57 =	vadd.f32 v45, v51  }
0x251: {  	[tilespmem:s17+$0x0] =	vst v43;
	v58 =	vmul.f32 v33, v31;
	v37 =	vadd.f32 v60, v53;
	v38 =	vadd.f32 v55, v38  }
0x252: {  	[tilespmem:s17+$0x20] =	vst v34;
	v33 =	vmul.f32 v33, v32;
	v59 =	vadd.f32 v52, v36;
	v60 =	vadd.f32 v56, v57  }
0x253: {  	[tilespmem:s17+$0x30] =	vst v35;
	v61 =	vmax.f32 v37, $0.0e+00;
	v62 =	vadd.f32 v58, v38  }
0x254: {  	v34 =	vmax.f32 v59, $0.0e+00;
	[tilespmem:s17+$0x40] =	vst v61;
	v33 =	vadd.f32 v33, v60  }
0x255: {  	[tilespmem:s17+$0x50] =	vst v34;
	v63 =	vmax.f32 v62, $0.0e+00  }
0x256: {  	[tilespmem:s17+$0x60] =	vst v63;
	v33 =	vmax.f32 v33, $0.0e+00  }
0x257: {  	s7 =	simm.s32 $0x10;
	s18 =	simm.s32 $0x80;
	[tilespmem:s17+$0x70] =	vst v33  }
.LBB2_9:
0x258: {  	p1 =	sne.s32 s18, $0x600;
	v33 =	vld [tilespmem:s7+$0x5460];
	_ =	sdelay $0x1  }
0x259: {  	s17 =	sadd.s32 $0x100, s17  }
0x25a: {  	v34 =	vld [tilespmem:s17+$0xFFFFFFA0]  }
0x25b: {  	v35 =	vld [tilespmem:s17+$0xFFFFFF80]  }
0x25c: {  	v36 =	vld [tilespmem:s17+$0xFFFFFF90];
	v37 =	vperm.xlane v33, v1;
	v38 =	vperm.xlane v33, v5  }
0x25d: {  	v39 =	vperm.xlane v33, v6;
	v40 =	vperm.xlane v33, v7  }
0x25e: {  	v42 =	vperm.xlane v33, v2;
	v41 =	vmul.f32 v37, v17  }
0x25f: {  	v43 =	vmul.f32 v37, v18;
	v44 =	vmul.f32 v37, v19  }
0x260: {  	v45 =	vperm.xlane v33, v3;
	v35 =	vadd.f32 v41, v35;
	v41 =	vmul.f32 v42, v21  }
0x261: {  	v34 =	vadd.f32 v44, v34;
	v36 =	vadd.f32 v43, v36;
	v43 =	vmul.f32 v42, v22  }
0x262: {  	v44 =	vperm.xlane v33, v4;
	v35 =	vadd.f32 v41, v35;
	v41 =	vmul.f32 v45, v25  }
0x263: {  	v47 =	vmul.f32 v45, v26;
	v46 =	vld [tilespmem:s17+$0xFFFFFFB0];
	v36 =	vadd.f32 v43, v36;
	v43 =	vmul.f32 v42, v23  }
0x264: {  	v48 =	vmul.f32 v44, v30;
	v35 =	vadd.f32 v41, v35;
	v41 =	vmul.f32 v44, v29  }
0x265: {  	v34 =	vadd.f32 v43, v34;
	v36 =	vadd.f32 v47, v36;
	v43 =	vmul.f32 v45, v27  }
0x266: {  	v37 =	vmul.f32 v37, v20;
	v35 =	vadd.f32 v41, v35;
	v41 =	vmul.f32 v44, v31  }
0x267: {  	v42 =	vmul.f32 v42, v24;
	v34 =	vadd.f32 v43, v34;
	v36 =	vadd.f32 v48, v36;
	v43 =	vld [tilespmem:s17+$0xFFFFFFC0]  }
0x268: {  	v45 =	vmul.f32 v45, v28;
	v37 =	vadd.f32 v37, v46;
	v35 =	vmax.f32 v35, $0.0e+00  }
0x269: {  	v34 =	vadd.f32 v41, v34;
	v41 =	vmul.f32 v44, v32;
	[tilespmem:s17+$0xFFFFFF80] =	vst v35;
	v35 =	vmax.f32 v36, $0.0e+00  }
0x26a: {  	v36 =	vadd.f32 v42, v37;
	[tilespmem:s17+$0xFFFFFF90] =	vst v35;
	v35 =	vld [tilespmem:s17+$0xFFFFFFD0];
	v37 =	vmul.f32 v38, v17;
	v42 =	vmul.f32 v39, v21  }
0x26b: {  	v46 =	vperm.xlane v33, v8;
	v44 =	vmul.f32 v40, v25;
	v34 =	vmax.f32 v34, $0.0e+00  }
0x26c: {  	v36 =	vadd.f32 v45, v36;
	[tilespmem:s17+$0xFFFFFFA0] =	vst v34;
	v34 =	vld [tilespmem:s17+$0xFFFFFFE0];
	v37 =	vadd.f32 v37, v43;
	v43 =	vmul.f32 v38, v18  }
0x26d: {  	v47 =	vmul.f32 v46, v29;
	v45 =	vmul.f32 v39, v22  }
0x26e: {  	v36 =	vadd.f32 v41, v36;
	v37 =	vadd.f32 v42, v37;
	v41 =	vmul.f32 v40, v26  }
0x26f: {  	v48 =	vmul.f32 v46, v30;
	v42 =	vld [tilespmem:s17+$0xFFFFFFF0];
	v35 =	vadd.f32 v43, v35;
	v43 =	vmul.f32 v38, v19  }
0x270: {  	v49 =	vmul.f32 v39, v23;
	v36 =	vmax.f32 v36, $0.0e+00;
	v37 =	vadd.f32 v44, v37  }
0x271: {  	[tilespmem:s17+$0xFFFFFFB0] =	vst v36;
	v34 =	vadd.f32 v43, v34;
	v35 =	vadd.f32 v45, v35;
	v36 =	vmul.f32 v40, v27  }
0x272: {  	v38 =	vmul.f32 v38, v20;
	v43 =	vmul.f32 v46, v31;
	v37 =	vadd.f32 v47, v37  }
0x273: {  	v39 =	vmul.f32 v39, v24;
	v34 =	vadd.f32 v49, v34;
	v35 =	vadd.f32 v41, v35  }
0x274: {  	v40 =	vmul.f32 v40, v28;
	v38 =	vadd.f32 v38, v42;
	v37 =	vmax.f32 v37, $0.0e+00  }
0x275: {  	v34 =	vadd.f32 v36, v34;
	v35 =	vadd.f32 v48, v35;
	v36 =	vmul.f32 v46, v32;
	[tilespmem:s17+$0xFFFFFFC0] =	vst v37;
	v37 =	vld [tilespmem:s17+$0x0]  }
0x276: {  	v41 =	vperm.xlane v33, v10;
	v38 =	vadd.f32 v39, v38;
	v39 =	vperm.xlane v33, v9  }
0x277: {  	v34 =	vadd.f32 v43, v34;
	v35 =	vmax.f32 v35, $0.0e+00;
	v42 =	vld [tilespmem:s17+$0x10];
	v43 =	vperm.xlane v33, v11  }
0x278: {  	v38 =	vadd.f32 v40, v38;
	[tilespmem:s17+$0xFFFFFFD0] =	vst v35;
	v35 =	vmul.f32 v39, v17;
	v40 =	vmul.f32 v41, v21  }
0x279: {  	v45 =	vperm.xlane v33, v12;
	v34 =	vmax.f32 v34, $0.0e+00;
	v44 =	vmul.f32 v43, v25  }
0x27a: {  	v36 =	vadd.f32 v36, v38;
	[tilespmem:s17+$0xFFFFFFE0] =	vst v34;
	v34 =	vadd.f32 v35, v37;
	v35 =	vmul.f32 v39, v18  }
0x27b: {  	v37 =	vmul.f32 v41, v22;
	v38 =	vmul.f32 v45, v29  }
0x27c: {  	v36 =	vmax.f32 v36, $0.0e+00;
	v46 =	vld [tilespmem:s17+$0x20];
	v35 =	vadd.f32 v35, v42;
	v34 =	vadd.f32 v40, v34  }
0x27d: {  	v40 =	vmul.f32 v45, v30;
	[tilespmem:s17+$0xFFFFFFF0] =	vst v36;
	v36 =	vmul.f32 v43, v26  }
0x27e: {  	v47 =	vmul.f32 v39, v19;
	v42 =	vld [tilespmem:s17+$0x30];
	v35 =	vadd.f32 v37, v35;
	v34 =	vadd.f32 v44, v34  }
0x27f: {  	v37 =	vmul.f32 v41, v23;
	v44 =	vmul.f32 v43, v27  }
0x280: {  	v35 =	vadd.f32 v36, v35;
	v34 =	vadd.f32 v38, v34;
	v36 =	vmul.f32 v45, v31  }
0x281: {  	v39 =	vmul.f32 v39, v20;
	v41 =	vmul.f32 v41, v24;
	v38 =	vadd.f32 v47, v46  }
0x282: {  	v43 =	vmul.f32 v43, v28;
	v35 =	vadd.f32 v40, v35;
	v34 =	vmax.f32 v34, $0.0e+00  }
0x283: {  	v39 =	vadd.f32 v39, v42;
	v37 =	vadd.f32 v37, v38;
	v38 =	vmul.f32 v45, v32;
	[tilespmem:s17+$0x0] =	vst v34;
	v34 =	vld [tilespmem:s17+$0x40]  }
0x284: {  	v40 =	vperm.xlane v33, v13;
	v42 =	vperm.xlane v33, v14;
	v35 =	vmax.f32 v35, $0.0e+00  }
0x285: {  	v39 =	vadd.f32 v41, v39;
	v37 =	vadd.f32 v44, v37;
	[tilespmem:s17+$0x10] =	vst v35;
	v35 =	vld [tilespmem:s17+$0x50];
	v41 =	vperm.xlane v33, v15  }
0x286: {  	v44 =	vmul.f32 v40, v17;
	v45 =	vmul.f32 v42, v21  }
0x287: {  	v39 =	vadd.f32 v43, v39;
	v36 =	vadd.f32 v36, v37;
	v37 =	vmul.f32 v41, v25  }
0x288: {  	v33 =	vperm.xlane v33, v16;
	v43 =	vmul.f32 v40, v18;
	v34 =	vadd.f32 v44, v34  }
0x289: {  	v38 =	vadd.f32 v38, v39;
	v36 =	vmax.f32 v36, $0.0e+00;
	v39 =	vmul.f32 v42, v22  }
0x28a: {  	[tilespmem:s17+$0x20] =	vst v36;
	v36 =	vld [tilespmem:s17+$0x60];
	v35 =	vadd.f32 v43, v35;
	v34 =	vadd.f32 v45, v34;
	v43 =	vmul.f32 v33, v29  }
0x28b: {  	v44 =	vmul.f32 v41, v26;
	v45 =	vmul.f32 v33, v30;
	v38 =	vmax.f32 v38, $0.0e+00  }
0x28c: {  	v46 =	vmul.f32 v40, v19;
	[tilespmem:s17+$0x30] =	vst v38;
	v38 =	vld [tilespmem:s17+$0x70];
	v35 =	vadd.f32 v39, v35;
	v34 =	vadd.f32 v37, v34  }
0x28d: {  	v37 =	vmul.f32 v42, v23;
	v39 =	vmul.f32 v41, v27  }
0x28e: {  	v35 =	vadd.f32 v44, v35;
	v34 =	vadd.f32 v43, v34;
	v43 =	vmul.f32 v33, v31  }
0x28f: {  	v40 =	vmul.f32 v40, v20;
	v42 =	vmul.f32 v42, v24;
	v36 =	vadd.f32 v46, v36  }
0x290: {  	v41 =	vmul.f32 v41, v28;
	v35 =	vadd.f32 v45, v35;
	v34 =	vmax.f32 v34, $0.0e+00  }
0x291: {  	v33 =	vmul.f32 v33, v32;
	v38 =	vadd.f32 v40, v38;
	v36 =	vadd.f32 v37, v36;
	[tilespmem:s17+$0x40] =	vst v34  }
0x292: {  	v34 =	vmax.f32 v35, $0.0e+00  }
0x293: {  	v35 =	vadd.f32 v42, v38;
	v36 =	vadd.f32 v39, v36;
	[tilespmem:s17+$0x50] =	vst v34;
	_ =	sdelay $0x1  }
0x294: {  	v34 =	vadd.f32 v41, v35;
	v35 =	vadd.f32 v43, v36  }
.Ltmp3:
0x295: {  	(pc) =	sbr.rel @p1 .LBB2_9-.Ltmp3, $4  }
0x296: {  	v33 =	vadd.f32 v33, v34;
	v34 =	vmax.f32 v35, $0.0e+00  }
0x297: {  	[tilespmem:s17+$0x60] =	vst v34  }
0x298: {  	v33 =	vmax.f32 v33, $0.0e+00  }
0x299: {  	s7 =	sshra.s32 s18, $0x2;
	s18 =	sadd.s32 $0x40, s18;
	[tilespmem:s17+$0x70] =	vst v33  }
0x29a: {  	v33 =	vld [tilespmem:s7+$0x5460];
	_ =	sdelay $0x4  }
0x29b: {  	v36 =	vperm.xlane v33, v1;
	v37 =	vperm.xlane v33, v5  }
0x29c: {  	v38 =	vperm.xlane v33, v6;
	v41 =	vperm.xlane v33, v2  }
0x29d: {  	v42 =	vperm.xlane v33, v7;
	v44 =	vperm.xlane v33, v3  }
0x29e: {  	s17 =	sadd.s32 $0x100, s17;
	v46 =	vperm.xlane v33, v4;
	v40 =	vmul.f32 v36, v17  }
0x29f: {  	v34 =	vld [tilespmem:s17+$0xFFFFFF80];
	v43 =	vmul.f32 v36, v18;
	v55 =	vmul.f32 v41, v21  }
0x2a0: {  	v35 =	vld [tilespmem:s17+$0xFFFFFF90];
	v45 =	vmul.f32 v36, v19;
	v56 =	vmul.f32 v41, v22  }
0x2a1: {  	v39 =	vld [tilespmem:s17+$0xFFFFFFA0];
	v57 =	vmul.f32 v44, v25;
	v59 =	vmul.f32 v41, v23  }
0x2a2: {  	v58 =	vld [tilespmem:s17+$0xFFFFFFB0];
	v47 =	vmul.f32 v44, v26;
	v60 =	vmul.f32 v46, v29  }
0x2a3: {  	v63 =	vld [tilespmem:s17+$0xFFFFFFC0];
	v48 =	vmul.f32 v46, v30;
	v61 =	vmul.f32 v44, v27  }
0x2a4: {  	v36 =	vmul.f32 v36, v20;
	v62 =	vmul.f32 v46, v31  }
0x2a5: {  	v41 =	vmul.f32 v41, v24;
	v44 =	vmul.f32 v44, v28  }
0x2a6: {  	v52 =	vmul.f32 v46, v32;
	v54 =	vmul.f32 v37, v17;
	v34 =	vadd.f32 v40, v34  }
0x2a7: {  	v49 =	vmul.f32 v38, v22;
	v35 =	vadd.f32 v43, v35;
	v39 =	vadd.f32 v45, v39  }
0x2a8: {  	v36 =	vadd.f32 v36, v58;
	v43 =	vadd.f32 v54, v63;
	v63 =	vmul.f32 v37, v19  }
0x2a9: {  	v53 =	vld [tilespmem:s17+$0xFFFFFFD0];
	v54 =	vmul.f32 v42, v27;
	v45 =	vperm.xlane v33, v9;
	v34 =	vadd.f32 v55, v34  }
0x2aa: {  	v58 =	vld [tilespmem:s17+$0xFFFFFFE0];
	v35 =	vadd.f32 v56, v35;
	v39 =	vadd.f32 v59, v39;
	v55 =	vmul.f32 v38, v21  }
0x2ab: {  	v36 =	vadd.f32 v41, v36;
	v56 =	vmul.f32 v42, v25;
	v59 =	vmul.f32 v37, v18  }
0x2ac: {  	v37 =	vmul.f32 v37, v20;
	v34 =	vadd.f32 v57, v34;
	v35 =	vadd.f32 v47, v35  }
0x2ad: {  	v39 =	vadd.f32 v61, v39;
	v57 =	vperm.xlane v33, v8;
	v36 =	vadd.f32 v44, v36  }
0x2ae: {  	v61 =	vmul.f32 v42, v26;
	v41 =	vadd.f32 v59, v53;
	v42 =	vmul.f32 v42, v28  }
0x2af: {  	v59 =	vmul.f32 v45, v17;
	v44 =	vadd.f32 v63, v58;
	v34 =	vadd.f32 v60, v34  }
0x2b0: {  	v35 =	vadd.f32 v48, v35;
	v39 =	vadd.f32 v62, v39;
	v50 =	vmul.f32 v57, v29  }
0x2b1: {  	v36 =	vadd.f32 v52, v36;
	v51 =	vmul.f32 v57, v30;
	v52 =	vmul.f32 v38, v23  }
0x2b2: {  	v60 =	vadd.f32 v55, v43;
	v55 =	vmul.f32 v57, v31;
	v38 =	vmul.f32 v38, v24  }
0x2b3: {  	v58 =	vld [tilespmem:s17+$0x10];
	v41 =	vadd.f32 v49, v41;
	v57 =	vmul.f32 v57, v32;
	v49 =	vperm.xlane v33, v11  }
0x2b4: {  	v62 =	vld [tilespmem:s17+$0xFFFFFFF0];
	v34 =	vmax.f32 v34, $0.0e+00;
	v35 =	vmax.f32 v35, $0.0e+00;
	v40 =	vadd.f32 v56, v60  }
0x2b5: {  	v39 =	vmax.f32 v39, $0.0e+00;
	v44 =	vadd.f32 v52, v44;
	v41 =	vadd.f32 v61, v41  }
0x2b6: {  	v36 =	vmax.f32 v36, $0.0e+00;
	v61 =	vmul.f32 v45, v18;
	v40 =	vadd.f32 v50, v40  }
0x2b7: {  	v56 =	vld [tilespmem:s17+$0x0];
	v52 =	vperm.xlane v33, v15;
	v44 =	vadd.f32 v54, v44;
	v41 =	vadd.f32 v51, v41  }
0x2b8: {  	v50 =	vperm.xlane v33, v12;
	v47 =	vadd.f32 v61, v58;
	v61 =	vmul.f32 v49, v27  }
0x2b9: {  	v51 =	vperm.xlane v33, v13;
	v37 =	vadd.f32 v37, v62;
	v62 =	vmul.f32 v49, v25  }
0x2ba: {  	v40 =	vmax.f32 v40, $0.0e+00;
	v44 =	vadd.f32 v55, v44;
	v41 =	vmax.f32 v41, $0.0e+00  }
0x2bb: {  	v54 =	vld [tilespmem:s17+$0x20];
	v53 =	vmul.f32 v50, v29;
	v37 =	vadd.f32 v38, v37;
	v38 =	vperm.xlane v33, v10  }
0x2bc: {  	v58 =	vmul.f32 v50, v30;
	v55 =	vmul.f32 v45, v19;
	v43 =	vadd.f32 v59, v56;
	v59 =	vld [tilespmem:s17+$0x30]  }
0x2bd: {  	v45 =	vmul.f32 v45, v20;
	v37 =	vadd.f32 v42, v37;
	v60 =	vmul.f32 v38, v21  }
0x2be: {  	v48 =	vmul.f32 v50, v32;
	v44 =	vmax.f32 v44, $0.0e+00;
	v63 =	vmul.f32 v38, v22  }
0x2bf: {  	v42 =	vadd.f32 v60, v43;
	v37 =	vadd.f32 v57, v37;
	v57 =	vmul.f32 v49, v26  }
0x2c0: {  	v47 =	vadd.f32 v63, v47;
	v60 =	vmul.f32 v38, v23;
	v63 =	vadd.f32 v55, v54  }
0x2c1: {  	v38 =	vmul.f32 v38, v24;
	v49 =	vmul.f32 v49, v28;
	v45 =	vadd.f32 v45, v59  }
0x2c2: {  	v59 =	vmul.f32 v51, v17;
	v42 =	vadd.f32 v62, v42;
	v43 =	vadd.f32 v57, v47  }
0x2c3: {  	v37 =	vmax.f32 v37, $0.0e+00;
	v56 =	vadd.f32 v60, v63;
	v57 =	vld [tilespmem:s17+$0x40];
	v38 =	vadd.f32 v38, v45  }
0x2c4: {  	v62 =	vmul.f32 v50, v31;
	v42 =	vadd.f32 v53, v42;
	v43 =	vadd.f32 v58, v43  }
0x2c5: {  	v53 =	vperm.xlane v33, v14;
	v58 =	vld [tilespmem:s17+$0x50];
	v46 =	vadd.f32 v61, v56;
	v33 =	vperm.xlane v33, v16  }
0x2c6: {  	v38 =	vadd.f32 v49, v38;
	v42 =	vmax.f32 v42, $0.0e+00;
	v43 =	vmax.f32 v43, $0.0e+00  }
0x2c7: {  	[tilespmem:s17+$0xFFFFFF80] =	vst v34;
	v49 =	vld [tilespmem:s17+$0x60];
	v60 =	vmul.f32 v53, v21;
	v61 =	vadd.f32 v62, v46;
	v46 =	vmul.f32 v52, v25  }
0x2c8: {  	[tilespmem:s17+$0xFFFFFF90] =	vst v35;
	v54 =	vld [tilespmem:s17+$0x70];
	v62 =	vmul.f32 v51, v18;
	v56 =	vmul.f32 v53, v22;
	v63 =	vadd.f32 v59, v57  }
0x2c9: {  	[tilespmem:s17+$0xFFFFFFA0] =	vst v39;
	v38 =	vadd.f32 v48, v38;
	v57 =	vmul.f32 v33, v29;
	v59 =	vmul.f32 v52, v26  }
0x2ca: {  	[tilespmem:s17+$0xFFFFFFB0] =	vst v36;
	v34 =	vmax.f32 v61, $0.0e+00;
	v45 =	vadd.f32 v62, v58;
	v58 =	vmul.f32 v51, v19  }
0x2cb: {  	[tilespmem:s17+$0xFFFFFFC0] =	vst v40;
	v61 =	vmul.f32 v33, v30;
	v35 =	vadd.f32 v60, v63;
	v60 =	vmul.f32 v51, v20  }
0x2cc: {  	[tilespmem:s17+$0xFFFFFFD0] =	vst v41;
	v38 =	vmax.f32 v38, $0.0e+00;
	v62 =	vmul.f32 v53, v23;
	v47 =	vadd.f32 v58, v49  }
0x2cd: {  	[tilespmem:s17+$0xFFFFFFE0] =	vst v44;
	v63 =	vmul.f32 v53, v24;
	v39 =	vadd.f32 v56, v45;
	v48 =	vadd.f32 v60, v54  }
0x2ce: {  	[tilespmem:s17+$0xFFFFFFF0] =	vst v37;
	v35 =	vadd.f32 v46, v35;
	v49 =	vmul.f32 v52, v27;
	v50 =	vadd.f32 v62, v47  }
0x2cf: {  	[tilespmem:s17+$0x0] =	vst v42;
	v51 =	vmul.f32 v52, v28;
	v39 =	vadd.f32 v59, v39;
	v52 =	vadd.f32 v63, v48  }
0x2d0: {  	[tilespmem:s17+$0x10] =	vst v43;
	v53 =	vmul.f32 v33, v31;
	v35 =	vadd.f32 v57, v35;
	v37 =	vadd.f32 v49, v50  }
0x2d1: {  	[tilespmem:s17+$0x20] =	vst v34;
	v33 =	vmul.f32 v33, v32;
	v54 =	vadd.f32 v61, v39;
	v55 =	vadd.f32 v51, v52  }
0x2d2: {  	[tilespmem:s17+$0x30] =	vst v38;
	v35 =	vmax.f32 v35, $0.0e+00;
	v36 =	vadd.f32 v53, v37  }
0x2d3: {  	[tilespmem:s17+$0x40] =	vst v35;
	v34 =	vmax.f32 v54, $0.0e+00;
	v33 =	vadd.f32 v33, v55  }
0x2d4: {  	[tilespmem:s17+$0x50] =	vst v34;
	v56 =	vmax.f32 v36, $0.0e+00  }
0x2d5: {  	s7 =	sadd.s32 @!p0 $0x5, s23;
	v33 =	vmax.f32 v33, $0.0e+00;
	[tilespmem:s17+$0x60] =	vst v56  }
0x2d6: {  	[tilespmem:s17+$0x70] =	vst v33;
	s17 =	smul.u32 @!p0 $0x1A0, s7  }
0x2d7: {  	s20 =	sadd.s32 $0x28A0, s16;
	s16 =	simm.s32 @!p0 $0xA;
	s7 =	smul.u32 @!p0 $0x190, s7  }
0x2d8: {  	[spmem:s3] =	stream.indirect.scatter.add.f32 [tilespmem:s31], [sflag:$0xB], $0x40, s20, s29, $0xb8;
	[tilespmem:$0x16C80] =	vst v63  }
0x2d9: {  	_ =	swait.ge @!p0 [sflag:s16], $0x1900;
	s7 =	sadd.s32 @!p0 s11, s7  }
0x2da: {  	s18 =	simm.s32 @!p0 $0x8180;
	[sflag:s16] =	ssyncset.done @!p0 $0x0;
	s7 =	sshrl.u32 @!p0 s7, $0x3  }
0x2db: {  	[sflag:s16] =	ssyncadd.s32 @!p0 $0xFFFFE700;
	s16 =	sshra.s32 @!p0 s17, $0x2;
	s17 =	simm.s32 @!p0 $0x64  }
0x2dc: {  	[tilespmem:s18], [sflag:$0x2] =	stream.indirect.gather @!p0 [hbm4b:s5+s17], $0x40, s16, s17, $0xb8;
	[tilespmem:$0x16C80] =	vst v63  }
0x2dd: {  	s7 =	sadd.s32 @!p0 s2, s7;
	s16 =	simm.s32 @!p0 $0x0;
	s17 =	simm.s32 @!p0 $0x52D0  }
0x2de: {  	[tilespmem:s17], [sflag:$0x6] =	stream.linear.gather @!p0 [hbm4b:s7+s16], $0x190, $0x38;
	[tilespmem:$0x16C80] =	vst v63  }
0x2df: {  	_ =	swait.ge [sflag:s14], $0x1900  }
0x2e0: {  	[sflag:s14] =	ssyncset.done $0x0  }
0x2e1: {  	[sflag:s14] =	ssyncadd.s32 $0xFFFFE700  }
0x2e2: {  	_ =	swait.ge [sflag:s15], $0x190  }
0x2e3: {  	[sflag:s15] =	ssyncset.done $0x0  }
0x2e4: {  	s23 =	simm.s32 $0x0;
	[sflag:s15] =	ssyncadd.s32 $0xFFFFFE70  }
0x2e5: {  	v33 =	vld [tilespmem:s23+$0x55F0];
	_ =	sdelay $0x4  }
0x2e6: {  	v36 =	vperm.xlane v33, v1  }
0x2e7: {  	v37 =	vperm.xlane v33, v5;
	v38 =	vperm.xlane v33, v6  }
0x2e8: {  	v41 =	vperm.xlane v33, v2;
	v42 =	vperm.xlane v33, v7  }
0x2e9: {  	v63 =	vperm.xlane v33, v3;
	v54 =	vperm.xlane v33, v4  }
0x2ea: {  	s16 =	simm.s32 $0xB400;
	v48 =	vperm.xlane v33, v8;
	v45 =	vperm.xlane v33, v9  }
0x2eb: {  	v57 =	vld [tilespmem:s16+$0xFFFFFF80];
	v49 =	vperm.xlane v33, v11;
	v60 =	vmul.f32 v36, v17  }
0x2ec: {  	v58 =	vld [tilespmem:s16+$0xFFFFFF90];
	v61 =	vmul.f32 v36, v18;
	v62 =	vmul.f32 v41, v21  }
0x2ed: {  	v59 =	vld [tilespmem:s16+$0xFFFFFFA0];
	v51 =	vmul.f32 v36, v19;
	v52 =	vmul.f32 v41, v22  }
0x2ee: {  	v55 =	vld [tilespmem:s16+$0xFFFFFFB0];
	v53 =	vmul.f32 v63, v25;
	v56 =	vmul.f32 v41, v23  }
0x2ef: {  	v36 =	vmul.f32 v36, v20;
	v41 =	vmul.f32 v41, v24  }
0x2f0: {  	v44 =	vmul.f32 v63, v28;
	v47 =	vmul.f32 v42, v25;
	v34 =	vadd.f32 v60, v57  }
0x2f1: {  	v35 =	vadd.f32 v61, v58;
	v57 =	vmul.f32 v63, v26;
	v58 =	vmul.f32 v54, v29  }
0x2f2: {  	v39 =	vadd.f32 v51, v59;
	v59 =	vmul.f32 v54, v30;
	v60 =	vmul.f32 v63, v27  }
0x2f3: {  	v61 =	vmul.f32 v54, v31;
	v36 =	vadd.f32 v36, v55;
	v63 =	vmul.f32 v54, v32  }
0x2f4: {  	v54 =	vmul.f32 v38, v21;
	v55 =	vmul.f32 v37, v18;
	v34 =	vadd.f32 v62, v34  }
0x2f5: {  	v51 =	vperm.xlane v33, v13;
	v35 =	vadd.f32 v52, v35;
	v39 =	vadd.f32 v56, v39  }
0x2f6: {  	v62 =	vld [tilespmem:s16+$0xFFFFFFC0];
	v36 =	vadd.f32 v41, v36;
	v56 =	vmul.f32 v38, v22;
	v34 =	vadd.f32 v53, v34  }
0x2f7: {  	v52 =	vld [tilespmem:s16+$0xFFFFFFD0];
	v35 =	vadd.f32 v57, v35;
	v39 =	vadd.f32 v60, v39;
	v53 =	vmul.f32 v37, v17  }
0x2f8: {  	v36 =	vadd.f32 v44, v36;
	v57 =	vmul.f32 v48, v29;
	v34 =	vadd.f32 v58, v34  }
0x2f9: {  	v35 =	vadd.f32 v59, v35;
	v39 =	vadd.f32 v61, v39;
	v59 =	vmul.f32 v42, v26  }
0x2fa: {  	v44 =	vld [tilespmem:s16+$0xFFFFFFE0];
	v36 =	vadd.f32 v63, v36;
	v61 =	vmul.f32 v37, v19;
	v63 =	vmul.f32 v38, v23  }
0x2fb: {  	v60 =	vld [tilespmem:s16+$0xFFFFFFF0];
	v37 =	vmul.f32 v37, v20;
	v38 =	vmul.f32 v38, v24;
	v43 =	vadd.f32 v53, v62  }
0x2fc: {  	v41 =	vadd.f32 v55, v52;
	v62 =	vmul.f32 v48, v30;
	v53 =	vmul.f32 v42, v27  }
0x2fd: {  	v42 =	vmul.f32 v42, v28;
	v34 =	vmax.f32 v34, $0.0e+00;
	v35 =	vmax.f32 v35, $0.0e+00  }
0x2fe: {  	v39 =	vmax.f32 v39, $0.0e+00;
	v36 =	vmax.f32 v36, $0.0e+00;
	v58 =	vadd.f32 v54, v43  }
0x2ff: {  	v44 =	vadd.f32 v61, v44;
	v41 =	vadd.f32 v56, v41;
	v54 =	vmul.f32 v48, v31  }
0x300: {  	v37 =	vadd.f32 v37, v60;
	v48 =	vmul.f32 v48, v32;
	v40 =	vadd.f32 v47, v58  }
0x301: {  	v56 =	vld [tilespmem:s16+$0x10];
	v61 =	vmul.f32 v49, v25;
	v44 =	vadd.f32 v63, v44;
	v41 =	vadd.f32 v59, v41  }
0x302: {  	v37 =	vadd.f32 v38, v37;
	v38 =	vperm.xlane v33, v10;
	v58 =	vmul.f32 v45, v18  }
0x303: {  	v55 =	vld [tilespmem:s16+$0x0];
	v47 =	vperm.xlane v33, v12;
	v63 =	vmul.f32 v49, v26;
	v40 =	vadd.f32 v57, v40  }
0x304: {  	v44 =	vadd.f32 v53, v44;
	v41 =	vadd.f32 v62, v41;
	v57 =	vmul.f32 v45, v17  }
0x305: {  	v37 =	vadd.f32 v42, v37;
	v59 =	vmul.f32 v38, v21;
	v60 =	vmul.f32 v38, v22  }
0x306: {  	v62 =	vmul.f32 v47, v29;
	v42 =	vadd.f32 v58, v56;
	v58 =	vmul.f32 v47, v30  }
0x307: {  	v40 =	vmax.f32 v40, $0.0e+00;
	v44 =	vadd.f32 v54, v44;
	v37 =	vadd.f32 v48, v37;
	v48 =	vld [tilespmem:s16+$0x20]  }
0x308: {  	v41 =	vmax.f32 v41, $0.0e+00;
	v43 =	vadd.f32 v57, v55;
	v57 =	vld [tilespmem:s16+$0x30];
	v54 =	vperm.xlane v33, v15  }
0x309: {  	v42 =	vadd.f32 v60, v42;
	v60 =	vmul.f32 v38, v23;
	v38 =	vmul.f32 v38, v24  }
0x30a: {  	v44 =	vmax.f32 v44, $0.0e+00;
	v43 =	vadd.f32 v59, v43;
	v59 =	vmul.f32 v45, v19  }
0x30b: {  	v37 =	vmax.f32 v37, $0.0e+00;
	v45 =	vmul.f32 v45, v20;
	v42 =	vadd.f32 v63, v42  }
0x30c: {  	v63 =	vmul.f32 v49, v28;
	v43 =	vadd.f32 v61, v43;
	v46 =	vadd.f32 v59, v48  }
0x30d: {  	v61 =	vmul.f32 v49, v27;
	v42 =	vadd.f32 v58, v42;
	v45 =	vadd.f32 v45, v57;
	v57 =	vld [tilespmem:s16+$0x40]  }
0x30e: {  	v58 =	vld [tilespmem:s16+$0x50];
	v59 =	vmul.f32 v51, v17;
	v43 =	vadd.f32 v62, v43;
	v62 =	vmul.f32 v47, v31  }
0x30f: {  	v47 =	vmul.f32 v47, v32;
	v46 =	vadd.f32 v60, v46;
	v42 =	vmax.f32 v42, $0.0e+00  }
0x310: {  	v50 =	vld [tilespmem:s16+$0x60];
	v38 =	vadd.f32 v38, v45;
	v45 =	vperm.xlane v33, v14;
	v60 =	vmul.f32 v51, v18  }
0x311: {  	v33 =	vperm.xlane v33, v16;
	v43 =	vmax.f32 v43, $0.0e+00;
	v46 =	vadd.f32 v61, v46  }
0x312: {  	[tilespmem:s16+$0xFFFFFF80] =	vst v34;
	v38 =	vadd.f32 v63, v38;
	v52 =	vmul.f32 v45, v22;
	v49 =	vadd.f32 v59, v57  }
0x313: {  	[tilespmem:s16+$0xFFFFFF90] =	vst v35;
	v55 =	vld [tilespmem:s16+$0x70];
	v53 =	vadd.f32 v60, v58;
	v57 =	vmul.f32 v54, v25;
	v59 =	vmul.f32 v51, v19  }
0x314: {  	[tilespmem:s16+$0xFFFFFFA0] =	vst v39;
	v60 =	vmul.f32 v33, v29;
	v61 =	vadd.f32 v62, v46;
	v63 =	vadd.f32 v47, v38  }
0x315: {  	[tilespmem:s16+$0xFFFFFFB0] =	vst v36;
	v62 =	vmul.f32 v45, v21;
	v58 =	vadd.f32 v52, v53;
	v38 =	vadd.f32 v59, v50  }
0x316: {  	[tilespmem:s16+$0xFFFFFFC0] =	vst v40;
	v52 =	vmul.f32 v33, v30;
	v34 =	vmax.f32 v61, $0.0e+00;
	v61 =	vmul.f32 v51, v20  }
0x317: {  	[tilespmem:s16+$0xFFFFFFD0] =	vst v41;
	v56 =	vadd.f32 v62, v49;
	v35 =	vmax.f32 v63, $0.0e+00;
	v63 =	vmul.f32 v45, v23  }
0x318: {  	[tilespmem:s16+$0xFFFFFFE0] =	vst v44;
	v62 =	vmul.f32 v54, v26;
	v45 =	vmul.f32 v45, v24;
	v51 =	vadd.f32 v61, v55  }
0x319: {  	[tilespmem:s16+$0xFFFFFFF0] =	vst v37;
	v53 =	vadd.f32 v57, v56;
	v55 =	vmul.f32 v54, v27;
	v38 =	vadd.f32 v63, v38  }
0x31a: {  	[tilespmem:s16+$0x10] =	vst v42;
	v36 =	vadd.f32 v62, v58;
	v56 =	vmul.f32 v54, v28;
	v57 =	vadd.f32 v45, v51  }
0x31b: {  	[tilespmem:s16+$0x0] =	vst v43;
	v58 =	vmul.f32 v33, v31;
	v37 =	vadd.f32 v60, v53;
	v38 =	vadd.f32 v55, v38  }
0x31c: {  	[tilespmem:s16+$0x20] =	vst v34;
	v33 =	vmul.f32 v33, v32;
	v59 =	vadd.f32 v52, v36;
	v60 =	vadd.f32 v56, v57  }
0x31d: {  	[tilespmem:s16+$0x30] =	vst v35;
	v61 =	vmax.f32 v37, $0.0e+00;
	v62 =	vadd.f32 v58, v38  }
0x31e: {  	v34 =	vmax.f32 v59, $0.0e+00;
	[tilespmem:s16+$0x40] =	vst v61;
	v33 =	vadd.f32 v33, v60  }
0x31f: {  	[tilespmem:s16+$0x50] =	vst v34;
	v63 =	vmax.f32 v62, $0.0e+00  }
0x320: {  	[tilespmem:s16+$0x60] =	vst v63;
	v33 =	vmax.f32 v33, $0.0e+00  }
0x321: {  	s7 =	simm.s32 $0x10;
	s17 =	simm.s32 $0x80;
	[tilespmem:s16+$0x70] =	vst v33  }
.LBB2_11:
0x322: {  	p0 =	sne.s32 s17, $0x600;
	v33 =	vld [tilespmem:s7+$0x55F0];
	_ =	sdelay $0x1  }
0x323: {  	s16 =	sadd.s32 $0x100, s16  }
0x324: {  	v34 =	vld [tilespmem:s16+$0xFFFFFFA0]  }
0x325: {  	v35 =	vld [tilespmem:s16+$0xFFFFFF80]  }
0x326: {  	v36 =	vld [tilespmem:s16+$0xFFFFFF90];
	v37 =	vperm.xlane v33, v1;
	v38 =	vperm.xlane v33, v5  }
0x327: {  	v39 =	vperm.xlane v33, v6;
	v40 =	vperm.xlane v33, v7  }
0x328: {  	v42 =	vperm.xlane v33, v2;
	v41 =	vmul.f32 v37, v17  }
0x329: {  	v43 =	vmul.f32 v37, v18;
	v44 =	vmul.f32 v37, v19  }
0x32a: {  	v45 =	vperm.xlane v33, v3;
	v35 =	vadd.f32 v41, v35;
	v41 =	vmul.f32 v42, v21  }
0x32b: {  	v34 =	vadd.f32 v44, v34;
	v36 =	vadd.f32 v43, v36;
	v43 =	vmul.f32 v42, v22  }
0x32c: {  	v44 =	vperm.xlane v33, v4;
	v35 =	vadd.f32 v41, v35;
	v41 =	vmul.f32 v45, v25  }
0x32d: {  	v47 =	vmul.f32 v45, v26;
	v46 =	vld [tilespmem:s16+$0xFFFFFFB0];
	v36 =	vadd.f32 v43, v36;
	v43 =	vmul.f32 v42, v23  }
0x32e: {  	v48 =	vmul.f32 v44, v30;
	v35 =	vadd.f32 v41, v35;
	v41 =	vmul.f32 v44, v29  }
0x32f: {  	v34 =	vadd.f32 v43, v34;
	v36 =	vadd.f32 v47, v36;
	v43 =	vmul.f32 v45, v27  }
0x330: {  	v37 =	vmul.f32 v37, v20;
	v35 =	vadd.f32 v41, v35;
	v41 =	vmul.f32 v44, v31  }
0x331: {  	v42 =	vmul.f32 v42, v24;
	v34 =	vadd.f32 v43, v34;
	v36 =	vadd.f32 v48, v36;
	v43 =	vld [tilespmem:s16+$0xFFFFFFC0]  }
0x332: {  	v45 =	vmul.f32 v45, v28;
	v37 =	vadd.f32 v37, v46;
	v35 =	vmax.f32 v35, $0.0e+00  }
0x333: {  	v34 =	vadd.f32 v41, v34;
	v41 =	vmul.f32 v44, v32;
	[tilespmem:s16+$0xFFFFFF80] =	vst v35;
	v35 =	vmax.f32 v36, $0.0e+00  }
0x334: {  	v36 =	vadd.f32 v42, v37;
	[tilespmem:s16+$0xFFFFFF90] =	vst v35;
	v35 =	vld [tilespmem:s16+$0xFFFFFFD0];
	v37 =	vmul.f32 v38, v17;
	v42 =	vmul.f32 v39, v21  }
0x335: {  	v46 =	vperm.xlane v33, v8;
	v44 =	vmul.f32 v40, v25;
	v34 =	vmax.f32 v34, $0.0e+00  }
0x336: {  	v36 =	vadd.f32 v45, v36;
	[tilespmem:s16+$0xFFFFFFA0] =	vst v34;
	v34 =	vld [tilespmem:s16+$0xFFFFFFE0];
	v37 =	vadd.f32 v37, v43;
	v43 =	vmul.f32 v38, v18  }
0x337: {  	v47 =	vmul.f32 v46, v29;
	v45 =	vmul.f32 v39, v22  }
0x338: {  	v36 =	vadd.f32 v41, v36;
	v37 =	vadd.f32 v42, v37;
	v41 =	vmul.f32 v40, v26  }
0x339: {  	v48 =	vmul.f32 v46, v30;
	v42 =	vld [tilespmem:s16+$0xFFFFFFF0];
	v35 =	vadd.f32 v43, v35;
	v43 =	vmul.f32 v38, v19  }
0x33a: {  	v49 =	vmul.f32 v39, v23;
	v36 =	vmax.f32 v36, $0.0e+00;
	v37 =	vadd.f32 v44, v37  }
0x33b: {  	[tilespmem:s16+$0xFFFFFFB0] =	vst v36;
	v34 =	vadd.f32 v43, v34;
	v35 =	vadd.f32 v45, v35;
	v36 =	vmul.f32 v40, v27  }
0x33c: {  	v38 =	vmul.f32 v38, v20;
	v43 =	vmul.f32 v46, v31;
	v37 =	vadd.f32 v47, v37  }
0x33d: {  	v39 =	vmul.f32 v39, v24;
	v34 =	vadd.f32 v49, v34;
	v35 =	vadd.f32 v41, v35  }
0x33e: {  	v40 =	vmul.f32 v40, v28;
	v38 =	vadd.f32 v38, v42;
	v37 =	vmax.f32 v37, $0.0e+00  }
0x33f: {  	v34 =	vadd.f32 v36, v34;
	v35 =	vadd.f32 v48, v35;
	v36 =	vmul.f32 v46, v32;
	[tilespmem:s16+$0xFFFFFFC0] =	vst v37;
	v37 =	vld [tilespmem:s16+$0x0]  }
0x340: {  	v41 =	vperm.xlane v33, v10;
	v38 =	vadd.f32 v39, v38;
	v39 =	vperm.xlane v33, v9  }
0x341: {  	v34 =	vadd.f32 v43, v34;
	v35 =	vmax.f32 v35, $0.0e+00;
	v42 =	vld [tilespmem:s16+$0x10];
	v43 =	vperm.xlane v33, v11  }
0x342: {  	v38 =	vadd.f32 v40, v38;
	[tilespmem:s16+$0xFFFFFFD0] =	vst v35;
	v35 =	vmul.f32 v39, v17;
	v40 =	vmul.f32 v41, v21  }
0x343: {  	v45 =	vperm.xlane v33, v12;
	v34 =	vmax.f32 v34, $0.0e+00;
	v44 =	vmul.f32 v43, v25  }
0x344: {  	v36 =	vadd.f32 v36, v38;
	[tilespmem:s16+$0xFFFFFFE0] =	vst v34;
	v34 =	vadd.f32 v35, v37;
	v35 =	vmul.f32 v39, v18  }
0x345: {  	v37 =	vmul.f32 v41, v22;
	v38 =	vmul.f32 v45, v29  }
0x346: {  	v36 =	vmax.f32 v36, $0.0e+00;
	v46 =	vld [tilespmem:s16+$0x20];
	v35 =	vadd.f32 v35, v42;
	v34 =	vadd.f32 v40, v34  }
0x347: {  	v40 =	vmul.f32 v45, v30;
	[tilespmem:s16+$0xFFFFFFF0] =	vst v36;
	v36 =	vmul.f32 v43, v26  }
0x348: {  	v47 =	vmul.f32 v39, v19;
	v42 =	vld [tilespmem:s16+$0x30];
	v35 =	vadd.f32 v37, v35;
	v34 =	vadd.f32 v44, v34  }
0x349: {  	v37 =	vmul.f32 v41, v23;
	v44 =	vmul.f32 v43, v27  }
0x34a: {  	v35 =	vadd.f32 v36, v35;
	v34 =	vadd.f32 v38, v34;
	v36 =	vmul.f32 v45, v31  }
0x34b: {  	v39 =	vmul.f32 v39, v20;
	v41 =	vmul.f32 v41, v24;
	v38 =	vadd.f32 v47, v46  }
0x34c: {  	v43 =	vmul.f32 v43, v28;
	v35 =	vadd.f32 v40, v35;
	v34 =	vmax.f32 v34, $0.0e+00  }
0x34d: {  	v39 =	vadd.f32 v39, v42;
	v37 =	vadd.f32 v37, v38;
	v38 =	vmul.f32 v45, v32;
	[tilespmem:s16+$0x0] =	vst v34;
	v34 =	vld [tilespmem:s16+$0x40]  }
0x34e: {  	v40 =	vperm.xlane v33, v13;
	v42 =	vperm.xlane v33, v14;
	v35 =	vmax.f32 v35, $0.0e+00  }
0x34f: {  	v39 =	vadd.f32 v41, v39;
	v37 =	vadd.f32 v44, v37;
	[tilespmem:s16+$0x10] =	vst v35;
	v35 =	vld [tilespmem:s16+$0x50];
	v41 =	vperm.xlane v33, v15  }
0x350: {  	v44 =	vmul.f32 v40, v17;
	v45 =	vmul.f32 v42, v21  }
0x351: {  	v39 =	vadd.f32 v43, v39;
	v36 =	vadd.f32 v36, v37;
	v37 =	vmul.f32 v41, v25  }
0x352: {  	v33 =	vperm.xlane v33, v16;
	v43 =	vmul.f32 v40, v18;
	v34 =	vadd.f32 v44, v34  }
0x353: {  	v38 =	vadd.f32 v38, v39;
	v36 =	vmax.f32 v36, $0.0e+00;
	v39 =	vmul.f32 v42, v22  }
0x354: {  	[tilespmem:s16+$0x20] =	vst v36;
	v36 =	vld [tilespmem:s16+$0x60];
	v35 =	vadd.f32 v43, v35;
	v34 =	vadd.f32 v45, v34;
	v43 =	vmul.f32 v33, v29  }
0x355: {  	v44 =	vmul.f32 v41, v26;
	v45 =	vmul.f32 v33, v30;
	v38 =	vmax.f32 v38, $0.0e+00  }
0x356: {  	v46 =	vmul.f32 v40, v19;
	[tilespmem:s16+$0x30] =	vst v38;
	v38 =	vld [tilespmem:s16+$0x70];
	v35 =	vadd.f32 v39, v35;
	v34 =	vadd.f32 v37, v34  }
0x357: {  	v37 =	vmul.f32 v42, v23;
	v39 =	vmul.f32 v41, v27  }
0x358: {  	v35 =	vadd.f32 v44, v35;
	v34 =	vadd.f32 v43, v34;
	v43 =	vmul.f32 v33, v31  }
0x359: {  	v40 =	vmul.f32 v40, v20;
	v42 =	vmul.f32 v42, v24;
	v36 =	vadd.f32 v46, v36  }
0x35a: {  	v41 =	vmul.f32 v41, v28;
	v35 =	vadd.f32 v45, v35;
	v34 =	vmax.f32 v34, $0.0e+00  }
0x35b: {  	v33 =	vmul.f32 v33, v32;
	v38 =	vadd.f32 v40, v38;
	v36 =	vadd.f32 v37, v36;
	[tilespmem:s16+$0x40] =	vst v34  }
0x35c: {  	v34 =	vmax.f32 v35, $0.0e+00  }
0x35d: {  	v35 =	vadd.f32 v42, v38;
	v36 =	vadd.f32 v39, v36;
	[tilespmem:s16+$0x50] =	vst v34;
	_ =	sdelay $0x1  }
0x35e: {  	v34 =	vadd.f32 v41, v35;
	v35 =	vadd.f32 v43, v36  }
.Ltmp4:
0x35f: {  	(pc) =	sbr.rel @p0 .LBB2_11-.Ltmp4, $4  }
0x360: {  	v33 =	vadd.f32 v33, v34;
	v34 =	vmax.f32 v35, $0.0e+00  }
0x361: {  	[tilespmem:s16+$0x60] =	vst v34  }
0x362: {  	v33 =	vmax.f32 v33, $0.0e+00  }
0x363: {  	s7 =	sshra.s32 s17, $0x2;
	s17 =	sadd.s32 $0x40, s17;
	[tilespmem:s16+$0x70] =	vst v33  }
0x364: {  	v33 =	vld [tilespmem:s7+$0x55F0];
	_ =	sdelay $0x4  }
0x365: {  	v36 =	vperm.xlane v33, v1  }
0x366: {  	v37 =	vperm.xlane v33, v5;
	v38 =	vperm.xlane v33, v6  }
0x367: {  	v41 =	vperm.xlane v33, v2;
	v42 =	vperm.xlane v33, v7  }
0x368: {  	v44 =	vperm.xlane v33, v3;
	v46 =	vperm.xlane v33, v4  }
0x369: {  	v40 =	vmul.f32 v36, v17;
	v43 =	vmul.f32 v36, v18  }
0x36a: {  	s16 =	sadd.s32 $0x100, s16;
	v58 =	vmul.f32 v41, v21;
	v45 =	vmul.f32 v36, v19  }
0x36b: {  	v34 =	vld [tilespmem:s16+$0xFFFFFF80];
	v59 =	vmul.f32 v41, v22;
	v60 =	vmul.f32 v44, v25  }
0x36c: {  	v35 =	vld [tilespmem:s16+$0xFFFFFF90];
	v62 =	vmul.f32 v41, v23;
	v47 =	vmul.f32 v44, v26  }
0x36d: {  	v39 =	vld [tilespmem:s16+$0xFFFFFFA0];
	v63 =	vmul.f32 v46, v29;
	v48 =	vmul.f32 v46, v30  }
0x36e: {  	v61 =	vld [tilespmem:s16+$0xFFFFFFB0];
	v50 =	vmul.f32 v44, v27;
	v36 =	vmul.f32 v36, v20  }
0x36f: {  	v52 =	vld [tilespmem:s16+$0xFFFFFFC0];
	v51 =	vmul.f32 v46, v31;
	v41 =	vmul.f32 v41, v24  }
0x370: {  	v44 =	vmul.f32 v44, v28;
	v53 =	vmul.f32 v46, v32  }
0x371: {  	v55 =	vmul.f32 v37, v17;
	v56 =	vmul.f32 v38, v21  }
0x372: {  	v57 =	vmul.f32 v42, v25;
	v34 =	vadd.f32 v40, v34;
	v35 =	vadd.f32 v43, v35  }
0x373: {  	v49 =	vmul.f32 v38, v22;
	v39 =	vadd.f32 v45, v39;
	v36 =	vadd.f32 v36, v61  }
0x374: {  	v54 =	vld [tilespmem:s16+$0xFFFFFFD0];
	v43 =	vadd.f32 v55, v52;
	v61 =	vmul.f32 v42, v26;
	v34 =	vadd.f32 v58, v34  }
0x375: {  	v52 =	vmul.f32 v38, v23;
	v35 =	vadd.f32 v59, v35;
	v39 =	vadd.f32 v62, v39  }
0x376: {  	v38 =	vmul.f32 v38, v24;
	v36 =	vadd.f32 v41, v36;
	v34 =	vadd.f32 v60, v34  }
0x377: {  	v59 =	vmul.f32 v37, v18;
	v35 =	vadd.f32 v47, v35;
	v39 =	vadd.f32 v50, v39  }
0x378: {  	v45 =	vperm.xlane v33, v9;
	v36 =	vadd.f32 v44, v36;
	v60 =	vadd.f32 v56, v43  }
0x379: {  	v41 =	vadd.f32 v59, v54;
	v54 =	vmul.f32 v42, v27;
	v42 =	vmul.f32 v42, v28  }
0x37a: {  	v59 =	vmul.f32 v45, v18;
	v47 =	vperm.xlane v33, v12;
	v34 =	vadd.f32 v63, v34  }
0x37b: {  	v58 =	vld [tilespmem:s16+$0xFFFFFFE0];
	v35 =	vadd.f32 v48, v35;
	v39 =	vadd.f32 v51, v39;
	v48 =	vperm.xlane v33, v8  }
0x37c: {  	v62 =	vld [tilespmem:s16+$0xFFFFFFF0];
	v36 =	vadd.f32 v53, v36;
	v63 =	vmul.f32 v37, v19;
	v40 =	vadd.f32 v57, v60  }
0x37d: {  	v41 =	vadd.f32 v49, v41;
	v37 =	vmul.f32 v37, v20;
	v49 =	vperm.xlane v33, v11  }
0x37e: {  	v34 =	vmax.f32 v34, $0.0e+00;
	v35 =	vmax.f32 v35, $0.0e+00;
	v39 =	vmax.f32 v39, $0.0e+00  }
0x37f: {  	v56 =	vld [tilespmem:s16+$0x0];
	v50 =	vmul.f32 v48, v29;
	v51 =	vmul.f32 v48, v30;
	v36 =	vmax.f32 v36, $0.0e+00  }
0x380: {  	v44 =	vadd.f32 v63, v58;
	v55 =	vmul.f32 v48, v31;
	v41 =	vadd.f32 v61, v41  }
0x381: {  	v37 =	vadd.f32 v37, v62;
	v48 =	vmul.f32 v48, v32;
	v58 =	vmul.f32 v45, v17  }
0x382: {  	v57 =	vld [tilespmem:s16+$0x10];
	v62 =	vmul.f32 v49, v25;
	v40 =	vadd.f32 v50, v40;
	v44 =	vadd.f32 v52, v44  }
0x383: {  	v41 =	vadd.f32 v51, v41;
	v37 =	vadd.f32 v38, v37;
	v38 =	vperm.xlane v33, v10  }
0x384: {  	v43 =	vadd.f32 v58, v56;
	v58 =	vmul.f32 v49, v26;
	v51 =	vperm.xlane v33, v13  }
0x385: {  	v40 =	vmax.f32 v40, $0.0e+00;
	v44 =	vadd.f32 v54, v44;
	v41 =	vmax.f32 v41, $0.0e+00  }
0x386: {  	v37 =	vadd.f32 v42, v37;
	v60 =	vmul.f32 v38, v21;
	v61 =	vmul.f32 v38, v22  }
0x387: {  	v63 =	vld [tilespmem:s16+$0x20];
	v42 =	vadd.f32 v59, v57;
	v57 =	vmul.f32 v47, v29;
	v59 =	vmul.f32 v47, v30  }
0x388: {  	v53 =	vld [tilespmem:s16+$0x30];
	v54 =	vmul.f32 v38, v23;
	v38 =	vmul.f32 v38, v24;
	v44 =	vadd.f32 v55, v44  }
0x389: {  	v43 =	vadd.f32 v60, v43;
	v42 =	vadd.f32 v61, v42;
	v60 =	vmul.f32 v45, v19  }
0x38a: {  	v37 =	vadd.f32 v48, v37;
	v61 =	vmul.f32 v49, v27;
	v45 =	vmul.f32 v45, v20  }
0x38b: {  	v44 =	vmax.f32 v44, $0.0e+00;
	v43 =	vadd.f32 v62, v43;
	v42 =	vadd.f32 v58, v42  }
0x38c: {  	v62 =	vmul.f32 v47, v31;
	v46 =	vadd.f32 v60, v63;
	v63 =	vmul.f32 v49, v28  }
0x38d: {  	v45 =	vadd.f32 v45, v53;
	v58 =	vld [tilespmem:s16+$0x50];
	v47 =	vmul.f32 v47, v32;
	v43 =	vadd.f32 v57, v43  }
0x38e: {  	v60 =	vmul.f32 v51, v18;
	v42 =	vadd.f32 v59, v42;
	v46 =	vadd.f32 v54, v46  }
0x38f: {  	v57 =	vld [tilespmem:s16+$0x40];
	v38 =	vadd.f32 v38, v45;
	v45 =	vperm.xlane v33, v14;
	v59 =	vmul.f32 v51, v17  }
0x390: {  	v37 =	vmax.f32 v37, $0.0e+00;
	v54 =	vperm.xlane v33, v15;
	v33 =	vperm.xlane v33, v16  }
0x391: {  	v43 =	vmax.f32 v43, $0.0e+00;
	v42 =	vmax.f32 v42, $0.0e+00;
	v46 =	vadd.f32 v61, v46  }
0x392: {  	[tilespmem:s16+$0xFFFFFF80] =	vst v34;
	v50 =	vld [tilespmem:s16+$0x60];
	v38 =	vadd.f32 v63, v38;
	v52 =	vmul.f32 v45, v22;
	v53 =	vadd.f32 v60, v58  }
0x393: {  	[tilespmem:s16+$0xFFFFFF90] =	vst v35;
	v55 =	vld [tilespmem:s16+$0x70];
	v60 =	vmul.f32 v33, v29;
	v61 =	vadd.f32 v62, v46;
	v62 =	vmul.f32 v45, v21  }
0x394: {  	[tilespmem:s16+$0xFFFFFFA0] =	vst v39;
	v63 =	vadd.f32 v47, v38;
	v49 =	vadd.f32 v59, v57;
	v57 =	vmul.f32 v54, v25  }
0x395: {  	[tilespmem:s16+$0xFFFFFFB0] =	vst v36;
	v58 =	vadd.f32 v52, v53;
	v59 =	vmul.f32 v51, v19;
	v52 =	vmul.f32 v33, v30  }
0x396: {  	[tilespmem:s16+$0xFFFFFFC0] =	vst v40;
	v34 =	vmax.f32 v61, $0.0e+00;
	v35 =	vmax.f32 v63, $0.0e+00;
	v61 =	vmul.f32 v51, v20  }
0x397: {  	[tilespmem:s16+$0xFFFFFFD0] =	vst v41;
	v63 =	vmul.f32 v45, v23;
	v56 =	vadd.f32 v62, v49;
	v38 =	vadd.f32 v59, v50  }
0x398: {  	[tilespmem:s16+$0xFFFFFFE0] =	vst v44;
	v45 =	vmul.f32 v45, v24;
	v62 =	vmul.f32 v54, v26;
	v51 =	vadd.f32 v61, v55  }
0x399: {  	[tilespmem:s16+$0xFFFFFFF0] =	vst v37;
	v55 =	vmul.f32 v54, v27;
	v53 =	vadd.f32 v57, v56;
	v38 =	vadd.f32 v63, v38  }
0x39a: {  	[tilespmem:s16+$0x0] =	vst v43;
	v36 =	vadd.f32 v62, v58;
	v56 =	vmul.f32 v54, v28;
	v57 =	vadd.f32 v45, v51  }
0x39b: {  	[tilespmem:s16+$0x10] =	vst v42;
	v58 =	vmul.f32 v33, v31;
	v37 =	vadd.f32 v60, v53;
	v38 =	vadd.f32 v55, v38  }
0x39c: {  	s22 =	sadd.s32 $0x1, s22;
	[tilespmem:s16+$0x20] =	vst v34;
	v33 =	vmul.f32 v33, v32;
	v59 =	vadd.f32 v52, v36;
	v60 =	vadd.f32 v56, v57  }
0x39d: {  	p0 =	sne.s32 s22, $0x19;
	[tilespmem:s16+$0x30] =	vst v35;
	v61 =	vmax.f32 v37, $0.0e+00;
	v62 =	vadd.f32 v58, v38  }
.Ltmp5:
0x39e: {  	v34 =	vmax.f32 v59, $0.0e+00;
	[tilespmem:s16+$0x40] =	vst v61;
	v33 =	vadd.f32 v33, v60;
	(pc) =	sbr.rel @p0 .LBB2_4-.Ltmp5, $4  }
0x39f: {  	[tilespmem:s16+$0x50] =	vst v34;
	v63 =	vmax.f32 v62, $0.0e+00  }
0x3a0: {  	[tilespmem:s16+$0x60] =	vst v63;
	v33 =	vmax.f32 v33, $0.0e+00  }
0x3a1: {  	s23 =	sadd.s32 $0x28A0, s19;
	[tilespmem:s16+$0x70] =	vst v33  }
0x3a2: {  	[spmem:s3] =	stream.indirect.scatter.add.f32 [tilespmem:s6], [sflag:$0xC], $0x40, s23, s29, $0xb8;
	[tilespmem:$0x16C80] =	vst v63  }
0x3a3: {  	s7 =	simm.s32 $0x9  }
0x3a4: {  	_ =	swait.ge [sflag:s7], $0x1900  }
0x3a5: {  	[sflag:s7] =	ssyncset.done $0x0  }
0x3a6: {  	s18 =	simm.s32 $0xA;
	[sflag:s7] =	ssyncadd.s32 $0xFFFFE700  }
0x3a7: {  	_ =	swait.ge [sflag:s18], $0x1900  }
0x3a8: {  	[sflag:s18] =	ssyncset.done $0x0  }
0x3a9: {  	s19 =	simm.s32 $0xB;
	[sflag:s18] =	ssyncadd.s32 $0xFFFFE700  }
0x3aa: {  	_ =	swait.ge [sflag:s19], $0x1900  }
0x3ab: {  	[sflag:s19] =	ssyncset.done $0x0  }
0x3ac: {  	s20 =	simm.s32 $0xC;
	[sflag:s19] =	ssyncadd.s32 $0xFFFFE700  }
0x3ad: {  	_ =	swait.ge [sflag:s20], $0x1900  }
0x3ae: {  	[sflag:s20] =	ssyncset.done $0x0  }
0x3af: {  	[sflag:s20] =	ssyncadd.s32 $0xFFFFE700  }
0x3b0: {  	s22 =	stileid.u32;
	[bflag:$0x0] =	sbarrier.arrive $0xFFFF  }
0x3b1: {  	s7 =	sshll.u32 s22, $0x6;
	s18 =	rddreg [dreg:$0x5]  }
0x3b2: {  	s7 =	sor.u32 $0x1C0D, s7;
	s17 =	rddreg [dreg:$0x13];
	s16 =	sshrl.u32 s18, $0x3  }
0x3b3: {  	[hbm:s17], [sflag:s7] =	dma.local [spmem:s16], $0x1400  }
0x3b4: {  	_ =	swait.ge [sflag:s25], $0x1400  }
0x3b5: {  	s4 =	sadd.s32 $0x1, s4;
	s23 =	rddreg [dreg:$0x14]  }
0x3b6: {  	p0 =	sne.s32 s4, s23  }
.Ltmp6:
0x3b7: {  	_ = 	snop;
	(pc) =	sbr.rel @p0 .LBB2_1-.Ltmp6, $3  }
0x3b8: {  	_ =	sdelay $0x1  }
0x3b9: {  	[sflag:s25] =	ssyncset.done $0x0  }
0x3ba: {  	[sflag:s25] =	ssyncadd.s32 $0xFFFFEC00  }
0x3bb: {  	_ =	sfence.sel $0x180000  }
0x3bc: {  	[bflag:$0x0] =	sbarrier.arrive $0xFFFF  }
0x3bd: {  	_ =	strace $0x90000047  }
0x3be: {  	s0 =	stileid.u32;
	[bflag:$0x2] =	sbarrier.arrive $0xFFFF  }
0x3bf: {  	p0 =	sne.s32 s0, $0x0;
	s0 =	rddreg [dreg:$0x3]  }
0x3c0: {  	s0 =	sadd.s32 @!p0 $0x100000, s0  }
0x3c1: {  	[sflag:s0] =	ssyncadd.tile.s32 @!p0 $0x1;
	_ =	shalt  }
.Lfunc_end2:
_tile_overlayer_lowered:
.L_overlay_start_2:
0x3c2: {  	(tag) =	ssettag $0x2  }
0x3c3: {  	s0 =	rddreg [dreg:$0x0];
	s2 =	stileid.u32  }
0x3c4: {  	s1 =	rddreg [dreg:$0x1];
	p0 =	sne.s32 s2, $0x0  }
0x3c5: {  	s3 =	rddreg [dreg:$0x2];
	[bflag:$0x3] =	sbarrier.arrive $0xFFFF;
	s2 =	simm.s32 @!p0 $0x1C0D  }
0x3c6: {  	[timem:s3], [sflag:s2] =	dma.local @!p0 [hbm:s0], s1  }
0x3c7: {  	s0 =	simm.s32 @!p0 $0xD  }
0x3c8: {  	_ =	swait.ge @!p0 [sflag:s0], s1  }
0x3c9: {  	s1 =	ssub.s32 @!p0 $0x0, s1;
	[sflag:s0] =	ssyncset.done @!p0 $0x0  }
0x3ca: {  	[sflag:s0] =	ssyncadd.s32 @!p0 s1  }
0x3cb: {  	[bflag:$0x3] =	sbarrier.arrive $0xFFFF  }
0x3cc: {  	_ =	shalt  }

</sc_bundles>
